<compile_context>
chip_gen: v7x
topology: tpu7x:2x2x1
jax: 0.10.2.dev20260603
libtpu: 0.0.44.dev20260713+nightly
codegen_flags: <defaults>
</compile_context>

<pallas_src>
import jax
import jax.numpy as jnp
from jax import lax
from jax.experimental import pallas as pl
from jax.experimental.pallas import tpu as pltpu
from jax.experimental.pallas import tpu_sc as plsc

_B = 16384
_XW = 16
_DIMS = (3, 4, 6, 4, 50)
_OUT_W = _XW + sum(_DIMS)

_NC, _NS = 2, 16
_NW = _NC * _NS
_BPW = _B // _NW
_NCHK = _BPW // 16
_QCHK = _NCHK // 4
_QW = _BPW // 4

_TBASE = []
_a = 0
for _v, _d in zip((6, 7, 12, 7, 96), _DIMS):
    _TBASE.append(_a)
    _a += -(-(_v * _d) // 8) * 8
_TPACK = _a

_COL_OFF = []
_o = _XW
for _d in _DIMS:
    _COL_OFF.append(_o)
    _o += _d


def _body(xt_hbm, y_hbm, tbl_hbm, out_hbm, tbl_v, y_v, stage_v, in_sem,
          x_sem, st_sem):
    wid = lax.axis_index("s") * _NC + lax.axis_index("c")
    base = wid * _BPW

    c1 = pltpu.make_async_copy(tbl_hbm, tbl_v, in_sem)
    c2 = pltpu.make_async_copy(
        y_hbm.at[pl.ds(wid * 5 * _BPW, 5 * _BPW)], y_v, in_sem)
    c3 = pltpu.make_async_copy(
        xt_hbm.at[:, pl.ds(base, _BPW)],
        stage_v.at[pl.ds(0, _XW), :], x_sem)
    c1.start()
    c2.start()
    c3.start()
    c1.wait()
    c2.wait()

    iota = jax.lax.iota(jnp.int32, 16)

    def chunk(c, carry):
        r0 = c * 16
        for t in range(5):
            d = _DIMS[t]
            yt = y_v[pl.ds(t * _BPW + r0, 16)]
            srcb = yt * d + _TBASE[t]
            for j in range(d):
                v = plsc.load_gather(tbl_v, [srcb + j])
                stage_v[_COL_OFF[t] + j, pl.ds(r0, 16)] = v
        return carry

    lax.fori_loop(0, _QCHK, chunk, 0)
    c3.wait()
    stores = []
    for q in range(4):
        if q:
            lax.fori_loop(q * _QCHK, (q + 1) * _QCHK, chunk, 0)
        s = pltpu.make_async_copy(
            stage_v.at[:, pl.ds(q * _QW, _QW)],
            out_hbm.at[:, pl.ds(base + q * _QW, _QW)], st_sem)
        s.start()
        stores.append(s)
    for s in stores:
        s.wait()


def kernel(x, y, emb0, emb1, emb2, emb3, emb4):
    yw = y.T.reshape(5, _NW, _BPW).transpose(1, 0, 2).reshape(-1)
    xt = x.T
    pieces = []
    for e, b, nb in zip((emb0, emb1, emb2, emb3, emb4),
                        _TBASE, _TBASE[1:] + [_TPACK]):
        r = e.reshape(-1)
        pieces.append(r)
        pad = nb - b - r.shape[0]
        if pad:
            pieces.append(jnp.zeros((pad,), jnp.float32))
    tbl = jnp.concatenate(pieces)

    mesh = plsc.VectorSubcoreMesh(core_axis_name="c", subcore_axis_name="s")
    kern = pl.kernel(
        _body,
        out_type=jax.ShapeDtypeStruct((_OUT_W, _B), jnp.float32),
        mesh=mesh,
        scratch_types=[
            pltpu.VMEM((_TPACK,), jnp.float32),
            pltpu.VMEM((5 * _BPW,), jnp.int32),
            pltpu.VMEM((_OUT_W, _BPW), jnp.float32),
            pltpu.SemaphoreType.DMA,
            pltpu.SemaphoreType.DMA,
            pltpu.SemaphoreType.DMA,
        ],
        compiler_params=pltpu.CompilerParams(
            needs_layout_passes=False, use_tc_tiling_on_sc=False),
    )
    out_t = kern(xt, yw, tbl)
    return out_t.T

# --- scband reference (transcript-rebuilt; emitter-appended) ---
"""Pipeline reference for scband-nyctaxi-fare-feature-creator-17008070493097 (READ-ONLY COPY).

The authoritative reference and input builder live on the scoring server;
editing this copy changes nothing except your own understanding.
"""

import jax, jax.numpy as jnp
import numpy as np

VOCABS = [6, 7, 12, 7, 96]
DIMS = [3, 4, 6, 4, 50]
B = 16384


def setup_inputs(seed: int = 0) -> dict:
    key = jax.random.key(seed)
    ks = jax.random.split(key, 2 + len(VOCABS))
    x = jax.random.normal(ks[0], (B, 16), dtype=jnp.float32)
    y = jax.random.randint(ks[1], (B, 5), 0, 6, dtype=jnp.int32)
    inp = {"x": x, "y": y}
    for i, (v, d) in enumerate(zip(VOCABS, DIMS)):
        inp[f"emb{i}"] = jax.random.normal(ks[2 + i], (v, d), dtype=jnp.float32) * 0.02
    return inp


def reference(x, y, emb0, emb1, emb2, emb3, emb4):
    tables = [emb0, emb1, emb2, emb3, emb4]
    out = [x]
    for i, t in enumerate(tables):
        out.append(jnp.take(t, y[:, i], axis=0))
    return jnp.concatenate(out, axis=1)

if __name__ == "__main__":
    import jax
    _d = setup_inputs()
    print(jax.jit(kernel)(*tuple(_d.values())))

</pallas_src>

<mosaic_0001>
#map = affine_map<(d0, d1) -> (0, 0)>
#map1 = affine_map<(d0, d1) -> (0)>
module attributes {stable_mosaic.version = 14 : i64} {
  func.func @_body(%arg0: i32, %arg1: i32, %arg2: memref<16x16384xf32, #tpu.memory_space<hbm>>, %arg3: memref<81920xi32, #tpu.memory_space<hbm>>, %arg4: memref<4960xf32, #tpu.memory_space<hbm>>, %arg5: memref<83x16384xf32, #tpu.memory_space<hbm>>, %arg6: memref<4960xf32, #tpu.memory_space<vmem>>, %arg7: memref<2560xi32, #tpu.memory_space<vmem>>, %arg8: memref<83x512xf32, #tpu.memory_space<vmem>>, %arg9: memref<!tpu.dma_semaphore, #tpu.memory_space<semaphore_mem>>, %arg10: memref<!tpu.dma_semaphore, #tpu.memory_space<semaphore_mem>>, %arg11: memref<!tpu.dma_semaphore, #tpu.memory_space<semaphore_mem>>) attributes {dimension_semantics = [#tpu.dimension_semantics<core_parallel>, #tpu.dimension_semantics<subcore_parallel>], iteration_bounds = array<i64: 2, 16>, scalar_prefetch = 0 : i64, scratch_operands = 6 : i64, tpu.core_type = #tpu.core_type<sc_vector_subcore>, window_params = [{transform_indices = #map}, {transform_indices = #map1}, {transform_indices = #map1}, {transform_indices = #map}]} {
    %mul3A = arith.constant 2 : i32
    %mul3A_0 = arith.muli %arg1, %mul3A : i32
    %add3A = arith.addi %mul3A_0, %arg0 : i32
    %mul3A_1 = arith.constant 512 : i32
    %mul3A_2 = arith.muli %add3A, %mul3A_1 : i32
    %mul3A_3 = arith.constant 5 : i32
    %mul3A_4 = arith.muli %add3A, %mul3A_3 : i32
    %mul3A_5 = arith.constant 512 : i32
    %mul3A_6 = arith.muli %mul3A_4, %mul3A_5 : i32
    tpu.enqueue_dma source(%arg4 : memref<4960xf32, #tpu.memory_space<hbm>>) target(%arg6 : memref<4960xf32, #tpu.memory_space<vmem>>) target_semaphore(%arg9 : memref<!tpu.dma_semaphore, #tpu.memory_space<semaphore_mem>>)
    %dma_start3A = tpu.memref_slice %arg3[%mul3A_6] : memref<81920xi32, #tpu.memory_space<hbm>> -> memref<2560xi32, #tpu.memory_space<hbm>>
    %dma_start3A_7 = tpu.memref_slice %arg3[%mul3A_6] : memref<81920xi32, #tpu.memory_space<hbm>> -> memref<2560xi32, #tpu.memory_space<hbm>>
    tpu.enqueue_dma source(%dma_start3A_7 : memref<2560xi32, #tpu.memory_space<hbm>>) target(%arg7 : memref<2560xi32, #tpu.memory_space<vmem>>) target_semaphore(%arg9 : memref<!tpu.dma_semaphore, #tpu.memory_space<semaphore_mem>>)
    %dma_start3A_8 = arith.constant 0 : i32
    %dma_start3A_9 = arith.constant 0 : i32
    %dma_start3A_10 = tpu.memref_slice %arg8[%dma_start3A_8, %dma_start3A_9] : memref<83x512xf32, #tpu.memory_space<vmem>> -> memref<16x512xf32, #tpu.memory_space<vmem>>
    %dma_start3A_11 = arith.constant 0 : i32
    %dma_start3A_12 = tpu.memref_slice %arg2[%dma_start3A_11, %mul3A_2] : memref<16x16384xf32, #tpu.memory_space<hbm>> -> memref<16x512xf32, #tpu.memory_space<hbm>>
    %dma_start3A_13 = arith.constant 0 : i32
    %dma_start3A_14 = arith.constant 0 : i32
    %dma_start3A_15 = tpu.memref_slice %arg8[%dma_start3A_13, %dma_start3A_14] : memref<83x512xf32, #tpu.memory_space<vmem>> -> memref<16x512xf32, #tpu.memory_space<vmem>>
    %dma_start3A_16 = arith.constant 0 : i32
    %dma_start3A_17 = tpu.memref_slice %arg2[%dma_start3A_16, %mul3A_2] : memref<16x16384xf32, #tpu.memory_space<hbm>> -> memref<16x512xf32, #tpu.memory_space<hbm>>
    tpu.enqueue_dma source(%dma_start3A_17 : memref<16x512xf32, #tpu.memory_space<hbm>>) target(%dma_start3A_15 : memref<16x512xf32, #tpu.memory_space<vmem>>) target_semaphore(%arg10 : memref<!tpu.dma_semaphore, #tpu.memory_space<semaphore_mem>>)
    tpu.wait_dma2 semaphore(%arg9 : memref<!tpu.dma_semaphore, #tpu.memory_space<semaphore_mem>>) src(%arg4 : memref<4960xf32, #tpu.memory_space<hbm>>) dst(%arg6 : memref<4960xf32, #tpu.memory_space<vmem>>)
    %dma_wait3A = tpu.memref_slice %arg3[%mul3A_6] : memref<81920xi32, #tpu.memory_space<hbm>> -> memref<2560xi32, #tpu.memory_space<hbm>>
    %dma_wait3A_18 = tpu.memref_slice %arg3[%mul3A_6] : memref<81920xi32, #tpu.memory_space<hbm>> -> memref<2560xi32, #tpu.memory_space<hbm>>
    tpu.wait_dma2 semaphore(%arg9 : memref<!tpu.dma_semaphore, #tpu.memory_space<semaphore_mem>>) src(%dma_wait3A_18 : memref<2560xi32, #tpu.memory_space<hbm>>) dst(%arg7 : memref<2560xi32, #tpu.memory_space<vmem>>)
    %iota3A = tpu.iota {dimensions = array<i32: 0>} : vector<16xi32>
    %scan3A = arith.constant 0 : i32
    %scan3A_19 = arith.constant 0 : i32
    %scan3A_20 = arith.constant 8 : i32
    %scan3A_21 = arith.addi %scan3A_19, %scan3A_20 : i32
    %scan3A_22 = arith.constant 1 : i32
    scf.for %scan3A_140 = %scan3A_19 to %scan3A_21 step %scan3A_22  : i32 {
      %mul3A_141 = arith.constant 16 : i32
      %mul3A_142 = arith.muli %scan3A_140, %mul3A_141 : i32
      %add3A_143 = arith.constant 0 : i32
      %add3A_144 = arith.addi %add3A_143, %mul3A_142 : i32
      %get3A = arith.index_cast %add3A_144 : i32 to index
      %get3A_145 = tpu.vector_load %arg7[%get3A] {strides = array<i32>} : memref<2560xi32, #tpu.memory_space<vmem>>, vector<16xi32>,
      %mul3A_146 = arith.constant 3 : i32
      %mul3A_147 = vector.broadcast %mul3A_146 : i32 to vector<16xi32>
      %mul3A_148 = arith.muli %get3A_145, %mul3A_147 : vector<16xi32>
      %add3A_149 = arith.constant 0 : i32
      %add3A_150 = vector.broadcast %add3A_149 : i32 to vector<16xi32>
      %add3A_151 = arith.addi %mul3A_148, %add3A_150 : vector<16xi32>
      %add3A_152 = arith.constant 0 : i32
      %add3A_153 = vector.broadcast %add3A_152 : i32 to vector<16xi32>
      %add3A_154 = arith.addi %add3A_151, %add3A_153 : vector<16xi32>
      %gather3A = tpu.vector_load_idx %arg6[%add3A_154] : memref<4960xf32, #tpu.memory_space<vmem>>[vector<16xi32>], vector<16xf32>,
      %swap3A = arith.constant 16 : i32
      %swap3A_155 = arith.index_cast %swap3A : i32 to index
      %swap3A_156 = arith.index_cast %mul3A_142 : i32 to index
      %swap3A_157 = tpu.vector_load %arg8[%swap3A_155, %swap3A_156] {strides = array<i32>} : memref<83x512xf32, #tpu.memory_space<vmem>>, vector<16xf32>,
      tpu.vector_store %arg8[%swap3A_155, %swap3A_156], %gather3A {strides = array<i32>} : memref<83x512xf32, #tpu.memory_space<vmem>>, vector<16xf32>,
      %add3A_158 = arith.constant 1 : i32
      %add3A_159 = vector.broadcast %add3A_158 : i32 to vector<16xi32>
      %add3A_160 = arith.addi %add3A_151, %add3A_159 : vector<16xi32>
      %gather3A_161 = tpu.vector_load_idx %arg6[%add3A_160] : memref<4960xf32, #tpu.memory_space<vmem>>[vector<16xi32>], vector<16xf32>,
      %swap3A_162 = arith.constant 17 : i32
      %swap3A_163 = arith.index_cast %swap3A_162 : i32 to index
      %swap3A_164 = arith.index_cast %mul3A_142 : i32 to index
      %swap3A_165 = tpu.vector_load %arg8[%swap3A_163, %swap3A_164] {strides = array<i32>} : memref<83x512xf32, #tpu.memory_space<vmem>>, vector<16xf32>,
      tpu.vector_store %arg8[%swap3A_163, %swap3A_164], %gather3A_161 {strides = array<i32>} : memref<83x512xf32, #tpu.memory_space<vmem>>, vector<16xf32>,
      %add3A_166 = arith.constant 2 : i32
      %add3A_167 = vector.broadcast %add3A_166 : i32 to vector<16xi32>
      %add3A_168 = arith.addi %add3A_151, %add3A_167 : vector<16xi32>
      %gather3A_169 = tpu.vector_load_idx %arg6[%add3A_168] : memref<4960xf32, #tpu.memory_space<vmem>>[vector<16xi32>], vector<16xf32>,
      %swap3A_170 = arith.constant 18 : i32
      %swap3A_171 = arith.index_cast %swap3A_170 : i32 to index
      %swap3A_172 = arith.index_cast %mul3A_142 : i32 to index
      %swap3A_173 = tpu.vector_load %arg8[%swap3A_171, %swap3A_172] {strides = array<i32>} : memref<83x512xf32, #tpu.memory_space<vmem>>, vector<16xf32>,
      tpu.vector_store %arg8[%swap3A_171, %swap3A_172], %gather3A_169 {strides = array<i32>} : memref<83x512xf32, #tpu.memory_space<vmem>>, vector<16xf32>,
      %add3A_174 = arith.constant 512 : i32
      %add3A_175 = arith.addi %add3A_174, %mul3A_142 : i32
      %get3A_176 = arith.index_cast %add3A_175 : i32 to index
      %get3A_177 = tpu.vector_load %arg7[%get3A_176] {strides = array<i32>} : memref<2560xi32, #tpu.memory_space<vmem>>, vector<16xi32>,
      %mul3A_178 = arith.constant 4 : i32
      %mul3A_179 = vector.broadcast %mul3A_178 : i32 to vector<16xi32>
      %mul3A_180 = arith.muli %get3A_177, %mul3A_179 : vector<16xi32>
      %add3A_181 = arith.constant 24 : i32
      %add3A_182 = vector.broadcast %add3A_181 : i32 to vector<16xi32>
      %add3A_183 = arith.addi %mul3A_180, %add3A_182 : vector<16xi32>
      %add3A_184 = arith.constant 0 : i32
      %add3A_185 = vector.broadcast %add3A_184 : i32 to vector<16xi32>
      %add3A_186 = arith.addi %add3A_183, %add3A_185 : vector<16xi32>
      %gather3A_187 = tpu.vector_load_idx %arg6[%add3A_186] : memref<4960xf32, #tpu.memory_space<vmem>>[vector<16xi32>], vector<16xf32>,
      %swap3A_188 = arith.constant 19 : i32
      %swap3A_189 = arith.index_cast %swap3A_188 : i32 to index
      %swap3A_190 = arith.index_cast %mul3A_142 : i32 to index
      %swap3A_191 = tpu.vector_load %arg8[%swap3A_189, %swap3A_190] {strides = array<i32>} : memref<83x512xf32, #tpu.memory_space<vmem>>, vector<16xf32>,
      tpu.vector_store %arg8[%swap3A_189, %swap3A_190], %gather3A_187 {strides = array<i32>} : memref<83x512xf32, #tpu.memory_space<vmem>>, vector<16xf32>,
      %add3A_192 = arith.constant 1 : i32
      %add3A_193 = vector.broadcast %add3A_192 : i32 to vector<16xi32>
      %add3A_194 = arith.addi %add3A_183, %add3A_193 : vector<16xi32>
      %gather3A_195 = tpu.vector_load_idx %arg6[%add3A_194] : memref<4960xf32, #tpu.memory_space<vmem>>[vector<16xi32>], vector<16xf32>,
      %swap3A_196 = arith.constant 20 : i32
      %swap3A_197 = arith.index_cast %swap3A_196 : i32 to index
      %swap3A_198 = arith.index_cast %mul3A_142 : i32 to index
      %swap3A_199 = tpu.vector_load %arg8[%swap3A_197, %swap3A_198] {strides = array<i32>} : memref<83x512xf32, #tpu.memory_space<vmem>>, vector<16xf32>,
      tpu.vector_store %arg8[%swap3A_197, %swap3A_198], %gather3A_195 {strides = array<i32>} : memref<83x512xf32, #tpu.memory_space<vmem>>, vector<16xf32>,
      %add3A_200 = arith.constant 2 : i32
      %add3A_201 = vector.broadcast %add3A_200 : i32 to vector<16xi32>
      %add3A_202 = arith.addi %add3A_183, %add3A_201 : vector<16xi32>
      %gather3A_203 = tpu.vector_load_idx %arg6[%add3A_202] : memref<4960xf32, #tpu.memory_space<vmem>>[vector<16xi32>], vector<16xf32>,
      %swap3A_204 = arith.constant 21 : i32
      %swap3A_205 = arith.index_cast %swap3A_204 : i32 to index
      %swap3A_206 = arith.index_cast %mul3A_142 : i32 to index
      %swap3A_207 = tpu.vector_load %arg8[%swap3A_205, %swap3A_206] {strides = array<i32>} : memref<83x512xf32, #tpu.memory_space<vmem>>, vector<16xf32>,
      tpu.vector_store %arg8[%swap3A_205, %swap3A_206], %gather3A_203 {strides = array<i32>} : memref<83x512xf32, #tpu.memory_space<vmem>>, vector<16xf32>,
      %add3A_208 = arith.constant 3 : i32
      %add3A_209 = vector.broadcast %add3A_208 : i32 to vector<16xi32>
      %add3A_210 = arith.addi %add3A_183, %add3A_209 : vector<16xi32>
      %gather3A_211 = tpu.vector_load_idx %arg6[%add3A_210] : memref<4960xf32, #tpu.memory_space<vmem>>[vector<16xi32>], vector<16xf32>,
      %swap3A_212 = arith.constant 22 : i32
      %swap3A_213 = arith.index_cast %swap3A_212 : i32 to index
      %swap3A_214 = arith.index_cast %mul3A_142 : i32 to index
      %swap3A_215 = tpu.vector_load %arg8[%swap3A_213, %swap3A_214] {strides = array<i32>} : memref<83x512xf32, #tpu.memory_space<vmem>>, vector<16xf32>,
      tpu.vector_store %arg8[%swap3A_213, %swap3A_214], %gather3A_211 {strides = array<i32>} : memref<83x512xf32, #tpu.memory_space<vmem>>, vector<16xf32>,
      %add3A_216 = arith.constant 1024 : i32
      %add3A_217 = arith.addi %add3A_216, %mul3A_142 : i32
      %get3A_218 = arith.index_cast %add3A_217 : i32 to index
      %get3A_219 = tpu.vector_load %arg7[%get3A_218] {strides = array<i32>} : memref<2560xi32, #tpu.memory_space<vmem>>, vector<16xi32>,
      %mul3A_220 = arith.constant 6 : i32
      %mul3A_221 = vector.broadcast %mul3A_220 : i32 to vector<16xi32>
      %mul3A_222 = arith.muli %get3A_219, %mul3A_221 : vector<16xi32>
      %add3A_223 = arith.constant 56 : i32
      %add3A_224 = vector.broadcast %add3A_223 : i32 to vector<16xi32>
      %add3A_225 = arith.addi %mul3A_222, %add3A_224 : vector<16xi32>
      %add3A_226 = arith.constant 0 : i32
      %add3A_227 = vector.broadcast %add3A_226 : i32 to vector<16xi32>
      %add3A_228 = arith.addi %add3A_225, %add3A_227 : vector<16xi32>
      %gather3A_229 = tpu.vector_load_idx %arg6[%add3A_228] : memref<4960xf32, #tpu.memory_space<vmem>>[vector<16xi32>], vector<16xf32>,
      %swap3A_230 = arith.constant 23 : i32
      %swap3A_231 = arith.index_cast %swap3A_230 : i32 to index
      %swap3A_232 = arith.index_cast %mul3A_142 : i32 to index
      %swap3A_233 = tpu.vector_load %arg8[%swap3A_231, %swap3A_232] {strides = array<i32>} : memref<83x512xf32, #tpu.memory_space<vmem>>, vector<16xf32>,
      tpu.vector_store %arg8[%swap3A_231, %swap3A_232], %gather3A_229 {strides = array<i32>} : memref<83x512xf32, #tpu.memory_space<vmem>>, vector<16xf32>,
      %add3A_234 = arith.constant 1 : i32
      %add3A_235 = vector.broadcast %add3A_234 : i32 to vector<16xi32>
      %add3A_236 = arith.addi %add3A_225, %add3A_235 : vector<16xi32>
      %gather3A_237 = tpu.vector_load_idx %arg6[%add3A_236] : memref<4960xf32, #tpu.memory_space<vmem>>[vector<16xi32>], vector<16xf32>,
      %swap3A_238 = arith.constant 24 : i32
      %swap3A_239 = arith.index_cast %swap3A_238 : i32 to index
      %swap3A_240 = arith.index_cast %mul3A_142 : i32 to index
      %swap3A_241 = tpu.vector_load %arg8[%swap3A_239, %swap3A_240] {strides = array<i32>} : memref<83x512xf32, #tpu.memory_space<vmem>>, vector<16xf32>,
      tpu.vector_store %arg8[%swap3A_239, %swap3A_240], %gather3A_237 {strides = array<i32>} : memref<83x512xf32, #tpu.memory_space<vmem>>, vector<16xf32>,
      %add3A_242 = arith.constant 2 : i32
      %add3A_243 = vector.broadcast %add3A_242 : i32 to vector<16xi32>
      %add3A_244 = arith.addi %add3A_225, %add3A_243 : vector<16xi32>
      %gather3A_245 = tpu.vector_load_idx %arg6[%add3A_244] : memref<4960xf32, #tpu.memory_space<vmem>>[vector<16xi32>], vector<16xf32>,
      %swap3A_246 = arith.constant 25 : i32
      %swap3A_247 = arith.index_cast %swap3A_246 : i32 to index
      %swap3A_248 = arith.index_cast %mul3A_142 : i32 to index
      %swap3A_249 = tpu.vector_load %arg8[%swap3A_247, %swap3A_248] {strides = array<i32>} : memref<83x512xf32, #tpu.memory_space<vmem>>, vector<16xf32>,
      tpu.vector_store %arg8[%swap3A_247, %swap3A_248], %gather3A_245 {strides = array<i32>} : memref<83x512xf32, #tpu.memory_space<vmem>>, vector<16xf32>,
      %add3A_250 = arith.constant 3 : i32
      %add3A_251 = vector.broadcast %add3A_250 : i32 to vector<16xi32>
      %add3A_252 = arith.addi %add3A_225, %add3A_251 : vector<16xi32>
      %gather3A_253 = tpu.vector_load_idx %arg6[%add3A_252] : memref<4960xf32, #tpu.memory_space<vmem>>[vector<16xi32>], vector<16xf32>,
      %swap3A_254 = arith.constant 26 : i32
      %swap3A_255 = arith.index_cast %swap3A_254 : i32 to index
      %swap3A_256 = arith.index_cast %mul3A_142 : i32 to index
      %swap3A_257 = tpu.vector_load %arg8[%swap3A_255, %swap3A_256] {strides = array<i32>} : memref<83x512xf32, #tpu.memory_space<vmem>>, vector<16xf32>,
      tpu.vector_store %arg8[%swap3A_255, %swap3A_256], %gather3A_253 {strides = array<i32>} : memref<83x512xf32, #tpu.memory_space<vmem>>, vector<16xf32>,
      %add3A_258 = arith.constant 4 : i32
      %add3A_259 = vector.broadcast %add3A_258 : i32 to vector<16xi32>
      %add3A_260 = arith.addi %add3A_225, %add3A_259 : vector<16xi32>
      %gather3A_261 = tpu.vector_load_idx %arg6[%add3A_260] : memref<4960xf32, #tpu.memory_space<vmem>>[vector<16xi32>], vector<16xf32>,
      %swap3A_262 = arith.constant 27 : i32
      %swap3A_263 = arith.index_cast %swap3A_262 : i32 to index
      %swap3A_264 = arith.index_cast %mul3A_142 : i32 to index
      %swap3A_265 = tpu.vector_load %arg8[%swap3A_263, %swap3A_264] {strides = array<i32>} : memref<83x512xf32, #tpu.memory_space<vmem>>, vector<16xf32>,
      tpu.vector_store %arg8[%swap3A_263, %swap3A_264], %gather3A_261 {strides = array<i32>} : memref<83x512xf32, #tpu.memory_space<vmem>>, vector<16xf32>,
      %add3A_266 = arith.constant 5 : i32
      %add3A_267 = vector.broadcast %add3A_266 : i32 to vector<16xi32>
      %add3A_268 = arith.addi %add3A_225, %add3A_267 : vector<16xi32>
      %gather3A_269 = tpu.vector_load_idx %arg6[%add3A_268] : memref<4960xf32, #tpu.memory_space<vmem>>[vector<16xi32>], vector<16xf32>,
      %swap3A_270 = arith.constant 28 : i32
      %swap3A_271 = arith.index_cast %swap3A_270 : i32 to index
      %swap3A_272 = arith.index_cast %mul3A_142 : i32 to index
      %swap3A_273 = tpu.vector_load %arg8[%swap3A_271, %swap3A_272] {strides = array<i32>} : memref<83x512xf32, #tpu.memory_space<vmem>>, vector<16xf32>,
      tpu.vector_store %arg8[%swap3A_271, %swap3A_272], %gather3A_269 {strides = array<i32>} : memref<83x512xf32, #tpu.memory_space<vmem>>, vector<16xf32>,
      %add3A_274 = arith.constant 1536 : i32
      %add3A_275 = arith.addi %add3A_274, %mul3A_142 : i32
      %get3A_276 = arith.index_cast %add3A_275 : i32 to index
      %get3A_277 = tpu.vector_load %arg7[%get3A_276] {strides = array<i32>} : memref<2560xi32, #tpu.memory_space<vmem>>, vector<16xi32>,
      %mul3A_278 = arith.constant 4 : i32
      %mul3A_279 = vector.broadcast %mul3A_278 : i32 to vector<16xi32>
      %mul3A_280 = arith.muli %get3A_277, %mul3A_279 : vector<16xi32>
      %add3A_281 = arith.constant 128 : i32
      %add3A_282 = vector.broadcast %add3A_281 : i32 to vector<16xi32>
      %add3A_283 = arith.addi %mul3A_280, %add3A_282 : vector<16xi32>
      %add3A_284 = arith.constant 0 : i32
      %add3A_285 = vector.broadcast %add3A_284 : i32 to vector<16xi32>
      %add3A_286 = arith.addi %add3A_283, %add3A_285 : vector<16xi32>
      %gather3A_287 = tpu.vector_load_idx %arg6[%add3A_286] : memref<4960xf32, #tpu.memory_space<vmem>>[vector<16xi32>], vector<16xf32>,
      %swap3A_288 = arith.constant 29 : i32
      %swap3A_289 = arith.index_cast %swap3A_288 : i32 to index
      %swap3A_290 = arith.index_cast %mul3A_142 : i32 to index
      %swap3A_291 = tpu.vector_load %arg8[%swap3A_289, %swap3A_290] {strides = array<i32>} : memref<83x512xf32, #tpu.memory_space<vmem>>, vector<16xf32>,
      tpu.vector_store %arg8[%swap3A_289, %swap3A_290], %gather3A_287 {strides = array<i32>} : memref<83x512xf32, #tpu.memory_space<vmem>>, vector<16xf32>,
      %add3A_292 = arith.constant 1 : i32
      %add3A_293 = vector.broadcast %add3A_292 : i32 to vector<16xi32>
      %add3A_294 = arith.addi %add3A_283, %add3A_293 : vector<16xi32>
      %gather3A_295 = tpu.vector_load_idx %arg6[%add3A_294] : memref<4960xf32, #tpu.memory_space<vmem>>[vector<16xi32>], vector<16xf32>,
      %swap3A_296 = arith.constant 30 : i32
      %swap3A_297 = arith.index_cast %swap3A_296 : i32 to index
      %swap3A_298 = arith.index_cast %mul3A_142 : i32 to index
      %swap3A_299 = tpu.vector_load %arg8[%swap3A_297, %swap3A_298] {strides = array<i32>} : memref<83x512xf32, #tpu.memory_space<vmem>>, vector<16xf32>,
      tpu.vector_store %arg8[%swap3A_297, %swap3A_298], %gather3A_295 {strides = array<i32>} : memref<83x512xf32, #tpu.memory_space<vmem>>, vector<16xf32>,
      %add3A_300 = arith.constant 2 : i32
      %add3A_301 = vector.broadcast %add3A_300 : i32 to vector<16xi32>
      %add3A_302 = arith.addi %add3A_283, %add3A_301 : vector<16xi32>
      %gather3A_303 = tpu.vector_load_idx %arg6[%add3A_302] : memref<4960xf32, #tpu.memory_space<vmem>>[vector<16xi32>], vector<16xf32>,
      %swap3A_304 = arith.constant 31 : i32
      %swap3A_305 = arith.index_cast %swap3A_304 : i32 to index
      %swap3A_306 = arith.index_cast %mul3A_142 : i32 to index
      %swap3A_307 = tpu.vector_load %arg8[%swap3A_305, %swap3A_306] {strides = array<i32>} : memref<83x512xf32, #tpu.memory_space<vmem>>, vector<16xf32>,
      tpu.vector_store %arg8[%swap3A_305, %swap3A_306], %gather3A_303 {strides = array<i32>} : memref<83x512xf32, #tpu.memory_space<vmem>>, vector<16xf32>,
      %add3A_308 = arith.constant 3 : i32
      %add3A_309 = vector.broadcast %add3A_308 : i32 to vector<16xi32>
      %add3A_310 = arith.addi %add3A_283, %add3A_309 : vector<16xi32>
      %gather3A_311 = tpu.vector_load_idx %arg6[%add3A_310] : memref<4960xf32, #tpu.memory_space<vmem>>[vector<16xi32>], vector<16xf32>,
      %swap3A_312 = arith.constant 32 : i32
      %swap3A_313 = arith.index_cast %swap3A_312 : i32 to index
      %swap3A_314 = arith.index_cast %mul3A_142 : i32 to index
      %swap3A_315 = tpu.vector_load %arg8[%swap3A_313, %swap3A_314] {strides = array<i32>} : memref<83x512xf32, #tpu.memory_space<vmem>>, vector<16xf32>,
      tpu.vector_store %arg8[%swap3A_313, %swap3A_314], %gather3A_311 {strides = array<i32>} : memref<83x512xf32, #tpu.memory_space<vmem>>, vector<16xf32>,
      %add3A_316 = arith.constant 2048 : i32
      %add3A_317 = arith.addi %add3A_316, %mul3A_142 : i32
      %get3A_318 = arith.index_cast %add3A_317 : i32 to index
      %get3A_319 = tpu.vector_load %arg7[%get3A_318] {strides = array<i32>} : memref<2560xi32, #tpu.memory_space<vmem>>, vector<16xi32>,
      %mul3A_320 = arith.constant 50 : i32
      %mul3A_321 = vector.broadcast %mul3A_320 : i32 to vector<16xi32>
      %mul3A_322 = arith.muli %get3A_319, %mul3A_321 : vector<16xi32>
      %add3A_323 = arith.constant 160 : i32
      %add3A_324 = vector.broadcast %add3A_323 : i32 to vector<16xi32>
      %add3A_325 = arith.addi %mul3A_322, %add3A_324 : vector<16xi32>
      %add3A_326 = arith.constant 0 : i32
      %add3A_327 = vector.broadcast %add3A_326 : i32 to vector<16xi32>
      %add3A_328 = arith.addi %add3A_325, %add3A_327 : vector<16xi32>
      %gather3A_329 = tpu.vector_load_idx %arg6[%add3A_328] : memref<4960xf32, #tpu.memory_space<vmem>>[vector<16xi32>], vector<16xf32>,
      %swap3A_330 = arith.constant 33 : i32
      %swap3A_331 = arith.index_cast %swap3A_330 : i32 to index
      %swap3A_332 = arith.index_cast %mul3A_142 : i32 to index
      %swap3A_333 = tpu.vector_load %arg8[%swap3A_331, %swap3A_332] {strides = array<i32>} : memref<83x512xf32, #tpu.memory_space<vmem>>, vector<16xf32>,
      tpu.vector_store %arg8[%swap3A_331, %swap3A_332], %gather3A_329 {strides = array<i32>} : memref<83x512xf32, #tpu.memory_space<vmem>>, vector<16xf32>,
      %add3A_334 = arith.constant 1 : i32
      %add3A_335 = vector.broadcast %add3A_334 : i32 to vector<16xi32>
      %add3A_336 = arith.addi %add3A_325, %add3A_335 : vector<16xi32>
      %gather3A_337 = tpu.vector_load_idx %arg6[%add3A_336] : memref<4960xf32, #tpu.memory_space<vmem>>[vector<16xi32>], vector<16xf32>,
      %swap3A_338 = arith.constant 34 : i32
      %swap3A_339 = arith.index_cast %swap3A_338 : i32 to index
      %swap3A_340 = arith.index_cast %mul3A_142 : i32 to index
      %swap3A_341 = tpu.vector_load %arg8[%swap3A_339, %swap3A_340] {strides = array<i32>} : memref<83x512xf32, #tpu.memory_space<vmem>>, vector<16xf32>,
      tpu.vector_store %arg8[%swap3A_339, %swap3A_340], %gather3A_337 {strides = array<i32>} : memref<83x512xf32, #tpu.memory_space<vmem>>, vector<16xf32>,
      %add3A_342 = arith.constant 2 : i32
      %add3A_343 = vector.broadcast %add3A_342 : i32 to vector<16xi32>
      %add3A_344 = arith.addi %add3A_325, %add3A_343 : vector<16xi32>
      %gather3A_345 = tpu.vector_load_idx %arg6[%add3A_344] : memref<4960xf32, #tpu.memory_space<vmem>>[vector<16xi32>], vector<16xf32>,
      %swap3A_346 = arith.constant 35 : i32
      %swap3A_347 = arith.index_cast %swap3A_346 : i32 to index
      %swap3A_348 = arith.index_cast %mul3A_142 : i32 to index
      %swap3A_349 = tpu.vector_load %arg8[%swap3A_347, %swap3A_348] {strides = array<i32>} : memref<83x512xf32, #tpu.memory_space<vmem>>, vector<16xf32>,
      tpu.vector_store %arg8[%swap3A_347, %swap3A_348], %gather3A_345 {strides = array<i32>} : memref<83x512xf32, #tpu.memory_space<vmem>>, vector<16xf32>,
      %add3A_350 = arith.constant 3 : i32
      %add3A_351 = vector.broadcast %add3A_350 : i32 to vector<16xi32>
      %add3A_352 = arith.addi %add3A_325, %add3A_351 : vector<16xi32>
      %gather3A_353 = tpu.vector_load_idx %arg6[%add3A_352] : memref<4960xf32, #tpu.memory_space<vmem>>[vector<16xi32>], vector<16xf32>,
      %swap3A_354 = arith.constant 36 : i32
      %swap3A_355 = arith.index_cast %swap3A_354 : i32 to index
      %swap3A_356 = arith.index_cast %mul3A_142 : i32 to index
      %swap3A_357 = tpu.vector_load %arg8[%swap3A_355, %swap3A_356] {strides = array<i32>} : memref<83x512xf32, #tpu.memory_space<vmem>>, vector<16xf32>,
      tpu.vector_store %arg8[%swap3A_355, %swap3A_356], %gather3A_353 {strides = array<i32>} : memref<83x512xf32, #tpu.memory_space<vmem>>, vector<16xf32>,
      %add3A_358 = arith.constant 4 : i32
      %add3A_359 = vector.broadcast %add3A_358 : i32 to vector<16xi32>
      %add3A_360 = arith.addi %add3A_325, %add3A_359 : vector<16xi32>
      %gather3A_361 = tpu.vector_load_idx %arg6[%add3A_360] : memref<4960xf32, #tpu.memory_space<vmem>>[vector<16xi32>], vector<16xf32>,
      %swap3A_362 = arith.constant 37 : i32
      %swap3A_363 = arith.index_cast %swap3A_362 : i32 to index
      %swap3A_364 = arith.index_cast %mul3A_142 : i32 to index
      %swap3A_365 = tpu.vector_load %arg8[%swap3A_363, %swap3A_364] {strides = array<i32>} : memref<83x512xf32, #tpu.memory_space<vmem>>, vector<16xf32>,
      tpu.vector_store %arg8[%swap3A_363, %swap3A_364], %gather3A_361 {strides = array<i32>} : memref<83x512xf32, #tpu.memory_space<vmem>>, vector<16xf32>,
      %add3A_366 = arith.constant 5 : i32
      %add3A_367 = vector.broadcast %add3A_366 : i32 to vector<16xi32>
      %add3A_368 = arith.addi %add3A_325, %add3A_367 : vector<16xi32>
      %gather3A_369 = tpu.vector_load_idx %arg6[%add3A_368] : memref<4960xf32, #tpu.memory_space<vmem>>[vector<16xi32>], vector<16xf32>,
      %swap3A_370 = arith.constant 38 : i32
      %swap3A_371 = arith.index_cast %swap3A_370 : i32 to index
      %swap3A_372 = arith.index_cast %mul3A_142 : i32 to index
      %swap3A_373 = tpu.vector_load %arg8[%swap3A_371, %swap3A_372] {strides = array<i32>} : memref<83x512xf32, #tpu.memory_space<vmem>>, vector<16xf32>,
      tpu.vector_store %arg8[%swap3A_371, %swap3A_372], %gather3A_369 {strides = array<i32>} : memref<83x512xf32, #tpu.memory_space<vmem>>, vector<16xf32>,
      %add3A_374 = arith.constant 6 : i32
      %add3A_375 = vector.broadcast %add3A_374 : i32 to vector<16xi32>
      %add3A_376 = arith.addi %add3A_325, %add3A_375 : vector<16xi32>
      %gather3A_377 = tpu.vector_load_idx %arg6[%add3A_376] : memref<4960xf32, #tpu.memory_space<vmem>>[vector<16xi32>], vector<16xf32>,
      %swap3A_378 = arith.constant 39 : i32
      %swap3A_379 = arith.index_cast %swap3A_378 : i32 to index
      %swap3A_380 = arith.index_cast %mul3A_142 : i32 to index
      %swap3A_381 = tpu.vector_load %arg8[%swap3A_379, %swap3A_380] {strides = array<i32>} : memref<83x512xf32, #tpu.memory_space<vmem>>, vector<16xf32>,
      tpu.vector_store %arg8[%swap3A_379, %swap3A_380], %gather3A_377 {strides = array<i32>} : memref<83x512xf32, #tpu.memory_space<vmem>>, vector<16xf32>,
      %add3A_382 = arith.constant 7 : i32
      %add3A_383 = vector.broadcast %add3A_382 : i32 to vector<16xi32>
      %add3A_384 = arith.addi %add3A_325, %add3A_383 : vector<16xi32>
      %gather3A_385 = tpu.vector_load_idx %arg6[%add3A_384] : memref<4960xf32, #tpu.memory_space<vmem>>[vector<16xi32>], vector<16xf32>,
      %swap3A_386 = arith.constant 40 : i32
      %swap3A_387 = arith.index_cast %swap3A_386 : i32 to index
      %swap3A_388 = arith.index_cast %mul3A_142 : i32 to index
      %swap3A_389 = tpu.vector_load %arg8[%swap3A_387, %swap3A_388] {strides = array<i32>} : memref<83x512xf32, #tpu.memory_space<vmem>>, vector<16xf32>,
      tpu.vector_store %arg8[%swap3A_387, %swap3A_388], %gather3A_385 {strides = array<i32>} : memref<83x512xf32, #tpu.memory_space<vmem>>, vector<16xf32>,
      %add3A_390 = arith.constant 8 : i32
      %add3A_391 = vector.broadcast %add3A_390 : i32 to vector<16xi32>
      %add3A_392 = arith.addi %add3A_325, %add3A_391 : vector<16xi32>
      %gather3A_393 = tpu.vector_load_idx %arg6[%add3A_392] : memref<4960xf32, #tpu.memory_space<vmem>>[vector<16xi32>], vector<16xf32>,
      %swap3A_394 = arith.constant 41 : i32
      %swap3A_395 = arith.index_cast %swap3A_394 : i32 to index
      %swap3A_396 = arith.index_cast %mul3A_142 : i32 to index
      %swap3A_397 = tpu.vector_load %arg8[%swap3A_395, %swap3A_396] {strides = array<i32>} : memref<83x512xf32, #tpu.memory_space<vmem>>, vector<16xf32>,
      tpu.vector_store %arg8[%swap3A_395, %swap3A_396], %gather3A_393 {strides = array<i32>} : memref<83x512xf32, #tpu.memory_space<vmem>>, vector<16xf32>,
      %add3A_398 = arith.constant 9 : i32
      %add3A_399 = vector.broadcast %add3A_398 : i32 to vector<16xi32>
      %add3A_400 = arith.addi %add3A_325, %add3A_399 : vector<16xi32>
      %gather3A_401 = tpu.vector_load_idx %arg6[%add3A_400] : memref<4960xf32, #tpu.memory_space<vmem>>[vector<16xi32>], vector<16xf32>,
      %swap3A_402 = arith.constant 42 : i32
      %swap3A_403 = arith.index_cast %swap3A_402 : i32 to index
      %swap3A_404 = arith.index_cast %mul3A_142 : i32 to index
      %swap3A_405 = tpu.vector_load %arg8[%swap3A_403, %swap3A_404] {strides = array<i32>} : memref<83x512xf32, #tpu.memory_space<vmem>>, vector<16xf32>,
      tpu.vector_store %arg8[%swap3A_403, %swap3A_404], %gather3A_401 {strides = array<i32>} : memref<83x512xf32, #tpu.memory_space<vmem>>, vector<16xf32>,
      %add3A_406 = arith.constant 10 : i32
      %add3A_407 = vector.broadcast %add3A_406 : i32 to vector<16xi32>
      %add3A_408 = arith.addi %add3A_325, %add3A_407 : vector<16xi32>
      %gather3A_409 = tpu.vector_load_idx %arg6[%add3A_408] : memref<4960xf32, #tpu.memory_space<vmem>>[vector<16xi32>], vector<16xf32>,
      %swap3A_410 = arith.constant 43 : i32
      %swap3A_411 = arith.index_cast %swap3A_410 : i32 to index
      %swap3A_412 = arith.index_cast %mul3A_142 : i32 to index
      %swap3A_413 = tpu.vector_load %arg8[%swap3A_411, %swap3A_412] {strides = array<i32>} : memref<83x512xf32, #tpu.memory_space<vmem>>, vector<16xf32>,
      tpu.vector_store %arg8[%swap3A_411, %swap3A_412], %gather3A_409 {strides = array<i32>} : memref<83x512xf32, #tpu.memory_space<vmem>>, vector<16xf32>,
      %add3A_414 = arith.constant 11 : i32
      %add3A_415 = vector.broadcast %add3A_414 : i32 to vector<16xi32>
      %add3A_416 = arith.addi %add3A_325, %add3A_415 : vector<16xi32>
      %gather3A_417 = tpu.vector_load_idx %arg6[%add3A_416] : memref<4960xf32, #tpu.memory_space<vmem>>[vector<16xi32>], vector<16xf32>,
      %swap3A_418 = arith.constant 44 : i32
      %swap3A_419 = arith.index_cast %swap3A_418 : i32 to index
      %swap3A_420 = arith.index_cast %mul3A_142 : i32 to index
      %swap3A_421 = tpu.vector_load %arg8[%swap3A_419, %swap3A_420] {strides = array<i32>} : memref<83x512xf32, #tpu.memory_space<vmem>>, vector<16xf32>,
      tpu.vector_store %arg8[%swap3A_419, %swap3A_420], %gather3A_417 {strides = array<i32>} : memref<83x512xf32, #tpu.memory_space<vmem>>, vector<16xf32>,
      %add3A_422 = arith.constant 12 : i32
      %add3A_423 = vector.broadcast %add3A_422 : i32 to vector<16xi32>
      %add3A_424 = arith.addi %add3A_325, %add3A_423 : vector<16xi32>
      %gather3A_425 = tpu.vector_load_idx %arg6[%add3A_424] : memref<4960xf32, #tpu.memory_space<vmem>>[vector<16xi32>], vector<16xf32>,
      %swap3A_426 = arith.constant 45 : i32
      %swap3A_427 = arith.index_cast %swap3A_426 : i32 to index
      %swap3A_428 = arith.index_cast %mul3A_142 : i32 to index
      %swap3A_429 = tpu.vector_load %arg8[%swap3A_427, %swap3A_428] {strides = array<i32>} : memref<83x512xf32, #tpu.memory_space<vmem>>, vector<16xf32>,
      tpu.vector_store %arg8[%swap3A_427, %swap3A_428], %gather3A_425 {strides = array<i32>} : memref<83x512xf32, #tpu.memory_space<vmem>>, vector<16xf32>,
      %add3A_430 = arith.constant 13 : i32
      %add3A_431 = vector.broadcast %add3A_430 : i32 to vector<16xi32>
      %add3A_432 = arith.addi %add3A_325, %add3A_431 : vector<16xi32>
      %gather3A_433 = tpu.vector_load_idx %arg6[%add3A_432] : memref<4960xf32, #tpu.memory_space<vmem>>[vector<16xi32>], vector<16xf32>,
      %swap3A_434 = arith.constant 46 : i32
      %swap3A_435 = arith.index_cast %swap3A_434 : i32 to index
      %swap3A_436 = arith.index_cast %mul3A_142 : i32 to index
      %swap3A_437 = tpu.vector_load %arg8[%swap3A_435, %swap3A_436] {strides = array<i32>} : memref<83x512xf32, #tpu.memory_space<vmem>>, vector<16xf32>,
      tpu.vector_store %arg8[%swap3A_435, %swap3A_436], %gather3A_433 {strides = array<i32>} : memref<83x512xf32, #tpu.memory_space<vmem>>, vector<16xf32>,
      %add3A_438 = arith.constant 14 : i32
      %add3A_439 = vector.broadcast %add3A_438 : i32 to vector<16xi32>
      %add3A_440 = arith.addi %add3A_325, %add3A_439 : vector<16xi32>
      %gather3A_441 = tpu.vector_load_idx %arg6[%add3A_440] : memref<4960xf32, #tpu.memory_space<vmem>>[vector<16xi32>], vector<16xf32>,
      %swap3A_442 = arith.constant 47 : i32
      %swap3A_443 = arith.index_cast %swap3A_442 : i32 to index
      %swap3A_444 = arith.index_cast %mul3A_142 : i32 to index
      %swap3A_445 = tpu.vector_load %arg8[%swap3A_443, %swap3A_444] {strides = array<i32>} : memref<83x512xf32, #tpu.memory_space<vmem>>, vector<16xf32>,
      tpu.vector_store %arg8[%swap3A_443, %swap3A_444], %gather3A_441 {strides = array<i32>} : memref<83x512xf32, #tpu.memory_space<vmem>>, vector<16xf32>,
      %add3A_446 = arith.constant 15 : i32
      %add3A_447 = vector.broadcast %add3A_446 : i32 to vector<16xi32>
      %add3A_448 = arith.addi %add3A_325, %add3A_447 : vector<16xi32>
      %gather3A_449 = tpu.vector_load_idx %arg6[%add3A_448] : memref<4960xf32, #tpu.memory_space<vmem>>[vector<16xi32>], vector<16xf32>,
      %swap3A_450 = arith.constant 48 : i32
      %swap3A_451 = arith.index_cast %swap3A_450 : i32 to index
      %swap3A_452 = arith.index_cast %mul3A_142 : i32 to index
      %swap3A_453 = tpu.vector_load %arg8[%swap3A_451, %swap3A_452] {strides = array<i32>} : memref<83x512xf32, #tpu.memory_space<vmem>>, vector<16xf32>,
      tpu.vector_store %arg8[%swap3A_451, %swap3A_452], %gather3A_449 {strides = array<i32>} : memref<83x512xf32, #tpu.memory_space<vmem>>, vector<16xf32>,
      %add3A_454 = arith.constant 16 : i32
      %add3A_455 = vector.broadcast %add3A_454 : i32 to vector<16xi32>
      %add3A_456 = arith.addi %add3A_325, %add3A_455 : vector<16xi32>
      %gather3A_457 = tpu.vector_load_idx %arg6[%add3A_456] : memref<4960xf32, #tpu.memory_space<vmem>>[vector<16xi32>], vector<16xf32>,
      %swap3A_458 = arith.constant 49 : i32
      %swap3A_459 = arith.index_cast %swap3A_458 : i32 to index
      %swap3A_460 = arith.index_cast %mul3A_142 : i32 to index
      %swap3A_461 = tpu.vector_load %arg8[%swap3A_459, %swap3A_460] {strides = array<i32>} : memref<83x512xf32, #tpu.memory_space<vmem>>, vector<16xf32>,
      tpu.vector_store %arg8[%swap3A_459, %swap3A_460], %gather3A_457 {strides = array<i32>} : memref<83x512xf32, #tpu.memory_space<vmem>>, vector<16xf32>,
      %add3A_462 = arith.constant 17 : i32
      %add3A_463 = vector.broadcast %add3A_462 : i32 to vector<16xi32>
      %add3A_464 = arith.addi %add3A_325, %add3A_463 : vector<16xi32>
      %gather3A_465 = tpu.vector_load_idx %arg6[%add3A_464] : memref<4960xf32, #tpu.memory_space<vmem>>[vector<16xi32>], vector<16xf32>,
      %swap3A_466 = arith.constant 50 : i32
      %swap3A_467 = arith.index_cast %swap3A_466 : i32 to index
      %swap3A_468 = arith.index_cast %mul3A_142 : i32 to index
      %swap3A_469 = tpu.vector_load %arg8[%swap3A_467, %swap3A_468] {strides = array<i32>} : memref<83x512xf32, #tpu.memory_space<vmem>>, vector<16xf32>,
      tpu.vector_store %arg8[%swap3A_467, %swap3A_468], %gather3A_465 {strides = array<i32>} : memref<83x512xf32, #tpu.memory_space<vmem>>, vector<16xf32>,
      %add3A_470 = arith.constant 18 : i32
      %add3A_471 = vector.broadcast %add3A_470 : i32 to vector<16xi32>
      %add3A_472 = arith.addi %add3A_325, %add3A_471 : vector<16xi32>
      %gather3A_473 = tpu.vector_load_idx %arg6[%add3A_472] : memref<4960xf32, #tpu.memory_space<vmem>>[vector<16xi32>], vector<16xf32>,
      %swap3A_474 = arith.constant 51 : i32
      %swap3A_475 = arith.index_cast %swap3A_474 : i32 to index
      %swap3A_476 = arith.index_cast %mul3A_142 : i32 to index
      %swap3A_477 = tpu.vector_load %arg8[%swap3A_475, %swap3A_476] {strides = array<i32>} : memref<83x512xf32, #tpu.memory_space<vmem>>, vector<16xf32>,
      tpu.vector_store %arg8[%swap3A_475, %swap3A_476], %gather3A_473 {strides = array<i32>} : memref<83x512xf32, #tpu.memory_space<vmem>>, vector<16xf32>,
      %add3A_478 = arith.constant 19 : i32
      %add3A_479 = vector.broadcast %add3A_478 : i32 to vector<16xi32>
      %add3A_480 = arith.addi %add3A_325, %add3A_479 : vector<16xi32>
      %gather3A_481 = tpu.vector_load_idx %arg6[%add3A_480] : memref<4960xf32, #tpu.memory_space<vmem>>[vector<16xi32>], vector<16xf32>,
      %swap3A_482 = arith.constant 52 : i32
      %swap3A_483 = arith.index_cast %swap3A_482 : i32 to index
      %swap3A_484 = arith.index_cast %mul3A_142 : i32 to index
      %swap3A_485 = tpu.vector_load %arg8[%swap3A_483, %swap3A_484] {strides = array<i32>} : memref<83x512xf32, #tpu.memory_space<vmem>>, vector<16xf32>,
      tpu.vector_store %arg8[%swap3A_483, %swap3A_484], %gather3A_481 {strides = array<i32>} : memref<83x512xf32, #tpu.memory_space<vmem>>, vector<16xf32>,
      %add3A_486 = arith.constant 20 : i32
      %add3A_487 = vector.broadcast %add3A_486 : i32 to vector<16xi32>
      %add3A_488 = arith.addi %add3A_325, %add3A_487 : vector<16xi32>
      %gather3A_489 = tpu.vector_load_idx %arg6[%add3A_488] : memref<4960xf32, #tpu.memory_space<vmem>>[vector<16xi32>], vector<16xf32>,
      %swap3A_490 = arith.constant 53 : i32
      %swap3A_491 = arith.index_cast %swap3A_490 : i32 to index
      %swap3A_492 = arith.index_cast %mul3A_142 : i32 to index
      %swap3A_493 = tpu.vector_load %arg8[%swap3A_491, %swap3A_492] {strides = array<i32>} : memref<83x512xf32, #tpu.memory_space<vmem>>, vector<16xf32>,
      tpu.vector_store %arg8[%swap3A_491, %swap3A_492], %gather3A_489 {strides = array<i32>} : memref<83x512xf32, #tpu.memory_space<vmem>>, vector<16xf32>,
      %add3A_494 = arith.constant 21 : i32
      %add3A_495 = vector.broadcast %add3A_494 : i32 to vector<16xi32>
      %add3A_496 = arith.addi %add3A_325, %add3A_495 : vector<16xi32>
      %gather3A_497 = tpu.vector_load_idx %arg6[%add3A_496] : memref<4960xf32, #tpu.memory_space<vmem>>[vector<16xi32>], vector<16xf32>,
      %swap3A_498 = arith.constant 54 : i32
      %swap3A_499 = arith.index_cast %swap3A_498 : i32 to index
      %swap3A_500 = arith.index_cast %mul3A_142 : i32 to index
      %swap3A_501 = tpu.vector_load %arg8[%swap3A_499, %swap3A_500] {strides = array<i32>} : memref<83x512xf32, #tpu.memory_space<vmem>>, vector<16xf32>,
      tpu.vector_store %arg8[%swap3A_499, %swap3A_500], %gather3A_497 {strides = array<i32>} : memref<83x512xf32, #tpu.memory_space<vmem>>, vector<16xf32>,
      %add3A_502 = arith.constant 22 : i32
      %add3A_503 = vector.broadcast %add3A_502 : i32 to vector<16xi32>
      %add3A_504 = arith.addi %add3A_325, %add3A_503 : vector<16xi32>
      %gather3A_505 = tpu.vector_load_idx %arg6[%add3A_504] : memref<4960xf32, #tpu.memory_space<vmem>>[vector<16xi32>], vector<16xf32>,
      %swap3A_506 = arith.constant 55 : i32
      %swap3A_507 = arith.index_cast %swap3A_506 : i32 to index
      %swap3A_508 = arith.index_cast %mul3A_142 : i32 to index
      %swap3A_509 = tpu.vector_load %arg8[%swap3A_507, %swap3A_508] {strides = array<i32>} : memref<83x512xf32, #tpu.memory_space<vmem>>, vector<16xf32>,
      tpu.vector_store %arg8[%swap3A_507, %swap3A_508], %gather3A_505 {strides = array<i32>} : memref<83x512xf32, #tpu.memory_space<vmem>>, vector<16xf32>,
      %add3A_510 = arith.constant 23 : i32
      %add3A_511 = vector.broadcast %add3A_510 : i32 to vector<16xi32>
      %add3A_512 = arith.addi %add3A_325, %add3A_511 : vector<16xi32>
      %gather3A_513 = tpu.vector_load_idx %arg6[%add3A_512] : memref<4960xf32, #tpu.memory_space<vmem>>[vector<16xi32>], vector<16xf32>,
      %swap3A_514 = arith.constant 56 : i32
      %swap3A_515 = arith.index_cast %swap3A_514 : i32 to index
      %swap3A_516 = arith.index_cast %mul3A_142 : i32 to index
      %swap3A_517 = tpu.vector_load %arg8[%swap3A_515, %swap3A_516] {strides = array<i32>} : memref<83x512xf32, #tpu.memory_space<vmem>>, vector<16xf32>,
      tpu.vector_store %arg8[%swap3A_515, %swap3A_516], %gather3A_513 {strides = array<i32>} : memref<83x512xf32, #tpu.memory_space<vmem>>, vector<16xf32>,
      %add3A_518 = arith.constant 24 : i32
      %add3A_519 = vector.broadcast %add3A_518 : i32 to vector<16xi32>
      %add3A_520 = arith.addi %add3A_325, %add3A_519 : vector<16xi32>
      %gather3A_521 = tpu.vector_load_idx %arg6[%add3A_520] : memref<4960xf32, #tpu.memory_space<vmem>>[vector<16xi32>], vector<16xf32>,
      %swap3A_522 = arith.constant 57 : i32
      %swap3A_523 = arith.index_cast %swap3A_522 : i32 to index
      %swap3A_524 = arith.index_cast %mul3A_142 : i32 to index
      %swap3A_525 = tpu.vector_load %arg8[%swap3A_523, %swap3A_524] {strides = array<i32>} : memref<83x512xf32, #tpu.memory_space<vmem>>, vector<16xf32>,
      tpu.vector_store %arg8[%swap3A_523, %swap3A_524], %gather3A_521 {strides = array<i32>} : memref<83x512xf32, #tpu.memory_space<vmem>>, vector<16xf32>,
      %add3A_526 = arith.constant 25 : i32
      %add3A_527 = vector.broadcast %add3A_526 : i32 to vector<16xi32>
      %add3A_528 = arith.addi %add3A_325, %add3A_527 : vector<16xi32>
      %gather3A_529 = tpu.vector_load_idx %arg6[%add3A_528] : memref<4960xf32, #tpu.memory_space<vmem>>[vector<16xi32>], vector<16xf32>,
      %swap3A_530 = arith.constant 58 : i32
      %swap3A_531 = arith.index_cast %swap3A_530 : i32 to index
      %swap3A_532 = arith.index_cast %mul3A_142 : i32 to index
      %swap3A_533 = tpu.vector_load %arg8[%swap3A_531, %swap3A_532] {strides = array<i32>} : memref<83x512xf32, #tpu.memory_space<vmem>>, vector<16xf32>,
      tpu.vector_store %arg8[%swap3A_531, %swap3A_532], %gather3A_529 {strides = array<i32>} : memref<83x512xf32, #tpu.memory_space<vmem>>, vector<16xf32>,
      %add3A_534 = arith.constant 26 : i32
      %add3A_535 = vector.broadcast %add3A_534 : i32 to vector<16xi32>
      %add3A_536 = arith.addi %add3A_325, %add3A_535 : vector<16xi32>
      %gather3A_537 = tpu.vector_load_idx %arg6[%add3A_536] : memref<4960xf32, #tpu.memory_space<vmem>>[vector<16xi32>], vector<16xf32>,
      %swap3A_538 = arith.constant 59 : i32
      %swap3A_539 = arith.index_cast %swap3A_538 : i32 to index
      %swap3A_540 = arith.index_cast %mul3A_142 : i32 to index
      %swap3A_541 = tpu.vector_load %arg8[%swap3A_539, %swap3A_540] {strides = array<i32>} : memref<83x512xf32, #tpu.memory_space<vmem>>, vector<16xf32>,
      tpu.vector_store %arg8[%swap3A_539, %swap3A_540], %gather3A_537 {strides = array<i32>} : memref<83x512xf32, #tpu.memory_space<vmem>>, vector<16xf32>,
      %add3A_542 = arith.constant 27 : i32
      %add3A_543 = vector.broadcast %add3A_542 : i32 to vector<16xi32>
      %add3A_544 = arith.addi %add3A_325, %add3A_543 : vector<16xi32>
      %gather3A_545 = tpu.vector_load_idx %arg6[%add3A_544] : memref<4960xf32, #tpu.memory_space<vmem>>[vector<16xi32>], vector<16xf32>,
      %swap3A_546 = arith.constant 60 : i32
      %swap3A_547 = arith.index_cast %swap3A_546 : i32 to index
      %swap3A_548 = arith.index_cast %mul3A_142 : i32 to index
      %swap3A_549 = tpu.vector_load %arg8[%swap3A_547, %swap3A_548] {strides = array<i32>} : memref<83x512xf32, #tpu.memory_space<vmem>>, vector<16xf32>,
      tpu.vector_store %arg8[%swap3A_547, %swap3A_548], %gather3A_545 {strides = array<i32>} : memref<83x512xf32, #tpu.memory_space<vmem>>, vector<16xf32>,
      %add3A_550 = arith.constant 28 : i32
      %add3A_551 = vector.broadcast %add3A_550 : i32 to vector<16xi32>
      %add3A_552 = arith.addi %add3A_325, %add3A_551 : vector<16xi32>
      %gather3A_553 = tpu.vector_load_idx %arg6[%add3A_552] : memref<4960xf32, #tpu.memory_space<vmem>>[vector<16xi32>], vector<16xf32>,
      %swap3A_554 = arith.constant 61 : i32
      %swap3A_555 = arith.index_cast %swap3A_554 : i32 to index
      %swap3A_556 = arith.index_cast %mul3A_142 : i32 to index
      %swap3A_557 = tpu.vector_load %arg8[%swap3A_555, %swap3A_556] {strides = array<i32>} : memref<83x512xf32, #tpu.memory_space<vmem>>, vector<16xf32>,
      tpu.vector_store %arg8[%swap3A_555, %swap3A_556], %gather3A_553 {strides = array<i32>} : memref<83x512xf32, #tpu.memory_space<vmem>>, vector<16xf32>,
      %add3A_558 = arith.constant 29 : i32
      %add3A_559 = vector.broadcast %add3A_558 : i32 to vector<16xi32>
      %add3A_560 = arith.addi %add3A_325, %add3A_559 : vector<16xi32>
      %gather3A_561 = tpu.vector_load_idx %arg6[%add3A_560] : memref<4960xf32, #tpu.memory_space<vmem>>[vector<16xi32>], vector<16xf32>,
      %swap3A_562 = arith.constant 62 : i32
      %swap3A_563 = arith.index_cast %swap3A_562 : i32 to index
      %swap3A_564 = arith.index_cast %mul3A_142 : i32 to index
      %swap3A_565 = tpu.vector_load %arg8[%swap3A_563, %swap3A_564] {strides = array<i32>} : memref<83x512xf32, #tpu.memory_space<vmem>>, vector<16xf32>,
      tpu.vector_store %arg8[%swap3A_563, %swap3A_564], %gather3A_561 {strides = array<i32>} : memref<83x512xf32, #tpu.memory_space<vmem>>, vector<16xf32>,
      %add3A_566 = arith.constant 30 : i32
      %add3A_567 = vector.broadcast %add3A_566 : i32 to vector<16xi32>
      %add3A_568 = arith.addi %add3A_325, %add3A_567 : vector<16xi32>
      %gather3A_569 = tpu.vector_load_idx %arg6[%add3A_568] : memref<4960xf32, #tpu.memory_space<vmem>>[vector<16xi32>], vector<16xf32>,
      %swap3A_570 = arith.constant 63 : i32
      %swap3A_571 = arith.index_cast %swap3A_570 : i32 to index
      %swap3A_572 = arith.index_cast %mul3A_142 : i32 to index
      %swap3A_573 = tpu.vector_load %arg8[%swap3A_571, %swap3A_572] {strides = array<i32>} : memref<83x512xf32, #tpu.memory_space<vmem>>, vector<16xf32>,
      tpu.vector_store %arg8[%swap3A_571, %swap3A_572], %gather3A_569 {strides = array<i32>} : memref<83x512xf32, #tpu.memory_space<vmem>>, vector<16xf32>,
      %add3A_574 = arith.constant 31 : i32
      %add3A_575 = vector.broadcast %add3A_574 : i32 to vector<16xi32>
      %add3A_576 = arith.addi %add3A_325, %add3A_575 : vector<16xi32>
      %gather3A_577 = tpu.vector_load_idx %arg6[%add3A_576] : memref<4960xf32, #tpu.memory_space<vmem>>[vector<16xi32>], vector<16xf32>,
      %swap3A_578 = arith.constant 64 : i32
      %swap3A_579 = arith.index_cast %swap3A_578 : i32 to index
      %swap3A_580 = arith.index_cast %mul3A_142 : i32 to index
      %swap3A_581 = tpu.vector_load %arg8[%swap3A_579, %swap3A_580] {strides = array<i32>} : memref<83x512xf32, #tpu.memory_space<vmem>>, vector<16xf32>,
      tpu.vector_store %arg8[%swap3A_579, %swap3A_580], %gather3A_577 {strides = array<i32>} : memref<83x512xf32, #tpu.memory_space<vmem>>, vector<16xf32>,
      %add3A_582 = arith.constant 32 : i32
      %add3A_583 = vector.broadcast %add3A_582 : i32 to vector<16xi32>
      %add3A_584 = arith.addi %add3A_325, %add3A_583 : vector<16xi32>
      %gather3A_585 = tpu.vector_load_idx %arg6[%add3A_584] : memref<4960xf32, #tpu.memory_space<vmem>>[vector<16xi32>], vector<16xf32>,
      %swap3A_586 = arith.constant 65 : i32
      %swap3A_587 = arith.index_cast %swap3A_586 : i32 to index
      %swap3A_588 = arith.index_cast %mul3A_142 : i32 to index
      %swap3A_589 = tpu.vector_load %arg8[%swap3A_587, %swap3A_588] {strides = array<i32>} : memref<83x512xf32, #tpu.memory_space<vmem>>, vector<16xf32>,
      tpu.vector_store %arg8[%swap3A_587, %swap3A_588], %gather3A_585 {strides = array<i32>} : memref<83x512xf32, #tpu.memory_space<vmem>>, vector<16xf32>,
      %add3A_590 = arith.constant 33 : i32
      %add3A_591 = vector.broadcast %add3A_590 : i32 to vector<16xi32>
      %add3A_592 = arith.addi %add3A_325, %add3A_591 : vector<16xi32>
      %gather3A_593 = tpu.vector_load_idx %arg6[%add3A_592] : memref<4960xf32, #tpu.memory_space<vmem>>[vector<16xi32>], vector<16xf32>,
      %swap3A_594 = arith.constant 66 : i32
      %swap3A_595 = arith.index_cast %swap3A_594 : i32 to index
      %swap3A_596 = arith.index_cast %mul3A_142 : i32 to index
      %swap3A_597 = tpu.vector_load %arg8[%swap3A_595, %swap3A_596] {strides = array<i32>} : memref<83x512xf32, #tpu.memory_space<vmem>>, vector<16xf32>,
      tpu.vector_store %arg8[%swap3A_595, %swap3A_596], %gather3A_593 {strides = array<i32>} : memref<83x512xf32, #tpu.memory_space<vmem>>, vector<16xf32>,
      %add3A_598 = arith.constant 34 : i32
      %add3A_599 = vector.broadcast %add3A_598 : i32 to vector<16xi32>
      %add3A_600 = arith.addi %add3A_325, %add3A_599 : vector<16xi32>
      %gather3A_601 = tpu.vector_load_idx %arg6[%add3A_600] : memref<4960xf32, #tpu.memory_space<vmem>>[vector<16xi32>], vector<16xf32>,
      %swap3A_602 = arith.constant 67 : i32
      %swap3A_603 = arith.index_cast %swap3A_602 : i32 to index
      %swap3A_604 = arith.index_cast %mul3A_142 : i32 to index
      %swap3A_605 = tpu.vector_load %arg8[%swap3A_603, %swap3A_604] {strides = array<i32>} : memref<83x512xf32, #tpu.memory_space<vmem>>, vector<16xf32>,
      tpu.vector_store %arg8[%swap3A_603, %swap3A_604], %gather3A_601 {strides = array<i32>} : memref<83x512xf32, #tpu.memory_space<vmem>>, vector<16xf32>,
      %add3A_606 = arith.constant 35 : i32
      %add3A_607 = vector.broadcast %add3A_606 : i32 to vector<16xi32>
      %add3A_608 = arith.addi %add3A_325, %add3A_607 : vector<16xi32>
      %gather3A_609 = tpu.vector_load_idx %arg6[%add3A_608] : memref<4960xf32, #tpu.memory_space<vmem>>[vector<16xi32>], vector<16xf32>,
      %swap3A_610 = arith.constant 68 : i32
      %swap3A_611 = arith.index_cast %swap3A_610 : i32 to index
      %swap3A_612 = arith.index_cast %mul3A_142 : i32 to index
      %swap3A_613 = tpu.vector_load %arg8[%swap3A_611, %swap3A_612] {strides = array<i32>} : memref<83x512xf32, #tpu.memory_space<vmem>>, vector<16xf32>,
      tpu.vector_store %arg8[%swap3A_611, %swap3A_612], %gather3A_609 {strides = array<i32>} : memref<83x512xf32, #tpu.memory_space<vmem>>, vector<16xf32>,
      %add3A_614 = arith.constant 36 : i32
      %add3A_615 = vector.broadcast %add3A_614 : i32 to vector<16xi32>
      %add3A_616 = arith.addi %add3A_325, %add3A_615 : vector<16xi32>
      %gather3A_617 = tpu.vector_load_idx %arg6[%add3A_616] : memref<4960xf32, #tpu.memory_space<vmem>>[vector<16xi32>], vector<16xf32>,
      %swap3A_618 = arith.constant 69 : i32
      %swap3A_619 = arith.index_cast %swap3A_618 : i32 to index
      %swap3A_620 = arith.index_cast %mul3A_142 : i32 to index
      %swap3A_621 = tpu.vector_load %arg8[%swap3A_619, %swap3A_620] {strides = array<i32>} : memref<83x512xf32, #tpu.memory_space<vmem>>, vector<16xf32>,
      tpu.vector_store %arg8[%swap3A_619, %swap3A_620], %gather3A_617 {strides = array<i32>} : memref<83x512xf32, #tpu.memory_space<vmem>>, vector<16xf32>,
      %add3A_622 = arith.constant 37 : i32
      %add3A_623 = vector.broadcast %add3A_622 : i32 to vector<16xi32>
      %add3A_624 = arith.addi %add3A_325, %add3A_623 : vector<16xi32>
      %gather3A_625 = tpu.vector_load_idx %arg6[%add3A_624] : memref<4960xf32, #tpu.memory_space<vmem>>[vector<16xi32>], vector<16xf32>,
      %swap3A_626 = arith.constant 70 : i32
      %swap3A_627 = arith.index_cast %swap3A_626 : i32 to index
      %swap3A_628 = arith.index_cast %mul3A_142 : i32 to index
      %swap3A_629 = tpu.vector_load %arg8[%swap3A_627, %swap3A_628] {strides = array<i32>} : memref<83x512xf32, #tpu.memory_space<vmem>>, vector<16xf32>,
      tpu.vector_store %arg8[%swap3A_627, %swap3A_628], %gather3A_625 {strides = array<i32>} : memref<83x512xf32, #tpu.memory_space<vmem>>, vector<16xf32>,
      %add3A_630 = arith.constant 38 : i32
      %add3A_631 = vector.broadcast %add3A_630 : i32 to vector<16xi32>
      %add3A_632 = arith.addi %add3A_325, %add3A_631 : vector<16xi32>
      %gather3A_633 = tpu.vector_load_idx %arg6[%add3A_632] : memref<4960xf32, #tpu.memory_space<vmem>>[vector<16xi32>], vector<16xf32>,
      %swap3A_634 = arith.constant 71 : i32
      %swap3A_635 = arith.index_cast %swap3A_634 : i32 to index
      %swap3A_636 = arith.index_cast %mul3A_142 : i32 to index
      %swap3A_637 = tpu.vector_load %arg8[%swap3A_635, %swap3A_636] {strides = array<i32>} : memref<83x512xf32, #tpu.memory_space<vmem>>, vector<16xf32>,
      tpu.vector_store %arg8[%swap3A_635, %swap3A_636], %gather3A_633 {strides = array<i32>} : memref<83x512xf32, #tpu.memory_space<vmem>>, vector<16xf32>,
      %add3A_638 = arith.constant 39 : i32
      %add3A_639 = vector.broadcast %add3A_638 : i32 to vector<16xi32>
      %add3A_640 = arith.addi %add3A_325, %add3A_639 : vector<16xi32>
      %gather3A_641 = tpu.vector_load_idx %arg6[%add3A_640] : memref<4960xf32, #tpu.memory_space<vmem>>[vector<16xi32>], vector<16xf32>,
      %swap3A_642 = arith.constant 72 : i32
      %swap3A_643 = arith.index_cast %swap3A_642 : i32 to index
      %swap3A_644 = arith.index_cast %mul3A_142 : i32 to index
      %swap3A_645 = tpu.vector_load %arg8[%swap3A_643, %swap3A_644] {strides = array<i32>} : memref<83x512xf32, #tpu.memory_space<vmem>>, vector<16xf32>,
      tpu.vector_store %arg8[%swap3A_643, %swap3A_644], %gather3A_641 {strides = array<i32>} : memref<83x512xf32, #tpu.memory_space<vmem>>, vector<16xf32>,
      %add3A_646 = arith.constant 40 : i32
      %add3A_647 = vector.broadcast %add3A_646 : i32 to vector<16xi32>
      %add3A_648 = arith.addi %add3A_325, %add3A_647 : vector<16xi32>
      %gather3A_649 = tpu.vector_load_idx %arg6[%add3A_648] : memref<4960xf32, #tpu.memory_space<vmem>>[vector<16xi32>], vector<16xf32>,
      %swap3A_650 = arith.constant 73 : i32
      %swap3A_651 = arith.index_cast %swap3A_650 : i32 to index
      %swap3A_652 = arith.index_cast %mul3A_142 : i32 to index
      %swap3A_653 = tpu.vector_load %arg8[%swap3A_651, %swap3A_652] {strides = array<i32>} : memref<83x512xf32, #tpu.memory_space<vmem>>, vector<16xf32>,
      tpu.vector_store %arg8[%swap3A_651, %swap3A_652], %gather3A_649 {strides = array<i32>} : memref<83x512xf32, #tpu.memory_space<vmem>>, vector<16xf32>,
      %add3A_654 = arith.constant 41 : i32
      %add3A_655 = vector.broadcast %add3A_654 : i32 to vector<16xi32>
      %add3A_656 = arith.addi %add3A_325, %add3A_655 : vector<16xi32>
      %gather3A_657 = tpu.vector_load_idx %arg6[%add3A_656] : memref<4960xf32, #tpu.memory_space<vmem>>[vector<16xi32>], vector<16xf32>,
      %swap3A_658 = arith.constant 74 : i32
      %swap3A_659 = arith.index_cast %swap3A_658 : i32 to index
      %swap3A_660 = arith.index_cast %mul3A_142 : i32 to index
      %swap3A_661 = tpu.vector_load %arg8[%swap3A_659, %swap3A_660] {strides = array<i32>} : memref<83x512xf32, #tpu.memory_space<vmem>>, vector<16xf32>,
      tpu.vector_store %arg8[%swap3A_659, %swap3A_660], %gather3A_657 {strides = array<i32>} : memref<83x512xf32, #tpu.memory_space<vmem>>, vector<16xf32>,
      %add3A_662 = arith.constant 42 : i32
      %add3A_663 = vector.broadcast %add3A_662 : i32 to vector<16xi32>
      %add3A_664 = arith.addi %add3A_325, %add3A_663 : vector<16xi32>
      %gather3A_665 = tpu.vector_load_idx %arg6[%add3A_664] : memref<4960xf32, #tpu.memory_space<vmem>>[vector<16xi32>], vector<16xf32>,
      %swap3A_666 = arith.constant 75 : i32
      %swap3A_667 = arith.index_cast %swap3A_666 : i32 to index
      %swap3A_668 = arith.index_cast %mul3A_142 : i32 to index
      %swap3A_669 = tpu.vector_load %arg8[%swap3A_667, %swap3A_668] {strides = array<i32>} : memref<83x512xf32, #tpu.memory_space<vmem>>, vector<16xf32>,
      tpu.vector_store %arg8[%swap3A_667, %swap3A_668], %gather3A_665 {strides = array<i32>} : memref<83x512xf32, #tpu.memory_space<vmem>>, vector<16xf32>,
      %add3A_670 = arith.constant 43 : i32
      %add3A_671 = vector.broadcast %add3A_670 : i32 to vector<16xi32>
      %add3A_672 = arith.addi %add3A_325, %add3A_671 : vector<16xi32>
      %gather3A_673 = tpu.vector_load_idx %arg6[%add3A_672] : memref<4960xf32, #tpu.memory_space<vmem>>[vector<16xi32>], vector<16xf32>,
      %swap3A_674 = arith.constant 76 : i32
      %swap3A_675 = arith.index_cast %swap3A_674 : i32 to index
      %swap3A_676 = arith.index_cast %mul3A_142 : i32 to index
      %swap3A_677 = tpu.vector_load %arg8[%swap3A_675, %swap3A_676] {strides = array<i32>} : memref<83x512xf32, #tpu.memory_space<vmem>>, vector<16xf32>,
      tpu.vector_store %arg8[%swap3A_675, %swap3A_676], %gather3A_673 {strides = array<i32>} : memref<83x512xf32, #tpu.memory_space<vmem>>, vector<16xf32>,
      %add3A_678 = arith.constant 44 : i32
      %add3A_679 = vector.broadcast %add3A_678 : i32 to vector<16xi32>
      %add3A_680 = arith.addi %add3A_325, %add3A_679 : vector<16xi32>
      %gather3A_681 = tpu.vector_load_idx %arg6[%add3A_680] : memref<4960xf32, #tpu.memory_space<vmem>>[vector<16xi32>], vector<16xf32>,
      %swap3A_682 = arith.constant 77 : i32
      %swap3A_683 = arith.index_cast %swap3A_682 : i32 to index
      %swap3A_684 = arith.index_cast %mul3A_142 : i32 to index
      %swap3A_685 = tpu.vector_load %arg8[%swap3A_683, %swap3A_684] {strides = array<i32>} : memref<83x512xf32, #tpu.memory_space<vmem>>, vector<16xf32>,
      tpu.vector_store %arg8[%swap3A_683, %swap3A_684], %gather3A_681 {strides = array<i32>} : memref<83x512xf32, #tpu.memory_space<vmem>>, vector<16xf32>,
      %add3A_686 = arith.constant 45 : i32
      %add3A_687 = vector.broadcast %add3A_686 : i32 to vector<16xi32>
      %add3A_688 = arith.addi %add3A_325, %add3A_687 : vector<16xi32>
      %gather3A_689 = tpu.vector_load_idx %arg6[%add3A_688] : memref<4960xf32, #tpu.memory_space<vmem>>[vector<16xi32>], vector<16xf32>,
      %swap3A_690 = arith.constant 78 : i32
      %swap3A_691 = arith.index_cast %swap3A_690 : i32 to index
      %swap3A_692 = arith.index_cast %mul3A_142 : i32 to index
      %swap3A_693 = tpu.vector_load %arg8[%swap3A_691, %swap3A_692] {strides = array<i32>} : memref<83x512xf32, #tpu.memory_space<vmem>>, vector<16xf32>,
      tpu.vector_store %arg8[%swap3A_691, %swap3A_692], %gather3A_689 {strides = array<i32>} : memref<83x512xf32, #tpu.memory_space<vmem>>, vector<16xf32>,
      %add3A_694 = arith.constant 46 : i32
      %add3A_695 = vector.broadcast %add3A_694 : i32 to vector<16xi32>
      %add3A_696 = arith.addi %add3A_325, %add3A_695 : vector<16xi32>
      %gather3A_697 = tpu.vector_load_idx %arg6[%add3A_696] : memref<4960xf32, #tpu.memory_space<vmem>>[vector<16xi32>], vector<16xf32>,
      %swap3A_698 = arith.constant 79 : i32
      %swap3A_699 = arith.index_cast %swap3A_698 : i32 to index
      %swap3A_700 = arith.index_cast %mul3A_142 : i32 to index
      %swap3A_701 = tpu.vector_load %arg8[%swap3A_699, %swap3A_700] {strides = array<i32>} : memref<83x512xf32, #tpu.memory_space<vmem>>, vector<16xf32>,
      tpu.vector_store %arg8[%swap3A_699, %swap3A_700], %gather3A_697 {strides = array<i32>} : memref<83x512xf32, #tpu.memory_space<vmem>>, vector<16xf32>,
      %add3A_702 = arith.constant 47 : i32
      %add3A_703 = vector.broadcast %add3A_702 : i32 to vector<16xi32>
      %add3A_704 = arith.addi %add3A_325, %add3A_703 : vector<16xi32>
      %gather3A_705 = tpu.vector_load_idx %arg6[%add3A_704] : memref<4960xf32, #tpu.memory_space<vmem>>[vector<16xi32>], vector<16xf32>,
      %swap3A_706 = arith.constant 80 : i32
      %swap3A_707 = arith.index_cast %swap3A_706 : i32 to index
      %swap3A_708 = arith.index_cast %mul3A_142 : i32 to index
      %swap3A_709 = tpu.vector_load %arg8[%swap3A_707, %swap3A_708] {strides = array<i32>} : memref<83x512xf32, #tpu.memory_space<vmem>>, vector<16xf32>,
      tpu.vector_store %arg8[%swap3A_707, %swap3A_708], %gather3A_705 {strides = array<i32>} : memref<83x512xf32, #tpu.memory_space<vmem>>, vector<16xf32>,
      %add3A_710 = arith.constant 48 : i32
      %add3A_711 = vector.broadcast %add3A_710 : i32 to vector<16xi32>
      %add3A_712 = arith.addi %add3A_325, %add3A_711 : vector<16xi32>
      %gather3A_713 = tpu.vector_load_idx %arg6[%add3A_712] : memref<4960xf32, #tpu.memory_space<vmem>>[vector<16xi32>], vector<16xf32>,
      %swap3A_714 = arith.constant 81 : i32
      %swap3A_715 = arith.index_cast %swap3A_714 : i32 to index
      %swap3A_716 = arith.index_cast %mul3A_142 : i32 to index
      %swap3A_717 = tpu.vector_load %arg8[%swap3A_715, %swap3A_716] {strides = array<i32>} : memref<83x512xf32, #tpu.memory_space<vmem>>, vector<16xf32>,
      tpu.vector_store %arg8[%swap3A_715, %swap3A_716], %gather3A_713 {strides = array<i32>} : memref<83x512xf32, #tpu.memory_space<vmem>>, vector<16xf32>,
      %add3A_718 = arith.constant 49 : i32
      %add3A_719 = vector.broadcast %add3A_718 : i32 to vector<16xi32>
      %add3A_720 = arith.addi %add3A_325, %add3A_719 : vector<16xi32>
      %gather3A_721 = tpu.vector_load_idx %arg6[%add3A_720] : memref<4960xf32, #tpu.memory_space<vmem>>[vector<16xi32>], vector<16xf32>,
      %swap3A_722 = arith.constant 82 : i32
      %swap3A_723 = arith.index_cast %swap3A_722 : i32 to index
      %swap3A_724 = arith.index_cast %mul3A_142 : i32 to index
      %swap3A_725 = tpu.vector_load %arg8[%swap3A_723, %swap3A_724] {strides = array<i32>} : memref<83x512xf32, #tpu.memory_space<vmem>>, vector<16xf32>,
      tpu.vector_store %arg8[%swap3A_723, %swap3A_724], %gather3A_721 {strides = array<i32>} : memref<83x512xf32, #tpu.memory_space<vmem>>, vector<16xf32>,
    }
    %scan3A_23 = arith.constant 8 : i32
    %dma_wait3A_24 = arith.constant 0 : i32
    %dma_wait3A_25 = arith.constant 0 : i32
    %dma_wait3A_26 = tpu.memref_slice %arg8[%dma_wait3A_24, %dma_wait3A_25] : memref<83x512xf32, #tpu.memory_space<vmem>> -> memref<16x512xf32, #tpu.memory_space<vmem>>
    %dma_wait3A_27 = arith.constant 0 : i32
    %dma_wait3A_28 = tpu.memref_slice %arg2[%dma_wait3A_27, %mul3A_2] : memref<16x16384xf32, #tpu.memory_space<hbm>> -> memref<16x512xf32, #tpu.memory_space<hbm>>
    %dma_wait3A_29 = arith.constant 0 : i32
    %dma_wait3A_30 = arith.constant 0 : i32
    %dma_wait3A_31 = tpu.memref_slice %arg8[%dma_wait3A_29, %dma_wait3A_30] : memref<83x512xf32, #tpu.memory_space<vmem>> -> memref<16x512xf32, #tpu.memory_space<vmem>>
    %dma_wait3A_32 = arith.constant 0 : i32
    %dma_wait3A_33 = tpu.memref_slice %arg2[%dma_wait3A_32, %mul3A_2] : memref<16x16384xf32, #tpu.memory_space<hbm>> -> memref<16x512xf32, #tpu.memory_space<hbm>>
    tpu.wait_dma2 semaphore(%arg10 : memref<!tpu.dma_semaphore, #tpu.memory_space<semaphore_mem>>) src(%dma_wait3A_33 : memref<16x512xf32, #tpu.memory_space<hbm>>) dst(%dma_wait3A_31 : memref<16x512xf32, #tpu.memory_space<vmem>>)
    %add3A_34 = arith.constant 0 : i32
    %add3A_35 = arith.addi %mul3A_2, %add3A_34 : i32
    %dma_start3A_36 = arith.constant 0 : i32
    %dma_start3A_37 = arith.constant 0 : i32
    %dma_start3A_38 = tpu.memref_slice %arg8[%dma_start3A_36, %dma_start3A_37] : memref<83x512xf32, #tpu.memory_space<vmem>> -> memref<83x128xf32, #tpu.memory_space<vmem>>
    %dma_start3A_39 = arith.constant 0 : i32
    %dma_start3A_40 = tpu.memref_slice %arg5[%dma_start3A_39, %add3A_35] : memref<83x16384xf32, #tpu.memory_space<hbm>> -> memref<83x128xf32, #tpu.memory_space<hbm>>
    %dma_start3A_41 = arith.constant 0 : i32
    %dma_start3A_42 = tpu.memref_slice %arg5[%dma_start3A_41, %add3A_35] : memref<83x16384xf32, #tpu.memory_space<hbm>> -> memref<83x128xf32, #tpu.memory_space<hbm>>
    %dma_start3A_43 = arith.constant 0 : i32
    %dma_start3A_44 = arith.constant 0 : i32
    %dma_start3A_45 = tpu.memref_slice %arg8[%dma_start3A_43, %dma_start3A_44] : memref<83x512xf32, #tpu.memory_space<vmem>> -> memref<83x128xf32, #tpu.memory_space<vmem>>
    tpu.enqueue_dma source(%dma_start3A_45 : memref<83x128xf32, #tpu.memory_space<vmem>>) target(%dma_start3A_42 : memref<83x128xf32, #tpu.memory_space<hbm>>) target_semaphore(%arg11 : memref<!tpu.dma_semaphore, #tpu.memory_space<semaphore_mem>>)
    %scan3A_46 = arith.constant 0 : i32
    %scan3A_47 = arith.constant 8 : i32
    %scan3A_48 = arith.constant 8 : i32
    %scan3A_49 = arith.addi %scan3A_47, %scan3A_48 : i32
    %scan3A_50 = arith.constant 1 : i32
    scf.for %scan3A_140 = %scan3A_47 to %scan3A_49 step %scan3A_50  : i32 {
      %mul3A_141 = arith.constant 16 : i32
      %mul3A_142 = arith.muli %scan3A_140, %mul3A_141 : i32
      %add3A_143 = arith.constant 0 : i32
      %add3A_144 = arith.addi %add3A_143, %mul3A_142 : i32
      %get3A = arith.index_cast %add3A_144 : i32 to index
      %get3A_145 = tpu.vector_load %arg7[%get3A] {strides = array<i32>} : memref<2560xi32, #tpu.memory_space<vmem>>, vector<16xi32>,
      %mul3A_146 = arith.constant 3 : i32
      %mul3A_147 = vector.broadcast %mul3A_146 : i32 to vector<16xi32>
      %mul3A_148 = arith.muli %get3A_145, %mul3A_147 : vector<16xi32>
      %add3A_149 = arith.constant 0 : i32
      %add3A_150 = vector.broadcast %add3A_149 : i32 to vector<16xi32>
      %add3A_151 = arith.addi %mul3A_148, %add3A_150 : vector<16xi32>
      %add3A_152 = arith.constant 0 : i32
      %add3A_153 = vector.broadcast %add3A_152 : i32 to vector<16xi32>
      %add3A_154 = arith.addi %add3A_151, %add3A_153 : vector<16xi32>
      %gather3A = tpu.vector_load_idx %arg6[%add3A_154] : memref<4960xf32, #tpu.memory_space<vmem>>[vector<16xi32>], vector<16xf32>,
      %swap3A = arith.constant 16 : i32
      %swap3A_155 = arith.index_cast %swap3A : i32 to index
      %swap3A_156 = arith.index_cast %mul3A_142 : i32 to index
      %swap3A_157 = tpu.vector_load %arg8[%swap3A_155, %swap3A_156] {strides = array<i32>} : memref<83x512xf32, #tpu.memory_space<vmem>>, vector<16xf32>,
      tpu.vector_store %arg8[%swap3A_155, %swap3A_156], %gather3A {strides = array<i32>} : memref<83x512xf32, #tpu.memory_space<vmem>>, vector<16xf32>,
      %add3A_158 = arith.constant 1 : i32
      %add3A_159 = vector.broadcast %add3A_158 : i32 to vector<16xi32>
      %add3A_160 = arith.addi %add3A_151, %add3A_159 : vector<16xi32>
      %gather3A_161 = tpu.vector_load_idx %arg6[%add3A_160] : memref<4960xf32, #tpu.memory_space<vmem>>[vector<16xi32>], vector<16xf32>,
      %swap3A_162 = arith.constant 17 : i32
      %swap3A_163 = arith.index_cast %swap3A_162 : i32 to index
      %swap3A_164 = arith.index_cast %mul3A_142 : i32 to index
      %swap3A_165 = tpu.vector_load %arg8[%swap3A_163, %swap3A_164] {strides = array<i32>} : memref<83x512xf32, #tpu.memory_space<vmem>>, vector<16xf32>,
      tpu.vector_store %arg8[%swap3A_163, %swap3A_164], %gather3A_161 {strides = array<i32>} : memref<83x512xf32, #tpu.memory_space<vmem>>, vector<16xf32>,
      %add3A_166 = arith.constant 2 : i32
      %add3A_167 = vector.broadcast %add3A_166 : i32 to vector<16xi32>
      %add3A_168 = arith.addi %add3A_151, %add3A_167 : vector<16xi32>
      %gather3A_169 = tpu.vector_load_idx %arg6[%add3A_168] : memref<4960xf32, #tpu.memory_space<vmem>>[vector<16xi32>], vector<16xf32>,
      %swap3A_170 = arith.constant 18 : i32
      %swap3A_171 = arith.index_cast %swap3A_170 : i32 to index
      %swap3A_172 = arith.index_cast %mul3A_142 : i32 to index
      %swap3A_173 = tpu.vector_load %arg8[%swap3A_171, %swap3A_172] {strides = array<i32>} : memref<83x512xf32, #tpu.memory_space<vmem>>, vector<16xf32>,
      tpu.vector_store %arg8[%swap3A_171, %swap3A_172], %gather3A_169 {strides = array<i32>} : memref<83x512xf32, #tpu.memory_space<vmem>>, vector<16xf32>,
      %add3A_174 = arith.constant 512 : i32
      %add3A_175 = arith.addi %add3A_174, %mul3A_142 : i32
      %get3A_176 = arith.index_cast %add3A_175 : i32 to index
      %get3A_177 = tpu.vector_load %arg7[%get3A_176] {strides = array<i32>} : memref<2560xi32, #tpu.memory_space<vmem>>, vector<16xi32>,
      %mul3A_178 = arith.constant 4 : i32
      %mul3A_179 = vector.broadcast %mul3A_178 : i32 to vector<16xi32>
      %mul3A_180 = arith.muli %get3A_177, %mul3A_179 : vector<16xi32>
      %add3A_181 = arith.constant 24 : i32
      %add3A_182 = vector.broadcast %add3A_181 : i32 to vector<16xi32>
      %add3A_183 = arith.addi %mul3A_180, %add3A_182 : vector<16xi32>
      %add3A_184 = arith.constant 0 : i32
      %add3A_185 = vector.broadcast %add3A_184 : i32 to vector<16xi32>
      %add3A_186 = arith.addi %add3A_183, %add3A_185 : vector<16xi32>
      %gather3A_187 = tpu.vector_load_idx %arg6[%add3A_186] : memref<4960xf32, #tpu.memory_space<vmem>>[vector<16xi32>], vector<16xf32>,
      %swap3A_188 = arith.constant 19 : i32
      %swap3A_189 = arith.index_cast %swap3A_188 : i32 to index
      %swap3A_190 = arith.index_cast %mul3A_142 : i32 to index
      %swap3A_191 = tpu.vector_load %arg8[%swap3A_189, %swap3A_190] {strides = array<i32>} : memref<83x512xf32, #tpu.memory_space<vmem>>, vector<16xf32>,
      tpu.vector_store %arg8[%swap3A_189, %swap3A_190], %gather3A_187 {strides = array<i32>} : memref<83x512xf32, #tpu.memory_space<vmem>>, vector<16xf32>,
      %add3A_192 = arith.constant 1 : i32
      %add3A_193 = vector.broadcast %add3A_192 : i32 to vector<16xi32>
      %add3A_194 = arith.addi %add3A_183, %add3A_193 : vector<16xi32>
      %gather3A_195 = tpu.vector_load_idx %arg6[%add3A_194] : memref<4960xf32, #tpu.memory_space<vmem>>[vector<16xi32>], vector<16xf32>,
      %swap3A_196 = arith.constant 20 : i32
      %swap3A_197 = arith.index_cast %swap3A_196 : i32 to index
      %swap3A_198 = arith.index_cast %mul3A_142 : i32 to index
      %swap3A_199 = tpu.vector_load %arg8[%swap3A_197, %swap3A_198] {strides = array<i32>} : memref<83x512xf32, #tpu.memory_space<vmem>>, vector<16xf32>,
      tpu.vector_store %arg8[%swap3A_197, %swap3A_198], %gather3A_195 {strides = array<i32>} : memref<83x512xf32, #tpu.memory_space<vmem>>, vector<16xf32>,
      %add3A_200 = arith.constant 2 : i32
      %add3A_201 = vector.broadcast %add3A_200 : i32 to vector<16xi32>
      %add3A_202 = arith.addi %add3A_183, %add3A_201 : vector<16xi32>
      %gather3A_203 = tpu.vector_load_idx %arg6[%add3A_202] : memref<4960xf32, #tpu.memory_space<vmem>>[vector<16xi32>], vector<16xf32>,
      %swap3A_204 = arith.constant 21 : i32
      %swap3A_205 = arith.index_cast %swap3A_204 : i32 to index
      %swap3A_206 = arith.index_cast %mul3A_142 : i32 to index
      %swap3A_207 = tpu.vector_load %arg8[%swap3A_205, %swap3A_206] {strides = array<i32>} : memref<83x512xf32, #tpu.memory_space<vmem>>, vector<16xf32>,
      tpu.vector_store %arg8[%swap3A_205, %swap3A_206], %gather3A_203 {strides = array<i32>} : memref<83x512xf32, #tpu.memory_space<vmem>>, vector<16xf32>,
      %add3A_208 = arith.constant 3 : i32
      %add3A_209 = vector.broadcast %add3A_208 : i32 to vector<16xi32>
      %add3A_210 = arith.addi %add3A_183, %add3A_209 : vector<16xi32>
      %gather3A_211 = tpu.vector_load_idx %arg6[%add3A_210] : memref<4960xf32, #tpu.memory_space<vmem>>[vector<16xi32>], vector<16xf32>,
      %swap3A_212 = arith.constant 22 : i32
      %swap3A_213 = arith.index_cast %swap3A_212 : i32 to index
      %swap3A_214 = arith.index_cast %mul3A_142 : i32 to index
      %swap3A_215 = tpu.vector_load %arg8[%swap3A_213, %swap3A_214] {strides = array<i32>} : memref<83x512xf32, #tpu.memory_space<vmem>>, vector<16xf32>,
      tpu.vector_store %arg8[%swap3A_213, %swap3A_214], %gather3A_211 {strides = array<i32>} : memref<83x512xf32, #tpu.memory_space<vmem>>, vector<16xf32>,
      %add3A_216 = arith.constant 1024 : i32
      %add3A_217 = arith.addi %add3A_216, %mul3A_142 : i32
      %get3A_218 = arith.index_cast %add3A_217 : i32 to index
      %get3A_219 = tpu.vector_load %arg7[%get3A_218] {strides = array<i32>} : memref<2560xi32, #tpu.memory_space<vmem>>, vector<16xi32>,
      %mul3A_220 = arith.constant 6 : i32
      %mul3A_221 = vector.broadcast %mul3A_220 : i32 to vector<16xi32>
      %mul3A_222 = arith.muli %get3A_219, %mul3A_221 : vector<16xi32>
      %add3A_223 = arith.constant 56 : i32
      %add3A_224 = vector.broadcast %add3A_223 : i32 to vector<16xi32>
      %add3A_225 = arith.addi %mul3A_222, %add3A_224 : vector<16xi32>
      %add3A_226 = arith.constant 0 : i32
      %add3A_227 = vector.broadcast %add3A_226 : i32 to vector<16xi32>
      %add3A_228 = arith.addi %add3A_225, %add3A_227 : vector<16xi32>
      %gather3A_229 = tpu.vector_load_idx %arg6[%add3A_228] : memref<4960xf32, #tpu.memory_space<vmem>>[vector<16xi32>], vector<16xf32>,
      %swap3A_230 = arith.constant 23 : i32
      %swap3A_231 = arith.index_cast %swap3A_230 : i32 to index
      %swap3A_232 = arith.index_cast %mul3A_142 : i32 to index
      %swap3A_233 = tpu.vector_load %arg8[%swap3A_231, %swap3A_232] {strides = array<i32>} : memref<83x512xf32, #tpu.memory_space<vmem>>, vector<16xf32>,
      tpu.vector_store %arg8[%swap3A_231, %swap3A_232], %gather3A_229 {strides = array<i32>} : memref<83x512xf32, #tpu.memory_space<vmem>>, vector<16xf32>,
      %add3A_234 = arith.constant 1 : i32
      %add3A_235 = vector.broadcast %add3A_234 : i32 to vector<16xi32>
      %add3A_236 = arith.addi %add3A_225, %add3A_235 : vector<16xi32>
      %gather3A_237 = tpu.vector_load_idx %arg6[%add3A_236] : memref<4960xf32, #tpu.memory_space<vmem>>[vector<16xi32>], vector<16xf32>,
      %swap3A_238 = arith.constant 24 : i32
      %swap3A_239 = arith.index_cast %swap3A_238 : i32 to index
      %swap3A_240 = arith.index_cast %mul3A_142 : i32 to index
      %swap3A_241 = tpu.vector_load %arg8[%swap3A_239, %swap3A_240] {strides = array<i32>} : memref<83x512xf32, #tpu.memory_space<vmem>>, vector<16xf32>,
      tpu.vector_store %arg8[%swap3A_239, %swap3A_240], %gather3A_237 {strides = array<i32>} : memref<83x512xf32, #tpu.memory_space<vmem>>, vector<16xf32>,
      %add3A_242 = arith.constant 2 : i32
      %add3A_243 = vector.broadcast %add3A_242 : i32 to vector<16xi32>
      %add3A_244 = arith.addi %add3A_225, %add3A_243 : vector<16xi32>
      %gather3A_245 = tpu.vector_load_idx %arg6[%add3A_244] : memref<4960xf32, #tpu.memory_space<vmem>>[vector<16xi32>], vector<16xf32>,
      %swap3A_246 = arith.constant 25 : i32
      %swap3A_247 = arith.index_cast %swap3A_246 : i32 to index
      %swap3A_248 = arith.index_cast %mul3A_142 : i32 to index
      %swap3A_249 = tpu.vector_load %arg8[%swap3A_247, %swap3A_248] {strides = array<i32>} : memref<83x512xf32, #tpu.memory_space<vmem>>, vector<16xf32>,
      tpu.vector_store %arg8[%swap3A_247, %swap3A_248], %gather3A_245 {strides = array<i32>} : memref<83x512xf32, #tpu.memory_space<vmem>>, vector<16xf32>,
      %add3A_250 = arith.constant 3 : i32
      %add3A_251 = vector.broadcast %add3A_250 : i32 to vector<16xi32>
      %add3A_252 = arith.addi %add3A_225, %add3A_251 : vector<16xi32>
      %gather3A_253 = tpu.vector_load_idx %arg6[%add3A_252] : memref<4960xf32, #tpu.memory_space<vmem>>[vector<16xi32>], vector<16xf32>,
      %swap3A_254 = arith.constant 26 : i32
      %swap3A_255 = arith.index_cast %swap3A_254 : i32 to index
      %swap3A_256 = arith.index_cast %mul3A_142 : i32 to index
      %swap3A_257 = tpu.vector_load %arg8[%swap3A_255, %swap3A_256] {strides = array<i32>} : memref<83x512xf32, #tpu.memory_space<vmem>>, vector<16xf32>,
      tpu.vector_store %arg8[%swap3A_255, %swap3A_256], %gather3A_253 {strides = array<i32>} : memref<83x512xf32, #tpu.memory_space<vmem>>, vector<16xf32>,
      %add3A_258 = arith.constant 4 : i32
      %add3A_259 = vector.broadcast %add3A_258 : i32 to vector<16xi32>
      %add3A_260 = arith.addi %add3A_225, %add3A_259 : vector<16xi32>
      %gather3A_261 = tpu.vector_load_idx %arg6[%add3A_260] : memref<4960xf32, #tpu.memory_space<vmem>>[vector<16xi32>], vector<16xf32>,
      %swap3A_262 = arith.constant 27 : i32
      %swap3A_263 = arith.index_cast %swap3A_262 : i32 to index
      %swap3A_264 = arith.index_cast %mul3A_142 : i32 to index
      %swap3A_265 = tpu.vector_load %arg8[%swap3A_263, %swap3A_264] {strides = array<i32>} : memref<83x512xf32, #tpu.memory_space<vmem>>, vector<16xf32>,
      tpu.vector_store %arg8[%swap3A_263, %swap3A_264], %gather3A_261 {strides = array<i32>} : memref<83x512xf32, #tpu.memory_space<vmem>>, vector<16xf32>,
      %add3A_266 = arith.constant 5 : i32
      %add3A_267 = vector.broadcast %add3A_266 : i32 to vector<16xi32>
      %add3A_268 = arith.addi %add3A_225, %add3A_267 : vector<16xi32>
      %gather3A_269 = tpu.vector_load_idx %arg6[%add3A_268] : memref<4960xf32, #tpu.memory_space<vmem>>[vector<16xi32>], vector<16xf32>,
      %swap3A_270 = arith.constant 28 : i32
      %swap3A_271 = arith.index_cast %swap3A_270 : i32 to index
      %swap3A_272 = arith.index_cast %mul3A_142 : i32 to index
      %swap3A_273 = tpu.vector_load %arg8[%swap3A_271, %swap3A_272] {strides = array<i32>} : memref<83x512xf32, #tpu.memory_space<vmem>>, vector<16xf32>,
      tpu.vector_store %arg8[%swap3A_271, %swap3A_272], %gather3A_269 {strides = array<i32>} : memref<83x512xf32, #tpu.memory_space<vmem>>, vector<16xf32>,
      %add3A_274 = arith.constant 1536 : i32
      %add3A_275 = arith.addi %add3A_274, %mul3A_142 : i32
      %get3A_276 = arith.index_cast %add3A_275 : i32 to index
      %get3A_277 = tpu.vector_load %arg7[%get3A_276] {strides = array<i32>} : memref<2560xi32, #tpu.memory_space<vmem>>, vector<16xi32>,
      %mul3A_278 = arith.constant 4 : i32
      %mul3A_279 = vector.broadcast %mul3A_278 : i32 to vector<16xi32>
      %mul3A_280 = arith.muli %get3A_277, %mul3A_279 : vector<16xi32>
      %add3A_281 = arith.constant 128 : i32
      %add3A_282 = vector.broadcast %add3A_281 : i32 to vector<16xi32>
      %add3A_283 = arith.addi %mul3A_280, %add3A_282 : vector<16xi32>
      %add3A_284 = arith.constant 0 : i32
      %add3A_285 = vector.broadcast %add3A_284 : i32 to vector<16xi32>
      %add3A_286 = arith.addi %add3A_283, %add3A_285 : vector<16xi32>
      %gather3A_287 = tpu.vector_load_idx %arg6[%add3A_286] : memref<4960xf32, #tpu.memory_space<vmem>>[vector<16xi32>], vector<16xf32>,
      %swap3A_288 = arith.constant 29 : i32
      %swap3A_289 = arith.index_cast %swap3A_288 : i32 to index
      %swap3A_290 = arith.index_cast %mul3A_142 : i32 to index
      %swap3A_291 = tpu.vector_load %arg8[%swap3A_289, %swap3A_290] {strides = array<i32>} : memref<83x512xf32, #tpu.memory_space<vmem>>, vector<16xf32>,
      tpu.vector_store %arg8[%swap3A_289, %swap3A_290], %gather3A_287 {strides = array<i32>} : memref<83x512xf32, #tpu.memory_space<vmem>>, vector<16xf32>,
      %add3A_292 = arith.constant 1 : i32
      %add3A_293 = vector.broadcast %add3A_292 : i32 to vector<16xi32>
      %add3A_294 = arith.addi %add3A_283, %add3A_293 : vector<16xi32>
      %gather3A_295 = tpu.vector_load_idx %arg6[%add3A_294] : memref<4960xf32, #tpu.memory_space<vmem>>[vector<16xi32>], vector<16xf32>,
      %swap3A_296 = arith.constant 30 : i32
      %swap3A_297 = arith.index_cast %swap3A_296 : i32 to index
      %swap3A_298 = arith.index_cast %mul3A_142 : i32 to index
      %swap3A_299 = tpu.vector_load %arg8[%swap3A_297, %swap3A_298] {strides = array<i32>} : memref<83x512xf32, #tpu.memory_space<vmem>>, vector<16xf32>,
      tpu.vector_store %arg8[%swap3A_297, %swap3A_298], %gather3A_295 {strides = array<i32>} : memref<83x512xf32, #tpu.memory_space<vmem>>, vector<16xf32>,
      %add3A_300 = arith.constant 2 : i32
      %add3A_301 = vector.broadcast %add3A_300 : i32 to vector<16xi32>
      %add3A_302 = arith.addi %add3A_283, %add3A_301 : vector<16xi32>
      %gather3A_303 = tpu.vector_load_idx %arg6[%add3A_302] : memref<4960xf32, #tpu.memory_space<vmem>>[vector<16xi32>], vector<16xf32>,
      %swap3A_304 = arith.constant 31 : i32
      %swap3A_305 = arith.index_cast %swap3A_304 : i32 to index
      %swap3A_306 = arith.index_cast %mul3A_142 : i32 to index
      %swap3A_307 = tpu.vector_load %arg8[%swap3A_305, %swap3A_306] {strides = array<i32>} : memref<83x512xf32, #tpu.memory_space<vmem>>, vector<16xf32>,
      tpu.vector_store %arg8[%swap3A_305, %swap3A_306], %gather3A_303 {strides = array<i32>} : memref<83x512xf32, #tpu.memory_space<vmem>>, vector<16xf32>,
      %add3A_308 = arith.constant 3 : i32
      %add3A_309 = vector.broadcast %add3A_308 : i32 to vector<16xi32>
      %add3A_310 = arith.addi %add3A_283, %add3A_309 : vector<16xi32>
      %gather3A_311 = tpu.vector_load_idx %arg6[%add3A_310] : memref<4960xf32, #tpu.memory_space<vmem>>[vector<16xi32>], vector<16xf32>,
      %swap3A_312 = arith.constant 32 : i32
      %swap3A_313 = arith.index_cast %swap3A_312 : i32 to index
      %swap3A_314 = arith.index_cast %mul3A_142 : i32 to index
      %swap3A_315 = tpu.vector_load %arg8[%swap3A_313, %swap3A_314] {strides = array<i32>} : memref<83x512xf32, #tpu.memory_space<vmem>>, vector<16xf32>,
      tpu.vector_store %arg8[%swap3A_313, %swap3A_314], %gather3A_311 {strides = array<i32>} : memref<83x512xf32, #tpu.memory_space<vmem>>, vector<16xf32>,
      %add3A_316 = arith.constant 2048 : i32
      %add3A_317 = arith.addi %add3A_316, %mul3A_142 : i32
      %get3A_318 = arith.index_cast %add3A_317 : i32 to index
      %get3A_319 = tpu.vector_load %arg7[%get3A_318] {strides = array<i32>} : memref<2560xi32, #tpu.memory_space<vmem>>, vector<16xi32>,
      %mul3A_320 = arith.constant 50 : i32
      %mul3A_321 = vector.broadcast %mul3A_320 : i32 to vector<16xi32>
      %mul3A_322 = arith.muli %get3A_319, %mul3A_321 : vector<16xi32>
      %add3A_323 = arith.constant 160 : i32
      %add3A_324 = vector.broadcast %add3A_323 : i32 to vector<16xi32>
      %add3A_325 = arith.addi %mul3A_322, %add3A_324 : vector<16xi32>
      %add3A_326 = arith.constant 0 : i32
      %add3A_327 = vector.broadcast %add3A_326 : i32 to vector<16xi32>
      %add3A_328 = arith.addi %add3A_325, %add3A_327 : vector<16xi32>
      %gather3A_329 = tpu.vector_load_idx %arg6[%add3A_328] : memref<4960xf32, #tpu.memory_space<vmem>>[vector<16xi32>], vector<16xf32>,
      %swap3A_330 = arith.constant 33 : i32
      %swap3A_331 = arith.index_cast %swap3A_330 : i32 to index
      %swap3A_332 = arith.index_cast %mul3A_142 : i32 to index
      %swap3A_333 = tpu.vector_load %arg8[%swap3A_331, %swap3A_332] {strides = array<i32>} : memref<83x512xf32, #tpu.memory_space<vmem>>, vector<16xf32>,
      tpu.vector_store %arg8[%swap3A_331, %swap3A_332], %gather3A_329 {strides = array<i32>} : memref<83x512xf32, #tpu.memory_space<vmem>>, vector<16xf32>,
      %add3A_334 = arith.constant 1 : i32
      %add3A_335 = vector.broadcast %add3A_334 : i32 to vector<16xi32>
      %add3A_336 = arith.addi %add3A_325, %add3A_335 : vector<16xi32>
      %gather3A_337 = tpu.vector_load_idx %arg6[%add3A_336] : memref<4960xf32, #tpu.memory_space<vmem>>[vector<16xi32>], vector<16xf32>,
      %swap3A_338 = arith.constant 34 : i32
      %swap3A_339 = arith.index_cast %swap3A_338 : i32 to index
      %swap3A_340 = arith.index_cast %mul3A_142 : i32 to index
      %swap3A_341 = tpu.vector_load %arg8[%swap3A_339, %swap3A_340] {strides = array<i32>} : memref<83x512xf32, #tpu.memory_space<vmem>>, vector<16xf32>,
      tpu.vector_store %arg8[%swap3A_339, %swap3A_340], %gather3A_337 {strides = array<i32>} : memref<83x512xf32, #tpu.memory_space<vmem>>, vector<16xf32>,
      %add3A_342 = arith.constant 2 : i32
      %add3A_343 = vector.broadcast %add3A_342 : i32 to vector<16xi32>
      %add3A_344 = arith.addi %add3A_325, %add3A_343 : vector<16xi32>
      %gather3A_345 = tpu.vector_load_idx %arg6[%add3A_344] : memref<4960xf32, #tpu.memory_space<vmem>>[vector<16xi32>], vector<16xf32>,
      %swap3A_346 = arith.constant 35 : i32
      %swap3A_347 = arith.index_cast %swap3A_346 : i32 to index
      %swap3A_348 = arith.index_cast %mul3A_142 : i32 to index
      %swap3A_349 = tpu.vector_load %arg8[%swap3A_347, %swap3A_348] {strides = array<i32>} : memref<83x512xf32, #tpu.memory_space<vmem>>, vector<16xf32>,
      tpu.vector_store %arg8[%swap3A_347, %swap3A_348], %gather3A_345 {strides = array<i32>} : memref<83x512xf32, #tpu.memory_space<vmem>>, vector<16xf32>,
      %add3A_350 = arith.constant 3 : i32
      %add3A_351 = vector.broadcast %add3A_350 : i32 to vector<16xi32>
      %add3A_352 = arith.addi %add3A_325, %add3A_351 : vector<16xi32>
      %gather3A_353 = tpu.vector_load_idx %arg6[%add3A_352] : memref<4960xf32, #tpu.memory_space<vmem>>[vector<16xi32>], vector<16xf32>,
      %swap3A_354 = arith.constant 36 : i32
      %swap3A_355 = arith.index_cast %swap3A_354 : i32 to index
      %swap3A_356 = arith.index_cast %mul3A_142 : i32 to index
      %swap3A_357 = tpu.vector_load %arg8[%swap3A_355, %swap3A_356] {strides = array<i32>} : memref<83x512xf32, #tpu.memory_space<vmem>>, vector<16xf32>,
      tpu.vector_store %arg8[%swap3A_355, %swap3A_356], %gather3A_353 {strides = array<i32>} : memref<83x512xf32, #tpu.memory_space<vmem>>, vector<16xf32>,
      %add3A_358 = arith.constant 4 : i32
      %add3A_359 = vector.broadcast %add3A_358 : i32 to vector<16xi32>
      %add3A_360 = arith.addi %add3A_325, %add3A_359 : vector<16xi32>
      %gather3A_361 = tpu.vector_load_idx %arg6[%add3A_360] : memref<4960xf32, #tpu.memory_space<vmem>>[vector<16xi32>], vector<16xf32>,
      %swap3A_362 = arith.constant 37 : i32
      %swap3A_363 = arith.index_cast %swap3A_362 : i32 to index
      %swap3A_364 = arith.index_cast %mul3A_142 : i32 to index
      %swap3A_365 = tpu.vector_load %arg8[%swap3A_363, %swap3A_364] {strides = array<i32>} : memref<83x512xf32, #tpu.memory_space<vmem>>, vector<16xf32>,
      tpu.vector_store %arg8[%swap3A_363, %swap3A_364], %gather3A_361 {strides = array<i32>} : memref<83x512xf32, #tpu.memory_space<vmem>>, vector<16xf32>,
      %add3A_366 = arith.constant 5 : i32
      %add3A_367 = vector.broadcast %add3A_366 : i32 to vector<16xi32>
      %add3A_368 = arith.addi %add3A_325, %add3A_367 : vector<16xi32>
      %gather3A_369 = tpu.vector_load_idx %arg6[%add3A_368] : memref<4960xf32, #tpu.memory_space<vmem>>[vector<16xi32>], vector<16xf32>,
      %swap3A_370 = arith.constant 38 : i32
      %swap3A_371 = arith.index_cast %swap3A_370 : i32 to index
      %swap3A_372 = arith.index_cast %mul3A_142 : i32 to index
      %swap3A_373 = tpu.vector_load %arg8[%swap3A_371, %swap3A_372] {strides = array<i32>} : memref<83x512xf32, #tpu.memory_space<vmem>>, vector<16xf32>,
      tpu.vector_store %arg8[%swap3A_371, %swap3A_372], %gather3A_369 {strides = array<i32>} : memref<83x512xf32, #tpu.memory_space<vmem>>, vector<16xf32>,
      %add3A_374 = arith.constant 6 : i32
      %add3A_375 = vector.broadcast %add3A_374 : i32 to vector<16xi32>
      %add3A_376 = arith.addi %add3A_325, %add3A_375 : vector<16xi32>
      %gather3A_377 = tpu.vector_load_idx %arg6[%add3A_376] : memref<4960xf32, #tpu.memory_space<vmem>>[vector<16xi32>], vector<16xf32>,
      %swap3A_378 = arith.constant 39 : i32
      %swap3A_379 = arith.index_cast %swap3A_378 : i32 to index
      %swap3A_380 = arith.index_cast %mul3A_142 : i32 to index
      %swap3A_381 = tpu.vector_load %arg8[%swap3A_379, %swap3A_380] {strides = array<i32>} : memref<83x512xf32, #tpu.memory_space<vmem>>, vector<16xf32>,
      tpu.vector_store %arg8[%swap3A_379, %swap3A_380], %gather3A_377 {strides = array<i32>} : memref<83x512xf32, #tpu.memory_space<vmem>>, vector<16xf32>,
      %add3A_382 = arith.constant 7 : i32
      %add3A_383 = vector.broadcast %add3A_382 : i32 to vector<16xi32>
      %add3A_384 = arith.addi %add3A_325, %add3A_383 : vector<16xi32>
      %gather3A_385 = tpu.vector_load_idx %arg6[%add3A_384] : memref<4960xf32, #tpu.memory_space<vmem>>[vector<16xi32>], vector<16xf32>,
      %swap3A_386 = arith.constant 40 : i32
      %swap3A_387 = arith.index_cast %swap3A_386 : i32 to index
      %swap3A_388 = arith.index_cast %mul3A_142 : i32 to index
      %swap3A_389 = tpu.vector_load %arg8[%swap3A_387, %swap3A_388] {strides = array<i32>} : memref<83x512xf32, #tpu.memory_space<vmem>>, vector<16xf32>,
      tpu.vector_store %arg8[%swap3A_387, %swap3A_388], %gather3A_385 {strides = array<i32>} : memref<83x512xf32, #tpu.memory_space<vmem>>, vector<16xf32>,
      %add3A_390 = arith.constant 8 : i32
      %add3A_391 = vector.broadcast %add3A_390 : i32 to vector<16xi32>
      %add3A_392 = arith.addi %add3A_325, %add3A_391 : vector<16xi32>
      %gather3A_393 = tpu.vector_load_idx %arg6[%add3A_392] : memref<4960xf32, #tpu.memory_space<vmem>>[vector<16xi32>], vector<16xf32>,
      %swap3A_394 = arith.constant 41 : i32
      %swap3A_395 = arith.index_cast %swap3A_394 : i32 to index
      %swap3A_396 = arith.index_cast %mul3A_142 : i32 to index
      %swap3A_397 = tpu.vector_load %arg8[%swap3A_395, %swap3A_396] {strides = array<i32>} : memref<83x512xf32, #tpu.memory_space<vmem>>, vector<16xf32>,
      tpu.vector_store %arg8[%swap3A_395, %swap3A_396], %gather3A_393 {strides = array<i32>} : memref<83x512xf32, #tpu.memory_space<vmem>>, vector<16xf32>,
      %add3A_398 = arith.constant 9 : i32
      %add3A_399 = vector.broadcast %add3A_398 : i32 to vector<16xi32>
      %add3A_400 = arith.addi %add3A_325, %add3A_399 : vector<16xi32>
      %gather3A_401 = tpu.vector_load_idx %arg6[%add3A_400] : memref<4960xf32, #tpu.memory_space<vmem>>[vector<16xi32>], vector<16xf32>,
      %swap3A_402 = arith.constant 42 : i32
      %swap3A_403 = arith.index_cast %swap3A_402 : i32 to index
      %swap3A_404 = arith.index_cast %mul3A_142 : i32 to index
      %swap3A_405 = tpu.vector_load %arg8[%swap3A_403, %swap3A_404] {strides = array<i32>} : memref<83x512xf32, #tpu.memory_space<vmem>>, vector<16xf32>,
      tpu.vector_store %arg8[%swap3A_403, %swap3A_404], %gather3A_401 {strides = array<i32>} : memref<83x512xf32, #tpu.memory_space<vmem>>, vector<16xf32>,
      %add3A_406 = arith.constant 10 : i32
      %add3A_407 = vector.broadcast %add3A_406 : i32 to vector<16xi32>
      %add3A_408 = arith.addi %add3A_325, %add3A_407 : vector<16xi32>
      %gather3A_409 = tpu.vector_load_idx %arg6[%add3A_408] : memref<4960xf32, #tpu.memory_space<vmem>>[vector<16xi32>], vector<16xf32>,
      %swap3A_410 = arith.constant 43 : i32
      %swap3A_411 = arith.index_cast %swap3A_410 : i32 to index
      %swap3A_412 = arith.index_cast %mul3A_142 : i32 to index
      %swap3A_413 = tpu.vector_load %arg8[%swap3A_411, %swap3A_412] {strides = array<i32>} : memref<83x512xf32, #tpu.memory_space<vmem>>, vector<16xf32>,
      tpu.vector_store %arg8[%swap3A_411, %swap3A_412], %gather3A_409 {strides = array<i32>} : memref<83x512xf32, #tpu.memory_space<vmem>>, vector<16xf32>,
      %add3A_414 = arith.constant 11 : i32
      %add3A_415 = vector.broadcast %add3A_414 : i32 to vector<16xi32>
      %add3A_416 = arith.addi %add3A_325, %add3A_415 : vector<16xi32>
      %gather3A_417 = tpu.vector_load_idx %arg6[%add3A_416] : memref<4960xf32, #tpu.memory_space<vmem>>[vector<16xi32>], vector<16xf32>,
      %swap3A_418 = arith.constant 44 : i32
      %swap3A_419 = arith.index_cast %swap3A_418 : i32 to index
      %swap3A_420 = arith.index_cast %mul3A_142 : i32 to index
      %swap3A_421 = tpu.vector_load %arg8[%swap3A_419, %swap3A_420] {strides = array<i32>} : memref<83x512xf32, #tpu.memory_space<vmem>>, vector<16xf32>,
      tpu.vector_store %arg8[%swap3A_419, %swap3A_420], %gather3A_417 {strides = array<i32>} : memref<83x512xf32, #tpu.memory_space<vmem>>, vector<16xf32>,
      %add3A_422 = arith.constant 12 : i32
      %add3A_423 = vector.broadcast %add3A_422 : i32 to vector<16xi32>
      %add3A_424 = arith.addi %add3A_325, %add3A_423 : vector<16xi32>
      %gather3A_425 = tpu.vector_load_idx %arg6[%add3A_424] : memref<4960xf32, #tpu.memory_space<vmem>>[vector<16xi32>], vector<16xf32>,
      %swap3A_426 = arith.constant 45 : i32
      %swap3A_427 = arith.index_cast %swap3A_426 : i32 to index
      %swap3A_428 = arith.index_cast %mul3A_142 : i32 to index
      %swap3A_429 = tpu.vector_load %arg8[%swap3A_427, %swap3A_428] {strides = array<i32>} : memref<83x512xf32, #tpu.memory_space<vmem>>, vector<16xf32>,
      tpu.vector_store %arg8[%swap3A_427, %swap3A_428], %gather3A_425 {strides = array<i32>} : memref<83x512xf32, #tpu.memory_space<vmem>>, vector<16xf32>,
      %add3A_430 = arith.constant 13 : i32
      %add3A_431 = vector.broadcast %add3A_430 : i32 to vector<16xi32>
      %add3A_432 = arith.addi %add3A_325, %add3A_431 : vector<16xi32>
      %gather3A_433 = tpu.vector_load_idx %arg6[%add3A_432] : memref<4960xf32, #tpu.memory_space<vmem>>[vector<16xi32>], vector<16xf32>,
      %swap3A_434 = arith.constant 46 : i32
      %swap3A_435 = arith.index_cast %swap3A_434 : i32 to index
      %swap3A_436 = arith.index_cast %mul3A_142 : i32 to index
      %swap3A_437 = tpu.vector_load %arg8[%swap3A_435, %swap3A_436] {strides = array<i32>} : memref<83x512xf32, #tpu.memory_space<vmem>>, vector<16xf32>,
      tpu.vector_store %arg8[%swap3A_435, %swap3A_436], %gather3A_433 {strides = array<i32>} : memref<83x512xf32, #tpu.memory_space<vmem>>, vector<16xf32>,
      %add3A_438 = arith.constant 14 : i32
      %add3A_439 = vector.broadcast %add3A_438 : i32 to vector<16xi32>
      %add3A_440 = arith.addi %add3A_325, %add3A_439 : vector<16xi32>
      %gather3A_441 = tpu.vector_load_idx %arg6[%add3A_440] : memref<4960xf32, #tpu.memory_space<vmem>>[vector<16xi32>], vector<16xf32>,
      %swap3A_442 = arith.constant 47 : i32
      %swap3A_443 = arith.index_cast %swap3A_442 : i32 to index
      %swap3A_444 = arith.index_cast %mul3A_142 : i32 to index
      %swap3A_445 = tpu.vector_load %arg8[%swap3A_443, %swap3A_444] {strides = array<i32>} : memref<83x512xf32, #tpu.memory_space<vmem>>, vector<16xf32>,
      tpu.vector_store %arg8[%swap3A_443, %swap3A_444], %gather3A_441 {strides = array<i32>} : memref<83x512xf32, #tpu.memory_space<vmem>>, vector<16xf32>,
      %add3A_446 = arith.constant 15 : i32
      %add3A_447 = vector.broadcast %add3A_446 : i32 to vector<16xi32>
      %add3A_448 = arith.addi %add3A_325, %add3A_447 : vector<16xi32>
      %gather3A_449 = tpu.vector_load_idx %arg6[%add3A_448] : memref<4960xf32, #tpu.memory_space<vmem>>[vector<16xi32>], vector<16xf32>,
      %swap3A_450 = arith.constant 48 : i32
      %swap3A_451 = arith.index_cast %swap3A_450 : i32 to index
      %swap3A_452 = arith.index_cast %mul3A_142 : i32 to index
      %swap3A_453 = tpu.vector_load %arg8[%swap3A_451, %swap3A_452] {strides = array<i32>} : memref<83x512xf32, #tpu.memory_space<vmem>>, vector<16xf32>,
      tpu.vector_store %arg8[%swap3A_451, %swap3A_452], %gather3A_449 {strides = array<i32>} : memref<83x512xf32, #tpu.memory_space<vmem>>, vector<16xf32>,
      %add3A_454 = arith.constant 16 : i32
      %add3A_455 = vector.broadcast %add3A_454 : i32 to vector<16xi32>
      %add3A_456 = arith.addi %add3A_325, %add3A_455 : vector<16xi32>
      %gather3A_457 = tpu.vector_load_idx %arg6[%add3A_456] : memref<4960xf32, #tpu.memory_space<vmem>>[vector<16xi32>], vector<16xf32>,
      %swap3A_458 = arith.constant 49 : i32
      %swap3A_459 = arith.index_cast %swap3A_458 : i32 to index
      %swap3A_460 = arith.index_cast %mul3A_142 : i32 to index
      %swap3A_461 = tpu.vector_load %arg8[%swap3A_459, %swap3A_460] {strides = array<i32>} : memref<83x512xf32, #tpu.memory_space<vmem>>, vector<16xf32>,
      tpu.vector_store %arg8[%swap3A_459, %swap3A_460], %gather3A_457 {strides = array<i32>} : memref<83x512xf32, #tpu.memory_space<vmem>>, vector<16xf32>,
      %add3A_462 = arith.constant 17 : i32
      %add3A_463 = vector.broadcast %add3A_462 : i32 to vector<16xi32>
      %add3A_464 = arith.addi %add3A_325, %add3A_463 : vector<16xi32>
      %gather3A_465 = tpu.vector_load_idx %arg6[%add3A_464] : memref<4960xf32, #tpu.memory_space<vmem>>[vector<16xi32>], vector<16xf32>,
      %swap3A_466 = arith.constant 50 : i32
      %swap3A_467 = arith.index_cast %swap3A_466 : i32 to index
      %swap3A_468 = arith.index_cast %mul3A_142 : i32 to index
      %swap3A_469 = tpu.vector_load %arg8[%swap3A_467, %swap3A_468] {strides = array<i32>} : memref<83x512xf32, #tpu.memory_space<vmem>>, vector<16xf32>,
      tpu.vector_store %arg8[%swap3A_467, %swap3A_468], %gather3A_465 {strides = array<i32>} : memref<83x512xf32, #tpu.memory_space<vmem>>, vector<16xf32>,
      %add3A_470 = arith.constant 18 : i32
      %add3A_471 = vector.broadcast %add3A_470 : i32 to vector<16xi32>
      %add3A_472 = arith.addi %add3A_325, %add3A_471 : vector<16xi32>
      %gather3A_473 = tpu.vector_load_idx %arg6[%add3A_472] : memref<4960xf32, #tpu.memory_space<vmem>>[vector<16xi32>], vector<16xf32>,
      %swap3A_474 = arith.constant 51 : i32
      %swap3A_475 = arith.index_cast %swap3A_474 : i32 to index
      %swap3A_476 = arith.index_cast %mul3A_142 : i32 to index
      %swap3A_477 = tpu.vector_load %arg8[%swap3A_475, %swap3A_476] {strides = array<i32>} : memref<83x512xf32, #tpu.memory_space<vmem>>, vector<16xf32>,
      tpu.vector_store %arg8[%swap3A_475, %swap3A_476], %gather3A_473 {strides = array<i32>} : memref<83x512xf32, #tpu.memory_space<vmem>>, vector<16xf32>,
      %add3A_478 = arith.constant 19 : i32
      %add3A_479 = vector.broadcast %add3A_478 : i32 to vector<16xi32>
      %add3A_480 = arith.addi %add3A_325, %add3A_479 : vector<16xi32>
      %gather3A_481 = tpu.vector_load_idx %arg6[%add3A_480] : memref<4960xf32, #tpu.memory_space<vmem>>[vector<16xi32>], vector<16xf32>,
      %swap3A_482 = arith.constant 52 : i32
      %swap3A_483 = arith.index_cast %swap3A_482 : i32 to index
      %swap3A_484 = arith.index_cast %mul3A_142 : i32 to index
      %swap3A_485 = tpu.vector_load %arg8[%swap3A_483, %swap3A_484] {strides = array<i32>} : memref<83x512xf32, #tpu.memory_space<vmem>>, vector<16xf32>,
      tpu.vector_store %arg8[%swap3A_483, %swap3A_484], %gather3A_481 {strides = array<i32>} : memref<83x512xf32, #tpu.memory_space<vmem>>, vector<16xf32>,
      %add3A_486 = arith.constant 20 : i32
      %add3A_487 = vector.broadcast %add3A_486 : i32 to vector<16xi32>
      %add3A_488 = arith.addi %add3A_325, %add3A_487 : vector<16xi32>
      %gather3A_489 = tpu.vector_load_idx %arg6[%add3A_488] : memref<4960xf32, #tpu.memory_space<vmem>>[vector<16xi32>], vector<16xf32>,
      %swap3A_490 = arith.constant 53 : i32
      %swap3A_491 = arith.index_cast %swap3A_490 : i32 to index
      %swap3A_492 = arith.index_cast %mul3A_142 : i32 to index
      %swap3A_493 = tpu.vector_load %arg8[%swap3A_491, %swap3A_492] {strides = array<i32>} : memref<83x512xf32, #tpu.memory_space<vmem>>, vector<16xf32>,
      tpu.vector_store %arg8[%swap3A_491, %swap3A_492], %gather3A_489 {strides = array<i32>} : memref<83x512xf32, #tpu.memory_space<vmem>>, vector<16xf32>,
      %add3A_494 = arith.constant 21 : i32
      %add3A_495 = vector.broadcast %add3A_494 : i32 to vector<16xi32>
      %add3A_496 = arith.addi %add3A_325, %add3A_495 : vector<16xi32>
      %gather3A_497 = tpu.vector_load_idx %arg6[%add3A_496] : memref<4960xf32, #tpu.memory_space<vmem>>[vector<16xi32>], vector<16xf32>,
      %swap3A_498 = arith.constant 54 : i32
      %swap3A_499 = arith.index_cast %swap3A_498 : i32 to index
      %swap3A_500 = arith.index_cast %mul3A_142 : i32 to index
      %swap3A_501 = tpu.vector_load %arg8[%swap3A_499, %swap3A_500] {strides = array<i32>} : memref<83x512xf32, #tpu.memory_space<vmem>>, vector<16xf32>,
      tpu.vector_store %arg8[%swap3A_499, %swap3A_500], %gather3A_497 {strides = array<i32>} : memref<83x512xf32, #tpu.memory_space<vmem>>, vector<16xf32>,
      %add3A_502 = arith.constant 22 : i32
      %add3A_503 = vector.broadcast %add3A_502 : i32 to vector<16xi32>
      %add3A_504 = arith.addi %add3A_325, %add3A_503 : vector<16xi32>
      %gather3A_505 = tpu.vector_load_idx %arg6[%add3A_504] : memref<4960xf32, #tpu.memory_space<vmem>>[vector<16xi32>], vector<16xf32>,
      %swap3A_506 = arith.constant 55 : i32
      %swap3A_507 = arith.index_cast %swap3A_506 : i32 to index
      %swap3A_508 = arith.index_cast %mul3A_142 : i32 to index
      %swap3A_509 = tpu.vector_load %arg8[%swap3A_507, %swap3A_508] {strides = array<i32>} : memref<83x512xf32, #tpu.memory_space<vmem>>, vector<16xf32>,
      tpu.vector_store %arg8[%swap3A_507, %swap3A_508], %gather3A_505 {strides = array<i32>} : memref<83x512xf32, #tpu.memory_space<vmem>>, vector<16xf32>,
      %add3A_510 = arith.constant 23 : i32
      %add3A_511 = vector.broadcast %add3A_510 : i32 to vector<16xi32>
      %add3A_512 = arith.addi %add3A_325, %add3A_511 : vector<16xi32>
      %gather3A_513 = tpu.vector_load_idx %arg6[%add3A_512] : memref<4960xf32, #tpu.memory_space<vmem>>[vector<16xi32>], vector<16xf32>,
      %swap3A_514 = arith.constant 56 : i32
      %swap3A_515 = arith.index_cast %swap3A_514 : i32 to index
      %swap3A_516 = arith.index_cast %mul3A_142 : i32 to index
      %swap3A_517 = tpu.vector_load %arg8[%swap3A_515, %swap3A_516] {strides = array<i32>} : memref<83x512xf32, #tpu.memory_space<vmem>>, vector<16xf32>,
      tpu.vector_store %arg8[%swap3A_515, %swap3A_516], %gather3A_513 {strides = array<i32>} : memref<83x512xf32, #tpu.memory_space<vmem>>, vector<16xf32>,
      %add3A_518 = arith.constant 24 : i32
      %add3A_519 = vector.broadcast %add3A_518 : i32 to vector<16xi32>
      %add3A_520 = arith.addi %add3A_325, %add3A_519 : vector<16xi32>
      %gather3A_521 = tpu.vector_load_idx %arg6[%add3A_520] : memref<4960xf32, #tpu.memory_space<vmem>>[vector<16xi32>], vector<16xf32>,
      %swap3A_522 = arith.constant 57 : i32
      %swap3A_523 = arith.index_cast %swap3A_522 : i32 to index
      %swap3A_524 = arith.index_cast %mul3A_142 : i32 to index
      %swap3A_525 = tpu.vector_load %arg8[%swap3A_523, %swap3A_524] {strides = array<i32>} : memref<83x512xf32, #tpu.memory_space<vmem>>, vector<16xf32>,
      tpu.vector_store %arg8[%swap3A_523, %swap3A_524], %gather3A_521 {strides = array<i32>} : memref<83x512xf32, #tpu.memory_space<vmem>>, vector<16xf32>,
      %add3A_526 = arith.constant 25 : i32
      %add3A_527 = vector.broadcast %add3A_526 : i32 to vector<16xi32>
      %add3A_528 = arith.addi %add3A_325, %add3A_527 : vector<16xi32>
      %gather3A_529 = tpu.vector_load_idx %arg6[%add3A_528] : memref<4960xf32, #tpu.memory_space<vmem>>[vector<16xi32>], vector<16xf32>,
      %swap3A_530 = arith.constant 58 : i32
      %swap3A_531 = arith.index_cast %swap3A_530 : i32 to index
      %swap3A_532 = arith.index_cast %mul3A_142 : i32 to index
      %swap3A_533 = tpu.vector_load %arg8[%swap3A_531, %swap3A_532] {strides = array<i32>} : memref<83x512xf32, #tpu.memory_space<vmem>>, vector<16xf32>,
      tpu.vector_store %arg8[%swap3A_531, %swap3A_532], %gather3A_529 {strides = array<i32>} : memref<83x512xf32, #tpu.memory_space<vmem>>, vector<16xf32>,
      %add3A_534 = arith.constant 26 : i32
      %add3A_535 = vector.broadcast %add3A_534 : i32 to vector<16xi32>
      %add3A_536 = arith.addi %add3A_325, %add3A_535 : vector<16xi32>
      %gather3A_537 = tpu.vector_load_idx %arg6[%add3A_536] : memref<4960xf32, #tpu.memory_space<vmem>>[vector<16xi32>], vector<16xf32>,
      %swap3A_538 = arith.constant 59 : i32
      %swap3A_539 = arith.index_cast %swap3A_538 : i32 to index
      %swap3A_540 = arith.index_cast %mul3A_142 : i32 to index
      %swap3A_541 = tpu.vector_load %arg8[%swap3A_539, %swap3A_540] {strides = array<i32>} : memref<83x512xf32, #tpu.memory_space<vmem>>, vector<16xf32>,
      tpu.vector_store %arg8[%swap3A_539, %swap3A_540], %gather3A_537 {strides = array<i32>} : memref<83x512xf32, #tpu.memory_space<vmem>>, vector<16xf32>,
      %add3A_542 = arith.constant 27 : i32
      %add3A_543 = vector.broadcast %add3A_542 : i32 to vector<16xi32>
      %add3A_544 = arith.addi %add3A_325, %add3A_543 : vector<16xi32>
      %gather3A_545 = tpu.vector_load_idx %arg6[%add3A_544] : memref<4960xf32, #tpu.memory_space<vmem>>[vector<16xi32>], vector<16xf32>,
      %swap3A_546 = arith.constant 60 : i32
      %swap3A_547 = arith.index_cast %swap3A_546 : i32 to index
      %swap3A_548 = arith.index_cast %mul3A_142 : i32 to index
      %swap3A_549 = tpu.vector_load %arg8[%swap3A_547, %swap3A_548] {strides = array<i32>} : memref<83x512xf32, #tpu.memory_space<vmem>>, vector<16xf32>,
      tpu.vector_store %arg8[%swap3A_547, %swap3A_548], %gather3A_545 {strides = array<i32>} : memref<83x512xf32, #tpu.memory_space<vmem>>, vector<16xf32>,
      %add3A_550 = arith.constant 28 : i32
      %add3A_551 = vector.broadcast %add3A_550 : i32 to vector<16xi32>
      %add3A_552 = arith.addi %add3A_325, %add3A_551 : vector<16xi32>
      %gather3A_553 = tpu.vector_load_idx %arg6[%add3A_552] : memref<4960xf32, #tpu.memory_space<vmem>>[vector<16xi32>], vector<16xf32>,
      %swap3A_554 = arith.constant 61 : i32
      %swap3A_555 = arith.index_cast %swap3A_554 : i32 to index
      %swap3A_556 = arith.index_cast %mul3A_142 : i32 to index
      %swap3A_557 = tpu.vector_load %arg8[%swap3A_555, %swap3A_556] {strides = array<i32>} : memref<83x512xf32, #tpu.memory_space<vmem>>, vector<16xf32>,
      tpu.vector_store %arg8[%swap3A_555, %swap3A_556], %gather3A_553 {strides = array<i32>} : memref<83x512xf32, #tpu.memory_space<vmem>>, vector<16xf32>,
      %add3A_558 = arith.constant 29 : i32
      %add3A_559 = vector.broadcast %add3A_558 : i32 to vector<16xi32>
      %add3A_560 = arith.addi %add3A_325, %add3A_559 : vector<16xi32>
      %gather3A_561 = tpu.vector_load_idx %arg6[%add3A_560] : memref<4960xf32, #tpu.memory_space<vmem>>[vector<16xi32>], vector<16xf32>,
      %swap3A_562 = arith.constant 62 : i32
      %swap3A_563 = arith.index_cast %swap3A_562 : i32 to index
      %swap3A_564 = arith.index_cast %mul3A_142 : i32 to index
      %swap3A_565 = tpu.vector_load %arg8[%swap3A_563, %swap3A_564] {strides = array<i32>} : memref<83x512xf32, #tpu.memory_space<vmem>>, vector<16xf32>,
      tpu.vector_store %arg8[%swap3A_563, %swap3A_564], %gather3A_561 {strides = array<i32>} : memref<83x512xf32, #tpu.memory_space<vmem>>, vector<16xf32>,
      %add3A_566 = arith.constant 30 : i32
      %add3A_567 = vector.broadcast %add3A_566 : i32 to vector<16xi32>
      %add3A_568 = arith.addi %add3A_325, %add3A_567 : vector<16xi32>
      %gather3A_569 = tpu.vector_load_idx %arg6[%add3A_568] : memref<4960xf32, #tpu.memory_space<vmem>>[vector<16xi32>], vector<16xf32>,
      %swap3A_570 = arith.constant 63 : i32
      %swap3A_571 = arith.index_cast %swap3A_570 : i32 to index
      %swap3A_572 = arith.index_cast %mul3A_142 : i32 to index
      %swap3A_573 = tpu.vector_load %arg8[%swap3A_571, %swap3A_572] {strides = array<i32>} : memref<83x512xf32, #tpu.memory_space<vmem>>, vector<16xf32>,
      tpu.vector_store %arg8[%swap3A_571, %swap3A_572], %gather3A_569 {strides = array<i32>} : memref<83x512xf32, #tpu.memory_space<vmem>>, vector<16xf32>,
      %add3A_574 = arith.constant 31 : i32
      %add3A_575 = vector.broadcast %add3A_574 : i32 to vector<16xi32>
      %add3A_576 = arith.addi %add3A_325, %add3A_575 : vector<16xi32>
      %gather3A_577 = tpu.vector_load_idx %arg6[%add3A_576] : memref<4960xf32, #tpu.memory_space<vmem>>[vector<16xi32>], vector<16xf32>,
      %swap3A_578 = arith.constant 64 : i32
      %swap3A_579 = arith.index_cast %swap3A_578 : i32 to index
      %swap3A_580 = arith.index_cast %mul3A_142 : i32 to index
      %swap3A_581 = tpu.vector_load %arg8[%swap3A_579, %swap3A_580] {strides = array<i32>} : memref<83x512xf32, #tpu.memory_space<vmem>>, vector<16xf32>,
      tpu.vector_store %arg8[%swap3A_579, %swap3A_580], %gather3A_577 {strides = array<i32>} : memref<83x512xf32, #tpu.memory_space<vmem>>, vector<16xf32>,
      %add3A_582 = arith.constant 32 : i32
      %add3A_583 = vector.broadcast %add3A_582 : i32 to vector<16xi32>
      %add3A_584 = arith.addi %add3A_325, %add3A_583 : vector<16xi32>
      %gather3A_585 = tpu.vector_load_idx %arg6[%add3A_584] : memref<4960xf32, #tpu.memory_space<vmem>>[vector<16xi32>], vector<16xf32>,
      %swap3A_586 = arith.constant 65 : i32
      %swap3A_587 = arith.index_cast %swap3A_586 : i32 to index
      %swap3A_588 = arith.index_cast %mul3A_142 : i32 to index
      %swap3A_589 = tpu.vector_load %arg8[%swap3A_587, %swap3A_588] {strides = array<i32>} : memref<83x512xf32, #tpu.memory_space<vmem>>, vector<16xf32>,
      tpu.vector_store %arg8[%swap3A_587, %swap3A_588], %gather3A_585 {strides = array<i32>} : memref<83x512xf32, #tpu.memory_space<vmem>>, vector<16xf32>,
      %add3A_590 = arith.constant 33 : i32
      %add3A_591 = vector.broadcast %add3A_590 : i32 to vector<16xi32>
      %add3A_592 = arith.addi %add3A_325, %add3A_591 : vector<16xi32>
      %gather3A_593 = tpu.vector_load_idx %arg6[%add3A_592] : memref<4960xf32, #tpu.memory_space<vmem>>[vector<16xi32>], vector<16xf32>,
      %swap3A_594 = arith.constant 66 : i32
      %swap3A_595 = arith.index_cast %swap3A_594 : i32 to index
      %swap3A_596 = arith.index_cast %mul3A_142 : i32 to index
      %swap3A_597 = tpu.vector_load %arg8[%swap3A_595, %swap3A_596] {strides = array<i32>} : memref<83x512xf32, #tpu.memory_space<vmem>>, vector<16xf32>,
      tpu.vector_store %arg8[%swap3A_595, %swap3A_596], %gather3A_593 {strides = array<i32>} : memref<83x512xf32, #tpu.memory_space<vmem>>, vector<16xf32>,
      %add3A_598 = arith.constant 34 : i32
      %add3A_599 = vector.broadcast %add3A_598 : i32 to vector<16xi32>
      %add3A_600 = arith.addi %add3A_325, %add3A_599 : vector<16xi32>
      %gather3A_601 = tpu.vector_load_idx %arg6[%add3A_600] : memref<4960xf32, #tpu.memory_space<vmem>>[vector<16xi32>], vector<16xf32>,
      %swap3A_602 = arith.constant 67 : i32
      %swap3A_603 = arith.index_cast %swap3A_602 : i32 to index
      %swap3A_604 = arith.index_cast %mul3A_142 : i32 to index
      %swap3A_605 = tpu.vector_load %arg8[%swap3A_603, %swap3A_604] {strides = array<i32>} : memref<83x512xf32, #tpu.memory_space<vmem>>, vector<16xf32>,
      tpu.vector_store %arg8[%swap3A_603, %swap3A_604], %gather3A_601 {strides = array<i32>} : memref<83x512xf32, #tpu.memory_space<vmem>>, vector<16xf32>,
      %add3A_606 = arith.constant 35 : i32
      %add3A_607 = vector.broadcast %add3A_606 : i32 to vector<16xi32>
      %add3A_608 = arith.addi %add3A_325, %add3A_607 : vector<16xi32>
      %gather3A_609 = tpu.vector_load_idx %arg6[%add3A_608] : memref<4960xf32, #tpu.memory_space<vmem>>[vector<16xi32>], vector<16xf32>,
      %swap3A_610 = arith.constant 68 : i32
      %swap3A_611 = arith.index_cast %swap3A_610 : i32 to index
      %swap3A_612 = arith.index_cast %mul3A_142 : i32 to index
      %swap3A_613 = tpu.vector_load %arg8[%swap3A_611, %swap3A_612] {strides = array<i32>} : memref<83x512xf32, #tpu.memory_space<vmem>>, vector<16xf32>,
      tpu.vector_store %arg8[%swap3A_611, %swap3A_612], %gather3A_609 {strides = array<i32>} : memref<83x512xf32, #tpu.memory_space<vmem>>, vector<16xf32>,
      %add3A_614 = arith.constant 36 : i32
      %add3A_615 = vector.broadcast %add3A_614 : i32 to vector<16xi32>
      %add3A_616 = arith.addi %add3A_325, %add3A_615 : vector<16xi32>
      %gather3A_617 = tpu.vector_load_idx %arg6[%add3A_616] : memref<4960xf32, #tpu.memory_space<vmem>>[vector<16xi32>], vector<16xf32>,
      %swap3A_618 = arith.constant 69 : i32
      %swap3A_619 = arith.index_cast %swap3A_618 : i32 to index
      %swap3A_620 = arith.index_cast %mul3A_142 : i32 to index
      %swap3A_621 = tpu.vector_load %arg8[%swap3A_619, %swap3A_620] {strides = array<i32>} : memref<83x512xf32, #tpu.memory_space<vmem>>, vector<16xf32>,
      tpu.vector_store %arg8[%swap3A_619, %swap3A_620], %gather3A_617 {strides = array<i32>} : memref<83x512xf32, #tpu.memory_space<vmem>>, vector<16xf32>,
      %add3A_622 = arith.constant 37 : i32
      %add3A_623 = vector.broadcast %add3A_622 : i32 to vector<16xi32>
      %add3A_624 = arith.addi %add3A_325, %add3A_623 : vector<16xi32>
      %gather3A_625 = tpu.vector_load_idx %arg6[%add3A_624] : memref<4960xf32, #tpu.memory_space<vmem>>[vector<16xi32>], vector<16xf32>,
      %swap3A_626 = arith.constant 70 : i32
      %swap3A_627 = arith.index_cast %swap3A_626 : i32 to index
      %swap3A_628 = arith.index_cast %mul3A_142 : i32 to index
      %swap3A_629 = tpu.vector_load %arg8[%swap3A_627, %swap3A_628] {strides = array<i32>} : memref<83x512xf32, #tpu.memory_space<vmem>>, vector<16xf32>,
      tpu.vector_store %arg8[%swap3A_627, %swap3A_628], %gather3A_625 {strides = array<i32>} : memref<83x512xf32, #tpu.memory_space<vmem>>, vector<16xf32>,
      %add3A_630 = arith.constant 38 : i32
      %add3A_631 = vector.broadcast %add3A_630 : i32 to vector<16xi32>
      %add3A_632 = arith.addi %add3A_325, %add3A_631 : vector<16xi32>
      %gather3A_633 = tpu.vector_load_idx %arg6[%add3A_632] : memref<4960xf32, #tpu.memory_space<vmem>>[vector<16xi32>], vector<16xf32>,
      %swap3A_634 = arith.constant 71 : i32
      %swap3A_635 = arith.index_cast %swap3A_634 : i32 to index
      %swap3A_636 = arith.index_cast %mul3A_142 : i32 to index
      %swap3A_637 = tpu.vector_load %arg8[%swap3A_635, %swap3A_636] {strides = array<i32>} : memref<83x512xf32, #tpu.memory_space<vmem>>, vector<16xf32>,
      tpu.vector_store %arg8[%swap3A_635, %swap3A_636], %gather3A_633 {strides = array<i32>} : memref<83x512xf32, #tpu.memory_space<vmem>>, vector<16xf32>,
      %add3A_638 = arith.constant 39 : i32
      %add3A_639 = vector.broadcast %add3A_638 : i32 to vector<16xi32>
      %add3A_640 = arith.addi %add3A_325, %add3A_639 : vector<16xi32>
      %gather3A_641 = tpu.vector_load_idx %arg6[%add3A_640] : memref<4960xf32, #tpu.memory_space<vmem>>[vector<16xi32>], vector<16xf32>,
      %swap3A_642 = arith.constant 72 : i32
      %swap3A_643 = arith.index_cast %swap3A_642 : i32 to index
      %swap3A_644 = arith.index_cast %mul3A_142 : i32 to index
      %swap3A_645 = tpu.vector_load %arg8[%swap3A_643, %swap3A_644] {strides = array<i32>} : memref<83x512xf32, #tpu.memory_space<vmem>>, vector<16xf32>,
      tpu.vector_store %arg8[%swap3A_643, %swap3A_644], %gather3A_641 {strides = array<i32>} : memref<83x512xf32, #tpu.memory_space<vmem>>, vector<16xf32>,
      %add3A_646 = arith.constant 40 : i32
      %add3A_647 = vector.broadcast %add3A_646 : i32 to vector<16xi32>
      %add3A_648 = arith.addi %add3A_325, %add3A_647 : vector<16xi32>
      %gather3A_649 = tpu.vector_load_idx %arg6[%add3A_648] : memref<4960xf32, #tpu.memory_space<vmem>>[vector<16xi32>], vector<16xf32>,
      %swap3A_650 = arith.constant 73 : i32
      %swap3A_651 = arith.index_cast %swap3A_650 : i32 to index
      %swap3A_652 = arith.index_cast %mul3A_142 : i32 to index
      %swap3A_653 = tpu.vector_load %arg8[%swap3A_651, %swap3A_652] {strides = array<i32>} : memref<83x512xf32, #tpu.memory_space<vmem>>, vector<16xf32>,
      tpu.vector_store %arg8[%swap3A_651, %swap3A_652], %gather3A_649 {strides = array<i32>} : memref<83x512xf32, #tpu.memory_space<vmem>>, vector<16xf32>,
      %add3A_654 = arith.constant 41 : i32
      %add3A_655 = vector.broadcast %add3A_654 : i32 to vector<16xi32>
      %add3A_656 = arith.addi %add3A_325, %add3A_655 : vector<16xi32>
      %gather3A_657 = tpu.vector_load_idx %arg6[%add3A_656] : memref<4960xf32, #tpu.memory_space<vmem>>[vector<16xi32>], vector<16xf32>,
      %swap3A_658 = arith.constant 74 : i32
      %swap3A_659 = arith.index_cast %swap3A_658 : i32 to index
      %swap3A_660 = arith.index_cast %mul3A_142 : i32 to index
      %swap3A_661 = tpu.vector_load %arg8[%swap3A_659, %swap3A_660] {strides = array<i32>} : memref<83x512xf32, #tpu.memory_space<vmem>>, vector<16xf32>,
      tpu.vector_store %arg8[%swap3A_659, %swap3A_660], %gather3A_657 {strides = array<i32>} : memref<83x512xf32, #tpu.memory_space<vmem>>, vector<16xf32>,
      %add3A_662 = arith.constant 42 : i32
      %add3A_663 = vector.broadcast %add3A_662 : i32 to vector<16xi32>
      %add3A_664 = arith.addi %add3A_325, %add3A_663 : vector<16xi32>
      %gather3A_665 = tpu.vector_load_idx %arg6[%add3A_664] : memref<4960xf32, #tpu.memory_space<vmem>>[vector<16xi32>], vector<16xf32>,
      %swap3A_666 = arith.constant 75 : i32
      %swap3A_667 = arith.index_cast %swap3A_666 : i32 to index
      %swap3A_668 = arith.index_cast %mul3A_142 : i32 to index
      %swap3A_669 = tpu.vector_load %arg8[%swap3A_667, %swap3A_668] {strides = array<i32>} : memref<83x512xf32, #tpu.memory_space<vmem>>, vector<16xf32>,
      tpu.vector_store %arg8[%swap3A_667, %swap3A_668], %gather3A_665 {strides = array<i32>} : memref<83x512xf32, #tpu.memory_space<vmem>>, vector<16xf32>,
      %add3A_670 = arith.constant 43 : i32
      %add3A_671 = vector.broadcast %add3A_670 : i32 to vector<16xi32>
      %add3A_672 = arith.addi %add3A_325, %add3A_671 : vector<16xi32>
      %gather3A_673 = tpu.vector_load_idx %arg6[%add3A_672] : memref<4960xf32, #tpu.memory_space<vmem>>[vector<16xi32>], vector<16xf32>,
      %swap3A_674 = arith.constant 76 : i32
      %swap3A_675 = arith.index_cast %swap3A_674 : i32 to index
      %swap3A_676 = arith.index_cast %mul3A_142 : i32 to index
      %swap3A_677 = tpu.vector_load %arg8[%swap3A_675, %swap3A_676] {strides = array<i32>} : memref<83x512xf32, #tpu.memory_space<vmem>>, vector<16xf32>,
      tpu.vector_store %arg8[%swap3A_675, %swap3A_676], %gather3A_673 {strides = array<i32>} : memref<83x512xf32, #tpu.memory_space<vmem>>, vector<16xf32>,
      %add3A_678 = arith.constant 44 : i32
      %add3A_679 = vector.broadcast %add3A_678 : i32 to vector<16xi32>
      %add3A_680 = arith.addi %add3A_325, %add3A_679 : vector<16xi32>
      %gather3A_681 = tpu.vector_load_idx %arg6[%add3A_680] : memref<4960xf32, #tpu.memory_space<vmem>>[vector<16xi32>], vector<16xf32>,
      %swap3A_682 = arith.constant 77 : i32
      %swap3A_683 = arith.index_cast %swap3A_682 : i32 to index
      %swap3A_684 = arith.index_cast %mul3A_142 : i32 to index
      %swap3A_685 = tpu.vector_load %arg8[%swap3A_683, %swap3A_684] {strides = array<i32>} : memref<83x512xf32, #tpu.memory_space<vmem>>, vector<16xf32>,
      tpu.vector_store %arg8[%swap3A_683, %swap3A_684], %gather3A_681 {strides = array<i32>} : memref<83x512xf32, #tpu.memory_space<vmem>>, vector<16xf32>,
      %add3A_686 = arith.constant 45 : i32
      %add3A_687 = vector.broadcast %add3A_686 : i32 to vector<16xi32>
      %add3A_688 = arith.addi %add3A_325, %add3A_687 : vector<16xi32>
      %gather3A_689 = tpu.vector_load_idx %arg6[%add3A_688] : memref<4960xf32, #tpu.memory_space<vmem>>[vector<16xi32>], vector<16xf32>,
      %swap3A_690 = arith.constant 78 : i32
      %swap3A_691 = arith.index_cast %swap3A_690 : i32 to index
      %swap3A_692 = arith.index_cast %mul3A_142 : i32 to index
      %swap3A_693 = tpu.vector_load %arg8[%swap3A_691, %swap3A_692] {strides = array<i32>} : memref<83x512xf32, #tpu.memory_space<vmem>>, vector<16xf32>,
      tpu.vector_store %arg8[%swap3A_691, %swap3A_692], %gather3A_689 {strides = array<i32>} : memref<83x512xf32, #tpu.memory_space<vmem>>, vector<16xf32>,
      %add3A_694 = arith.constant 46 : i32
      %add3A_695 = vector.broadcast %add3A_694 : i32 to vector<16xi32>
      %add3A_696 = arith.addi %add3A_325, %add3A_695 : vector<16xi32>
      %gather3A_697 = tpu.vector_load_idx %arg6[%add3A_696] : memref<4960xf32, #tpu.memory_space<vmem>>[vector<16xi32>], vector<16xf32>,
      %swap3A_698 = arith.constant 79 : i32
      %swap3A_699 = arith.index_cast %swap3A_698 : i32 to index
      %swap3A_700 = arith.index_cast %mul3A_142 : i32 to index
      %swap3A_701 = tpu.vector_load %arg8[%swap3A_699, %swap3A_700] {strides = array<i32>} : memref<83x512xf32, #tpu.memory_space<vmem>>, vector<16xf32>,
      tpu.vector_store %arg8[%swap3A_699, %swap3A_700], %gather3A_697 {strides = array<i32>} : memref<83x512xf32, #tpu.memory_space<vmem>>, vector<16xf32>,
      %add3A_702 = arith.constant 47 : i32
      %add3A_703 = vector.broadcast %add3A_702 : i32 to vector<16xi32>
      %add3A_704 = arith.addi %add3A_325, %add3A_703 : vector<16xi32>
      %gather3A_705 = tpu.vector_load_idx %arg6[%add3A_704] : memref<4960xf32, #tpu.memory_space<vmem>>[vector<16xi32>], vector<16xf32>,
      %swap3A_706 = arith.constant 80 : i32
      %swap3A_707 = arith.index_cast %swap3A_706 : i32 to index
      %swap3A_708 = arith.index_cast %mul3A_142 : i32 to index
      %swap3A_709 = tpu.vector_load %arg8[%swap3A_707, %swap3A_708] {strides = array<i32>} : memref<83x512xf32, #tpu.memory_space<vmem>>, vector<16xf32>,
      tpu.vector_store %arg8[%swap3A_707, %swap3A_708], %gather3A_705 {strides = array<i32>} : memref<83x512xf32, #tpu.memory_space<vmem>>, vector<16xf32>,
      %add3A_710 = arith.constant 48 : i32
      %add3A_711 = vector.broadcast %add3A_710 : i32 to vector<16xi32>
      %add3A_712 = arith.addi %add3A_325, %add3A_711 : vector<16xi32>
      %gather3A_713 = tpu.vector_load_idx %arg6[%add3A_712] : memref<4960xf32, #tpu.memory_space<vmem>>[vector<16xi32>], vector<16xf32>,
      %swap3A_714 = arith.constant 81 : i32
      %swap3A_715 = arith.index_cast %swap3A_714 : i32 to index
      %swap3A_716 = arith.index_cast %mul3A_142 : i32 to index
      %swap3A_717 = tpu.vector_load %arg8[%swap3A_715, %swap3A_716] {strides = array<i32>} : memref<83x512xf32, #tpu.memory_space<vmem>>, vector<16xf32>,
      tpu.vector_store %arg8[%swap3A_715, %swap3A_716], %gather3A_713 {strides = array<i32>} : memref<83x512xf32, #tpu.memory_space<vmem>>, vector<16xf32>,
      %add3A_718 = arith.constant 49 : i32
      %add3A_719 = vector.broadcast %add3A_718 : i32 to vector<16xi32>
      %add3A_720 = arith.addi %add3A_325, %add3A_719 : vector<16xi32>
      %gather3A_721 = tpu.vector_load_idx %arg6[%add3A_720] : memref<4960xf32, #tpu.memory_space<vmem>>[vector<16xi32>], vector<16xf32>,
      %swap3A_722 = arith.constant 82 : i32
      %swap3A_723 = arith.index_cast %swap3A_722 : i32 to index
      %swap3A_724 = arith.index_cast %mul3A_142 : i32 to index
      %swap3A_725 = tpu.vector_load %arg8[%swap3A_723, %swap3A_724] {strides = array<i32>} : memref<83x512xf32, #tpu.memory_space<vmem>>, vector<16xf32>,
      tpu.vector_store %arg8[%swap3A_723, %swap3A_724], %gather3A_721 {strides = array<i32>} : memref<83x512xf32, #tpu.memory_space<vmem>>, vector<16xf32>,
    }
    %scan3A_51 = arith.constant 8 : i32
    %add3A_52 = arith.constant 128 : i32
    %add3A_53 = arith.addi %mul3A_2, %add3A_52 : i32
    %dma_start3A_54 = arith.constant 0 : i32
    %dma_start3A_55 = arith.constant 128 : i32
    %dma_start3A_56 = tpu.memref_slice %arg8[%dma_start3A_54, %dma_start3A_55] : memref<83x512xf32, #tpu.memory_space<vmem>> -> memref<83x128xf32, #tpu.memory_space<vmem>>
    %dma_start3A_57 = arith.constant 0 : i32
    %dma_start3A_58 = tpu.memref_slice %arg5[%dma_start3A_57, %add3A_53] : memref<83x16384xf32, #tpu.memory_space<hbm>> -> memref<83x128xf32, #tpu.memory_space<hbm>>
    %dma_start3A_59 = arith.constant 0 : i32
    %dma_start3A_60 = tpu.memref_slice %arg5[%dma_start3A_59, %add3A_53] : memref<83x16384xf32, #tpu.memory_space<hbm>> -> memref<83x128xf32, #tpu.memory_space<hbm>>
    %dma_start3A_61 = arith.constant 0 : i32
    %dma_start3A_62 = arith.constant 128 : i32
    %dma_start3A_63 = tpu.memref_slice %arg8[%dma_start3A_61, %dma_start3A_62] : memref<83x512xf32, #tpu.memory_space<vmem>> -> memref<83x128xf32, #tpu.memory_space<vmem>>
    tpu.enqueue_dma source(%dma_start3A_63 : memref<83x128xf32, #tpu.memory_space<vmem>>) target(%dma_start3A_60 : memref<83x128xf32, #tpu.memory_space<hbm>>) target_semaphore(%arg11 : memref<!tpu.dma_semaphore, #tpu.memory_space<semaphore_mem>>)
    %scan3A_64 = arith.constant 0 : i32
    %scan3A_65 = arith.constant 16 : i32
    %scan3A_66 = arith.constant 8 : i32
    %scan3A_67 = arith.addi %scan3A_65, %scan3A_66 : i32
    %scan3A_68 = arith.constant 1 : i32
    scf.for %scan3A_140 = %scan3A_65 to %scan3A_67 step %scan3A_68  : i32 {
      %mul3A_141 = arith.constant 16 : i32
      %mul3A_142 = arith.muli %scan3A_140, %mul3A_141 : i32
      %add3A_143 = arith.constant 0 : i32
      %add3A_144 = arith.addi %add3A_143, %mul3A_142 : i32
      %get3A = arith.index_cast %add3A_144 : i32 to index
      %get3A_145 = tpu.vector_load %arg7[%get3A] {strides = array<i32>} : memref<2560xi32, #tpu.memory_space<vmem>>, vector<16xi32>,
      %mul3A_146 = arith.constant 3 : i32
      %mul3A_147 = vector.broadcast %mul3A_146 : i32 to vector<16xi32>
      %mul3A_148 = arith.muli %get3A_145, %mul3A_147 : vector<16xi32>
      %add3A_149 = arith.constant 0 : i32
      %add3A_150 = vector.broadcast %add3A_149 : i32 to vector<16xi32>
      %add3A_151 = arith.addi %mul3A_148, %add3A_150 : vector<16xi32>
      %add3A_152 = arith.constant 0 : i32
      %add3A_153 = vector.broadcast %add3A_152 : i32 to vector<16xi32>
      %add3A_154 = arith.addi %add3A_151, %add3A_153 : vector<16xi32>
      %gather3A = tpu.vector_load_idx %arg6[%add3A_154] : memref<4960xf32, #tpu.memory_space<vmem>>[vector<16xi32>], vector<16xf32>,
      %swap3A = arith.constant 16 : i32
      %swap3A_155 = arith.index_cast %swap3A : i32 to index
      %swap3A_156 = arith.index_cast %mul3A_142 : i32 to index
      %swap3A_157 = tpu.vector_load %arg8[%swap3A_155, %swap3A_156] {strides = array<i32>} : memref<83x512xf32, #tpu.memory_space<vmem>>, vector<16xf32>,
      tpu.vector_store %arg8[%swap3A_155, %swap3A_156], %gather3A {strides = array<i32>} : memref<83x512xf32, #tpu.memory_space<vmem>>, vector<16xf32>,
      %add3A_158 = arith.constant 1 : i32
      %add3A_159 = vector.broadcast %add3A_158 : i32 to vector<16xi32>
      %add3A_160 = arith.addi %add3A_151, %add3A_159 : vector<16xi32>
      %gather3A_161 = tpu.vector_load_idx %arg6[%add3A_160] : memref<4960xf32, #tpu.memory_space<vmem>>[vector<16xi32>], vector<16xf32>,
      %swap3A_162 = arith.constant 17 : i32
      %swap3A_163 = arith.index_cast %swap3A_162 : i32 to index
      %swap3A_164 = arith.index_cast %mul3A_142 : i32 to index
      %swap3A_165 = tpu.vector_load %arg8[%swap3A_163, %swap3A_164] {strides = array<i32>} : memref<83x512xf32, #tpu.memory_space<vmem>>, vector<16xf32>,
      tpu.vector_store %arg8[%swap3A_163, %swap3A_164], %gather3A_161 {strides = array<i32>} : memref<83x512xf32, #tpu.memory_space<vmem>>, vector<16xf32>,
      %add3A_166 = arith.constant 2 : i32
      %add3A_167 = vector.broadcast %add3A_166 : i32 to vector<16xi32>
      %add3A_168 = arith.addi %add3A_151, %add3A_167 : vector<16xi32>
      %gather3A_169 = tpu.vector_load_idx %arg6[%add3A_168] : memref<4960xf32, #tpu.memory_space<vmem>>[vector<16xi32>], vector<16xf32>,
      %swap3A_170 = arith.constant 18 : i32
      %swap3A_171 = arith.index_cast %swap3A_170 : i32 to index
      %swap3A_172 = arith.index_cast %mul3A_142 : i32 to index
      %swap3A_173 = tpu.vector_load %arg8[%swap3A_171, %swap3A_172] {strides = array<i32>} : memref<83x512xf32, #tpu.memory_space<vmem>>, vector<16xf32>,
      tpu.vector_store %arg8[%swap3A_171, %swap3A_172], %gather3A_169 {strides = array<i32>} : memref<83x512xf32, #tpu.memory_space<vmem>>, vector<16xf32>,
      %add3A_174 = arith.constant 512 : i32
      %add3A_175 = arith.addi %add3A_174, %mul3A_142 : i32
      %get3A_176 = arith.index_cast %add3A_175 : i32 to index
      %get3A_177 = tpu.vector_load %arg7[%get3A_176] {strides = array<i32>} : memref<2560xi32, #tpu.memory_space<vmem>>, vector<16xi32>,
      %mul3A_178 = arith.constant 4 : i32
      %mul3A_179 = vector.broadcast %mul3A_178 : i32 to vector<16xi32>
      %mul3A_180 = arith.muli %get3A_177, %mul3A_179 : vector<16xi32>
      %add3A_181 = arith.constant 24 : i32
      %add3A_182 = vector.broadcast %add3A_181 : i32 to vector<16xi32>
      %add3A_183 = arith.addi %mul3A_180, %add3A_182 : vector<16xi32>
      %add3A_184 = arith.constant 0 : i32
      %add3A_185 = vector.broadcast %add3A_184 : i32 to vector<16xi32>
      %add3A_186 = arith.addi %add3A_183, %add3A_185 : vector<16xi32>
      %gather3A_187 = tpu.vector_load_idx %arg6[%add3A_186] : memref<4960xf32, #tpu.memory_space<vmem>>[vector<16xi32>], vector<16xf32>,
      %swap3A_188 = arith.constant 19 : i32
      %swap3A_189 = arith.index_cast %swap3A_188 : i32 to index
      %swap3A_190 = arith.index_cast %mul3A_142 : i32 to index
      %swap3A_191 = tpu.vector_load %arg8[%swap3A_189, %swap3A_190] {strides = array<i32>} : memref<83x512xf32, #tpu.memory_space<vmem>>, vector<16xf32>,
      tpu.vector_store %arg8[%swap3A_189, %swap3A_190], %gather3A_187 {strides = array<i32>} : memref<83x512xf32, #tpu.memory_space<vmem>>, vector<16xf32>,
      %add3A_192 = arith.constant 1 : i32
      %add3A_193 = vector.broadcast %add3A_192 : i32 to vector<16xi32>
      %add3A_194 = arith.addi %add3A_183, %add3A_193 : vector<16xi32>
      %gather3A_195 = tpu.vector_load_idx %arg6[%add3A_194] : memref<4960xf32, #tpu.memory_space<vmem>>[vector<16xi32>], vector<16xf32>,
      %swap3A_196 = arith.constant 20 : i32
      %swap3A_197 = arith.index_cast %swap3A_196 : i32 to index
      %swap3A_198 = arith.index_cast %mul3A_142 : i32 to index
      %swap3A_199 = tpu.vector_load %arg8[%swap3A_197, %swap3A_198] {strides = array<i32>} : memref<83x512xf32, #tpu.memory_space<vmem>>, vector<16xf32>,
      tpu.vector_store %arg8[%swap3A_197, %swap3A_198], %gather3A_195 {strides = array<i32>} : memref<83x512xf32, #tpu.memory_space<vmem>>, vector<16xf32>,
      %add3A_200 = arith.constant 2 : i32
      %add3A_201 = vector.broadcast %add3A_200 : i32 to vector<16xi32>
      %add3A_202 = arith.addi %add3A_183, %add3A_201 : vector<16xi32>
      %gather3A_203 = tpu.vector_load_idx %arg6[%add3A_202] : memref<4960xf32, #tpu.memory_space<vmem>>[vector<16xi32>], vector<16xf32>,
      %swap3A_204 = arith.constant 21 : i32
      %swap3A_205 = arith.index_cast %swap3A_204 : i32 to index
      %swap3A_206 = arith.index_cast %mul3A_142 : i32 to index
      %swap3A_207 = tpu.vector_load %arg8[%swap3A_205, %swap3A_206] {strides = array<i32>} : memref<83x512xf32, #tpu.memory_space<vmem>>, vector<16xf32>,
      tpu.vector_store %arg8[%swap3A_205, %swap3A_206], %gather3A_203 {strides = array<i32>} : memref<83x512xf32, #tpu.memory_space<vmem>>, vector<16xf32>,
      %add3A_208 = arith.constant 3 : i32
      %add3A_209 = vector.broadcast %add3A_208 : i32 to vector<16xi32>
      %add3A_210 = arith.addi %add3A_183, %add3A_209 : vector<16xi32>
      %gather3A_211 = tpu.vector_load_idx %arg6[%add3A_210] : memref<4960xf32, #tpu.memory_space<vmem>>[vector<16xi32>], vector<16xf32>,
      %swap3A_212 = arith.constant 22 : i32
      %swap3A_213 = arith.index_cast %swap3A_212 : i32 to index
      %swap3A_214 = arith.index_cast %mul3A_142 : i32 to index
      %swap3A_215 = tpu.vector_load %arg8[%swap3A_213, %swap3A_214] {strides = array<i32>} : memref<83x512xf32, #tpu.memory_space<vmem>>, vector<16xf32>,
      tpu.vector_store %arg8[%swap3A_213, %swap3A_214], %gather3A_211 {strides = array<i32>} : memref<83x512xf32, #tpu.memory_space<vmem>>, vector<16xf32>,
      %add3A_216 = arith.constant 1024 : i32
      %add3A_217 = arith.addi %add3A_216, %mul3A_142 : i32
      %get3A_218 = arith.index_cast %add3A_217 : i32 to index
      %get3A_219 = tpu.vector_load %arg7[%get3A_218] {strides = array<i32>} : memref<2560xi32, #tpu.memory_space<vmem>>, vector<16xi32>,
      %mul3A_220 = arith.constant 6 : i32
      %mul3A_221 = vector.broadcast %mul3A_220 : i32 to vector<16xi32>
      %mul3A_222 = arith.muli %get3A_219, %mul3A_221 : vector<16xi32>
      %add3A_223 = arith.constant 56 : i32
      %add3A_224 = vector.broadcast %add3A_223 : i32 to vector<16xi32>
      %add3A_225 = arith.addi %mul3A_222, %add3A_224 : vector<16xi32>
      %add3A_226 = arith.constant 0 : i32
      %add3A_227 = vector.broadcast %add3A_226 : i32 to vector<16xi32>
      %add3A_228 = arith.addi %add3A_225, %add3A_227 : vector<16xi32>
      %gather3A_229 = tpu.vector_load_idx %arg6[%add3A_228] : memref<4960xf32, #tpu.memory_space<vmem>>[vector<16xi32>], vector<16xf32>,
      %swap3A_230 = arith.constant 23 : i32
      %swap3A_231 = arith.index_cast %swap3A_230 : i32 to index
      %swap3A_232 = arith.index_cast %mul3A_142 : i32 to index
      %swap3A_233 = tpu.vector_load %arg8[%swap3A_231, %swap3A_232] {strides = array<i32>} : memref<83x512xf32, #tpu.memory_space<vmem>>, vector<16xf32>,
      tpu.vector_store %arg8[%swap3A_231, %swap3A_232], %gather3A_229 {strides = array<i32>} : memref<83x512xf32, #tpu.memory_space<vmem>>, vector<16xf32>,
      %add3A_234 = arith.constant 1 : i32
      %add3A_235 = vector.broadcast %add3A_234 : i32 to vector<16xi32>
      %add3A_236 = arith.addi %add3A_225, %add3A_235 : vector<16xi32>
      %gather3A_237 = tpu.vector_load_idx %arg6[%add3A_236] : memref<4960xf32, #tpu.memory_space<vmem>>[vector<16xi32>], vector<16xf32>,
      %swap3A_238 = arith.constant 24 : i32
      %swap3A_239 = arith.index_cast %swap3A_238 : i32 to index
      %swap3A_240 = arith.index_cast %mul3A_142 : i32 to index
      %swap3A_241 = tpu.vector_load %arg8[%swap3A_239, %swap3A_240] {strides = array<i32>} : memref<83x512xf32, #tpu.memory_space<vmem>>, vector<16xf32>,
      tpu.vector_store %arg8[%swap3A_239, %swap3A_240], %gather3A_237 {strides = array<i32>} : memref<83x512xf32, #tpu.memory_space<vmem>>, vector<16xf32>,
      %add3A_242 = arith.constant 2 : i32
      %add3A_243 = vector.broadcast %add3A_242 : i32 to vector<16xi32>
      %add3A_244 = arith.addi %add3A_225, %add3A_243 : vector<16xi32>
      %gather3A_245 = tpu.vector_load_idx %arg6[%add3A_244] : memref<4960xf32, #tpu.memory_space<vmem>>[vector<16xi32>], vector<16xf32>,
      %swap3A_246 = arith.constant 25 : i32
      %swap3A_247 = arith.index_cast %swap3A_246 : i32 to index
      %swap3A_248 = arith.index_cast %mul3A_142 : i32 to index
      %swap3A_249 = tpu.vector_load %arg8[%swap3A_247, %swap3A_248] {strides = array<i32>} : memref<83x512xf32, #tpu.memory_space<vmem>>, vector<16xf32>,
      tpu.vector_store %arg8[%swap3A_247, %swap3A_248], %gather3A_245 {strides = array<i32>} : memref<83x512xf32, #tpu.memory_space<vmem>>, vector<16xf32>,
      %add3A_250 = arith.constant 3 : i32
      %add3A_251 = vector.broadcast %add3A_250 : i32 to vector<16xi32>
      %add3A_252 = arith.addi %add3A_225, %add3A_251 : vector<16xi32>
      %gather3A_253 = tpu.vector_load_idx %arg6[%add3A_252] : memref<4960xf32, #tpu.memory_space<vmem>>[vector<16xi32>], vector<16xf32>,
      %swap3A_254 = arith.constant 26 : i32
      %swap3A_255 = arith.index_cast %swap3A_254 : i32 to index
      %swap3A_256 = arith.index_cast %mul3A_142 : i32 to index
      %swap3A_257 = tpu.vector_load %arg8[%swap3A_255, %swap3A_256] {strides = array<i32>} : memref<83x512xf32, #tpu.memory_space<vmem>>, vector<16xf32>,
      tpu.vector_store %arg8[%swap3A_255, %swap3A_256], %gather3A_253 {strides = array<i32>} : memref<83x512xf32, #tpu.memory_space<vmem>>, vector<16xf32>,
      %add3A_258 = arith.constant 4 : i32
      %add3A_259 = vector.broadcast %add3A_258 : i32 to vector<16xi32>
      %add3A_260 = arith.addi %add3A_225, %add3A_259 : vector<16xi32>
      %gather3A_261 = tpu.vector_load_idx %arg6[%add3A_260] : memref<4960xf32, #tpu.memory_space<vmem>>[vector<16xi32>], vector<16xf32>,
      %swap3A_262 = arith.constant 27 : i32
      %swap3A_263 = arith.index_cast %swap3A_262 : i32 to index
      %swap3A_264 = arith.index_cast %mul3A_142 : i32 to index
      %swap3A_265 = tpu.vector_load %arg8[%swap3A_263, %swap3A_264] {strides = array<i32>} : memref<83x512xf32, #tpu.memory_space<vmem>>, vector<16xf32>,
      tpu.vector_store %arg8[%swap3A_263, %swap3A_264], %gather3A_261 {strides = array<i32>} : memref<83x512xf32, #tpu.memory_space<vmem>>, vector<16xf32>,
      %add3A_266 = arith.constant 5 : i32
      %add3A_267 = vector.broadcast %add3A_266 : i32 to vector<16xi32>
      %add3A_268 = arith.addi %add3A_225, %add3A_267 : vector<16xi32>
      %gather3A_269 = tpu.vector_load_idx %arg6[%add3A_268] : memref<4960xf32, #tpu.memory_space<vmem>>[vector<16xi32>], vector<16xf32>,
      %swap3A_270 = arith.constant 28 : i32
      %swap3A_271 = arith.index_cast %swap3A_270 : i32 to index
      %swap3A_272 = arith.index_cast %mul3A_142 : i32 to index
      %swap3A_273 = tpu.vector_load %arg8[%swap3A_271, %swap3A_272] {strides = array<i32>} : memref<83x512xf32, #tpu.memory_space<vmem>>, vector<16xf32>,
      tpu.vector_store %arg8[%swap3A_271, %swap3A_272], %gather3A_269 {strides = array<i32>} : memref<83x512xf32, #tpu.memory_space<vmem>>, vector<16xf32>,
      %add3A_274 = arith.constant 1536 : i32
      %add3A_275 = arith.addi %add3A_274, %mul3A_142 : i32
      %get3A_276 = arith.index_cast %add3A_275 : i32 to index
      %get3A_277 = tpu.vector_load %arg7[%get3A_276] {strides = array<i32>} : memref<2560xi32, #tpu.memory_space<vmem>>, vector<16xi32>,
      %mul3A_278 = arith.constant 4 : i32
      %mul3A_279 = vector.broadcast %mul3A_278 : i32 to vector<16xi32>
      %mul3A_280 = arith.muli %get3A_277, %mul3A_279 : vector<16xi32>
      %add3A_281 = arith.constant 128 : i32
      %add3A_282 = vector.broadcast %add3A_281 : i32 to vector<16xi32>
      %add3A_283 = arith.addi %mul3A_280, %add3A_282 : vector<16xi32>
      %add3A_284 = arith.constant 0 : i32
      %add3A_285 = vector.broadcast %add3A_284 : i32 to vector<16xi32>
      %add3A_286 = arith.addi %add3A_283, %add3A_285 : vector<16xi32>
      %gather3A_287 = tpu.vector_load_idx %arg6[%add3A_286] : memref<4960xf32, #tpu.memory_space<vmem>>[vector<16xi32>], vector<16xf32>,
      %swap3A_288 = arith.constant 29 : i32
      %swap3A_289 = arith.index_cast %swap3A_288 : i32 to index
      %swap3A_290 = arith.index_cast %mul3A_142 : i32 to index
      %swap3A_291 = tpu.vector_load %arg8[%swap3A_289, %swap3A_290] {strides = array<i32>} : memref<83x512xf32, #tpu.memory_space<vmem>>, vector<16xf32>,
      tpu.vector_store %arg8[%swap3A_289, %swap3A_290], %gather3A_287 {strides = array<i32>} : memref<83x512xf32, #tpu.memory_space<vmem>>, vector<16xf32>,
      %add3A_292 = arith.constant 1 : i32
      %add3A_293 = vector.broadcast %add3A_292 : i32 to vector<16xi32>
      %add3A_294 = arith.addi %add3A_283, %add3A_293 : vector<16xi32>
      %gather3A_295 = tpu.vector_load_idx %arg6[%add3A_294] : memref<4960xf32, #tpu.memory_space<vmem>>[vector<16xi32>], vector<16xf32>,
      %swap3A_296 = arith.constant 30 : i32
      %swap3A_297 = arith.index_cast %swap3A_296 : i32 to index
      %swap3A_298 = arith.index_cast %mul3A_142 : i32 to index
      %swap3A_299 = tpu.vector_load %arg8[%swap3A_297, %swap3A_298] {strides = array<i32>} : memref<83x512xf32, #tpu.memory_space<vmem>>, vector<16xf32>,
      tpu.vector_store %arg8[%swap3A_297, %swap3A_298], %gather3A_295 {strides = array<i32>} : memref<83x512xf32, #tpu.memory_space<vmem>>, vector<16xf32>,
      %add3A_300 = arith.constant 2 : i32
      %add3A_301 = vector.broadcast %add3A_300 : i32 to vector<16xi32>
      %add3A_302 = arith.addi %add3A_283, %add3A_301 : vector<16xi32>
      %gather3A_303 = tpu.vector_load_idx %arg6[%add3A_302] : memref<4960xf32, #tpu.memory_space<vmem>>[vector<16xi32>], vector<16xf32>,
      %swap3A_304 = arith.constant 31 : i32
      %swap3A_305 = arith.index_cast %swap3A_304 : i32 to index
      %swap3A_306 = arith.index_cast %mul3A_142 : i32 to index
      %swap3A_307 = tpu.vector_load %arg8[%swap3A_305, %swap3A_306] {strides = array<i32>} : memref<83x512xf32, #tpu.memory_space<vmem>>, vector<16xf32>,
      tpu.vector_store %arg8[%swap3A_305, %swap3A_306], %gather3A_303 {strides = array<i32>} : memref<83x512xf32, #tpu.memory_space<vmem>>, vector<16xf32>,
      %add3A_308 = arith.constant 3 : i32
      %add3A_309 = vector.broadcast %add3A_308 : i32 to vector<16xi32>
      %add3A_310 = arith.addi %add3A_283, %add3A_309 : vector<16xi32>
      %gather3A_311 = tpu.vector_load_idx %arg6[%add3A_310] : memref<4960xf32, #tpu.memory_space<vmem>>[vector<16xi32>], vector<16xf32>,
      %swap3A_312 = arith.constant 32 : i32
      %swap3A_313 = arith.index_cast %swap3A_312 : i32 to index
      %swap3A_314 = arith.index_cast %mul3A_142 : i32 to index
      %swap3A_315 = tpu.vector_load %arg8[%swap3A_313, %swap3A_314] {strides = array<i32>} : memref<83x512xf32, #tpu.memory_space<vmem>>, vector<16xf32>,
      tpu.vector_store %arg8[%swap3A_313, %swap3A_314], %gather3A_311 {strides = array<i32>} : memref<83x512xf32, #tpu.memory_space<vmem>>, vector<16xf32>,
      %add3A_316 = arith.constant 2048 : i32
      %add3A_317 = arith.addi %add3A_316, %mul3A_142 : i32
      %get3A_318 = arith.index_cast %add3A_317 : i32 to index
      %get3A_319 = tpu.vector_load %arg7[%get3A_318] {strides = array<i32>} : memref<2560xi32, #tpu.memory_space<vmem>>, vector<16xi32>,
      %mul3A_320 = arith.constant 50 : i32
      %mul3A_321 = vector.broadcast %mul3A_320 : i32 to vector<16xi32>
      %mul3A_322 = arith.muli %get3A_319, %mul3A_321 : vector<16xi32>
      %add3A_323 = arith.constant 160 : i32
      %add3A_324 = vector.broadcast %add3A_323 : i32 to vector<16xi32>
      %add3A_325 = arith.addi %mul3A_322, %add3A_324 : vector<16xi32>
      %add3A_326 = arith.constant 0 : i32
      %add3A_327 = vector.broadcast %add3A_326 : i32 to vector<16xi32>
      %add3A_328 = arith.addi %add3A_325, %add3A_327 : vector<16xi32>
      %gather3A_329 = tpu.vector_load_idx %arg6[%add3A_328] : memref<4960xf32, #tpu.memory_space<vmem>>[vector<16xi32>], vector<16xf32>,
      %swap3A_330 = arith.constant 33 : i32
      %swap3A_331 = arith.index_cast %swap3A_330 : i32 to index
      %swap3A_332 = arith.index_cast %mul3A_142 : i32 to index
      %swap3A_333 = tpu.vector_load %arg8[%swap3A_331, %swap3A_332] {strides = array<i32>} : memref<83x512xf32, #tpu.memory_space<vmem>>, vector<16xf32>,
      tpu.vector_store %arg8[%swap3A_331, %swap3A_332], %gather3A_329 {strides = array<i32>} : memref<83x512xf32, #tpu.memory_space<vmem>>, vector<16xf32>,
      %add3A_334 = arith.constant 1 : i32
      %add3A_335 = vector.broadcast %add3A_334 : i32 to vector<16xi32>
      %add3A_336 = arith.addi %add3A_325, %add3A_335 : vector<16xi32>
      %gather3A_337 = tpu.vector_load_idx %arg6[%add3A_336] : memref<4960xf32, #tpu.memory_space<vmem>>[vector<16xi32>], vector<16xf32>,
      %swap3A_338 = arith.constant 34 : i32
      %swap3A_339 = arith.index_cast %swap3A_338 : i32 to index
      %swap3A_340 = arith.index_cast %mul3A_142 : i32 to index
      %swap3A_341 = tpu.vector_load %arg8[%swap3A_339, %swap3A_340] {strides = array<i32>} : memref<83x512xf32, #tpu.memory_space<vmem>>, vector<16xf32>,
      tpu.vector_store %arg8[%swap3A_339, %swap3A_340], %gather3A_337 {strides = array<i32>} : memref<83x512xf32, #tpu.memory_space<vmem>>, vector<16xf32>,
      %add3A_342 = arith.constant 2 : i32
      %add3A_343 = vector.broadcast %add3A_342 : i32 to vector<16xi32>
      %add3A_344 = arith.addi %add3A_325, %add3A_343 : vector<16xi32>
      %gather3A_345 = tpu.vector_load_idx %arg6[%add3A_344] : memref<4960xf32, #tpu.memory_space<vmem>>[vector<16xi32>], vector<16xf32>,
      %swap3A_346 = arith.constant 35 : i32
      %swap3A_347 = arith.index_cast %swap3A_346 : i32 to index
      %swap3A_348 = arith.index_cast %mul3A_142 : i32 to index
      %swap3A_349 = tpu.vector_load %arg8[%swap3A_347, %swap3A_348] {strides = array<i32>} : memref<83x512xf32, #tpu.memory_space<vmem>>, vector<16xf32>,
      tpu.vector_store %arg8[%swap3A_347, %swap3A_348], %gather3A_345 {strides = array<i32>} : memref<83x512xf32, #tpu.memory_space<vmem>>, vector<16xf32>,
      %add3A_350 = arith.constant 3 : i32
      %add3A_351 = vector.broadcast %add3A_350 : i32 to vector<16xi32>
      %add3A_352 = arith.addi %add3A_325, %add3A_351 : vector<16xi32>
      %gather3A_353 = tpu.vector_load_idx %arg6[%add3A_352] : memref<4960xf32, #tpu.memory_space<vmem>>[vector<16xi32>], vector<16xf32>,
      %swap3A_354 = arith.constant 36 : i32
      %swap3A_355 = arith.index_cast %swap3A_354 : i32 to index
      %swap3A_356 = arith.index_cast %mul3A_142 : i32 to index
      %swap3A_357 = tpu.vector_load %arg8[%swap3A_355, %swap3A_356] {strides = array<i32>} : memref<83x512xf32, #tpu.memory_space<vmem>>, vector<16xf32>,
      tpu.vector_store %arg8[%swap3A_355, %swap3A_356], %gather3A_353 {strides = array<i32>} : memref<83x512xf32, #tpu.memory_space<vmem>>, vector<16xf32>,
      %add3A_358 = arith.constant 4 : i32
      %add3A_359 = vector.broadcast %add3A_358 : i32 to vector<16xi32>
      %add3A_360 = arith.addi %add3A_325, %add3A_359 : vector<16xi32>
      %gather3A_361 = tpu.vector_load_idx %arg6[%add3A_360] : memref<4960xf32, #tpu.memory_space<vmem>>[vector<16xi32>], vector<16xf32>,
      %swap3A_362 = arith.constant 37 : i32
      %swap3A_363 = arith.index_cast %swap3A_362 : i32 to index
      %swap3A_364 = arith.index_cast %mul3A_142 : i32 to index
      %swap3A_365 = tpu.vector_load %arg8[%swap3A_363, %swap3A_364] {strides = array<i32>} : memref<83x512xf32, #tpu.memory_space<vmem>>, vector<16xf32>,
      tpu.vector_store %arg8[%swap3A_363, %swap3A_364], %gather3A_361 {strides = array<i32>} : memref<83x512xf32, #tpu.memory_space<vmem>>, vector<16xf32>,
      %add3A_366 = arith.constant 5 : i32
      %add3A_367 = vector.broadcast %add3A_366 : i32 to vector<16xi32>
      %add3A_368 = arith.addi %add3A_325, %add3A_367 : vector<16xi32>
      %gather3A_369 = tpu.vector_load_idx %arg6[%add3A_368] : memref<4960xf32, #tpu.memory_space<vmem>>[vector<16xi32>], vector<16xf32>,
      %swap3A_370 = arith.constant 38 : i32
      %swap3A_371 = arith.index_cast %swap3A_370 : i32 to index
      %swap3A_372 = arith.index_cast %mul3A_142 : i32 to index
      %swap3A_373 = tpu.vector_load %arg8[%swap3A_371, %swap3A_372] {strides = array<i32>} : memref<83x512xf32, #tpu.memory_space<vmem>>, vector<16xf32>,
      tpu.vector_store %arg8[%swap3A_371, %swap3A_372], %gather3A_369 {strides = array<i32>} : memref<83x512xf32, #tpu.memory_space<vmem>>, vector<16xf32>,
      %add3A_374 = arith.constant 6 : i32
      %add3A_375 = vector.broadcast %add3A_374 : i32 to vector<16xi32>
      %add3A_376 = arith.addi %add3A_325, %add3A_375 : vector<16xi32>
      %gather3A_377 = tpu.vector_load_idx %arg6[%add3A_376] : memref<4960xf32, #tpu.memory_space<vmem>>[vector<16xi32>], vector<16xf32>,
      %swap3A_378 = arith.constant 39 : i32
      %swap3A_379 = arith.index_cast %swap3A_378 : i32 to index
      %swap3A_380 = arith.index_cast %mul3A_142 : i32 to index
      %swap3A_381 = tpu.vector_load %arg8[%swap3A_379, %swap3A_380] {strides = array<i32>} : memref<83x512xf32, #tpu.memory_space<vmem>>, vector<16xf32>,
      tpu.vector_store %arg8[%swap3A_379, %swap3A_380], %gather3A_377 {strides = array<i32>} : memref<83x512xf32, #tpu.memory_space<vmem>>, vector<16xf32>,
      %add3A_382 = arith.constant 7 : i32
      %add3A_383 = vector.broadcast %add3A_382 : i32 to vector<16xi32>
      %add3A_384 = arith.addi %add3A_325, %add3A_383 : vector<16xi32>
      %gather3A_385 = tpu.vector_load_idx %arg6[%add3A_384] : memref<4960xf32, #tpu.memory_space<vmem>>[vector<16xi32>], vector<16xf32>,
      %swap3A_386 = arith.constant 40 : i32
      %swap3A_387 = arith.index_cast %swap3A_386 : i32 to index
      %swap3A_388 = arith.index_cast %mul3A_142 : i32 to index
      %swap3A_389 = tpu.vector_load %arg8[%swap3A_387, %swap3A_388] {strides = array<i32>} : memref<83x512xf32, #tpu.memory_space<vmem>>, vector<16xf32>,
      tpu.vector_store %arg8[%swap3A_387, %swap3A_388], %gather3A_385 {strides = array<i32>} : memref<83x512xf32, #tpu.memory_space<vmem>>, vector<16xf32>,
      %add3A_390 = arith.constant 8 : i32
      %add3A_391 = vector.broadcast %add3A_390 : i32 to vector<16xi32>
      %add3A_392 = arith.addi %add3A_325, %add3A_391 : vector<16xi32>
      %gather3A_393 = tpu.vector_load_idx %arg6[%add3A_392] : memref<4960xf32, #tpu.memory_space<vmem>>[vector<16xi32>], vector<16xf32>,
      %swap3A_394 = arith.constant 41 : i32
      %swap3A_395 = arith.index_cast %swap3A_394 : i32 to index
      %swap3A_396 = arith.index_cast %mul3A_142 : i32 to index
      %swap3A_397 = tpu.vector_load %arg8[%swap3A_395, %swap3A_396] {strides = array<i32>} : memref<83x512xf32, #tpu.memory_space<vmem>>, vector<16xf32>,
      tpu.vector_store %arg8[%swap3A_395, %swap3A_396], %gather3A_393 {strides = array<i32>} : memref<83x512xf32, #tpu.memory_space<vmem>>, vector<16xf32>,
      %add3A_398 = arith.constant 9 : i32
      %add3A_399 = vector.broadcast %add3A_398 : i32 to vector<16xi32>
      %add3A_400 = arith.addi %add3A_325, %add3A_399 : vector<16xi32>
      %gather3A_401 = tpu.vector_load_idx %arg6[%add3A_400] : memref<4960xf32, #tpu.memory_space<vmem>>[vector<16xi32>], vector<16xf32>,
      %swap3A_402 = arith.constant 42 : i32
      %swap3A_403 = arith.index_cast %swap3A_402 : i32 to index
      %swap3A_404 = arith.index_cast %mul3A_142 : i32 to index
      %swap3A_405 = tpu.vector_load %arg8[%swap3A_403, %swap3A_404] {strides = array<i32>} : memref<83x512xf32, #tpu.memory_space<vmem>>, vector<16xf32>,
      tpu.vector_store %arg8[%swap3A_403, %swap3A_404], %gather3A_401 {strides = array<i32>} : memref<83x512xf32, #tpu.memory_space<vmem>>, vector<16xf32>,
      %add3A_406 = arith.constant 10 : i32
      %add3A_407 = vector.broadcast %add3A_406 : i32 to vector<16xi32>
      %add3A_408 = arith.addi %add3A_325, %add3A_407 : vector<16xi32>
      %gather3A_409 = tpu.vector_load_idx %arg6[%add3A_408] : memref<4960xf32, #tpu.memory_space<vmem>>[vector<16xi32>], vector<16xf32>,
      %swap3A_410 = arith.constant 43 : i32
      %swap3A_411 = arith.index_cast %swap3A_410 : i32 to index
      %swap3A_412 = arith.index_cast %mul3A_142 : i32 to index
      %swap3A_413 = tpu.vector_load %arg8[%swap3A_411, %swap3A_412] {strides = array<i32>} : memref<83x512xf32, #tpu.memory_space<vmem>>, vector<16xf32>,
      tpu.vector_store %arg8[%swap3A_411, %swap3A_412], %gather3A_409 {strides = array<i32>} : memref<83x512xf32, #tpu.memory_space<vmem>>, vector<16xf32>,
      %add3A_414 = arith.constant 11 : i32
      %add3A_415 = vector.broadcast %add3A_414 : i32 to vector<16xi32>
      %add3A_416 = arith.addi %add3A_325, %add3A_415 : vector<16xi32>
      %gather3A_417 = tpu.vector_load_idx %arg6[%add3A_416] : memref<4960xf32, #tpu.memory_space<vmem>>[vector<16xi32>], vector<16xf32>,
      %swap3A_418 = arith.constant 44 : i32
      %swap3A_419 = arith.index_cast %swap3A_418 : i32 to index
      %swap3A_420 = arith.index_cast %mul3A_142 : i32 to index
      %swap3A_421 = tpu.vector_load %arg8[%swap3A_419, %swap3A_420] {strides = array<i32>} : memref<83x512xf32, #tpu.memory_space<vmem>>, vector<16xf32>,
      tpu.vector_store %arg8[%swap3A_419, %swap3A_420], %gather3A_417 {strides = array<i32>} : memref<83x512xf32, #tpu.memory_space<vmem>>, vector<16xf32>,
      %add3A_422 = arith.constant 12 : i32
      %add3A_423 = vector.broadcast %add3A_422 : i32 to vector<16xi32>
      %add3A_424 = arith.addi %add3A_325, %add3A_423 : vector<16xi32>
      %gather3A_425 = tpu.vector_load_idx %arg6[%add3A_424] : memref<4960xf32, #tpu.memory_space<vmem>>[vector<16xi32>], vector<16xf32>,
      %swap3A_426 = arith.constant 45 : i32
      %swap3A_427 = arith.index_cast %swap3A_426 : i32 to index
      %swap3A_428 = arith.index_cast %mul3A_142 : i32 to index
      %swap3A_429 = tpu.vector_load %arg8[%swap3A_427, %swap3A_428] {strides = array<i32>} : memref<83x512xf32, #tpu.memory_space<vmem>>, vector<16xf32>,
      tpu.vector_store %arg8[%swap3A_427, %swap3A_428], %gather3A_425 {strides = array<i32>} : memref<83x512xf32, #tpu.memory_space<vmem>>, vector<16xf32>,
      %add3A_430 = arith.constant 13 : i32
      %add3A_431 = vector.broadcast %add3A_430 : i32 to vector<16xi32>
      %add3A_432 = arith.addi %add3A_325, %add3A_431 : vector<16xi32>
      %gather3A_433 = tpu.vector_load_idx %arg6[%add3A_432] : memref<4960xf32, #tpu.memory_space<vmem>>[vector<16xi32>], vector<16xf32>,
      %swap3A_434 = arith.constant 46 : i32
      %swap3A_435 = arith.index_cast %swap3A_434 : i32 to index
      %swap3A_436 = arith.index_cast %mul3A_142 : i32 to index
      %swap3A_437 = tpu.vector_load %arg8[%swap3A_435, %swap3A_436] {strides = array<i32>} : memref<83x512xf32, #tpu.memory_space<vmem>>, vector<16xf32>,
      tpu.vector_store %arg8[%swap3A_435, %swap3A_436], %gather3A_433 {strides = array<i32>} : memref<83x512xf32, #tpu.memory_space<vmem>>, vector<16xf32>,
      %add3A_438 = arith.constant 14 : i32
      %add3A_439 = vector.broadcast %add3A_438 : i32 to vector<16xi32>
      %add3A_440 = arith.addi %add3A_325, %add3A_439 : vector<16xi32>
      %gather3A_441 = tpu.vector_load_idx %arg6[%add3A_440] : memref<4960xf32, #tpu.memory_space<vmem>>[vector<16xi32>], vector<16xf32>,
      %swap3A_442 = arith.constant 47 : i32
      %swap3A_443 = arith.index_cast %swap3A_442 : i32 to index
      %swap3A_444 = arith.index_cast %mul3A_142 : i32 to index
      %swap3A_445 = tpu.vector_load %arg8[%swap3A_443, %swap3A_444] {strides = array<i32>} : memref<83x512xf32, #tpu.memory_space<vmem>>, vector<16xf32>,
      tpu.vector_store %arg8[%swap3A_443, %swap3A_444], %gather3A_441 {strides = array<i32>} : memref<83x512xf32, #tpu.memory_space<vmem>>, vector<16xf32>,
      %add3A_446 = arith.constant 15 : i32
      %add3A_447 = vector.broadcast %add3A_446 : i32 to vector<16xi32>
      %add3A_448 = arith.addi %add3A_325, %add3A_447 : vector<16xi32>
      %gather3A_449 = tpu.vector_load_idx %arg6[%add3A_448] : memref<4960xf32, #tpu.memory_space<vmem>>[vector<16xi32>], vector<16xf32>,
      %swap3A_450 = arith.constant 48 : i32
      %swap3A_451 = arith.index_cast %swap3A_450 : i32 to index
      %swap3A_452 = arith.index_cast %mul3A_142 : i32 to index
      %swap3A_453 = tpu.vector_load %arg8[%swap3A_451, %swap3A_452] {strides = array<i32>} : memref<83x512xf32, #tpu.memory_space<vmem>>, vector<16xf32>,
      tpu.vector_store %arg8[%swap3A_451, %swap3A_452], %gather3A_449 {strides = array<i32>} : memref<83x512xf32, #tpu.memory_space<vmem>>, vector<16xf32>,
      %add3A_454 = arith.constant 16 : i32
      %add3A_455 = vector.broadcast %add3A_454 : i32 to vector<16xi32>
      %add3A_456 = arith.addi %add3A_325, %add3A_455 : vector<16xi32>
      %gather3A_457 = tpu.vector_load_idx %arg6[%add3A_456] : memref<4960xf32, #tpu.memory_space<vmem>>[vector<16xi32>], vector<16xf32>,
      %swap3A_458 = arith.constant 49 : i32
      %swap3A_459 = arith.index_cast %swap3A_458 : i32 to index
      %swap3A_460 = arith.index_cast %mul3A_142 : i32 to index
      %swap3A_461 = tpu.vector_load %arg8[%swap3A_459, %swap3A_460] {strides = array<i32>} : memref<83x512xf32, #tpu.memory_space<vmem>>, vector<16xf32>,
      tpu.vector_store %arg8[%swap3A_459, %swap3A_460], %gather3A_457 {strides = array<i32>} : memref<83x512xf32, #tpu.memory_space<vmem>>, vector<16xf32>,
      %add3A_462 = arith.constant 17 : i32
      %add3A_463 = vector.broadcast %add3A_462 : i32 to vector<16xi32>
      %add3A_464 = arith.addi %add3A_325, %add3A_463 : vector<16xi32>
      %gather3A_465 = tpu.vector_load_idx %arg6[%add3A_464] : memref<4960xf32, #tpu.memory_space<vmem>>[vector<16xi32>], vector<16xf32>,
      %swap3A_466 = arith.constant 50 : i32
      %swap3A_467 = arith.index_cast %swap3A_466 : i32 to index
      %swap3A_468 = arith.index_cast %mul3A_142 : i32 to index
      %swap3A_469 = tpu.vector_load %arg8[%swap3A_467, %swap3A_468] {strides = array<i32>} : memref<83x512xf32, #tpu.memory_space<vmem>>, vector<16xf32>,
      tpu.vector_store %arg8[%swap3A_467, %swap3A_468], %gather3A_465 {strides = array<i32>} : memref<83x512xf32, #tpu.memory_space<vmem>>, vector<16xf32>,
      %add3A_470 = arith.constant 18 : i32
      %add3A_471 = vector.broadcast %add3A_470 : i32 to vector<16xi32>
      %add3A_472 = arith.addi %add3A_325, %add3A_471 : vector<16xi32>
      %gather3A_473 = tpu.vector_load_idx %arg6[%add3A_472] : memref<4960xf32, #tpu.memory_space<vmem>>[vector<16xi32>], vector<16xf32>,
      %swap3A_474 = arith.constant 51 : i32
      %swap3A_475 = arith.index_cast %swap3A_474 : i32 to index
      %swap3A_476 = arith.index_cast %mul3A_142 : i32 to index
      %swap3A_477 = tpu.vector_load %arg8[%swap3A_475, %swap3A_476] {strides = array<i32>} : memref<83x512xf32, #tpu.memory_space<vmem>>, vector<16xf32>,
      tpu.vector_store %arg8[%swap3A_475, %swap3A_476], %gather3A_473 {strides = array<i32>} : memref<83x512xf32, #tpu.memory_space<vmem>>, vector<16xf32>,
      %add3A_478 = arith.constant 19 : i32
      %add3A_479 = vector.broadcast %add3A_478 : i32 to vector<16xi32>
      %add3A_480 = arith.addi %add3A_325, %add3A_479 : vector<16xi32>
      %gather3A_481 = tpu.vector_load_idx %arg6[%add3A_480] : memref<4960xf32, #tpu.memory_space<vmem>>[vector<16xi32>], vector<16xf32>,
      %swap3A_482 = arith.constant 52 : i32
      %swap3A_483 = arith.index_cast %swap3A_482 : i32 to index
      %swap3A_484 = arith.index_cast %mul3A_142 : i32 to index
      %swap3A_485 = tpu.vector_load %arg8[%swap3A_483, %swap3A_484] {strides = array<i32>} : memref<83x512xf32, #tpu.memory_space<vmem>>, vector<16xf32>,
      tpu.vector_store %arg8[%swap3A_483, %swap3A_484], %gather3A_481 {strides = array<i32>} : memref<83x512xf32, #tpu.memory_space<vmem>>, vector<16xf32>,
      %add3A_486 = arith.constant 20 : i32
      %add3A_487 = vector.broadcast %add3A_486 : i32 to vector<16xi32>
      %add3A_488 = arith.addi %add3A_325, %add3A_487 : vector<16xi32>
      %gather3A_489 = tpu.vector_load_idx %arg6[%add3A_488] : memref<4960xf32, #tpu.memory_space<vmem>>[vector<16xi32>], vector<16xf32>,
      %swap3A_490 = arith.constant 53 : i32
      %swap3A_491 = arith.index_cast %swap3A_490 : i32 to index
      %swap3A_492 = arith.index_cast %mul3A_142 : i32 to index
      %swap3A_493 = tpu.vector_load %arg8[%swap3A_491, %swap3A_492] {strides = array<i32>} : memref<83x512xf32, #tpu.memory_space<vmem>>, vector<16xf32>,
      tpu.vector_store %arg8[%swap3A_491, %swap3A_492], %gather3A_489 {strides = array<i32>} : memref<83x512xf32, #tpu.memory_space<vmem>>, vector<16xf32>,
      %add3A_494 = arith.constant 21 : i32
      %add3A_495 = vector.broadcast %add3A_494 : i32 to vector<16xi32>
      %add3A_496 = arith.addi %add3A_325, %add3A_495 : vector<16xi32>
      %gather3A_497 = tpu.vector_load_idx %arg6[%add3A_496] : memref<4960xf32, #tpu.memory_space<vmem>>[vector<16xi32>], vector<16xf32>,
      %swap3A_498 = arith.constant 54 : i32
      %swap3A_499 = arith.index_cast %swap3A_498 : i32 to index
      %swap3A_500 = arith.index_cast %mul3A_142 : i32 to index
      %swap3A_501 = tpu.vector_load %arg8[%swap3A_499, %swap3A_500] {strides = array<i32>} : memref<83x512xf32, #tpu.memory_space<vmem>>, vector<16xf32>,
      tpu.vector_store %arg8[%swap3A_499, %swap3A_500], %gather3A_497 {strides = array<i32>} : memref<83x512xf32, #tpu.memory_space<vmem>>, vector<16xf32>,
      %add3A_502 = arith.constant 22 : i32
      %add3A_503 = vector.broadcast %add3A_502 : i32 to vector<16xi32>
      %add3A_504 = arith.addi %add3A_325, %add3A_503 : vector<16xi32>
      %gather3A_505 = tpu.vector_load_idx %arg6[%add3A_504] : memref<4960xf32, #tpu.memory_space<vmem>>[vector<16xi32>], vector<16xf32>,
      %swap3A_506 = arith.constant 55 : i32
      %swap3A_507 = arith.index_cast %swap3A_506 : i32 to index
      %swap3A_508 = arith.index_cast %mul3A_142 : i32 to index
      %swap3A_509 = tpu.vector_load %arg8[%swap3A_507, %swap3A_508] {strides = array<i32>} : memref<83x512xf32, #tpu.memory_space<vmem>>, vector<16xf32>,
      tpu.vector_store %arg8[%swap3A_507, %swap3A_508], %gather3A_505 {strides = array<i32>} : memref<83x512xf32, #tpu.memory_space<vmem>>, vector<16xf32>,
      %add3A_510 = arith.constant 23 : i32
      %add3A_511 = vector.broadcast %add3A_510 : i32 to vector<16xi32>
      %add3A_512 = arith.addi %add3A_325, %add3A_511 : vector<16xi32>
      %gather3A_513 = tpu.vector_load_idx %arg6[%add3A_512] : memref<4960xf32, #tpu.memory_space<vmem>>[vector<16xi32>], vector<16xf32>,
      %swap3A_514 = arith.constant 56 : i32
      %swap3A_515 = arith.index_cast %swap3A_514 : i32 to index
      %swap3A_516 = arith.index_cast %mul3A_142 : i32 to index
      %swap3A_517 = tpu.vector_load %arg8[%swap3A_515, %swap3A_516] {strides = array<i32>} : memref<83x512xf32, #tpu.memory_space<vmem>>, vector<16xf32>,
      tpu.vector_store %arg8[%swap3A_515, %swap3A_516], %gather3A_513 {strides = array<i32>} : memref<83x512xf32, #tpu.memory_space<vmem>>, vector<16xf32>,
      %add3A_518 = arith.constant 24 : i32
      %add3A_519 = vector.broadcast %add3A_518 : i32 to vector<16xi32>
      %add3A_520 = arith.addi %add3A_325, %add3A_519 : vector<16xi32>
      %gather3A_521 = tpu.vector_load_idx %arg6[%add3A_520] : memref<4960xf32, #tpu.memory_space<vmem>>[vector<16xi32>], vector<16xf32>,
      %swap3A_522 = arith.constant 57 : i32
      %swap3A_523 = arith.index_cast %swap3A_522 : i32 to index
      %swap3A_524 = arith.index_cast %mul3A_142 : i32 to index
      %swap3A_525 = tpu.vector_load %arg8[%swap3A_523, %swap3A_524] {strides = array<i32>} : memref<83x512xf32, #tpu.memory_space<vmem>>, vector<16xf32>,
      tpu.vector_store %arg8[%swap3A_523, %swap3A_524], %gather3A_521 {strides = array<i32>} : memref<83x512xf32, #tpu.memory_space<vmem>>, vector<16xf32>,
      %add3A_526 = arith.constant 25 : i32
      %add3A_527 = vector.broadcast %add3A_526 : i32 to vector<16xi32>
      %add3A_528 = arith.addi %add3A_325, %add3A_527 : vector<16xi32>
      %gather3A_529 = tpu.vector_load_idx %arg6[%add3A_528] : memref<4960xf32, #tpu.memory_space<vmem>>[vector<16xi32>], vector<16xf32>,
      %swap3A_530 = arith.constant 58 : i32
      %swap3A_531 = arith.index_cast %swap3A_530 : i32 to index
      %swap3A_532 = arith.index_cast %mul3A_142 : i32 to index
      %swap3A_533 = tpu.vector_load %arg8[%swap3A_531, %swap3A_532] {strides = array<i32>} : memref<83x512xf32, #tpu.memory_space<vmem>>, vector<16xf32>,
      tpu.vector_store %arg8[%swap3A_531, %swap3A_532], %gather3A_529 {strides = array<i32>} : memref<83x512xf32, #tpu.memory_space<vmem>>, vector<16xf32>,
      %add3A_534 = arith.constant 26 : i32
      %add3A_535 = vector.broadcast %add3A_534 : i32 to vector<16xi32>
      %add3A_536 = arith.addi %add3A_325, %add3A_535 : vector<16xi32>
      %gather3A_537 = tpu.vector_load_idx %arg6[%add3A_536] : memref<4960xf32, #tpu.memory_space<vmem>>[vector<16xi32>], vector<16xf32>,
      %swap3A_538 = arith.constant 59 : i32
      %swap3A_539 = arith.index_cast %swap3A_538 : i32 to index
      %swap3A_540 = arith.index_cast %mul3A_142 : i32 to index
      %swap3A_541 = tpu.vector_load %arg8[%swap3A_539, %swap3A_540] {strides = array<i32>} : memref<83x512xf32, #tpu.memory_space<vmem>>, vector<16xf32>,
      tpu.vector_store %arg8[%swap3A_539, %swap3A_540], %gather3A_537 {strides = array<i32>} : memref<83x512xf32, #tpu.memory_space<vmem>>, vector<16xf32>,
      %add3A_542 = arith.constant 27 : i32
      %add3A_543 = vector.broadcast %add3A_542 : i32 to vector<16xi32>
      %add3A_544 = arith.addi %add3A_325, %add3A_543 : vector<16xi32>
      %gather3A_545 = tpu.vector_load_idx %arg6[%add3A_544] : memref<4960xf32, #tpu.memory_space<vmem>>[vector<16xi32>], vector<16xf32>,
      %swap3A_546 = arith.constant 60 : i32
      %swap3A_547 = arith.index_cast %swap3A_546 : i32 to index
      %swap3A_548 = arith.index_cast %mul3A_142 : i32 to index
      %swap3A_549 = tpu.vector_load %arg8[%swap3A_547, %swap3A_548] {strides = array<i32>} : memref<83x512xf32, #tpu.memory_space<vmem>>, vector<16xf32>,
      tpu.vector_store %arg8[%swap3A_547, %swap3A_548], %gather3A_545 {strides = array<i32>} : memref<83x512xf32, #tpu.memory_space<vmem>>, vector<16xf32>,
      %add3A_550 = arith.constant 28 : i32
      %add3A_551 = vector.broadcast %add3A_550 : i32 to vector<16xi32>
      %add3A_552 = arith.addi %add3A_325, %add3A_551 : vector<16xi32>
      %gather3A_553 = tpu.vector_load_idx %arg6[%add3A_552] : memref<4960xf32, #tpu.memory_space<vmem>>[vector<16xi32>], vector<16xf32>,
      %swap3A_554 = arith.constant 61 : i32
      %swap3A_555 = arith.index_cast %swap3A_554 : i32 to index
      %swap3A_556 = arith.index_cast %mul3A_142 : i32 to index
      %swap3A_557 = tpu.vector_load %arg8[%swap3A_555, %swap3A_556] {strides = array<i32>} : memref<83x512xf32, #tpu.memory_space<vmem>>, vector<16xf32>,
      tpu.vector_store %arg8[%swap3A_555, %swap3A_556], %gather3A_553 {strides = array<i32>} : memref<83x512xf32, #tpu.memory_space<vmem>>, vector<16xf32>,
      %add3A_558 = arith.constant 29 : i32
      %add3A_559 = vector.broadcast %add3A_558 : i32 to vector<16xi32>
      %add3A_560 = arith.addi %add3A_325, %add3A_559 : vector<16xi32>
      %gather3A_561 = tpu.vector_load_idx %arg6[%add3A_560] : memref<4960xf32, #tpu.memory_space<vmem>>[vector<16xi32>], vector<16xf32>,
      %swap3A_562 = arith.constant 62 : i32
      %swap3A_563 = arith.index_cast %swap3A_562 : i32 to index
      %swap3A_564 = arith.index_cast %mul3A_142 : i32 to index
      %swap3A_565 = tpu.vector_load %arg8[%swap3A_563, %swap3A_564] {strides = array<i32>} : memref<83x512xf32, #tpu.memory_space<vmem>>, vector<16xf32>,
      tpu.vector_store %arg8[%swap3A_563, %swap3A_564], %gather3A_561 {strides = array<i32>} : memref<83x512xf32, #tpu.memory_space<vmem>>, vector<16xf32>,
      %add3A_566 = arith.constant 30 : i32
      %add3A_567 = vector.broadcast %add3A_566 : i32 to vector<16xi32>
      %add3A_568 = arith.addi %add3A_325, %add3A_567 : vector<16xi32>
      %gather3A_569 = tpu.vector_load_idx %arg6[%add3A_568] : memref<4960xf32, #tpu.memory_space<vmem>>[vector<16xi32>], vector<16xf32>,
      %swap3A_570 = arith.constant 63 : i32
      %swap3A_571 = arith.index_cast %swap3A_570 : i32 to index
      %swap3A_572 = arith.index_cast %mul3A_142 : i32 to index
      %swap3A_573 = tpu.vector_load %arg8[%swap3A_571, %swap3A_572] {strides = array<i32>} : memref<83x512xf32, #tpu.memory_space<vmem>>, vector<16xf32>,
      tpu.vector_store %arg8[%swap3A_571, %swap3A_572], %gather3A_569 {strides = array<i32>} : memref<83x512xf32, #tpu.memory_space<vmem>>, vector<16xf32>,
      %add3A_574 = arith.constant 31 : i32
      %add3A_575 = vector.broadcast %add3A_574 : i32 to vector<16xi32>
      %add3A_576 = arith.addi %add3A_325, %add3A_575 : vector<16xi32>
      %gather3A_577 = tpu.vector_load_idx %arg6[%add3A_576] : memref<4960xf32, #tpu.memory_space<vmem>>[vector<16xi32>], vector<16xf32>,
      %swap3A_578 = arith.constant 64 : i32
      %swap3A_579 = arith.index_cast %swap3A_578 : i32 to index
      %swap3A_580 = arith.index_cast %mul3A_142 : i32 to index
      %swap3A_581 = tpu.vector_load %arg8[%swap3A_579, %swap3A_580] {strides = array<i32>} : memref<83x512xf32, #tpu.memory_space<vmem>>, vector<16xf32>,
      tpu.vector_store %arg8[%swap3A_579, %swap3A_580], %gather3A_577 {strides = array<i32>} : memref<83x512xf32, #tpu.memory_space<vmem>>, vector<16xf32>,
      %add3A_582 = arith.constant 32 : i32
      %add3A_583 = vector.broadcast %add3A_582 : i32 to vector<16xi32>
      %add3A_584 = arith.addi %add3A_325, %add3A_583 : vector<16xi32>
      %gather3A_585 = tpu.vector_load_idx %arg6[%add3A_584] : memref<4960xf32, #tpu.memory_space<vmem>>[vector<16xi32>], vector<16xf32>,
      %swap3A_586 = arith.constant 65 : i32
      %swap3A_587 = arith.index_cast %swap3A_586 : i32 to index
      %swap3A_588 = arith.index_cast %mul3A_142 : i32 to index
      %swap3A_589 = tpu.vector_load %arg8[%swap3A_587, %swap3A_588] {strides = array<i32>} : memref<83x512xf32, #tpu.memory_space<vmem>>, vector<16xf32>,
      tpu.vector_store %arg8[%swap3A_587, %swap3A_588], %gather3A_585 {strides = array<i32>} : memref<83x512xf32, #tpu.memory_space<vmem>>, vector<16xf32>,
      %add3A_590 = arith.constant 33 : i32
      %add3A_591 = vector.broadcast %add3A_590 : i32 to vector<16xi32>
      %add3A_592 = arith.addi %add3A_325, %add3A_591 : vector<16xi32>
      %gather3A_593 = tpu.vector_load_idx %arg6[%add3A_592] : memref<4960xf32, #tpu.memory_space<vmem>>[vector<16xi32>], vector<16xf32>,
      %swap3A_594 = arith.constant 66 : i32
      %swap3A_595 = arith.index_cast %swap3A_594 : i32 to index
      %swap3A_596 = arith.index_cast %mul3A_142 : i32 to index
      %swap3A_597 = tpu.vector_load %arg8[%swap3A_595, %swap3A_596] {strides = array<i32>} : memref<83x512xf32, #tpu.memory_space<vmem>>, vector<16xf32>,
      tpu.vector_store %arg8[%swap3A_595, %swap3A_596], %gather3A_593 {strides = array<i32>} : memref<83x512xf32, #tpu.memory_space<vmem>>, vector<16xf32>,
      %add3A_598 = arith.constant 34 : i32
      %add3A_599 = vector.broadcast %add3A_598 : i32 to vector<16xi32>
      %add3A_600 = arith.addi %add3A_325, %add3A_599 : vector<16xi32>
      %gather3A_601 = tpu.vector_load_idx %arg6[%add3A_600] : memref<4960xf32, #tpu.memory_space<vmem>>[vector<16xi32>], vector<16xf32>,
      %swap3A_602 = arith.constant 67 : i32
      %swap3A_603 = arith.index_cast %swap3A_602 : i32 to index
      %swap3A_604 = arith.index_cast %mul3A_142 : i32 to index
      %swap3A_605 = tpu.vector_load %arg8[%swap3A_603, %swap3A_604] {strides = array<i32>} : memref<83x512xf32, #tpu.memory_space<vmem>>, vector<16xf32>,
      tpu.vector_store %arg8[%swap3A_603, %swap3A_604], %gather3A_601 {strides = array<i32>} : memref<83x512xf32, #tpu.memory_space<vmem>>, vector<16xf32>,
      %add3A_606 = arith.constant 35 : i32
      %add3A_607 = vector.broadcast %add3A_606 : i32 to vector<16xi32>
      %add3A_608 = arith.addi %add3A_325, %add3A_607 : vector<16xi32>
      %gather3A_609 = tpu.vector_load_idx %arg6[%add3A_608] : memref<4960xf32, #tpu.memory_space<vmem>>[vector<16xi32>], vector<16xf32>,
      %swap3A_610 = arith.constant 68 : i32
      %swap3A_611 = arith.index_cast %swap3A_610 : i32 to index
      %swap3A_612 = arith.index_cast %mul3A_142 : i32 to index
      %swap3A_613 = tpu.vector_load %arg8[%swap3A_611, %swap3A_612] {strides = array<i32>} : memref<83x512xf32, #tpu.memory_space<vmem>>, vector<16xf32>,
      tpu.vector_store %arg8[%swap3A_611, %swap3A_612], %gather3A_609 {strides = array<i32>} : memref<83x512xf32, #tpu.memory_space<vmem>>, vector<16xf32>,
      %add3A_614 = arith.constant 36 : i32
      %add3A_615 = vector.broadcast %add3A_614 : i32 to vector<16xi32>
      %add3A_616 = arith.addi %add3A_325, %add3A_615 : vector<16xi32>
      %gather3A_617 = tpu.vector_load_idx %arg6[%add3A_616] : memref<4960xf32, #tpu.memory_space<vmem>>[vector<16xi32>], vector<16xf32>,
      %swap3A_618 = arith.constant 69 : i32
      %swap3A_619 = arith.index_cast %swap3A_618 : i32 to index
      %swap3A_620 = arith.index_cast %mul3A_142 : i32 to index
      %swap3A_621 = tpu.vector_load %arg8[%swap3A_619, %swap3A_620] {strides = array<i32>} : memref<83x512xf32, #tpu.memory_space<vmem>>, vector<16xf32>,
      tpu.vector_store %arg8[%swap3A_619, %swap3A_620], %gather3A_617 {strides = array<i32>} : memref<83x512xf32, #tpu.memory_space<vmem>>, vector<16xf32>,
      %add3A_622 = arith.constant 37 : i32
      %add3A_623 = vector.broadcast %add3A_622 : i32 to vector<16xi32>
      %add3A_624 = arith.addi %add3A_325, %add3A_623 : vector<16xi32>
      %gather3A_625 = tpu.vector_load_idx %arg6[%add3A_624] : memref<4960xf32, #tpu.memory_space<vmem>>[vector<16xi32>], vector<16xf32>,
      %swap3A_626 = arith.constant 70 : i32
      %swap3A_627 = arith.index_cast %swap3A_626 : i32 to index
      %swap3A_628 = arith.index_cast %mul3A_142 : i32 to index
      %swap3A_629 = tpu.vector_load %arg8[%swap3A_627, %swap3A_628] {strides = array<i32>} : memref<83x512xf32, #tpu.memory_space<vmem>>, vector<16xf32>,
      tpu.vector_store %arg8[%swap3A_627, %swap3A_628], %gather3A_625 {strides = array<i32>} : memref<83x512xf32, #tpu.memory_space<vmem>>, vector<16xf32>,
      %add3A_630 = arith.constant 38 : i32
      %add3A_631 = vector.broadcast %add3A_630 : i32 to vector<16xi32>
      %add3A_632 = arith.addi %add3A_325, %add3A_631 : vector<16xi32>
      %gather3A_633 = tpu.vector_load_idx %arg6[%add3A_632] : memref<4960xf32, #tpu.memory_space<vmem>>[vector<16xi32>], vector<16xf32>,
      %swap3A_634 = arith.constant 71 : i32
      %swap3A_635 = arith.index_cast %swap3A_634 : i32 to index
      %swap3A_636 = arith.index_cast %mul3A_142 : i32 to index
      %swap3A_637 = tpu.vector_load %arg8[%swap3A_635, %swap3A_636] {strides = array<i32>} : memref<83x512xf32, #tpu.memory_space<vmem>>, vector<16xf32>,
      tpu.vector_store %arg8[%swap3A_635, %swap3A_636], %gather3A_633 {strides = array<i32>} : memref<83x512xf32, #tpu.memory_space<vmem>>, vector<16xf32>,
      %add3A_638 = arith.constant 39 : i32
      %add3A_639 = vector.broadcast %add3A_638 : i32 to vector<16xi32>
      %add3A_640 = arith.addi %add3A_325, %add3A_639 : vector<16xi32>
      %gather3A_641 = tpu.vector_load_idx %arg6[%add3A_640] : memref<4960xf32, #tpu.memory_space<vmem>>[vector<16xi32>], vector<16xf32>,
      %swap3A_642 = arith.constant 72 : i32
      %swap3A_643 = arith.index_cast %swap3A_642 : i32 to index
      %swap3A_644 = arith.index_cast %mul3A_142 : i32 to index
      %swap3A_645 = tpu.vector_load %arg8[%swap3A_643, %swap3A_644] {strides = array<i32>} : memref<83x512xf32, #tpu.memory_space<vmem>>, vector<16xf32>,
      tpu.vector_store %arg8[%swap3A_643, %swap3A_644], %gather3A_641 {strides = array<i32>} : memref<83x512xf32, #tpu.memory_space<vmem>>, vector<16xf32>,
      %add3A_646 = arith.constant 40 : i32
      %add3A_647 = vector.broadcast %add3A_646 : i32 to vector<16xi32>
      %add3A_648 = arith.addi %add3A_325, %add3A_647 : vector<16xi32>
      %gather3A_649 = tpu.vector_load_idx %arg6[%add3A_648] : memref<4960xf32, #tpu.memory_space<vmem>>[vector<16xi32>], vector<16xf32>,
      %swap3A_650 = arith.constant 73 : i32
      %swap3A_651 = arith.index_cast %swap3A_650 : i32 to index
      %swap3A_652 = arith.index_cast %mul3A_142 : i32 to index
      %swap3A_653 = tpu.vector_load %arg8[%swap3A_651, %swap3A_652] {strides = array<i32>} : memref<83x512xf32, #tpu.memory_space<vmem>>, vector<16xf32>,
      tpu.vector_store %arg8[%swap3A_651, %swap3A_652], %gather3A_649 {strides = array<i32>} : memref<83x512xf32, #tpu.memory_space<vmem>>, vector<16xf32>,
      %add3A_654 = arith.constant 41 : i32
      %add3A_655 = vector.broadcast %add3A_654 : i32 to vector<16xi32>
      %add3A_656 = arith.addi %add3A_325, %add3A_655 : vector<16xi32>
      %gather3A_657 = tpu.vector_load_idx %arg6[%add3A_656] : memref<4960xf32, #tpu.memory_space<vmem>>[vector<16xi32>], vector<16xf32>,
      %swap3A_658 = arith.constant 74 : i32
      %swap3A_659 = arith.index_cast %swap3A_658 : i32 to index
      %swap3A_660 = arith.index_cast %mul3A_142 : i32 to index
      %swap3A_661 = tpu.vector_load %arg8[%swap3A_659, %swap3A_660] {strides = array<i32>} : memref<83x512xf32, #tpu.memory_space<vmem>>, vector<16xf32>,
      tpu.vector_store %arg8[%swap3A_659, %swap3A_660], %gather3A_657 {strides = array<i32>} : memref<83x512xf32, #tpu.memory_space<vmem>>, vector<16xf32>,
      %add3A_662 = arith.constant 42 : i32
      %add3A_663 = vector.broadcast %add3A_662 : i32 to vector<16xi32>
      %add3A_664 = arith.addi %add3A_325, %add3A_663 : vector<16xi32>
      %gather3A_665 = tpu.vector_load_idx %arg6[%add3A_664] : memref<4960xf32, #tpu.memory_space<vmem>>[vector<16xi32>], vector<16xf32>,
      %swap3A_666 = arith.constant 75 : i32
      %swap3A_667 = arith.index_cast %swap3A_666 : i32 to index
      %swap3A_668 = arith.index_cast %mul3A_142 : i32 to index
      %swap3A_669 = tpu.vector_load %arg8[%swap3A_667, %swap3A_668] {strides = array<i32>} : memref<83x512xf32, #tpu.memory_space<vmem>>, vector<16xf32>,
      tpu.vector_store %arg8[%swap3A_667, %swap3A_668], %gather3A_665 {strides = array<i32>} : memref<83x512xf32, #tpu.memory_space<vmem>>, vector<16xf32>,
      %add3A_670 = arith.constant 43 : i32
      %add3A_671 = vector.broadcast %add3A_670 : i32 to vector<16xi32>
      %add3A_672 = arith.addi %add3A_325, %add3A_671 : vector<16xi32>
      %gather3A_673 = tpu.vector_load_idx %arg6[%add3A_672] : memref<4960xf32, #tpu.memory_space<vmem>>[vector<16xi32>], vector<16xf32>,
      %swap3A_674 = arith.constant 76 : i32
      %swap3A_675 = arith.index_cast %swap3A_674 : i32 to index
      %swap3A_676 = arith.index_cast %mul3A_142 : i32 to index
      %swap3A_677 = tpu.vector_load %arg8[%swap3A_675, %swap3A_676] {strides = array<i32>} : memref<83x512xf32, #tpu.memory_space<vmem>>, vector<16xf32>,
      tpu.vector_store %arg8[%swap3A_675, %swap3A_676], %gather3A_673 {strides = array<i32>} : memref<83x512xf32, #tpu.memory_space<vmem>>, vector<16xf32>,
      %add3A_678 = arith.constant 44 : i32
      %add3A_679 = vector.broadcast %add3A_678 : i32 to vector<16xi32>
      %add3A_680 = arith.addi %add3A_325, %add3A_679 : vector<16xi32>
      %gather3A_681 = tpu.vector_load_idx %arg6[%add3A_680] : memref<4960xf32, #tpu.memory_space<vmem>>[vector<16xi32>], vector<16xf32>,
      %swap3A_682 = arith.constant 77 : i32
      %swap3A_683 = arith.index_cast %swap3A_682 : i32 to index
      %swap3A_684 = arith.index_cast %mul3A_142 : i32 to index
      %swap3A_685 = tpu.vector_load %arg8[%swap3A_683, %swap3A_684] {strides = array<i32>} : memref<83x512xf32, #tpu.memory_space<vmem>>, vector<16xf32>,
      tpu.vector_store %arg8[%swap3A_683, %swap3A_684], %gather3A_681 {strides = array<i32>} : memref<83x512xf32, #tpu.memory_space<vmem>>, vector<16xf32>,
      %add3A_686 = arith.constant 45 : i32
      %add3A_687 = vector.broadcast %add3A_686 : i32 to vector<16xi32>
      %add3A_688 = arith.addi %add3A_325, %add3A_687 : vector<16xi32>
      %gather3A_689 = tpu.vector_load_idx %arg6[%add3A_688] : memref<4960xf32, #tpu.memory_space<vmem>>[vector<16xi32>], vector<16xf32>,
      %swap3A_690 = arith.constant 78 : i32
      %swap3A_691 = arith.index_cast %swap3A_690 : i32 to index
      %swap3A_692 = arith.index_cast %mul3A_142 : i32 to index
      %swap3A_693 = tpu.vector_load %arg8[%swap3A_691, %swap3A_692] {strides = array<i32>} : memref<83x512xf32, #tpu.memory_space<vmem>>, vector<16xf32>,
      tpu.vector_store %arg8[%swap3A_691, %swap3A_692], %gather3A_689 {strides = array<i32>} : memref<83x512xf32, #tpu.memory_space<vmem>>, vector<16xf32>,
      %add3A_694 = arith.constant 46 : i32
      %add3A_695 = vector.broadcast %add3A_694 : i32 to vector<16xi32>
      %add3A_696 = arith.addi %add3A_325, %add3A_695 : vector<16xi32>
      %gather3A_697 = tpu.vector_load_idx %arg6[%add3A_696] : memref<4960xf32, #tpu.memory_space<vmem>>[vector<16xi32>], vector<16xf32>,
      %swap3A_698 = arith.constant 79 : i32
      %swap3A_699 = arith.index_cast %swap3A_698 : i32 to index
      %swap3A_700 = arith.index_cast %mul3A_142 : i32 to index
      %swap3A_701 = tpu.vector_load %arg8[%swap3A_699, %swap3A_700] {strides = array<i32>} : memref<83x512xf32, #tpu.memory_space<vmem>>, vector<16xf32>,
      tpu.vector_store %arg8[%swap3A_699, %swap3A_700], %gather3A_697 {strides = array<i32>} : memref<83x512xf32, #tpu.memory_space<vmem>>, vector<16xf32>,
      %add3A_702 = arith.constant 47 : i32
      %add3A_703 = vector.broadcast %add3A_702 : i32 to vector<16xi32>
      %add3A_704 = arith.addi %add3A_325, %add3A_703 : vector<16xi32>
      %gather3A_705 = tpu.vector_load_idx %arg6[%add3A_704] : memref<4960xf32, #tpu.memory_space<vmem>>[vector<16xi32>], vector<16xf32>,
      %swap3A_706 = arith.constant 80 : i32
      %swap3A_707 = arith.index_cast %swap3A_706 : i32 to index
      %swap3A_708 = arith.index_cast %mul3A_142 : i32 to index
      %swap3A_709 = tpu.vector_load %arg8[%swap3A_707, %swap3A_708] {strides = array<i32>} : memref<83x512xf32, #tpu.memory_space<vmem>>, vector<16xf32>,
      tpu.vector_store %arg8[%swap3A_707, %swap3A_708], %gather3A_705 {strides = array<i32>} : memref<83x512xf32, #tpu.memory_space<vmem>>, vector<16xf32>,
      %add3A_710 = arith.constant 48 : i32
      %add3A_711 = vector.broadcast %add3A_710 : i32 to vector<16xi32>
      %add3A_712 = arith.addi %add3A_325, %add3A_711 : vector<16xi32>
      %gather3A_713 = tpu.vector_load_idx %arg6[%add3A_712] : memref<4960xf32, #tpu.memory_space<vmem>>[vector<16xi32>], vector<16xf32>,
      %swap3A_714 = arith.constant 81 : i32
      %swap3A_715 = arith.index_cast %swap3A_714 : i32 to index
      %swap3A_716 = arith.index_cast %mul3A_142 : i32 to index
      %swap3A_717 = tpu.vector_load %arg8[%swap3A_715, %swap3A_716] {strides = array<i32>} : memref<83x512xf32, #tpu.memory_space<vmem>>, vector<16xf32>,
      tpu.vector_store %arg8[%swap3A_715, %swap3A_716], %gather3A_713 {strides = array<i32>} : memref<83x512xf32, #tpu.memory_space<vmem>>, vector<16xf32>,
      %add3A_718 = arith.constant 49 : i32
      %add3A_719 = vector.broadcast %add3A_718 : i32 to vector<16xi32>
      %add3A_720 = arith.addi %add3A_325, %add3A_719 : vector<16xi32>
      %gather3A_721 = tpu.vector_load_idx %arg6[%add3A_720] : memref<4960xf32, #tpu.memory_space<vmem>>[vector<16xi32>], vector<16xf32>,
      %swap3A_722 = arith.constant 82 : i32
      %swap3A_723 = arith.index_cast %swap3A_722 : i32 to index
      %swap3A_724 = arith.index_cast %mul3A_142 : i32 to index
      %swap3A_725 = tpu.vector_load %arg8[%swap3A_723, %swap3A_724] {strides = array<i32>} : memref<83x512xf32, #tpu.memory_space<vmem>>, vector<16xf32>,
      tpu.vector_store %arg8[%swap3A_723, %swap3A_724], %gather3A_721 {strides = array<i32>} : memref<83x512xf32, #tpu.memory_space<vmem>>, vector<16xf32>,
    }
    %scan3A_69 = arith.constant 8 : i32
    %add3A_70 = arith.constant 256 : i32
    %add3A_71 = arith.addi %mul3A_2, %add3A_70 : i32
    %dma_start3A_72 = arith.constant 0 : i32
    %dma_start3A_73 = arith.constant 256 : i32
    %dma_start3A_74 = tpu.memref_slice %arg8[%dma_start3A_72, %dma_start3A_73] : memref<83x512xf32, #tpu.memory_space<vmem>> -> memref<83x128xf32, #tpu.memory_space<vmem>>
    %dma_start3A_75 = arith.constant 0 : i32
    %dma_start3A_76 = tpu.memref_slice %arg5[%dma_start3A_75, %add3A_71] : memref<83x16384xf32, #tpu.memory_space<hbm>> -> memref<83x128xf32, #tpu.memory_space<hbm>>
    %dma_start3A_77 = arith.constant 0 : i32
    %dma_start3A_78 = tpu.memref_slice %arg5[%dma_start3A_77, %add3A_71] : memref<83x16384xf32, #tpu.memory_space<hbm>> -> memref<83x128xf32, #tpu.memory_space<hbm>>
    %dma_start3A_79 = arith.constant 0 : i32
    %dma_start3A_80 = arith.constant 256 : i32
    %dma_start3A_81 = tpu.memref_slice %arg8[%dma_start3A_79, %dma_start3A_80] : memref<83x512xf32, #tpu.memory_space<vmem>> -> memref<83x128xf32, #tpu.memory_space<vmem>>
    tpu.enqueue_dma source(%dma_start3A_81 : memref<83x128xf32, #tpu.memory_space<vmem>>) target(%dma_start3A_78 : memref<83x128xf32, #tpu.memory_space<hbm>>) target_semaphore(%arg11 : memref<!tpu.dma_semaphore, #tpu.memory_space<semaphore_mem>>)
    %scan3A_82 = arith.constant 0 : i32
    %scan3A_83 = arith.constant 24 : i32
    %scan3A_84 = arith.constant 8 : i32
    %scan3A_85 = arith.addi %scan3A_83, %scan3A_84 : i32
    %scan3A_86 = arith.constant 1 : i32
    scf.for %scan3A_140 = %scan3A_83 to %scan3A_85 step %scan3A_86  : i32 {
      %mul3A_141 = arith.constant 16 : i32
      %mul3A_142 = arith.muli %scan3A_140, %mul3A_141 : i32
      %add3A_143 = arith.constant 0 : i32
      %add3A_144 = arith.addi %add3A_143, %mul3A_142 : i32
      %get3A = arith.index_cast %add3A_144 : i32 to index
      %get3A_145 = tpu.vector_load %arg7[%get3A] {strides = array<i32>} : memref<2560xi32, #tpu.memory_space<vmem>>, vector<16xi32>,
      %mul3A_146 = arith.constant 3 : i32
      %mul3A_147 = vector.broadcast %mul3A_146 : i32 to vector<16xi32>
      %mul3A_148 = arith.muli %get3A_145, %mul3A_147 : vector<16xi32>
      %add3A_149 = arith.constant 0 : i32
      %add3A_150 = vector.broadcast %add3A_149 : i32 to vector<16xi32>
      %add3A_151 = arith.addi %mul3A_148, %add3A_150 : vector<16xi32>
      %add3A_152 = arith.constant 0 : i32
      %add3A_153 = vector.broadcast %add3A_152 : i32 to vector<16xi32>
      %add3A_154 = arith.addi %add3A_151, %add3A_153 : vector<16xi32>
      %gather3A = tpu.vector_load_idx %arg6[%add3A_154] : memref<4960xf32, #tpu.memory_space<vmem>>[vector<16xi32>], vector<16xf32>,
      %swap3A = arith.constant 16 : i32
      %swap3A_155 = arith.index_cast %swap3A : i32 to index
      %swap3A_156 = arith.index_cast %mul3A_142 : i32 to index
      %swap3A_157 = tpu.vector_load %arg8[%swap3A_155, %swap3A_156] {strides = array<i32>} : memref<83x512xf32, #tpu.memory_space<vmem>>, vector<16xf32>,
      tpu.vector_store %arg8[%swap3A_155, %swap3A_156], %gather3A {strides = array<i32>} : memref<83x512xf32, #tpu.memory_space<vmem>>, vector<16xf32>,
      %add3A_158 = arith.constant 1 : i32
      %add3A_159 = vector.broadcast %add3A_158 : i32 to vector<16xi32>
      %add3A_160 = arith.addi %add3A_151, %add3A_159 : vector<16xi32>
      %gather3A_161 = tpu.vector_load_idx %arg6[%add3A_160] : memref<4960xf32, #tpu.memory_space<vmem>>[vector<16xi32>], vector<16xf32>,
      %swap3A_162 = arith.constant 17 : i32
      %swap3A_163 = arith.index_cast %swap3A_162 : i32 to index
      %swap3A_164 = arith.index_cast %mul3A_142 : i32 to index
      %swap3A_165 = tpu.vector_load %arg8[%swap3A_163, %swap3A_164] {strides = array<i32>} : memref<83x512xf32, #tpu.memory_space<vmem>>, vector<16xf32>,
      tpu.vector_store %arg8[%swap3A_163, %swap3A_164], %gather3A_161 {strides = array<i32>} : memref<83x512xf32, #tpu.memory_space<vmem>>, vector<16xf32>,
      %add3A_166 = arith.constant 2 : i32
      %add3A_167 = vector.broadcast %add3A_166 : i32 to vector<16xi32>
      %add3A_168 = arith.addi %add3A_151, %add3A_167 : vector<16xi32>
      %gather3A_169 = tpu.vector_load_idx %arg6[%add3A_168] : memref<4960xf32, #tpu.memory_space<vmem>>[vector<16xi32>], vector<16xf32>,
      %swap3A_170 = arith.constant 18 : i32
      %swap3A_171 = arith.index_cast %swap3A_170 : i32 to index
      %swap3A_172 = arith.index_cast %mul3A_142 : i32 to index
      %swap3A_173 = tpu.vector_load %arg8[%swap3A_171, %swap3A_172] {strides = array<i32>} : memref<83x512xf32, #tpu.memory_space<vmem>>, vector<16xf32>,
      tpu.vector_store %arg8[%swap3A_171, %swap3A_172], %gather3A_169 {strides = array<i32>} : memref<83x512xf32, #tpu.memory_space<vmem>>, vector<16xf32>,
      %add3A_174 = arith.constant 512 : i32
      %add3A_175 = arith.addi %add3A_174, %mul3A_142 : i32
      %get3A_176 = arith.index_cast %add3A_175 : i32 to index
      %get3A_177 = tpu.vector_load %arg7[%get3A_176] {strides = array<i32>} : memref<2560xi32, #tpu.memory_space<vmem>>, vector<16xi32>,
      %mul3A_178 = arith.constant 4 : i32
      %mul3A_179 = vector.broadcast %mul3A_178 : i32 to vector<16xi32>
      %mul3A_180 = arith.muli %get3A_177, %mul3A_179 : vector<16xi32>
      %add3A_181 = arith.constant 24 : i32
      %add3A_182 = vector.broadcast %add3A_181 : i32 to vector<16xi32>
      %add3A_183 = arith.addi %mul3A_180, %add3A_182 : vector<16xi32>
      %add3A_184 = arith.constant 0 : i32
      %add3A_185 = vector.broadcast %add3A_184 : i32 to vector<16xi32>
      %add3A_186 = arith.addi %add3A_183, %add3A_185 : vector<16xi32>
      %gather3A_187 = tpu.vector_load_idx %arg6[%add3A_186] : memref<4960xf32, #tpu.memory_space<vmem>>[vector<16xi32>], vector<16xf32>,
      %swap3A_188 = arith.constant 19 : i32
      %swap3A_189 = arith.index_cast %swap3A_188 : i32 to index
      %swap3A_190 = arith.index_cast %mul3A_142 : i32 to index
      %swap3A_191 = tpu.vector_load %arg8[%swap3A_189, %swap3A_190] {strides = array<i32>} : memref<83x512xf32, #tpu.memory_space<vmem>>, vector<16xf32>,
      tpu.vector_store %arg8[%swap3A_189, %swap3A_190], %gather3A_187 {strides = array<i32>} : memref<83x512xf32, #tpu.memory_space<vmem>>, vector<16xf32>,
      %add3A_192 = arith.constant 1 : i32
      %add3A_193 = vector.broadcast %add3A_192 : i32 to vector<16xi32>
      %add3A_194 = arith.addi %add3A_183, %add3A_193 : vector<16xi32>
      %gather3A_195 = tpu.vector_load_idx %arg6[%add3A_194] : memref<4960xf32, #tpu.memory_space<vmem>>[vector<16xi32>], vector<16xf32>,
      %swap3A_196 = arith.constant 20 : i32
      %swap3A_197 = arith.index_cast %swap3A_196 : i32 to index
      %swap3A_198 = arith.index_cast %mul3A_142 : i32 to index
      %swap3A_199 = tpu.vector_load %arg8[%swap3A_197, %swap3A_198] {strides = array<i32>} : memref<83x512xf32, #tpu.memory_space<vmem>>, vector<16xf32>,
      tpu.vector_store %arg8[%swap3A_197, %swap3A_198], %gather3A_195 {strides = array<i32>} : memref<83x512xf32, #tpu.memory_space<vmem>>, vector<16xf32>,
      %add3A_200 = arith.constant 2 : i32
      %add3A_201 = vector.broadcast %add3A_200 : i32 to vector<16xi32>
      %add3A_202 = arith.addi %add3A_183, %add3A_201 : vector<16xi32>
      %gather3A_203 = tpu.vector_load_idx %arg6[%add3A_202] : memref<4960xf32, #tpu.memory_space<vmem>>[vector<16xi32>], vector<16xf32>,
      %swap3A_204 = arith.constant 21 : i32
      %swap3A_205 = arith.index_cast %swap3A_204 : i32 to index
      %swap3A_206 = arith.index_cast %mul3A_142 : i32 to index
      %swap3A_207 = tpu.vector_load %arg8[%swap3A_205, %swap3A_206] {strides = array<i32>} : memref<83x512xf32, #tpu.memory_space<vmem>>, vector<16xf32>,
      tpu.vector_store %arg8[%swap3A_205, %swap3A_206], %gather3A_203 {strides = array<i32>} : memref<83x512xf32, #tpu.memory_space<vmem>>, vector<16xf32>,
      %add3A_208 = arith.constant 3 : i32
      %add3A_209 = vector.broadcast %add3A_208 : i32 to vector<16xi32>
      %add3A_210 = arith.addi %add3A_183, %add3A_209 : vector<16xi32>
      %gather3A_211 = tpu.vector_load_idx %arg6[%add3A_210] : memref<4960xf32, #tpu.memory_space<vmem>>[vector<16xi32>], vector<16xf32>,
      %swap3A_212 = arith.constant 22 : i32
      %swap3A_213 = arith.index_cast %swap3A_212 : i32 to index
      %swap3A_214 = arith.index_cast %mul3A_142 : i32 to index
      %swap3A_215 = tpu.vector_load %arg8[%swap3A_213, %swap3A_214] {strides = array<i32>} : memref<83x512xf32, #tpu.memory_space<vmem>>, vector<16xf32>,
      tpu.vector_store %arg8[%swap3A_213, %swap3A_214], %gather3A_211 {strides = array<i32>} : memref<83x512xf32, #tpu.memory_space<vmem>>, vector<16xf32>,
      %add3A_216 = arith.constant 1024 : i32
      %add3A_217 = arith.addi %add3A_216, %mul3A_142 : i32
      %get3A_218 = arith.index_cast %add3A_217 : i32 to index
      %get3A_219 = tpu.vector_load %arg7[%get3A_218] {strides = array<i32>} : memref<2560xi32, #tpu.memory_space<vmem>>, vector<16xi32>,
      %mul3A_220 = arith.constant 6 : i32
      %mul3A_221 = vector.broadcast %mul3A_220 : i32 to vector<16xi32>
      %mul3A_222 = arith.muli %get3A_219, %mul3A_221 : vector<16xi32>
      %add3A_223 = arith.constant 56 : i32
      %add3A_224 = vector.broadcast %add3A_223 : i32 to vector<16xi32>
      %add3A_225 = arith.addi %mul3A_222, %add3A_224 : vector<16xi32>
      %add3A_226 = arith.constant 0 : i32
      %add3A_227 = vector.broadcast %add3A_226 : i32 to vector<16xi32>
      %add3A_228 = arith.addi %add3A_225, %add3A_227 : vector<16xi32>
      %gather3A_229 = tpu.vector_load_idx %arg6[%add3A_228] : memref<4960xf32, #tpu.memory_space<vmem>>[vector<16xi32>], vector<16xf32>,
      %swap3A_230 = arith.constant 23 : i32
      %swap3A_231 = arith.index_cast %swap3A_230 : i32 to index
      %swap3A_232 = arith.index_cast %mul3A_142 : i32 to index
      %swap3A_233 = tpu.vector_load %arg8[%swap3A_231, %swap3A_232] {strides = array<i32>} : memref<83x512xf32, #tpu.memory_space<vmem>>, vector<16xf32>,
      tpu.vector_store %arg8[%swap3A_231, %swap3A_232], %gather3A_229 {strides = array<i32>} : memref<83x512xf32, #tpu.memory_space<vmem>>, vector<16xf32>,
      %add3A_234 = arith.constant 1 : i32
      %add3A_235 = vector.broadcast %add3A_234 : i32 to vector<16xi32>
      %add3A_236 = arith.addi %add3A_225, %add3A_235 : vector<16xi32>
      %gather3A_237 = tpu.vector_load_idx %arg6[%add3A_236] : memref<4960xf32, #tpu.memory_space<vmem>>[vector<16xi32>], vector<16xf32>,
      %swap3A_238 = arith.constant 24 : i32
      %swap3A_239 = arith.index_cast %swap3A_238 : i32 to index
      %swap3A_240 = arith.index_cast %mul3A_142 : i32 to index
      %swap3A_241 = tpu.vector_load %arg8[%swap3A_239, %swap3A_240] {strides = array<i32>} : memref<83x512xf32, #tpu.memory_space<vmem>>, vector<16xf32>,
      tpu.vector_store %arg8[%swap3A_239, %swap3A_240], %gather3A_237 {strides = array<i32>} : memref<83x512xf32, #tpu.memory_space<vmem>>, vector<16xf32>,
      %add3A_242 = arith.constant 2 : i32
      %add3A_243 = vector.broadcast %add3A_242 : i32 to vector<16xi32>
      %add3A_244 = arith.addi %add3A_225, %add3A_243 : vector<16xi32>
      %gather3A_245 = tpu.vector_load_idx %arg6[%add3A_244] : memref<4960xf32, #tpu.memory_space<vmem>>[vector<16xi32>], vector<16xf32>,
      %swap3A_246 = arith.constant 25 : i32
      %swap3A_247 = arith.index_cast %swap3A_246 : i32 to index
      %swap3A_248 = arith.index_cast %mul3A_142 : i32 to index
      %swap3A_249 = tpu.vector_load %arg8[%swap3A_247, %swap3A_248] {strides = array<i32>} : memref<83x512xf32, #tpu.memory_space<vmem>>, vector<16xf32>,
      tpu.vector_store %arg8[%swap3A_247, %swap3A_248], %gather3A_245 {strides = array<i32>} : memref<83x512xf32, #tpu.memory_space<vmem>>, vector<16xf32>,
      %add3A_250 = arith.constant 3 : i32
      %add3A_251 = vector.broadcast %add3A_250 : i32 to vector<16xi32>
      %add3A_252 = arith.addi %add3A_225, %add3A_251 : vector<16xi32>
      %gather3A_253 = tpu.vector_load_idx %arg6[%add3A_252] : memref<4960xf32, #tpu.memory_space<vmem>>[vector<16xi32>], vector<16xf32>,
      %swap3A_254 = arith.constant 26 : i32
      %swap3A_255 = arith.index_cast %swap3A_254 : i32 to index
      %swap3A_256 = arith.index_cast %mul3A_142 : i32 to index
      %swap3A_257 = tpu.vector_load %arg8[%swap3A_255, %swap3A_256] {strides = array<i32>} : memref<83x512xf32, #tpu.memory_space<vmem>>, vector<16xf32>,
      tpu.vector_store %arg8[%swap3A_255, %swap3A_256], %gather3A_253 {strides = array<i32>} : memref<83x512xf32, #tpu.memory_space<vmem>>, vector<16xf32>,
      %add3A_258 = arith.constant 4 : i32
      %add3A_259 = vector.broadcast %add3A_258 : i32 to vector<16xi32>
      %add3A_260 = arith.addi %add3A_225, %add3A_259 : vector<16xi32>
      %gather3A_261 = tpu.vector_load_idx %arg6[%add3A_260] : memref<4960xf32, #tpu.memory_space<vmem>>[vector<16xi32>], vector<16xf32>,
      %swap3A_262 = arith.constant 27 : i32
      %swap3A_263 = arith.index_cast %swap3A_262 : i32 to index
      %swap3A_264 = arith.index_cast %mul3A_142 : i32 to index
      %swap3A_265 = tpu.vector_load %arg8[%swap3A_263, %swap3A_264] {strides = array<i32>} : memref<83x512xf32, #tpu.memory_space<vmem>>, vector<16xf32>,
      tpu.vector_store %arg8[%swap3A_263, %swap3A_264], %gather3A_261 {strides = array<i32>} : memref<83x512xf32, #tpu.memory_space<vmem>>, vector<16xf32>,
      %add3A_266 = arith.constant 5 : i32
      %add3A_267 = vector.broadcast %add3A_266 : i32 to vector<16xi32>
      %add3A_268 = arith.addi %add3A_225, %add3A_267 : vector<16xi32>
      %gather3A_269 = tpu.vector_load_idx %arg6[%add3A_268] : memref<4960xf32, #tpu.memory_space<vmem>>[vector<16xi32>], vector<16xf32>,
      %swap3A_270 = arith.constant 28 : i32
      %swap3A_271 = arith.index_cast %swap3A_270 : i32 to index
      %swap3A_272 = arith.index_cast %mul3A_142 : i32 to index
      %swap3A_273 = tpu.vector_load %arg8[%swap3A_271, %swap3A_272] {strides = array<i32>} : memref<83x512xf32, #tpu.memory_space<vmem>>, vector<16xf32>,
      tpu.vector_store %arg8[%swap3A_271, %swap3A_272], %gather3A_269 {strides = array<i32>} : memref<83x512xf32, #tpu.memory_space<vmem>>, vector<16xf32>,
      %add3A_274 = arith.constant 1536 : i32
      %add3A_275 = arith.addi %add3A_274, %mul3A_142 : i32
      %get3A_276 = arith.index_cast %add3A_275 : i32 to index
      %get3A_277 = tpu.vector_load %arg7[%get3A_276] {strides = array<i32>} : memref<2560xi32, #tpu.memory_space<vmem>>, vector<16xi32>,
      %mul3A_278 = arith.constant 4 : i32
      %mul3A_279 = vector.broadcast %mul3A_278 : i32 to vector<16xi32>
      %mul3A_280 = arith.muli %get3A_277, %mul3A_279 : vector<16xi32>
      %add3A_281 = arith.constant 128 : i32
      %add3A_282 = vector.broadcast %add3A_281 : i32 to vector<16xi32>
      %add3A_283 = arith.addi %mul3A_280, %add3A_282 : vector<16xi32>
      %add3A_284 = arith.constant 0 : i32
      %add3A_285 = vector.broadcast %add3A_284 : i32 to vector<16xi32>
      %add3A_286 = arith.addi %add3A_283, %add3A_285 : vector<16xi32>
      %gather3A_287 = tpu.vector_load_idx %arg6[%add3A_286] : memref<4960xf32, #tpu.memory_space<vmem>>[vector<16xi32>], vector<16xf32>,
      %swap3A_288 = arith.constant 29 : i32
      %swap3A_289 = arith.index_cast %swap3A_288 : i32 to index
      %swap3A_290 = arith.index_cast %mul3A_142 : i32 to index
      %swap3A_291 = tpu.vector_load %arg8[%swap3A_289, %swap3A_290] {strides = array<i32>} : memref<83x512xf32, #tpu.memory_space<vmem>>, vector<16xf32>,
      tpu.vector_store %arg8[%swap3A_289, %swap3A_290], %gather3A_287 {strides = array<i32>} : memref<83x512xf32, #tpu.memory_space<vmem>>, vector<16xf32>,
      %add3A_292 = arith.constant 1 : i32
      %add3A_293 = vector.broadcast %add3A_292 : i32 to vector<16xi32>
      %add3A_294 = arith.addi %add3A_283, %add3A_293 : vector<16xi32>
      %gather3A_295 = tpu.vector_load_idx %arg6[%add3A_294] : memref<4960xf32, #tpu.memory_space<vmem>>[vector<16xi32>], vector<16xf32>,
      %swap3A_296 = arith.constant 30 : i32
      %swap3A_297 = arith.index_cast %swap3A_296 : i32 to index
      %swap3A_298 = arith.index_cast %mul3A_142 : i32 to index
      %swap3A_299 = tpu.vector_load %arg8[%swap3A_297, %swap3A_298] {strides = array<i32>} : memref<83x512xf32, #tpu.memory_space<vmem>>, vector<16xf32>,
      tpu.vector_store %arg8[%swap3A_297, %swap3A_298], %gather3A_295 {strides = array<i32>} : memref<83x512xf32, #tpu.memory_space<vmem>>, vector<16xf32>,
      %add3A_300 = arith.constant 2 : i32
      %add3A_301 = vector.broadcast %add3A_300 : i32 to vector<16xi32>
      %add3A_302 = arith.addi %add3A_283, %add3A_301 : vector<16xi32>
      %gather3A_303 = tpu.vector_load_idx %arg6[%add3A_302] : memref<4960xf32, #tpu.memory_space<vmem>>[vector<16xi32>], vector<16xf32>,
      %swap3A_304 = arith.constant 31 : i32
      %swap3A_305 = arith.index_cast %swap3A_304 : i32 to index
      %swap3A_306 = arith.index_cast %mul3A_142 : i32 to index
      %swap3A_307 = tpu.vector_load %arg8[%swap3A_305, %swap3A_306] {strides = array<i32>} : memref<83x512xf32, #tpu.memory_space<vmem>>, vector<16xf32>,
      tpu.vector_store %arg8[%swap3A_305, %swap3A_306], %gather3A_303 {strides = array<i32>} : memref<83x512xf32, #tpu.memory_space<vmem>>, vector<16xf32>,
      %add3A_308 = arith.constant 3 : i32
      %add3A_309 = vector.broadcast %add3A_308 : i32 to vector<16xi32>
      %add3A_310 = arith.addi %add3A_283, %add3A_309 : vector<16xi32>
      %gather3A_311 = tpu.vector_load_idx %arg6[%add3A_310] : memref<4960xf32, #tpu.memory_space<vmem>>[vector<16xi32>], vector<16xf32>,
      %swap3A_312 = arith.constant 32 : i32
      %swap3A_313 = arith.index_cast %swap3A_312 : i32 to index
      %swap3A_314 = arith.index_cast %mul3A_142 : i32 to index
      %swap3A_315 = tpu.vector_load %arg8[%swap3A_313, %swap3A_314] {strides = array<i32>} : memref<83x512xf32, #tpu.memory_space<vmem>>, vector<16xf32>,
      tpu.vector_store %arg8[%swap3A_313, %swap3A_314], %gather3A_311 {strides = array<i32>} : memref<83x512xf32, #tpu.memory_space<vmem>>, vector<16xf32>,
      %add3A_316 = arith.constant 2048 : i32
      %add3A_317 = arith.addi %add3A_316, %mul3A_142 : i32
      %get3A_318 = arith.index_cast %add3A_317 : i32 to index
      %get3A_319 = tpu.vector_load %arg7[%get3A_318] {strides = array<i32>} : memref<2560xi32, #tpu.memory_space<vmem>>, vector<16xi32>,
      %mul3A_320 = arith.constant 50 : i32
      %mul3A_321 = vector.broadcast %mul3A_320 : i32 to vector<16xi32>
      %mul3A_322 = arith.muli %get3A_319, %mul3A_321 : vector<16xi32>
      %add3A_323 = arith.constant 160 : i32
      %add3A_324 = vector.broadcast %add3A_323 : i32 to vector<16xi32>
      %add3A_325 = arith.addi %mul3A_322, %add3A_324 : vector<16xi32>
      %add3A_326 = arith.constant 0 : i32
      %add3A_327 = vector.broadcast %add3A_326 : i32 to vector<16xi32>
      %add3A_328 = arith.addi %add3A_325, %add3A_327 : vector<16xi32>
      %gather3A_329 = tpu.vector_load_idx %arg6[%add3A_328] : memref<4960xf32, #tpu.memory_space<vmem>>[vector<16xi32>], vector<16xf32>,
      %swap3A_330 = arith.constant 33 : i32
      %swap3A_331 = arith.index_cast %swap3A_330 : i32 to index
      %swap3A_332 = arith.index_cast %mul3A_142 : i32 to index
      %swap3A_333 = tpu.vector_load %arg8[%swap3A_331, %swap3A_332] {strides = array<i32>} : memref<83x512xf32, #tpu.memory_space<vmem>>, vector<16xf32>,
      tpu.vector_store %arg8[%swap3A_331, %swap3A_332], %gather3A_329 {strides = array<i32>} : memref<83x512xf32, #tpu.memory_space<vmem>>, vector<16xf32>,
      %add3A_334 = arith.constant 1 : i32
      %add3A_335 = vector.broadcast %add3A_334 : i32 to vector<16xi32>
      %add3A_336 = arith.addi %add3A_325, %add3A_335 : vector<16xi32>
      %gather3A_337 = tpu.vector_load_idx %arg6[%add3A_336] : memref<4960xf32, #tpu.memory_space<vmem>>[vector<16xi32>], vector<16xf32>,
      %swap3A_338 = arith.constant 34 : i32
      %swap3A_339 = arith.index_cast %swap3A_338 : i32 to index
      %swap3A_340 = arith.index_cast %mul3A_142 : i32 to index
      %swap3A_341 = tpu.vector_load %arg8[%swap3A_339, %swap3A_340] {strides = array<i32>} : memref<83x512xf32, #tpu.memory_space<vmem>>, vector<16xf32>,
      tpu.vector_store %arg8[%swap3A_339, %swap3A_340], %gather3A_337 {strides = array<i32>} : memref<83x512xf32, #tpu.memory_space<vmem>>, vector<16xf32>,
      %add3A_342 = arith.constant 2 : i32
      %add3A_343 = vector.broadcast %add3A_342 : i32 to vector<16xi32>
      %add3A_344 = arith.addi %add3A_325, %add3A_343 : vector<16xi32>
      %gather3A_345 = tpu.vector_load_idx %arg6[%add3A_344] : memref<4960xf32, #tpu.memory_space<vmem>>[vector<16xi32>], vector<16xf32>,
      %swap3A_346 = arith.constant 35 : i32
      %swap3A_347 = arith.index_cast %swap3A_346 : i32 to index
      %swap3A_348 = arith.index_cast %mul3A_142 : i32 to index
      %swap3A_349 = tpu.vector_load %arg8[%swap3A_347, %swap3A_348] {strides = array<i32>} : memref<83x512xf32, #tpu.memory_space<vmem>>, vector<16xf32>,
      tpu.vector_store %arg8[%swap3A_347, %swap3A_348], %gather3A_345 {strides = array<i32>} : memref<83x512xf32, #tpu.memory_space<vmem>>, vector<16xf32>,
      %add3A_350 = arith.constant 3 : i32
      %add3A_351 = vector.broadcast %add3A_350 : i32 to vector<16xi32>
      %add3A_352 = arith.addi %add3A_325, %add3A_351 : vector<16xi32>
      %gather3A_353 = tpu.vector_load_idx %arg6[%add3A_352] : memref<4960xf32, #tpu.memory_space<vmem>>[vector<16xi32>], vector<16xf32>,
      %swap3A_354 = arith.constant 36 : i32
      %swap3A_355 = arith.index_cast %swap3A_354 : i32 to index
      %swap3A_356 = arith.index_cast %mul3A_142 : i32 to index
      %swap3A_357 = tpu.vector_load %arg8[%swap3A_355, %swap3A_356] {strides = array<i32>} : memref<83x512xf32, #tpu.memory_space<vmem>>, vector<16xf32>,
      tpu.vector_store %arg8[%swap3A_355, %swap3A_356], %gather3A_353 {strides = array<i32>} : memref<83x512xf32, #tpu.memory_space<vmem>>, vector<16xf32>,
      %add3A_358 = arith.constant 4 : i32
      %add3A_359 = vector.broadcast %add3A_358 : i32 to vector<16xi32>
      %add3A_360 = arith.addi %add3A_325, %add3A_359 : vector<16xi32>
      %gather3A_361 = tpu.vector_load_idx %arg6[%add3A_360] : memref<4960xf32, #tpu.memory_space<vmem>>[vector<16xi32>], vector<16xf32>,
      %swap3A_362 = arith.constant 37 : i32
      %swap3A_363 = arith.index_cast %swap3A_362 : i32 to index
      %swap3A_364 = arith.index_cast %mul3A_142 : i32 to index
      %swap3A_365 = tpu.vector_load %arg8[%swap3A_363, %swap3A_364] {strides = array<i32>} : memref<83x512xf32, #tpu.memory_space<vmem>>, vector<16xf32>,
      tpu.vector_store %arg8[%swap3A_363, %swap3A_364], %gather3A_361 {strides = array<i32>} : memref<83x512xf32, #tpu.memory_space<vmem>>, vector<16xf32>,
      %add3A_366 = arith.constant 5 : i32
      %add3A_367 = vector.broadcast %add3A_366 : i32 to vector<16xi32>
      %add3A_368 = arith.addi %add3A_325, %add3A_367 : vector<16xi32>
      %gather3A_369 = tpu.vector_load_idx %arg6[%add3A_368] : memref<4960xf32, #tpu.memory_space<vmem>>[vector<16xi32>], vector<16xf32>,
      %swap3A_370 = arith.constant 38 : i32
      %swap3A_371 = arith.index_cast %swap3A_370 : i32 to index
      %swap3A_372 = arith.index_cast %mul3A_142 : i32 to index
      %swap3A_373 = tpu.vector_load %arg8[%swap3A_371, %swap3A_372] {strides = array<i32>} : memref<83x512xf32, #tpu.memory_space<vmem>>, vector<16xf32>,
      tpu.vector_store %arg8[%swap3A_371, %swap3A_372], %gather3A_369 {strides = array<i32>} : memref<83x512xf32, #tpu.memory_space<vmem>>, vector<16xf32>,
      %add3A_374 = arith.constant 6 : i32
      %add3A_375 = vector.broadcast %add3A_374 : i32 to vector<16xi32>
      %add3A_376 = arith.addi %add3A_325, %add3A_375 : vector<16xi32>
      %gather3A_377 = tpu.vector_load_idx %arg6[%add3A_376] : memref<4960xf32, #tpu.memory_space<vmem>>[vector<16xi32>], vector<16xf32>,
      %swap3A_378 = arith.constant 39 : i32
      %swap3A_379 = arith.index_cast %swap3A_378 : i32 to index
      %swap3A_380 = arith.index_cast %mul3A_142 : i32 to index
      %swap3A_381 = tpu.vector_load %arg8[%swap3A_379, %swap3A_380] {strides = array<i32>} : memref<83x512xf32, #tpu.memory_space<vmem>>, vector<16xf32>,
      tpu.vector_store %arg8[%swap3A_379, %swap3A_380], %gather3A_377 {strides = array<i32>} : memref<83x512xf32, #tpu.memory_space<vmem>>, vector<16xf32>,
      %add3A_382 = arith.constant 7 : i32
      %add3A_383 = vector.broadcast %add3A_382 : i32 to vector<16xi32>
      %add3A_384 = arith.addi %add3A_325, %add3A_383 : vector<16xi32>
      %gather3A_385 = tpu.vector_load_idx %arg6[%add3A_384] : memref<4960xf32, #tpu.memory_space<vmem>>[vector<16xi32>], vector<16xf32>,
      %swap3A_386 = arith.constant 40 : i32
      %swap3A_387 = arith.index_cast %swap3A_386 : i32 to index
      %swap3A_388 = arith.index_cast %mul3A_142 : i32 to index
      %swap3A_389 = tpu.vector_load %arg8[%swap3A_387, %swap3A_388] {strides = array<i32>} : memref<83x512xf32, #tpu.memory_space<vmem>>, vector<16xf32>,
      tpu.vector_store %arg8[%swap3A_387, %swap3A_388], %gather3A_385 {strides = array<i32>} : memref<83x512xf32, #tpu.memory_space<vmem>>, vector<16xf32>,
      %add3A_390 = arith.constant 8 : i32
      %add3A_391 = vector.broadcast %add3A_390 : i32 to vector<16xi32>
      %add3A_392 = arith.addi %add3A_325, %add3A_391 : vector<16xi32>
      %gather3A_393 = tpu.vector_load_idx %arg6[%add3A_392] : memref<4960xf32, #tpu.memory_space<vmem>>[vector<16xi32>], vector<16xf32>,
      %swap3A_394 = arith.constant 41 : i32
      %swap3A_395 = arith.index_cast %swap3A_394 : i32 to index
      %swap3A_396 = arith.index_cast %mul3A_142 : i32 to index
      %swap3A_397 = tpu.vector_load %arg8[%swap3A_395, %swap3A_396] {strides = array<i32>} : memref<83x512xf32, #tpu.memory_space<vmem>>, vector<16xf32>,
      tpu.vector_store %arg8[%swap3A_395, %swap3A_396], %gather3A_393 {strides = array<i32>} : memref<83x512xf32, #tpu.memory_space<vmem>>, vector<16xf32>,
      %add3A_398 = arith.constant 9 : i32
      %add3A_399 = vector.broadcast %add3A_398 : i32 to vector<16xi32>
      %add3A_400 = arith.addi %add3A_325, %add3A_399 : vector<16xi32>
      %gather3A_401 = tpu.vector_load_idx %arg6[%add3A_400] : memref<4960xf32, #tpu.memory_space<vmem>>[vector<16xi32>], vector<16xf32>,
      %swap3A_402 = arith.constant 42 : i32
      %swap3A_403 = arith.index_cast %swap3A_402 : i32 to index
      %swap3A_404 = arith.index_cast %mul3A_142 : i32 to index
      %swap3A_405 = tpu.vector_load %arg8[%swap3A_403, %swap3A_404] {strides = array<i32>} : memref<83x512xf32, #tpu.memory_space<vmem>>, vector<16xf32>,
      tpu.vector_store %arg8[%swap3A_403, %swap3A_404], %gather3A_401 {strides = array<i32>} : memref<83x512xf32, #tpu.memory_space<vmem>>, vector<16xf32>,
      %add3A_406 = arith.constant 10 : i32
      %add3A_407 = vector.broadcast %add3A_406 : i32 to vector<16xi32>
      %add3A_408 = arith.addi %add3A_325, %add3A_407 : vector<16xi32>
      %gather3A_409 = tpu.vector_load_idx %arg6[%add3A_408] : memref<4960xf32, #tpu.memory_space<vmem>>[vector<16xi32>], vector<16xf32>,
      %swap3A_410 = arith.constant 43 : i32
      %swap3A_411 = arith.index_cast %swap3A_410 : i32 to index
      %swap3A_412 = arith.index_cast %mul3A_142 : i32 to index
      %swap3A_413 = tpu.vector_load %arg8[%swap3A_411, %swap3A_412] {strides = array<i32>} : memref<83x512xf32, #tpu.memory_space<vmem>>, vector<16xf32>,
      tpu.vector_store %arg8[%swap3A_411, %swap3A_412], %gather3A_409 {strides = array<i32>} : memref<83x512xf32, #tpu.memory_space<vmem>>, vector<16xf32>,
      %add3A_414 = arith.constant 11 : i32
      %add3A_415 = vector.broadcast %add3A_414 : i32 to vector<16xi32>
      %add3A_416 = arith.addi %add3A_325, %add3A_415 : vector<16xi32>
      %gather3A_417 = tpu.vector_load_idx %arg6[%add3A_416] : memref<4960xf32, #tpu.memory_space<vmem>>[vector<16xi32>], vector<16xf32>,
      %swap3A_418 = arith.constant 44 : i32
      %swap3A_419 = arith.index_cast %swap3A_418 : i32 to index
      %swap3A_420 = arith.index_cast %mul3A_142 : i32 to index
      %swap3A_421 = tpu.vector_load %arg8[%swap3A_419, %swap3A_420] {strides = array<i32>} : memref<83x512xf32, #tpu.memory_space<vmem>>, vector<16xf32>,
      tpu.vector_store %arg8[%swap3A_419, %swap3A_420], %gather3A_417 {strides = array<i32>} : memref<83x512xf32, #tpu.memory_space<vmem>>, vector<16xf32>,
      %add3A_422 = arith.constant 12 : i32
      %add3A_423 = vector.broadcast %add3A_422 : i32 to vector<16xi32>
      %add3A_424 = arith.addi %add3A_325, %add3A_423 : vector<16xi32>
      %gather3A_425 = tpu.vector_load_idx %arg6[%add3A_424] : memref<4960xf32, #tpu.memory_space<vmem>>[vector<16xi32>], vector<16xf32>,
      %swap3A_426 = arith.constant 45 : i32
      %swap3A_427 = arith.index_cast %swap3A_426 : i32 to index
      %swap3A_428 = arith.index_cast %mul3A_142 : i32 to index
      %swap3A_429 = tpu.vector_load %arg8[%swap3A_427, %swap3A_428] {strides = array<i32>} : memref<83x512xf32, #tpu.memory_space<vmem>>, vector<16xf32>,
      tpu.vector_store %arg8[%swap3A_427, %swap3A_428], %gather3A_425 {strides = array<i32>} : memref<83x512xf32, #tpu.memory_space<vmem>>, vector<16xf32>,
      %add3A_430 = arith.constant 13 : i32
      %add3A_431 = vector.broadcast %add3A_430 : i32 to vector<16xi32>
      %add3A_432 = arith.addi %add3A_325, %add3A_431 : vector<16xi32>
      %gather3A_433 = tpu.vector_load_idx %arg6[%add3A_432] : memref<4960xf32, #tpu.memory_space<vmem>>[vector<16xi32>], vector<16xf32>,
      %swap3A_434 = arith.constant 46 : i32
      %swap3A_435 = arith.index_cast %swap3A_434 : i32 to index
      %swap3A_436 = arith.index_cast %mul3A_142 : i32 to index
      %swap3A_437 = tpu.vector_load %arg8[%swap3A_435, %swap3A_436] {strides = array<i32>} : memref<83x512xf32, #tpu.memory_space<vmem>>, vector<16xf32>,
      tpu.vector_store %arg8[%swap3A_435, %swap3A_436], %gather3A_433 {strides = array<i32>} : memref<83x512xf32, #tpu.memory_space<vmem>>, vector<16xf32>,
      %add3A_438 = arith.constant 14 : i32
      %add3A_439 = vector.broadcast %add3A_438 : i32 to vector<16xi32>
      %add3A_440 = arith.addi %add3A_325, %add3A_439 : vector<16xi32>
      %gather3A_441 = tpu.vector_load_idx %arg6[%add3A_440] : memref<4960xf32, #tpu.memory_space<vmem>>[vector<16xi32>], vector<16xf32>,
      %swap3A_442 = arith.constant 47 : i32
      %swap3A_443 = arith.index_cast %swap3A_442 : i32 to index
      %swap3A_444 = arith.index_cast %mul3A_142 : i32 to index
      %swap3A_445 = tpu.vector_load %arg8[%swap3A_443, %swap3A_444] {strides = array<i32>} : memref<83x512xf32, #tpu.memory_space<vmem>>, vector<16xf32>,
      tpu.vector_store %arg8[%swap3A_443, %swap3A_444], %gather3A_441 {strides = array<i32>} : memref<83x512xf32, #tpu.memory_space<vmem>>, vector<16xf32>,
      %add3A_446 = arith.constant 15 : i32
      %add3A_447 = vector.broadcast %add3A_446 : i32 to vector<16xi32>
      %add3A_448 = arith.addi %add3A_325, %add3A_447 : vector<16xi32>
      %gather3A_449 = tpu.vector_load_idx %arg6[%add3A_448] : memref<4960xf32, #tpu.memory_space<vmem>>[vector<16xi32>], vector<16xf32>,
      %swap3A_450 = arith.constant 48 : i32
      %swap3A_451 = arith.index_cast %swap3A_450 : i32 to index
      %swap3A_452 = arith.index_cast %mul3A_142 : i32 to index
      %swap3A_453 = tpu.vector_load %arg8[%swap3A_451, %swap3A_452] {strides = array<i32>} : memref<83x512xf32, #tpu.memory_space<vmem>>, vector<16xf32>,
      tpu.vector_store %arg8[%swap3A_451, %swap3A_452], %gather3A_449 {strides = array<i32>} : memref<83x512xf32, #tpu.memory_space<vmem>>, vector<16xf32>,
      %add3A_454 = arith.constant 16 : i32
      %add3A_455 = vector.broadcast %add3A_454 : i32 to vector<16xi32>
      %add3A_456 = arith.addi %add3A_325, %add3A_455 : vector<16xi32>
      %gather3A_457 = tpu.vector_load_idx %arg6[%add3A_456] : memref<4960xf32, #tpu.memory_space<vmem>>[vector<16xi32>], vector<16xf32>,
      %swap3A_458 = arith.constant 49 : i32
      %swap3A_459 = arith.index_cast %swap3A_458 : i32 to index
      %swap3A_460 = arith.index_cast %mul3A_142 : i32 to index
      %swap3A_461 = tpu.vector_load %arg8[%swap3A_459, %swap3A_460] {strides = array<i32>} : memref<83x512xf32, #tpu.memory_space<vmem>>, vector<16xf32>,
      tpu.vector_store %arg8[%swap3A_459, %swap3A_460], %gather3A_457 {strides = array<i32>} : memref<83x512xf32, #tpu.memory_space<vmem>>, vector<16xf32>,
      %add3A_462 = arith.constant 17 : i32
      %add3A_463 = vector.broadcast %add3A_462 : i32 to vector<16xi32>
      %add3A_464 = arith.addi %add3A_325, %add3A_463 : vector<16xi32>
      %gather3A_465 = tpu.vector_load_idx %arg6[%add3A_464] : memref<4960xf32, #tpu.memory_space<vmem>>[vector<16xi32>], vector<16xf32>,
      %swap3A_466 = arith.constant 50 : i32
      %swap3A_467 = arith.index_cast %swap3A_466 : i32 to index
      %swap3A_468 = arith.index_cast %mul3A_142 : i32 to index
      %swap3A_469 = tpu.vector_load %arg8[%swap3A_467, %swap3A_468] {strides = array<i32>} : memref<83x512xf32, #tpu.memory_space<vmem>>, vector<16xf32>,
      tpu.vector_store %arg8[%swap3A_467, %swap3A_468], %gather3A_465 {strides = array<i32>} : memref<83x512xf32, #tpu.memory_space<vmem>>, vector<16xf32>,
      %add3A_470 = arith.constant 18 : i32
      %add3A_471 = vector.broadcast %add3A_470 : i32 to vector<16xi32>
      %add3A_472 = arith.addi %add3A_325, %add3A_471 : vector<16xi32>
      %gather3A_473 = tpu.vector_load_idx %arg6[%add3A_472] : memref<4960xf32, #tpu.memory_space<vmem>>[vector<16xi32>], vector<16xf32>,
      %swap3A_474 = arith.constant 51 : i32
      %swap3A_475 = arith.index_cast %swap3A_474 : i32 to index
      %swap3A_476 = arith.index_cast %mul3A_142 : i32 to index
      %swap3A_477 = tpu.vector_load %arg8[%swap3A_475, %swap3A_476] {strides = array<i32>} : memref<83x512xf32, #tpu.memory_space<vmem>>, vector<16xf32>,
      tpu.vector_store %arg8[%swap3A_475, %swap3A_476], %gather3A_473 {strides = array<i32>} : memref<83x512xf32, #tpu.memory_space<vmem>>, vector<16xf32>,
      %add3A_478 = arith.constant 19 : i32
      %add3A_479 = vector.broadcast %add3A_478 : i32 to vector<16xi32>
      %add3A_480 = arith.addi %add3A_325, %add3A_479 : vector<16xi32>
      %gather3A_481 = tpu.vector_load_idx %arg6[%add3A_480] : memref<4960xf32, #tpu.memory_space<vmem>>[vector<16xi32>], vector<16xf32>,
      %swap3A_482 = arith.constant 52 : i32
      %swap3A_483 = arith.index_cast %swap3A_482 : i32 to index
      %swap3A_484 = arith.index_cast %mul3A_142 : i32 to index
      %swap3A_485 = tpu.vector_load %arg8[%swap3A_483, %swap3A_484] {strides = array<i32>} : memref<83x512xf32, #tpu.memory_space<vmem>>, vector<16xf32>,
      tpu.vector_store %arg8[%swap3A_483, %swap3A_484], %gather3A_481 {strides = array<i32>} : memref<83x512xf32, #tpu.memory_space<vmem>>, vector<16xf32>,
      %add3A_486 = arith.constant 20 : i32
      %add3A_487 = vector.broadcast %add3A_486 : i32 to vector<16xi32>
      %add3A_488 = arith.addi %add3A_325, %add3A_487 : vector<16xi32>
      %gather3A_489 = tpu.vector_load_idx %arg6[%add3A_488] : memref<4960xf32, #tpu.memory_space<vmem>>[vector<16xi32>], vector<16xf32>,
      %swap3A_490 = arith.constant 53 : i32
      %swap3A_491 = arith.index_cast %swap3A_490 : i32 to index
      %swap3A_492 = arith.index_cast %mul3A_142 : i32 to index
      %swap3A_493 = tpu.vector_load %arg8[%swap3A_491, %swap3A_492] {strides = array<i32>} : memref<83x512xf32, #tpu.memory_space<vmem>>, vector<16xf32>,
      tpu.vector_store %arg8[%swap3A_491, %swap3A_492], %gather3A_489 {strides = array<i32>} : memref<83x512xf32, #tpu.memory_space<vmem>>, vector<16xf32>,
      %add3A_494 = arith.constant 21 : i32
      %add3A_495 = vector.broadcast %add3A_494 : i32 to vector<16xi32>
      %add3A_496 = arith.addi %add3A_325, %add3A_495 : vector<16xi32>
      %gather3A_497 = tpu.vector_load_idx %arg6[%add3A_496] : memref<4960xf32, #tpu.memory_space<vmem>>[vector<16xi32>], vector<16xf32>,
      %swap3A_498 = arith.constant 54 : i32
      %swap3A_499 = arith.index_cast %swap3A_498 : i32 to index
      %swap3A_500 = arith.index_cast %mul3A_142 : i32 to index
      %swap3A_501 = tpu.vector_load %arg8[%swap3A_499, %swap3A_500] {strides = array<i32>} : memref<83x512xf32, #tpu.memory_space<vmem>>, vector<16xf32>,
      tpu.vector_store %arg8[%swap3A_499, %swap3A_500], %gather3A_497 {strides = array<i32>} : memref<83x512xf32, #tpu.memory_space<vmem>>, vector<16xf32>,
      %add3A_502 = arith.constant 22 : i32
      %add3A_503 = vector.broadcast %add3A_502 : i32 to vector<16xi32>
      %add3A_504 = arith.addi %add3A_325, %add3A_503 : vector<16xi32>
      %gather3A_505 = tpu.vector_load_idx %arg6[%add3A_504] : memref<4960xf32, #tpu.memory_space<vmem>>[vector<16xi32>], vector<16xf32>,
      %swap3A_506 = arith.constant 55 : i32
      %swap3A_507 = arith.index_cast %swap3A_506 : i32 to index
      %swap3A_508 = arith.index_cast %mul3A_142 : i32 to index
      %swap3A_509 = tpu.vector_load %arg8[%swap3A_507, %swap3A_508] {strides = array<i32>} : memref<83x512xf32, #tpu.memory_space<vmem>>, vector<16xf32>,
      tpu.vector_store %arg8[%swap3A_507, %swap3A_508], %gather3A_505 {strides = array<i32>} : memref<83x512xf32, #tpu.memory_space<vmem>>, vector<16xf32>,
      %add3A_510 = arith.constant 23 : i32
      %add3A_511 = vector.broadcast %add3A_510 : i32 to vector<16xi32>
      %add3A_512 = arith.addi %add3A_325, %add3A_511 : vector<16xi32>
      %gather3A_513 = tpu.vector_load_idx %arg6[%add3A_512] : memref<4960xf32, #tpu.memory_space<vmem>>[vector<16xi32>], vector<16xf32>,
      %swap3A_514 = arith.constant 56 : i32
      %swap3A_515 = arith.index_cast %swap3A_514 : i32 to index
      %swap3A_516 = arith.index_cast %mul3A_142 : i32 to index
      %swap3A_517 = tpu.vector_load %arg8[%swap3A_515, %swap3A_516] {strides = array<i32>} : memref<83x512xf32, #tpu.memory_space<vmem>>, vector<16xf32>,
      tpu.vector_store %arg8[%swap3A_515, %swap3A_516], %gather3A_513 {strides = array<i32>} : memref<83x512xf32, #tpu.memory_space<vmem>>, vector<16xf32>,
      %add3A_518 = arith.constant 24 : i32
      %add3A_519 = vector.broadcast %add3A_518 : i32 to vector<16xi32>
      %add3A_520 = arith.addi %add3A_325, %add3A_519 : vector<16xi32>
      %gather3A_521 = tpu.vector_load_idx %arg6[%add3A_520] : memref<4960xf32, #tpu.memory_space<vmem>>[vector<16xi32>], vector<16xf32>,
      %swap3A_522 = arith.constant 57 : i32
      %swap3A_523 = arith.index_cast %swap3A_522 : i32 to index
      %swap3A_524 = arith.index_cast %mul3A_142 : i32 to index
      %swap3A_525 = tpu.vector_load %arg8[%swap3A_523, %swap3A_524] {strides = array<i32>} : memref<83x512xf32, #tpu.memory_space<vmem>>, vector<16xf32>,
      tpu.vector_store %arg8[%swap3A_523, %swap3A_524], %gather3A_521 {strides = array<i32>} : memref<83x512xf32, #tpu.memory_space<vmem>>, vector<16xf32>,
      %add3A_526 = arith.constant 25 : i32
      %add3A_527 = vector.broadcast %add3A_526 : i32 to vector<16xi32>
      %add3A_528 = arith.addi %add3A_325, %add3A_527 : vector<16xi32>
      %gather3A_529 = tpu.vector_load_idx %arg6[%add3A_528] : memref<4960xf32, #tpu.memory_space<vmem>>[vector<16xi32>], vector<16xf32>,
      %swap3A_530 = arith.constant 58 : i32
      %swap3A_531 = arith.index_cast %swap3A_530 : i32 to index
      %swap3A_532 = arith.index_cast %mul3A_142 : i32 to index
      %swap3A_533 = tpu.vector_load %arg8[%swap3A_531, %swap3A_532] {strides = array<i32>} : memref<83x512xf32, #tpu.memory_space<vmem>>, vector<16xf32>,
      tpu.vector_store %arg8[%swap3A_531, %swap3A_532], %gather3A_529 {strides = array<i32>} : memref<83x512xf32, #tpu.memory_space<vmem>>, vector<16xf32>,
      %add3A_534 = arith.constant 26 : i32
      %add3A_535 = vector.broadcast %add3A_534 : i32 to vector<16xi32>
      %add3A_536 = arith.addi %add3A_325, %add3A_535 : vector<16xi32>
      %gather3A_537 = tpu.vector_load_idx %arg6[%add3A_536] : memref<4960xf32, #tpu.memory_space<vmem>>[vector<16xi32>], vector<16xf32>,
      %swap3A_538 = arith.constant 59 : i32
      %swap3A_539 = arith.index_cast %swap3A_538 : i32 to index
      %swap3A_540 = arith.index_cast %mul3A_142 : i32 to index
      %swap3A_541 = tpu.vector_load %arg8[%swap3A_539, %swap3A_540] {strides = array<i32>} : memref<83x512xf32, #tpu.memory_space<vmem>>, vector<16xf32>,
      tpu.vector_store %arg8[%swap3A_539, %swap3A_540], %gather3A_537 {strides = array<i32>} : memref<83x512xf32, #tpu.memory_space<vmem>>, vector<16xf32>,
      %add3A_542 = arith.constant 27 : i32
      %add3A_543 = vector.broadcast %add3A_542 : i32 to vector<16xi32>
      %add3A_544 = arith.addi %add3A_325, %add3A_543 : vector<16xi32>
      %gather3A_545 = tpu.vector_load_idx %arg6[%add3A_544] : memref<4960xf32, #tpu.memory_space<vmem>>[vector<16xi32>], vector<16xf32>,
      %swap3A_546 = arith.constant 60 : i32
      %swap3A_547 = arith.index_cast %swap3A_546 : i32 to index
      %swap3A_548 = arith.index_cast %mul3A_142 : i32 to index
      %swap3A_549 = tpu.vector_load %arg8[%swap3A_547, %swap3A_548] {strides = array<i32>} : memref<83x512xf32, #tpu.memory_space<vmem>>, vector<16xf32>,
      tpu.vector_store %arg8[%swap3A_547, %swap3A_548], %gather3A_545 {strides = array<i32>} : memref<83x512xf32, #tpu.memory_space<vmem>>, vector<16xf32>,
      %add3A_550 = arith.constant 28 : i32
      %add3A_551 = vector.broadcast %add3A_550 : i32 to vector<16xi32>
      %add3A_552 = arith.addi %add3A_325, %add3A_551 : vector<16xi32>
      %gather3A_553 = tpu.vector_load_idx %arg6[%add3A_552] : memref<4960xf32, #tpu.memory_space<vmem>>[vector<16xi32>], vector<16xf32>,
      %swap3A_554 = arith.constant 61 : i32
      %swap3A_555 = arith.index_cast %swap3A_554 : i32 to index
      %swap3A_556 = arith.index_cast %mul3A_142 : i32 to index
      %swap3A_557 = tpu.vector_load %arg8[%swap3A_555, %swap3A_556] {strides = array<i32>} : memref<83x512xf32, #tpu.memory_space<vmem>>, vector<16xf32>,
      tpu.vector_store %arg8[%swap3A_555, %swap3A_556], %gather3A_553 {strides = array<i32>} : memref<83x512xf32, #tpu.memory_space<vmem>>, vector<16xf32>,
      %add3A_558 = arith.constant 29 : i32
      %add3A_559 = vector.broadcast %add3A_558 : i32 to vector<16xi32>
      %add3A_560 = arith.addi %add3A_325, %add3A_559 : vector<16xi32>
      %gather3A_561 = tpu.vector_load_idx %arg6[%add3A_560] : memref<4960xf32, #tpu.memory_space<vmem>>[vector<16xi32>], vector<16xf32>,
      %swap3A_562 = arith.constant 62 : i32
      %swap3A_563 = arith.index_cast %swap3A_562 : i32 to index
      %swap3A_564 = arith.index_cast %mul3A_142 : i32 to index
      %swap3A_565 = tpu.vector_load %arg8[%swap3A_563, %swap3A_564] {strides = array<i32>} : memref<83x512xf32, #tpu.memory_space<vmem>>, vector<16xf32>,
      tpu.vector_store %arg8[%swap3A_563, %swap3A_564], %gather3A_561 {strides = array<i32>} : memref<83x512xf32, #tpu.memory_space<vmem>>, vector<16xf32>,
      %add3A_566 = arith.constant 30 : i32
      %add3A_567 = vector.broadcast %add3A_566 : i32 to vector<16xi32>
      %add3A_568 = arith.addi %add3A_325, %add3A_567 : vector<16xi32>
      %gather3A_569 = tpu.vector_load_idx %arg6[%add3A_568] : memref<4960xf32, #tpu.memory_space<vmem>>[vector<16xi32>], vector<16xf32>,
      %swap3A_570 = arith.constant 63 : i32
      %swap3A_571 = arith.index_cast %swap3A_570 : i32 to index
      %swap3A_572 = arith.index_cast %mul3A_142 : i32 to index
      %swap3A_573 = tpu.vector_load %arg8[%swap3A_571, %swap3A_572] {strides = array<i32>} : memref<83x512xf32, #tpu.memory_space<vmem>>, vector<16xf32>,
      tpu.vector_store %arg8[%swap3A_571, %swap3A_572], %gather3A_569 {strides = array<i32>} : memref<83x512xf32, #tpu.memory_space<vmem>>, vector<16xf32>,
      %add3A_574 = arith.constant 31 : i32
      %add3A_575 = vector.broadcast %add3A_574 : i32 to vector<16xi32>
      %add3A_576 = arith.addi %add3A_325, %add3A_575 : vector<16xi32>
      %gather3A_577 = tpu.vector_load_idx %arg6[%add3A_576] : memref<4960xf32, #tpu.memory_space<vmem>>[vector<16xi32>], vector<16xf32>,
      %swap3A_578 = arith.constant 64 : i32
      %swap3A_579 = arith.index_cast %swap3A_578 : i32 to index
      %swap3A_580 = arith.index_cast %mul3A_142 : i32 to index
      %swap3A_581 = tpu.vector_load %arg8[%swap3A_579, %swap3A_580] {strides = array<i32>} : memref<83x512xf32, #tpu.memory_space<vmem>>, vector<16xf32>,
      tpu.vector_store %arg8[%swap3A_579, %swap3A_580], %gather3A_577 {strides = array<i32>} : memref<83x512xf32, #tpu.memory_space<vmem>>, vector<16xf32>,
      %add3A_582 = arith.constant 32 : i32
      %add3A_583 = vector.broadcast %add3A_582 : i32 to vector<16xi32>
      %add3A_584 = arith.addi %add3A_325, %add3A_583 : vector<16xi32>
      %gather3A_585 = tpu.vector_load_idx %arg6[%add3A_584] : memref<4960xf32, #tpu.memory_space<vmem>>[vector<16xi32>], vector<16xf32>,
      %swap3A_586 = arith.constant 65 : i32
      %swap3A_587 = arith.index_cast %swap3A_586 : i32 to index
      %swap3A_588 = arith.index_cast %mul3A_142 : i32 to index
      %swap3A_589 = tpu.vector_load %arg8[%swap3A_587, %swap3A_588] {strides = array<i32>} : memref<83x512xf32, #tpu.memory_space<vmem>>, vector<16xf32>,
      tpu.vector_store %arg8[%swap3A_587, %swap3A_588], %gather3A_585 {strides = array<i32>} : memref<83x512xf32, #tpu.memory_space<vmem>>, vector<16xf32>,
      %add3A_590 = arith.constant 33 : i32
      %add3A_591 = vector.broadcast %add3A_590 : i32 to vector<16xi32>
      %add3A_592 = arith.addi %add3A_325, %add3A_591 : vector<16xi32>
      %gather3A_593 = tpu.vector_load_idx %arg6[%add3A_592] : memref<4960xf32, #tpu.memory_space<vmem>>[vector<16xi32>], vector<16xf32>,
      %swap3A_594 = arith.constant 66 : i32
      %swap3A_595 = arith.index_cast %swap3A_594 : i32 to index
      %swap3A_596 = arith.index_cast %mul3A_142 : i32 to index
      %swap3A_597 = tpu.vector_load %arg8[%swap3A_595, %swap3A_596] {strides = array<i32>} : memref<83x512xf32, #tpu.memory_space<vmem>>, vector<16xf32>,
      tpu.vector_store %arg8[%swap3A_595, %swap3A_596], %gather3A_593 {strides = array<i32>} : memref<83x512xf32, #tpu.memory_space<vmem>>, vector<16xf32>,
      %add3A_598 = arith.constant 34 : i32
      %add3A_599 = vector.broadcast %add3A_598 : i32 to vector<16xi32>
      %add3A_600 = arith.addi %add3A_325, %add3A_599 : vector<16xi32>
      %gather3A_601 = tpu.vector_load_idx %arg6[%add3A_600] : memref<4960xf32, #tpu.memory_space<vmem>>[vector<16xi32>], vector<16xf32>,
      %swap3A_602 = arith.constant 67 : i32
      %swap3A_603 = arith.index_cast %swap3A_602 : i32 to index
      %swap3A_604 = arith.index_cast %mul3A_142 : i32 to index
      %swap3A_605 = tpu.vector_load %arg8[%swap3A_603, %swap3A_604] {strides = array<i32>} : memref<83x512xf32, #tpu.memory_space<vmem>>, vector<16xf32>,
      tpu.vector_store %arg8[%swap3A_603, %swap3A_604], %gather3A_601 {strides = array<i32>} : memref<83x512xf32, #tpu.memory_space<vmem>>, vector<16xf32>,
      %add3A_606 = arith.constant 35 : i32
      %add3A_607 = vector.broadcast %add3A_606 : i32 to vector<16xi32>
      %add3A_608 = arith.addi %add3A_325, %add3A_607 : vector<16xi32>
      %gather3A_609 = tpu.vector_load_idx %arg6[%add3A_608] : memref<4960xf32, #tpu.memory_space<vmem>>[vector<16xi32>], vector<16xf32>,
      %swap3A_610 = arith.constant 68 : i32
      %swap3A_611 = arith.index_cast %swap3A_610 : i32 to index
      %swap3A_612 = arith.index_cast %mul3A_142 : i32 to index
      %swap3A_613 = tpu.vector_load %arg8[%swap3A_611, %swap3A_612] {strides = array<i32>} : memref<83x512xf32, #tpu.memory_space<vmem>>, vector<16xf32>,
      tpu.vector_store %arg8[%swap3A_611, %swap3A_612], %gather3A_609 {strides = array<i32>} : memref<83x512xf32, #tpu.memory_space<vmem>>, vector<16xf32>,
      %add3A_614 = arith.constant 36 : i32
      %add3A_615 = vector.broadcast %add3A_614 : i32 to vector<16xi32>
      %add3A_616 = arith.addi %add3A_325, %add3A_615 : vector<16xi32>
      %gather3A_617 = tpu.vector_load_idx %arg6[%add3A_616] : memref<4960xf32, #tpu.memory_space<vmem>>[vector<16xi32>], vector<16xf32>,
      %swap3A_618 = arith.constant 69 : i32
      %swap3A_619 = arith.index_cast %swap3A_618 : i32 to index
      %swap3A_620 = arith.index_cast %mul3A_142 : i32 to index
      %swap3A_621 = tpu.vector_load %arg8[%swap3A_619, %swap3A_620] {strides = array<i32>} : memref<83x512xf32, #tpu.memory_space<vmem>>, vector<16xf32>,
      tpu.vector_store %arg8[%swap3A_619, %swap3A_620], %gather3A_617 {strides = array<i32>} : memref<83x512xf32, #tpu.memory_space<vmem>>, vector<16xf32>,
      %add3A_622 = arith.constant 37 : i32
      %add3A_623 = vector.broadcast %add3A_622 : i32 to vector<16xi32>
      %add3A_624 = arith.addi %add3A_325, %add3A_623 : vector<16xi32>
      %gather3A_625 = tpu.vector_load_idx %arg6[%add3A_624] : memref<4960xf32, #tpu.memory_space<vmem>>[vector<16xi32>], vector<16xf32>,
      %swap3A_626 = arith.constant 70 : i32
      %swap3A_627 = arith.index_cast %swap3A_626 : i32 to index
      %swap3A_628 = arith.index_cast %mul3A_142 : i32 to index
      %swap3A_629 = tpu.vector_load %arg8[%swap3A_627, %swap3A_628] {strides = array<i32>} : memref<83x512xf32, #tpu.memory_space<vmem>>, vector<16xf32>,
      tpu.vector_store %arg8[%swap3A_627, %swap3A_628], %gather3A_625 {strides = array<i32>} : memref<83x512xf32, #tpu.memory_space<vmem>>, vector<16xf32>,
      %add3A_630 = arith.constant 38 : i32
      %add3A_631 = vector.broadcast %add3A_630 : i32 to vector<16xi32>
      %add3A_632 = arith.addi %add3A_325, %add3A_631 : vector<16xi32>
      %gather3A_633 = tpu.vector_load_idx %arg6[%add3A_632] : memref<4960xf32, #tpu.memory_space<vmem>>[vector<16xi32>], vector<16xf32>,
      %swap3A_634 = arith.constant 71 : i32
      %swap3A_635 = arith.index_cast %swap3A_634 : i32 to index
      %swap3A_636 = arith.index_cast %mul3A_142 : i32 to index
      %swap3A_637 = tpu.vector_load %arg8[%swap3A_635, %swap3A_636] {strides = array<i32>} : memref<83x512xf32, #tpu.memory_space<vmem>>, vector<16xf32>,
      tpu.vector_store %arg8[%swap3A_635, %swap3A_636], %gather3A_633 {strides = array<i32>} : memref<83x512xf32, #tpu.memory_space<vmem>>, vector<16xf32>,
      %add3A_638 = arith.constant 39 : i32
      %add3A_639 = vector.broadcast %add3A_638 : i32 to vector<16xi32>
      %add3A_640 = arith.addi %add3A_325, %add3A_639 : vector<16xi32>
      %gather3A_641 = tpu.vector_load_idx %arg6[%add3A_640] : memref<4960xf32, #tpu.memory_space<vmem>>[vector<16xi32>], vector<16xf32>,
      %swap3A_642 = arith.constant 72 : i32
      %swap3A_643 = arith.index_cast %swap3A_642 : i32 to index
      %swap3A_644 = arith.index_cast %mul3A_142 : i32 to index
      %swap3A_645 = tpu.vector_load %arg8[%swap3A_643, %swap3A_644] {strides = array<i32>} : memref<83x512xf32, #tpu.memory_space<vmem>>, vector<16xf32>,
      tpu.vector_store %arg8[%swap3A_643, %swap3A_644], %gather3A_641 {strides = array<i32>} : memref<83x512xf32, #tpu.memory_space<vmem>>, vector<16xf32>,
      %add3A_646 = arith.constant 40 : i32
      %add3A_647 = vector.broadcast %add3A_646 : i32 to vector<16xi32>
      %add3A_648 = arith.addi %add3A_325, %add3A_647 : vector<16xi32>
      %gather3A_649 = tpu.vector_load_idx %arg6[%add3A_648] : memref<4960xf32, #tpu.memory_space<vmem>>[vector<16xi32>], vector<16xf32>,
      %swap3A_650 = arith.constant 73 : i32
      %swap3A_651 = arith.index_cast %swap3A_650 : i32 to index
      %swap3A_652 = arith.index_cast %mul3A_142 : i32 to index
      %swap3A_653 = tpu.vector_load %arg8[%swap3A_651, %swap3A_652] {strides = array<i32>} : memref<83x512xf32, #tpu.memory_space<vmem>>, vector<16xf32>,
      tpu.vector_store %arg8[%swap3A_651, %swap3A_652], %gather3A_649 {strides = array<i32>} : memref<83x512xf32, #tpu.memory_space<vmem>>, vector<16xf32>,
      %add3A_654 = arith.constant 41 : i32
      %add3A_655 = vector.broadcast %add3A_654 : i32 to vector<16xi32>
      %add3A_656 = arith.addi %add3A_325, %add3A_655 : vector<16xi32>
      %gather3A_657 = tpu.vector_load_idx %arg6[%add3A_656] : memref<4960xf32, #tpu.memory_space<vmem>>[vector<16xi32>], vector<16xf32>,
      %swap3A_658 = arith.constant 74 : i32
      %swap3A_659 = arith.index_cast %swap3A_658 : i32 to index
      %swap3A_660 = arith.index_cast %mul3A_142 : i32 to index
      %swap3A_661 = tpu.vector_load %arg8[%swap3A_659, %swap3A_660] {strides = array<i32>} : memref<83x512xf32, #tpu.memory_space<vmem>>, vector<16xf32>,
      tpu.vector_store %arg8[%swap3A_659, %swap3A_660], %gather3A_657 {strides = array<i32>} : memref<83x512xf32, #tpu.memory_space<vmem>>, vector<16xf32>,
      %add3A_662 = arith.constant 42 : i32
      %add3A_663 = vector.broadcast %add3A_662 : i32 to vector<16xi32>
      %add3A_664 = arith.addi %add3A_325, %add3A_663 : vector<16xi32>
      %gather3A_665 = tpu.vector_load_idx %arg6[%add3A_664] : memref<4960xf32, #tpu.memory_space<vmem>>[vector<16xi32>], vector<16xf32>,
      %swap3A_666 = arith.constant 75 : i32
      %swap3A_667 = arith.index_cast %swap3A_666 : i32 to index
      %swap3A_668 = arith.index_cast %mul3A_142 : i32 to index
      %swap3A_669 = tpu.vector_load %arg8[%swap3A_667, %swap3A_668] {strides = array<i32>} : memref<83x512xf32, #tpu.memory_space<vmem>>, vector<16xf32>,
      tpu.vector_store %arg8[%swap3A_667, %swap3A_668], %gather3A_665 {strides = array<i32>} : memref<83x512xf32, #tpu.memory_space<vmem>>, vector<16xf32>,
      %add3A_670 = arith.constant 43 : i32
      %add3A_671 = vector.broadcast %add3A_670 : i32 to vector<16xi32>
      %add3A_672 = arith.addi %add3A_325, %add3A_671 : vector<16xi32>
      %gather3A_673 = tpu.vector_load_idx %arg6[%add3A_672] : memref<4960xf32, #tpu.memory_space<vmem>>[vector<16xi32>], vector<16xf32>,
      %swap3A_674 = arith.constant 76 : i32
      %swap3A_675 = arith.index_cast %swap3A_674 : i32 to index
      %swap3A_676 = arith.index_cast %mul3A_142 : i32 to index
      %swap3A_677 = tpu.vector_load %arg8[%swap3A_675, %swap3A_676] {strides = array<i32>} : memref<83x512xf32, #tpu.memory_space<vmem>>, vector<16xf32>,
      tpu.vector_store %arg8[%swap3A_675, %swap3A_676], %gather3A_673 {strides = array<i32>} : memref<83x512xf32, #tpu.memory_space<vmem>>, vector<16xf32>,
      %add3A_678 = arith.constant 44 : i32
      %add3A_679 = vector.broadcast %add3A_678 : i32 to vector<16xi32>
      %add3A_680 = arith.addi %add3A_325, %add3A_679 : vector<16xi32>
      %gather3A_681 = tpu.vector_load_idx %arg6[%add3A_680] : memref<4960xf32, #tpu.memory_space<vmem>>[vector<16xi32>], vector<16xf32>,
      %swap3A_682 = arith.constant 77 : i32
      %swap3A_683 = arith.index_cast %swap3A_682 : i32 to index
      %swap3A_684 = arith.index_cast %mul3A_142 : i32 to index
      %swap3A_685 = tpu.vector_load %arg8[%swap3A_683, %swap3A_684] {strides = array<i32>} : memref<83x512xf32, #tpu.memory_space<vmem>>, vector<16xf32>,
      tpu.vector_store %arg8[%swap3A_683, %swap3A_684], %gather3A_681 {strides = array<i32>} : memref<83x512xf32, #tpu.memory_space<vmem>>, vector<16xf32>,
      %add3A_686 = arith.constant 45 : i32
      %add3A_687 = vector.broadcast %add3A_686 : i32 to vector<16xi32>
      %add3A_688 = arith.addi %add3A_325, %add3A_687 : vector<16xi32>
      %gather3A_689 = tpu.vector_load_idx %arg6[%add3A_688] : memref<4960xf32, #tpu.memory_space<vmem>>[vector<16xi32>], vector<16xf32>,
      %swap3A_690 = arith.constant 78 : i32
      %swap3A_691 = arith.index_cast %swap3A_690 : i32 to index
      %swap3A_692 = arith.index_cast %mul3A_142 : i32 to index
      %swap3A_693 = tpu.vector_load %arg8[%swap3A_691, %swap3A_692] {strides = array<i32>} : memref<83x512xf32, #tpu.memory_space<vmem>>, vector<16xf32>,
      tpu.vector_store %arg8[%swap3A_691, %swap3A_692], %gather3A_689 {strides = array<i32>} : memref<83x512xf32, #tpu.memory_space<vmem>>, vector<16xf32>,
      %add3A_694 = arith.constant 46 : i32
      %add3A_695 = vector.broadcast %add3A_694 : i32 to vector<16xi32>
      %add3A_696 = arith.addi %add3A_325, %add3A_695 : vector<16xi32>
      %gather3A_697 = tpu.vector_load_idx %arg6[%add3A_696] : memref<4960xf32, #tpu.memory_space<vmem>>[vector<16xi32>], vector<16xf32>,
      %swap3A_698 = arith.constant 79 : i32
      %swap3A_699 = arith.index_cast %swap3A_698 : i32 to index
      %swap3A_700 = arith.index_cast %mul3A_142 : i32 to index
      %swap3A_701 = tpu.vector_load %arg8[%swap3A_699, %swap3A_700] {strides = array<i32>} : memref<83x512xf32, #tpu.memory_space<vmem>>, vector<16xf32>,
      tpu.vector_store %arg8[%swap3A_699, %swap3A_700], %gather3A_697 {strides = array<i32>} : memref<83x512xf32, #tpu.memory_space<vmem>>, vector<16xf32>,
      %add3A_702 = arith.constant 47 : i32
      %add3A_703 = vector.broadcast %add3A_702 : i32 to vector<16xi32>
      %add3A_704 = arith.addi %add3A_325, %add3A_703 : vector<16xi32>
      %gather3A_705 = tpu.vector_load_idx %arg6[%add3A_704] : memref<4960xf32, #tpu.memory_space<vmem>>[vector<16xi32>], vector<16xf32>,
      %swap3A_706 = arith.constant 80 : i32
      %swap3A_707 = arith.index_cast %swap3A_706 : i32 to index
      %swap3A_708 = arith.index_cast %mul3A_142 : i32 to index
      %swap3A_709 = tpu.vector_load %arg8[%swap3A_707, %swap3A_708] {strides = array<i32>} : memref<83x512xf32, #tpu.memory_space<vmem>>, vector<16xf32>,
      tpu.vector_store %arg8[%swap3A_707, %swap3A_708], %gather3A_705 {strides = array<i32>} : memref<83x512xf32, #tpu.memory_space<vmem>>, vector<16xf32>,
      %add3A_710 = arith.constant 48 : i32
      %add3A_711 = vector.broadcast %add3A_710 : i32 to vector<16xi32>
      %add3A_712 = arith.addi %add3A_325, %add3A_711 : vector<16xi32>
      %gather3A_713 = tpu.vector_load_idx %arg6[%add3A_712] : memref<4960xf32, #tpu.memory_space<vmem>>[vector<16xi32>], vector<16xf32>,
      %swap3A_714 = arith.constant 81 : i32
      %swap3A_715 = arith.index_cast %swap3A_714 : i32 to index
      %swap3A_716 = arith.index_cast %mul3A_142 : i32 to index
      %swap3A_717 = tpu.vector_load %arg8[%swap3A_715, %swap3A_716] {strides = array<i32>} : memref<83x512xf32, #tpu.memory_space<vmem>>, vector<16xf32>,
      tpu.vector_store %arg8[%swap3A_715, %swap3A_716], %gather3A_713 {strides = array<i32>} : memref<83x512xf32, #tpu.memory_space<vmem>>, vector<16xf32>,
      %add3A_718 = arith.constant 49 : i32
      %add3A_719 = vector.broadcast %add3A_718 : i32 to vector<16xi32>
      %add3A_720 = arith.addi %add3A_325, %add3A_719 : vector<16xi32>
      %gather3A_721 = tpu.vector_load_idx %arg6[%add3A_720] : memref<4960xf32, #tpu.memory_space<vmem>>[vector<16xi32>], vector<16xf32>,
      %swap3A_722 = arith.constant 82 : i32
      %swap3A_723 = arith.index_cast %swap3A_722 : i32 to index
      %swap3A_724 = arith.index_cast %mul3A_142 : i32 to index
      %swap3A_725 = tpu.vector_load %arg8[%swap3A_723, %swap3A_724] {strides = array<i32>} : memref<83x512xf32, #tpu.memory_space<vmem>>, vector<16xf32>,
      tpu.vector_store %arg8[%swap3A_723, %swap3A_724], %gather3A_721 {strides = array<i32>} : memref<83x512xf32, #tpu.memory_space<vmem>>, vector<16xf32>,
    }
    %scan3A_87 = arith.constant 8 : i32
    %add3A_88 = arith.constant 384 : i32
    %add3A_89 = arith.addi %mul3A_2, %add3A_88 : i32
    %dma_start3A_90 = arith.constant 0 : i32
    %dma_start3A_91 = arith.constant 384 : i32
    %dma_start3A_92 = tpu.memref_slice %arg8[%dma_start3A_90, %dma_start3A_91] : memref<83x512xf32, #tpu.memory_space<vmem>> -> memref<83x128xf32, #tpu.memory_space<vmem>>
    %dma_start3A_93 = arith.constant 0 : i32
    %dma_start3A_94 = tpu.memref_slice %arg5[%dma_start3A_93, %add3A_89] : memref<83x16384xf32, #tpu.memory_space<hbm>> -> memref<83x128xf32, #tpu.memory_space<hbm>>
    %dma_start3A_95 = arith.constant 0 : i32
    %dma_start3A_96 = tpu.memref_slice %arg5[%dma_start3A_95, %add3A_89] : memref<83x16384xf32, #tpu.memory_space<hbm>> -> memref<83x128xf32, #tpu.memory_space<hbm>>
    %dma_start3A_97 = arith.constant 0 : i32
    %dma_start3A_98 = arith.constant 384 : i32
    %dma_start3A_99 = tpu.memref_slice %arg8[%dma_start3A_97, %dma_start3A_98] : memref<83x512xf32, #tpu.memory_space<vmem>> -> memref<83x128xf32, #tpu.memory_space<vmem>>
    tpu.enqueue_dma source(%dma_start3A_99 : memref<83x128xf32, #tpu.memory_space<vmem>>) target(%dma_start3A_96 : memref<83x128xf32, #tpu.memory_space<hbm>>) target_semaphore(%arg11 : memref<!tpu.dma_semaphore, #tpu.memory_space<semaphore_mem>>)
    %dma_wait3A_100 = arith.constant 0 : i32
    %dma_wait3A_101 = arith.constant 0 : i32
    %dma_wait3A_102 = tpu.memref_slice %arg8[%dma_wait3A_100, %dma_wait3A_101] : memref<83x512xf32, #tpu.memory_space<vmem>> -> memref<83x128xf32, #tpu.memory_space<vmem>>
    %dma_wait3A_103 = arith.constant 0 : i32
    %dma_wait3A_104 = tpu.memref_slice %arg5[%dma_wait3A_103, %add3A_35] : memref<83x16384xf32, #tpu.memory_space<hbm>> -> memref<83x128xf32, #tpu.memory_space<hbm>>
    %dma_wait3A_105 = arith.constant 0 : i32
    %dma_wait3A_106 = tpu.memref_slice %arg5[%dma_wait3A_105, %add3A_35] : memref<83x16384xf32, #tpu.memory_space<hbm>> -> memref<83x128xf32, #tpu.memory_space<hbm>>
    %dma_wait3A_107 = arith.constant 0 : i32
    %dma_wait3A_108 = arith.constant 0 : i32
    %dma_wait3A_109 = tpu.memref_slice %arg8[%dma_wait3A_107, %dma_wait3A_108] : memref<83x512xf32, #tpu.memory_space<vmem>> -> memref<83x128xf32, #tpu.memory_space<vmem>>
    tpu.wait_dma2 semaphore(%arg11 : memref<!tpu.dma_semaphore, #tpu.memory_space<semaphore_mem>>) src(%dma_wait3A_109 : memref<83x128xf32, #tpu.memory_space<vmem>>) dst(%dma_wait3A_106 : memref<83x128xf32, #tpu.memory_space<hbm>>)
    %dma_wait3A_110 = arith.constant 0 : i32
    %dma_wait3A_111 = arith.constant 128 : i32
    %dma_wait3A_112 = tpu.memref_slice %arg8[%dma_wait3A_110, %dma_wait3A_111] : memref<83x512xf32, #tpu.memory_space<vmem>> -> memref<83x128xf32, #tpu.memory_space<vmem>>
    %dma_wait3A_113 = arith.constant 0 : i32
    %dma_wait3A_114 = tpu.memref_slice %arg5[%dma_wait3A_113, %add3A_53] : memref<83x16384xf32, #tpu.memory_space<hbm>> -> memref<83x128xf32, #tpu.memory_space<hbm>>
    %dma_wait3A_115 = arith.constant 0 : i32
    %dma_wait3A_116 = tpu.memref_slice %arg5[%dma_wait3A_115, %add3A_53] : memref<83x16384xf32, #tpu.memory_space<hbm>> -> memref<83x128xf32, #tpu.memory_space<hbm>>
    %dma_wait3A_117 = arith.constant 0 : i32
    %dma_wait3A_118 = arith.constant 128 : i32
    %dma_wait3A_119 = tpu.memref_slice %arg8[%dma_wait3A_117, %dma_wait3A_118] : memref<83x512xf32, #tpu.memory_space<vmem>> -> memref<83x128xf32, #tpu.memory_space<vmem>>
    tpu.wait_dma2 semaphore(%arg11 : memref<!tpu.dma_semaphore, #tpu.memory_space<semaphore_mem>>) src(%dma_wait3A_119 : memref<83x128xf32, #tpu.memory_space<vmem>>) dst(%dma_wait3A_116 : memref<83x128xf32, #tpu.memory_space<hbm>>)
    %dma_wait3A_120 = arith.constant 0 : i32
    %dma_wait3A_121 = arith.constant 256 : i32
    %dma_wait3A_122 = tpu.memref_slice %arg8[%dma_wait3A_120, %dma_wait3A_121] : memref<83x512xf32, #tpu.memory_space<vmem>> -> memref<83x128xf32, #tpu.memory_space<vmem>>
    %dma_wait3A_123 = arith.constant 0 : i32
    %dma_wait3A_124 = tpu.memref_slice %arg5[%dma_wait3A_123, %add3A_71] : memref<83x16384xf32, #tpu.memory_space<hbm>> -> memref<83x128xf32, #tpu.memory_space<hbm>>
    %dma_wait3A_125 = arith.constant 0 : i32
    %dma_wait3A_126 = tpu.memref_slice %arg5[%dma_wait3A_125, %add3A_71] : memref<83x16384xf32, #tpu.memory_space<hbm>> -> memref<83x128xf32, #tpu.memory_space<hbm>>
    %dma_wait3A_127 = arith.constant 0 : i32
    %dma_wait3A_128 = arith.constant 256 : i32
    %dma_wait3A_129 = tpu.memref_slice %arg8[%dma_wait3A_127, %dma_wait3A_128] : memref<83x512xf32, #tpu.memory_space<vmem>> -> memref<83x128xf32, #tpu.memory_space<vmem>>
    tpu.wait_dma2 semaphore(%arg11 : memref<!tpu.dma_semaphore, #tpu.memory_space<semaphore_mem>>) src(%dma_wait3A_129 : memref<83x128xf32, #tpu.memory_space<vmem>>) dst(%dma_wait3A_126 : memref<83x128xf32, #tpu.memory_space<hbm>>)
    %dma_wait3A_130 = arith.constant 0 : i32
    %dma_wait3A_131 = arith.constant 384 : i32
    %dma_wait3A_132 = tpu.memref_slice %arg8[%dma_wait3A_130, %dma_wait3A_131] : memref<83x512xf32, #tpu.memory_space<vmem>> -> memref<83x128xf32, #tpu.memory_space<vmem>>
    %dma_wait3A_133 = arith.constant 0 : i32
    %dma_wait3A_134 = tpu.memref_slice %arg5[%dma_wait3A_133, %add3A_89] : memref<83x16384xf32, #tpu.memory_space<hbm>> -> memref<83x128xf32, #tpu.memory_space<hbm>>
    %dma_wait3A_135 = arith.constant 0 : i32
    %dma_wait3A_136 = tpu.memref_slice %arg5[%dma_wait3A_135, %add3A_89] : memref<83x16384xf32, #tpu.memory_space<hbm>> -> memref<83x128xf32, #tpu.memory_space<hbm>>
    %dma_wait3A_137 = arith.constant 0 : i32
    %dma_wait3A_138 = arith.constant 384 : i32
    %dma_wait3A_139 = tpu.memref_slice %arg8[%dma_wait3A_137, %dma_wait3A_138] : memref<83x512xf32, #tpu.memory_space<vmem>> -> memref<83x128xf32, #tpu.memory_space<vmem>>
    tpu.wait_dma2 semaphore(%arg11 : memref<!tpu.dma_semaphore, #tpu.memory_space<semaphore_mem>>) src(%dma_wait3A_139 : memref<83x128xf32, #tpu.memory_space<vmem>>) dst(%dma_wait3A_136 : memref<83x128xf32, #tpu.memory_space<hbm>>)
    return
  }
}

</mosaic_0001>

<sc_bundles>
// kernel: kernel.3.cloned.1.call-start
scs
__scs_entry_jumppad:
0x0: {  	(pc) =	sbr.rel $0x88, $3  }
0x1: {  	(tag) =	ssettag $0x0;
	lr =	simm.s32 $0x1  }
0x2: {  	[smem:$0x3F9A] =	sst lr;
	_ =	strace $0xD0000000  }
0x3: {  	_ = 	snop  }
0x4: {  	_ = 	snop  }
0x5: {  	_ = 	snop  }
0x6: {  	_ = 	snop  }
0x7: {  	_ = 	snop  }
__scs_overlays_trampoline_lowered:
0x8: {  	[smem:$0x3FA9] =	sst s0  }
0x9: {  	[smem:$0x3FAA] =	sst s1  }
0xa: {  	[smem:$0x3FAB] =	sst s2  }
0xb: {  	[smem:$0x3FAC] =	sst s3  }
0xc: {  	[smem:$0x3FAD] =	sst s4  }
0xd: {  	[smem:$0x3FAE] =	sst s5  }
0xe: {  	[smem:$0x3FAF] =	sst s6  }
0xf: {  	[smem:$0x3FB0] =	sst s7  }
0x10: {  	[smem:$0x3FB1] =	sst s8  }
0x11: {  	[smem:$0x3FB2] =	sst s9;
	s0 =	simm.s32 @!p0 $0x0  }
0x12: {  	s1 =	sld [smem:$0x3F98];
	s0 =	simm.s32 @p0 $0x1  }
0x13: {  	[smem:$0x3FB3] =	sst s0;
	s0 =	simm.s32 @!p1 $0x0  }
0x14: {  	s2 =	sld [smem:$0x3F97];
	s0 =	simm.s32 @p1 $0x1  }
0x15: {  	[smem:$0x3FB4] =	sst s0;
	s0 =	simm.s32 @!p2 $0x0  }
0x16: {  	s3 =	sld [smem:$0x3FDB];
	s0 =	simm.s32 @p2 $0x1  }
0x17: {  	s4 =	simm.s32 $0x1BF5;
	[smem:$0x3FB6] =	sst s0  }
0x18: {  	s0 =	sld [smem:$0x3F99];
	_ =	swait.ge [sflag:s4], $0x0  }
0x19: {  	s7 =	sld [smem:$0x3F9A]  }
0x1a: {  	s8 =	sadd.s32 $0xFFFFE003, lr  }
0x1b: {  	s9 =	sadd.s32 $0xFFFFFEF7, lr;
	s5 =	simm.s32 $0xFFFFFFFF;
	p2 =	slt.u32 s8, $0xFFFFF086  }
0x1c: {  	p1 =	slt.u32 s9, $0xF7A;
	s5 =	simm.s32 @!p2 $0x0  }
0x1d: {  	s5 =	simm.s32 @p1 $0x1;
	p0 =	seq.s32 s7, s2  }
0x1e: {  	s7 =	smul.u32 @!p0 $0xF7A, s2;
	p2 =	seq.s32 @!p0 s5, $0x0  }
0x1f: {  	s9 =	smul.u32 $0xF7A, s1;
	s8 =	simm.s32 @!p0 $0x1BF5;
	p2 =	por !p2, p0  }
0x20: {  	[sflag:s8] =	ssyncset.s32 @!p0 $0xFFFFF086;
	s6 =	sadd.s32 @!p0 s3, s7;
	s7 =	simm.s32 @!p0 $0x108  }
0x21: {  	s3 =	sadd.s32 s3, s9;
	s6 =	sadd.s32 @!p0 $0x88, s6;
	s7 =	simm.s32 @p2 $0x1082  }
0x22: {  	[simem:s7], [sflag:s8] =	dma.local @!p0 [hbm:s6], $0xF7A  }
0x23: {  	s9 =	sor.u32 $0xD0000000, s2;
	s6 =	simm.s32 $0x108;
	_ =	swait.ge @!p0 [sflag:s8], $0x0  }
0x24: {  	s3 =	sadd.s32 $0x88, s3;
	s6 =	simm.s32 @!p1 $0x1082;
	[sflag:s4] =	ssyncset.s32 $0xFFFFF086  }
0x25: {  	[simem:s6], [sflag:s4] =	dma.local [hbm:s3], $0xF7A  }
0x26: {  	[smem:$0x3F9A] =	sst s1;
	(tag) =	ssettag s2;
	_ =	strace s9  }
0x27: {  	s1 =	sld [smem:$0x3FAA]  }
0x28: {  	s2 =	sld [smem:$0x3FAB]  }
0x29: {  	s4 =	sld [smem:$0x3FAD]  }
0x2a: {  	p0 =	seq.s32 s5, $0x0;
	s5 =	sld [smem:$0x3FAE]  }
0x2b: {  	s6 =	sld [smem:$0x3FAF]  }
0x2c: {  	s7 =	sld [smem:$0x3FB0]  }
0x2d: {  	s3 =	simm.s32 $0x108;
	s8 =	sld [smem:$0x3FB1]  }
0x2e: {  	s3 =	simm.s32 @!p0 $0x1082;
	s9 =	sld [smem:$0x3FB2]  }
0x2f: {  	lr =	sadd.s32 s0, s3;
	s0 =	sld [smem:$0x3FA9]  }
0x30: {  	s3 =	sld [smem:$0x3FAC]  }
0x31: {  	[smem:$0x3FB5] =	sst s10  }
0x32: {  	s10 =	sld [smem:$0x3FB3];
	_ =	sdelay $0x3  }
0x33: {  	p0 =	seq.s32 s10, $0x1;
	s10 =	sld [smem:$0x3FB5];
	_ =	sdelay $0x3  }
0x34: {  	[smem:$0x3FB5] =	sst s10  }
0x35: {  	s10 =	sld [smem:$0x3FB4];
	_ =	sdelay $0x3  }
0x36: {  	p1 =	seq.s32 s10, $0x1;
	s10 =	sld [smem:$0x3FB5];
	_ =	sdelay $0x3  }
0x37: {  	[smem:$0x3FB5] =	sst s10  }
0x38: {  	s10 =	sld [smem:$0x3FB6]  }
0x39: {  	_ = 	snop;
	(pc) =	sbr.ind lr, $3  }
0x3a: {  	_ = 	snop  }
0x3b: {  	_ = 	snop  }
0x3c: {  	p2 =	seq.s32 s10, $0x1;
	s10 =	sld [smem:$0x3FB5]  }
0x3d: {  	_ =	shalt  }
0x3e: {  	_ =	shalt  }
0x3f: {  	_ =	shalt  }
0x40: {  	_ =	shalt  }
0x41: {  	_ =	shalt  }
0x42: {  	_ =	shalt  }
0x43: {  	_ =	shalt  }
0x44: {  	_ =	shalt  }
0x45: {  	_ =	shalt  }
0x46: {  	_ =	shalt  }
0x47: {  	_ =	shalt  }
0x48: {  	_ =	shalt  }
0x49: {  	_ =	shalt  }
0x4a: {  	_ =	shalt  }
0x4b: {  	_ =	shalt  }
0x4c: {  	_ =	shalt  }
0x4d: {  	_ =	shalt  }
0x4e: {  	_ =	shalt  }
0x4f: {  	_ =	shalt  }
0x50: {  	_ =	shalt  }
0x51: {  	_ =	shalt  }
0x52: {  	_ =	shalt  }
0x53: {  	_ =	shalt  }
0x54: {  	_ =	shalt  }
0x55: {  	_ =	shalt  }
0x56: {  	_ =	shalt  }
0x57: {  	_ =	shalt  }
0x58: {  	_ =	shalt  }
0x59: {  	_ =	shalt  }
0x5a: {  	_ =	shalt  }
0x5b: {  	_ =	shalt  }
0x5c: {  	_ =	shalt  }
0x5d: {  	_ =	shalt  }
0x5e: {  	_ =	shalt  }
0x5f: {  	_ =	shalt  }
0x60: {  	_ =	shalt  }
0x61: {  	_ =	shalt  }
0x62: {  	_ =	shalt  }
0x63: {  	_ =	shalt  }
0x64: {  	_ =	shalt  }
0x65: {  	_ =	shalt  }
0x66: {  	_ =	shalt  }
0x67: {  	_ =	shalt  }
0x68: {  	_ =	shalt  }
0x69: {  	_ =	shalt  }
0x6a: {  	_ =	shalt  }
0x6b: {  	_ =	shalt  }
0x6c: {  	_ =	shalt  }
0x6d: {  	_ =	shalt  }
0x6e: {  	_ =	shalt  }
0x6f: {  	_ =	shalt  }
0x70: {  	_ =	shalt  }
0x71: {  	_ =	shalt  }
0x72: {  	_ =	shalt  }
0x73: {  	_ =	shalt  }
0x74: {  	_ =	shalt  }
0x75: {  	_ =	shalt  }
0x76: {  	_ =	shalt  }
0x77: {  	_ =	shalt  }
0x78: {  	_ =	shalt  }
0x79: {  	_ =	shalt  }
0x7a: {  	_ =	shalt  }
0x7b: {  	_ =	shalt  }
0x7c: {  	_ =	shalt  }
0x7d: {  	_ =	shalt  }
0x7e: {  	_ =	shalt  }
0x7f: {  	_ =	shalt  }
0x80: {  	_ =	shalt  }
0x81: {  	_ =	shalt  }
0x82: {  	_ =	shalt  }
0x83: {  	_ =	shalt  }
0x84: {  	_ =	shalt  }
0x85: {  	_ =	shalt  }
0x86: {  	_ =	shalt  }
0x87: {  	_ =	shalt  }
.Lfunc_end0:
.L_simem_size_0:
called_computation_lowered:
.L_overlay_start_0:
0x88: {  	s2 =	sld [smem:$0x3FD9]  }
0x89: {  	s3 =	sld [smem:$0x3FFE];
	_ =	sdelay $0x1  }
0x8a: {  	s1 =	srdreg.scid  }
0x8b: {  	s0 =	sand.u32 $0x1, s1  }
0x8c: {  	s17 =	sshll.u32 s0, $0xA;
	s2 =	sadd.s32 s3, s2  }
0x8d: {  	s2 =	sadd.s32 s2, s17  }
0x8e: {  	[smem:$0x3FC1] =	sst s2  }
0x8f: {  	_ = 	snop  }
0x90: {  	s2 =	sld [smem:$0x3FD0];
	(tm) =	ssettm $0x1  }
0x91: {  	s18 =	sld [smem:$0x3FFB];
	_ =	sdelay $0x3  }
0x92: {  	_ =	strace s18  }
0x93: {  	s3 =	sld [smem:$0x3FFC];
	_ =	sdelay $0x3  }
0x94: {  	_ =	strace s3  }
0x95: {  	s3 =	sld [smem:$0x3FFD];
	_ =	sdelay $0x3  }
0x96: {  	_ =	strace s3  }
0x97: {  	_ =	strace $0x8FFFFFFF  }
0x98: {  	s19 =	sld [smem:$0x3FDB];
	_ =	sdelay $0x1  }
0x99: {  	s4 =	simm.s32 $_scs_section_size  }
0x9a: {  	s5 =	simm.s32 $_size__tile_overlayer_lowered;
	s6 =	simm.s32 $_tile_overlayer_lowered  }
0x9b: {  	s22 =	simm.s32 $0x1BFF;
	s21 =	sshll.u32 s6, $0x1;
	s3 =	sadd.s32 s4, s19  }
0x9c: {  	s7 =	simm.s32 $0x0;
	s20 =	sshll.u32 s5, $0x1;
	s5 =	sadd.s32 s21, s3  }
0x9d: {  	[timem:s7], [sflag:s22] =	dma.local [hbm:s5], s20  }
0x9e: {  	_ =	swait.ge [sflag:s22], s20  }
0x9f: {  	s4 =	ssub.s32 $0x0, s20;
	[sflag:s22] =	ssyncset.done $0x0  }
0xa0: {  	[sflag:s22] =	ssyncadd.s32 s4;
	_ =	sdelay $0x1  }
0xa1: {  	s23 =	simm.s32 $0x1B8B  }
0xa2: {  	_ =	swait.ge [sflag:s23], $0x1  }
0xa3: {  	[sflag:s23] =	ssyncset.done $0x0  }
0xa4: {  	s25 =	simm.s32 $0x1B8E;
	s24 =	sld [smem:$0x3FFE];
	[sflag:s23] =	ssyncadd.s32 $0xFFFFFFFF  }
0xa5: {  	s26 =	simm.s32 $execute0_lowered;
	[smem:$0x3FD2] =	sst s25  }
0xa6: {  	s5 =	sshll.u32 s26, $0x1;
	_ =	strace $0x80000046;
	[dreg:$0x1] =	wrdreg $0xFFFFFFFF  }
0xa7: {  	s28 =	simm.s32 $_size_execute0_lowered;
	s3 =	sadd.s32 s3, s5;
	[dreg:$0x0] =	wrdreg $0x0  }
0xa8: {  	s5 =	sshll.u32 s28, $0x1;
	[dreg:$0x2] =	wrdreg s3  }
0xa9: {  	[dreg:$0x3] =	wrdreg s5  }
0xaa: {  	[dreg:$0x4] =	wrdreg $0xC0  }
0xab: {  	_ =	task [dreg:s7], $0x5FFFF  }
0xac: {  	[dreg:$0x1] =	wrdreg $0xFFFFFFFF  }
0xad: {  	[dreg:$0x0] =	wrdreg $0x60  }
0xae: {  	[dreg:$0x2] =	wrdreg s2  }
0xaf: {  	[dreg:$0x3] =	wrdreg s24  }
0xb0: {  	[dreg:$0x4] =	wrdreg $0x9  }
0xb1: {  	_ =	task.clear_ibuf [dreg:s7], $0x5FFFF;
	_ =	strace $0x90000046  }
0xb2: {  	s29 =	simm.s32 $0x9;
	_ =	strace $0x80000048  }
0xb3: {  	_ =	swait.ge [sflag:s29], $0x1  }
0xb4: {  	[sflag:s29] =	ssyncadd.s32 $0xFFFFFFFF  }
0xb5: {  	_ =	strace $0x90000048  }
0xb6: {  	_ =	sfence  }
0xb7: {  	s30 =	sld [smem:$0x0];
	_ =	sdelay $0x2  }
0xb8: {  	s31 =	sshll.u32 s1, $0xD;
	s1 =	sshrl.u32 s1, $0x2  }
0xb9: {  	s3 =	sand.u32 $0x4000, s31;
	s1 =	sadd.s32 s1, s30  }
0xba: {  	s0 =	sor.u32 s3, s0;
	s1 =	sshll.u32 s1, $0x11  }
0xbb: {  	s0 =	sor.u32 s1, s0  }
0xbc: {  	s0 =	sadd.s32 $0x8F2B, s0  }
0xbd: {  	[sflag:s0] =	ssyncadd.remote.s32 $0x1  }
0xbe: {  	_ =	sfence.sel $0xFFFF  }
0xbf: {  	[dreg:$0x0] =	wrdreg $0xFFFFFFFF;
	(pc) =	sbr.abs _section_cstart, $3  }
0xc0: {  	[dreg:$0x1] =	wrdreg $0xFFFFFFFF  }
0xc1: {  	_ =	task.clear_ibuf [dreg:s7], $0x2FFFF;
	_ =	strace $0x9FFFFFFF  }
0xc2: {  	(tm) =	ssettm $0x7FFFFFFF  }
0xc3: {  	_ =	shalt  }
tec
execute0_lowered:
.L_overlay_start_1:
0x0: {  	(tag) =	ssettag $0x1  }
0x1: {  	s5 =	rddreg [dreg:$0x0];
	s1 =	srdreg.scid  }
0x2: {  	s0 =	stileid.u32;
	s4 =	rddreg [dreg:$0x1]  }
0x3: {  	s2 =	simm.s32 $0x0;
	s12 =	simm.s32 $0x200;
	s13 =	simm.s32 $0x4000  }
0x4: {  	s14 =	simm.s32 $0x1D60;
	s15 =	simm.s32 $0x1;
	s16 =	simm.s32 $0x2  }
0x5: {  	s17 =	simm.s32 $0x3;
	s3 =	sand.u32 $0x1, s1;
	s1 =	rddreg [dreg:$0x2]  }
0x6: {  	s18 =	simm.s32 $0x0;
	s6 =	sshll.u32 s0, $0x1;
	[smem:$0x7FF] =	sst s2  }
0x7: {  	s6 =	sor.u32 s3, s6;
	_ =	strace $0x80000047;
	s8 =	ssub.s32 $0x2, s3  }
0x8: {  	s7 =	smul.u32 $0x140, s6;
	s6 =	sshll.u32 s6, $0x6;
	s9 =	sshrl.u32 s8, $0x1  }
0x9: {  	s3 =	sadd.s32 $0x2C00, s4;
	s10 =	sadd.s32 s6, s4;
	s11 =	ssub.s32 s8, s9  }
0xa: {  	s5 =	sadd.s32 s5, s6;
	s7 =	sadd.s32 s7, s4;
	s6 =	sadd.s32 $0x3000, s10  }
0xb: {  	s8 =	sadd.s32 $0x3020, s10;
	s9 =	sadd.s32 $0x3030, s10;
	s4 =	sadd.s32 $0x400, s7  }
0xc: {  	s7 =	sadd.s32 $0x3010, s10;
	s10 =	smax.u32 s11, $0x1;
	s11 =	simm.s32 $0x1360  }
.LBB2_1:
0xd: {  	[tilespmem:s2], [sflag:$0x1] =	stream.linear.gather [hbm4b:s3+s2], $0x1360, $0x38;
	[tilespmem:$0xC360] =	vst v63  }
0xe: {  	_ = 	snop  }
0xf: {  	[tilespmem:s11], [sflag:$0x1] =	stream.linear.gather [hbm4b:s4+s2], $0xA00, $0x38;
	[tilespmem:$0xC360] =	vst v63  }
0x10: {  	_ = 	snop  }
0x11: {  	[tilespmem:s14], [sflag:$0x2] =	stream.strided.gather [hbm4b:s5+s12], $0x2000, s13, s12, $0x38;
	[tilespmem:$0xC360] =	vst v63  }
0x12: {  	_ =	swait.ge [sflag:s15], $0x1360  }
0x13: {  	[sflag:s15] =	ssyncset.done $0x0  }
0x14: {  	[sflag:s15] =	ssyncadd.s32 $0xFFFFECA0  }
0x15: {  	_ =	swait.ge [sflag:s15], $0xA00  }
0x16: {  	[sflag:s15] =	ssyncset.done $0x0  }
0x17: {  	s19 =	simm.s32 $0x0;
	[sflag:s15] =	ssyncadd.s32 $0xFFFFF600  }
0x18: {  	v0 =	vld [tilespmem:s19+$0x1360];
	_ =	sdelay $0x4  }
0x19: {  	v0 =	vmul.u32 $0x3, v0;
	_ =	sdelay $0x5  }
0x1a: {  	v1 =	vld.idx.msk [tilespmem:v0+s2+$0x0], $0xffff  }
0x1b: {  	v2 =	vadd.s32 $0x1, v0;
	_ =	sdelay $0x3  }
0x1c: {  	[tilespmem:s19+$0x3D60] =	vst v1  }
0x1d: {  	v1 =	vld.idx.msk [tilespmem:v2+s2+$0x0], $0xffff  }
0x1e: {  	v0 =	vadd.s32 $0x2, v0;
	v2 =	vld [tilespmem:s19+$0x1560];
	_ =	sdelay $0x3  }
0x1f: {  	[tilespmem:s19+$0x3F60] =	vst v1  }
0x20: {  	v1 =	vshll.u32 v2, $0x2;
	v0 =	vld.idx.msk [tilespmem:v0+s2+$0x0], $0xffff  }
0x21: {  	v2 =	vadd.s32 $0x18, v1;
	_ =	sdelay $0x3  }
0x22: {  	[tilespmem:s19+$0x4160] =	vst v0  }
0x23: {  	v0 =	vld.idx.msk [tilespmem:v2+s2+$0x0], $0xffff  }
0x24: {  	v2 =	vadd.s32 $0x19, v1;
	_ =	sdelay $0x3  }
0x25: {  	[tilespmem:s19+$0x4360] =	vst v0  }
0x26: {  	v0 =	vld.idx.msk [tilespmem:v2+s2+$0x0], $0xffff  }
0x27: {  	v2 =	vadd.s32 $0x1A, v1;
	_ =	sdelay $0x3  }
0x28: {  	[tilespmem:s19+$0x4560] =	vst v0  }
0x29: {  	v0 =	vld.idx.msk [tilespmem:v2+s2+$0x0], $0xffff  }
0x2a: {  	v2 =	vld [tilespmem:s19+$0x1760]  }
0x2b: {  	v1 =	vadd.s32 $0x1B, v1;
	_ =	sdelay $0x3  }
0x2c: {  	[tilespmem:s19+$0x4760] =	vst v0;
	v0 =	vmul.u32 $0x6, v2  }
0x2d: {  	v1 =	vld.idx.msk [tilespmem:v1+s2+$0x0], $0xffff  }
0x2e: {  	v2 =	vadd.s32 $0x38, v0;
	_ =	sdelay $0x3  }
0x2f: {  	[tilespmem:s19+$0x4960] =	vst v1  }
0x30: {  	v1 =	vld.idx.msk [tilespmem:v2+s2+$0x0], $0xffff  }
0x31: {  	v2 =	vadd.s32 $0x39, v0;
	_ =	sdelay $0x3  }
0x32: {  	[tilespmem:s19+$0x4B60] =	vst v1  }
0x33: {  	v1 =	vld.idx.msk [tilespmem:v2+s2+$0x0], $0xffff  }
0x34: {  	v2 =	vadd.s32 $0x3A, v0;
	_ =	sdelay $0x3  }
0x35: {  	[tilespmem:s19+$0x4D60] =	vst v1  }
0x36: {  	v1 =	vld.idx.msk [tilespmem:v2+s2+$0x0], $0xffff  }
0x37: {  	v2 =	vadd.s32 $0x3B, v0;
	_ =	sdelay $0x3  }
0x38: {  	[tilespmem:s19+$0x4F60] =	vst v1  }
0x39: {  	v1 =	vld.idx.msk [tilespmem:v2+s2+$0x0], $0xffff  }
0x3a: {  	v2 =	vadd.s32 $0x3C, v0;
	_ =	sdelay $0x3  }
0x3b: {  	[tilespmem:s19+$0x5160] =	vst v1  }
0x3c: {  	v1 =	vld.idx.msk [tilespmem:v2+s2+$0x0], $0xffff  }
0x3d: {  	v0 =	vadd.s32 $0x3D, v0;
	v2 =	vld [tilespmem:s19+$0x1960];
	_ =	sdelay $0x3  }
0x3e: {  	[tilespmem:s19+$0x5360] =	vst v1  }
0x3f: {  	v1 =	vshll.u32 v2, $0x2;
	v0 =	vld.idx.msk [tilespmem:v0+s2+$0x0], $0xffff  }
0x40: {  	v2 =	vadd.s32 $0x80, v1;
	_ =	sdelay $0x3  }
0x41: {  	[tilespmem:s19+$0x5560] =	vst v0  }
0x42: {  	v0 =	vld.idx.msk [tilespmem:v2+s2+$0x0], $0xffff  }
0x43: {  	v2 =	vadd.s32 $0x81, v1;
	_ =	sdelay $0x3  }
0x44: {  	[tilespmem:s19+$0x5760] =	vst v0  }
0x45: {  	v0 =	vld.idx.msk [tilespmem:v2+s2+$0x0], $0xffff  }
0x46: {  	v2 =	vadd.s32 $0x82, v1;
	_ =	sdelay $0x3  }
0x47: {  	[tilespmem:s19+$0x5960] =	vst v0  }
0x48: {  	v0 =	vld.idx.msk [tilespmem:v2+s2+$0x0], $0xffff  }
0x49: {  	v2 =	vld [tilespmem:s19+$0x1B60]  }
0x4a: {  	v1 =	vadd.s32 $0x83, v1;
	_ =	sdelay $0x3  }
0x4b: {  	[tilespmem:s19+$0x5B60] =	vst v0;
	v0 =	vmul.u32 $0x32, v2  }
0x4c: {  	v1 =	vld.idx.msk [tilespmem:v1+s2+$0x0], $0xffff  }
0x4d: {  	v2 =	vadd.s32 $0xA0, v0;
	_ =	sdelay $0x3  }
0x4e: {  	[tilespmem:s19+$0x5D60] =	vst v1  }
0x4f: {  	v1 =	vld.idx.msk [tilespmem:v2+s2+$0x0], $0xffff  }
0x50: {  	v2 =	vadd.s32 $0xA1, v0;
	_ =	sdelay $0x3  }
0x51: {  	[tilespmem:s19+$0x5F60] =	vst v1  }
0x52: {  	v1 =	vld.idx.msk [tilespmem:v2+s2+$0x0], $0xffff  }
0x53: {  	v2 =	vadd.s32 $0xA2, v0;
	_ =	sdelay $0x3  }
0x54: {  	[tilespmem:s19+$0x6160] =	vst v1  }
0x55: {  	v1 =	vld.idx.msk [tilespmem:v2+s2+$0x0], $0xffff  }
0x56: {  	v2 =	vadd.s32 $0xA3, v0;
	_ =	sdelay $0x3  }
0x57: {  	[tilespmem:s19+$0x6360] =	vst v1  }
0x58: {  	v1 =	vld.idx.msk [tilespmem:v2+s2+$0x0], $0xffff  }
0x59: {  	v2 =	vadd.s32 $0xA4, v0;
	_ =	sdelay $0x3  }
0x5a: {  	[tilespmem:s19+$0x6560] =	vst v1  }
0x5b: {  	v1 =	vld.idx.msk [tilespmem:v2+s2+$0x0], $0xffff  }
0x5c: {  	v2 =	vadd.s32 $0xA5, v0;
	_ =	sdelay $0x3  }
0x5d: {  	[tilespmem:s19+$0x6760] =	vst v1  }
0x5e: {  	v1 =	vld.idx.msk [tilespmem:v2+s2+$0x0], $0xffff  }
0x5f: {  	v2 =	vadd.s32 $0xA6, v0;
	_ =	sdelay $0x3  }
0x60: {  	[tilespmem:s19+$0x6960] =	vst v1  }
0x61: {  	v1 =	vld.idx.msk [tilespmem:v2+s2+$0x0], $0xffff  }
0x62: {  	v2 =	vadd.s32 $0xA7, v0;
	_ =	sdelay $0x3  }
0x63: {  	[tilespmem:s19+$0x6B60] =	vst v1  }
0x64: {  	v1 =	vld.idx.msk [tilespmem:v2+s2+$0x0], $0xffff  }
0x65: {  	v2 =	vadd.s32 $0xA8, v0;
	_ =	sdelay $0x3  }
0x66: {  	[tilespmem:s19+$0x6D60] =	vst v1  }
0x67: {  	v1 =	vld.idx.msk [tilespmem:v2+s2+$0x0], $0xffff  }
0x68: {  	v2 =	vadd.s32 $0xA9, v0;
	_ =	sdelay $0x3  }
0x69: {  	[tilespmem:s19+$0x6F60] =	vst v1  }
0x6a: {  	v1 =	vld.idx.msk [tilespmem:v2+s2+$0x0], $0xffff  }
0x6b: {  	v2 =	vadd.s32 $0xAA, v0;
	_ =	sdelay $0x3  }
0x6c: {  	[tilespmem:s19+$0x7160] =	vst v1  }
0x6d: {  	v1 =	vld.idx.msk [tilespmem:v2+s2+$0x0], $0xffff  }
0x6e: {  	v2 =	vadd.s32 $0xAB, v0;
	_ =	sdelay $0x3  }
0x6f: {  	[tilespmem:s19+$0x7360] =	vst v1  }
0x70: {  	v1 =	vld.idx.msk [tilespmem:v2+s2+$0x0], $0xffff  }
0x71: {  	v2 =	vadd.s32 $0xAC, v0;
	_ =	sdelay $0x3  }
0x72: {  	[tilespmem:s19+$0x7560] =	vst v1  }
0x73: {  	v1 =	vld.idx.msk [tilespmem:v2+s2+$0x0], $0xffff  }
0x74: {  	v2 =	vadd.s32 $0xAD, v0;
	_ =	sdelay $0x3  }
0x75: {  	[tilespmem:s19+$0x7760] =	vst v1  }
0x76: {  	v1 =	vld.idx.msk [tilespmem:v2+s2+$0x0], $0xffff  }
0x77: {  	v2 =	vadd.s32 $0xAE, v0;
	_ =	sdelay $0x3  }
0x78: {  	[tilespmem:s19+$0x7960] =	vst v1  }
0x79: {  	v1 =	vld.idx.msk [tilespmem:v2+s2+$0x0], $0xffff  }
0x7a: {  	v2 =	vadd.s32 $0xAF, v0;
	_ =	sdelay $0x3  }
0x7b: {  	[tilespmem:s19+$0x7B60] =	vst v1  }
0x7c: {  	v1 =	vld.idx.msk [tilespmem:v2+s2+$0x0], $0xffff  }
0x7d: {  	v2 =	vadd.s32 $0xB0, v0;
	_ =	sdelay $0x3  }
0x7e: {  	[tilespmem:s19+$0x7D60] =	vst v1  }
0x7f: {  	v1 =	vld.idx.msk [tilespmem:v2+s2+$0x0], $0xffff  }
0x80: {  	v2 =	vadd.s32 $0xB1, v0;
	_ =	sdelay $0x3  }
0x81: {  	[tilespmem:s19+$0x7F60] =	vst v1  }
0x82: {  	v1 =	vld.idx.msk [tilespmem:v2+s2+$0x0], $0xffff  }
0x83: {  	v2 =	vadd.s32 $0xB2, v0;
	_ =	sdelay $0x3  }
0x84: {  	[tilespmem:s19+$0x8160] =	vst v1  }
0x85: {  	v1 =	vld.idx.msk [tilespmem:v2+s2+$0x0], $0xffff  }
0x86: {  	v2 =	vadd.s32 $0xB3, v0;
	_ =	sdelay $0x3  }
0x87: {  	[tilespmem:s19+$0x8360] =	vst v1  }
0x88: {  	v1 =	vld.idx.msk [tilespmem:v2+s2+$0x0], $0xffff  }
0x89: {  	v2 =	vadd.s32 $0xB4, v0;
	_ =	sdelay $0x3  }
0x8a: {  	[tilespmem:s19+$0x8560] =	vst v1  }
0x8b: {  	v1 =	vld.idx.msk [tilespmem:v2+s2+$0x0], $0xffff  }
0x8c: {  	v2 =	vadd.s32 $0xB5, v0;
	_ =	sdelay $0x3  }
0x8d: {  	[tilespmem:s19+$0x8760] =	vst v1  }
0x8e: {  	v1 =	vld.idx.msk [tilespmem:v2+s2+$0x0], $0xffff  }
0x8f: {  	v2 =	vadd.s32 $0xB6, v0;
	_ =	sdelay $0x3  }
0x90: {  	[tilespmem:s19+$0x8960] =	vst v1  }
0x91: {  	v1 =	vld.idx.msk [tilespmem:v2+s2+$0x0], $0xffff  }
0x92: {  	v2 =	vadd.s32 $0xB7, v0;
	_ =	sdelay $0x3  }
0x93: {  	[tilespmem:s19+$0x8B60] =	vst v1  }
0x94: {  	v1 =	vld.idx.msk [tilespmem:v2+s2+$0x0], $0xffff  }
0x95: {  	v2 =	vadd.s32 $0xB8, v0;
	_ =	sdelay $0x3  }
0x96: {  	[tilespmem:s19+$0x8D60] =	vst v1  }
0x97: {  	v1 =	vld.idx.msk [tilespmem:v2+s2+$0x0], $0xffff  }
0x98: {  	v2 =	vadd.s32 $0xB9, v0;
	_ =	sdelay $0x3  }
0x99: {  	[tilespmem:s19+$0x8F60] =	vst v1  }
0x9a: {  	v1 =	vld.idx.msk [tilespmem:v2+s2+$0x0], $0xffff  }
0x9b: {  	v2 =	vadd.s32 $0xBA, v0;
	_ =	sdelay $0x3  }
0x9c: {  	[tilespmem:s19+$0x9160] =	vst v1  }
0x9d: {  	v1 =	vld.idx.msk [tilespmem:v2+s2+$0x0], $0xffff  }
0x9e: {  	v2 =	vadd.s32 $0xBB, v0;
	_ =	sdelay $0x3  }
0x9f: {  	[tilespmem:s19+$0x9360] =	vst v1  }
0xa0: {  	v1 =	vld.idx.msk [tilespmem:v2+s2+$0x0], $0xffff  }
0xa1: {  	v2 =	vadd.s32 $0xBC, v0;
	_ =	sdelay $0x3  }
0xa2: {  	[tilespmem:s19+$0x9560] =	vst v1  }
0xa3: {  	v1 =	vld.idx.msk [tilespmem:v2+s2+$0x0], $0xffff  }
0xa4: {  	v2 =	vadd.s32 $0xBD, v0;
	_ =	sdelay $0x3  }
0xa5: {  	[tilespmem:s19+$0x9760] =	vst v1  }
0xa6: {  	v1 =	vld.idx.msk [tilespmem:v2+s2+$0x0], $0xffff  }
0xa7: {  	v2 =	vadd.s32 $0xBE, v0;
	_ =	sdelay $0x3  }
0xa8: {  	[tilespmem:s19+$0x9960] =	vst v1  }
0xa9: {  	v1 =	vld.idx.msk [tilespmem:v2+s2+$0x0], $0xffff  }
0xaa: {  	v2 =	vadd.s32 $0xBF, v0;
	_ =	sdelay $0x3  }
0xab: {  	[tilespmem:s19+$0x9B60] =	vst v1  }
0xac: {  	v1 =	vld.idx.msk [tilespmem:v2+s2+$0x0], $0xffff  }
0xad: {  	v2 =	vadd.s32 $0xC0, v0;
	_ =	sdelay $0x3  }
0xae: {  	[tilespmem:s19+$0x9D60] =	vst v1  }
0xaf: {  	v1 =	vld.idx.msk [tilespmem:v2+s2+$0x0], $0xffff  }
0xb0: {  	v2 =	vadd.s32 $0xC1, v0;
	_ =	sdelay $0x3  }
0xb1: {  	[tilespmem:s19+$0x9F60] =	vst v1  }
0xb2: {  	v1 =	vld.idx.msk [tilespmem:v2+s2+$0x0], $0xffff  }
0xb3: {  	v2 =	vadd.s32 $0xC2, v0;
	_ =	sdelay $0x3  }
0xb4: {  	[tilespmem:s19+$0xA160] =	vst v1  }
0xb5: {  	v1 =	vld.idx.msk [tilespmem:v2+s2+$0x0], $0xffff  }
0xb6: {  	v2 =	vadd.s32 $0xC3, v0;
	_ =	sdelay $0x3  }
0xb7: {  	[tilespmem:s19+$0xA360] =	vst v1  }
0xb8: {  	v1 =	vld.idx.msk [tilespmem:v2+s2+$0x0], $0xffff  }
0xb9: {  	v2 =	vadd.s32 $0xC4, v0;
	_ =	sdelay $0x3  }
0xba: {  	[tilespmem:s19+$0xA560] =	vst v1  }
0xbb: {  	v1 =	vld.idx.msk [tilespmem:v2+s2+$0x0], $0xffff  }
0xbc: {  	v2 =	vadd.s32 $0xC5, v0;
	_ =	sdelay $0x3  }
0xbd: {  	[tilespmem:s19+$0xA760] =	vst v1  }
0xbe: {  	v1 =	vld.idx.msk [tilespmem:v2+s2+$0x0], $0xffff  }
0xbf: {  	v2 =	vadd.s32 $0xC6, v0;
	_ =	sdelay $0x3  }
0xc0: {  	[tilespmem:s19+$0xA960] =	vst v1  }
0xc1: {  	v1 =	vld.idx.msk [tilespmem:v2+s2+$0x0], $0xffff  }
0xc2: {  	v2 =	vadd.s32 $0xC7, v0;
	_ =	sdelay $0x3  }
0xc3: {  	[tilespmem:s19+$0xAB60] =	vst v1  }
0xc4: {  	v1 =	vld.idx.msk [tilespmem:v2+s2+$0x0], $0xffff  }
0xc5: {  	v2 =	vadd.s32 $0xC8, v0;
	_ =	sdelay $0x3  }
0xc6: {  	[tilespmem:s19+$0xAD60] =	vst v1  }
0xc7: {  	v1 =	vld.idx.msk [tilespmem:v2+s2+$0x0], $0xffff  }
0xc8: {  	v2 =	vadd.s32 $0xC9, v0;
	_ =	sdelay $0x3  }
0xc9: {  	[tilespmem:s19+$0xAF60] =	vst v1  }
0xca: {  	v1 =	vld.idx.msk [tilespmem:v2+s2+$0x0], $0xffff  }
0xcb: {  	v2 =	vadd.s32 $0xCA, v0;
	_ =	sdelay $0x3  }
0xcc: {  	[tilespmem:s19+$0xB160] =	vst v1  }
0xcd: {  	v1 =	vld.idx.msk [tilespmem:v2+s2+$0x0], $0xffff  }
0xce: {  	v2 =	vadd.s32 $0xCB, v0;
	_ =	sdelay $0x3  }
0xcf: {  	[tilespmem:s19+$0xB360] =	vst v1  }
0xd0: {  	v1 =	vld.idx.msk [tilespmem:v2+s2+$0x0], $0xffff  }
0xd1: {  	v2 =	vadd.s32 $0xCC, v0;
	_ =	sdelay $0x3  }
0xd2: {  	[tilespmem:s19+$0xB560] =	vst v1  }
0xd3: {  	v1 =	vld.idx.msk [tilespmem:v2+s2+$0x0], $0xffff  }
0xd4: {  	v2 =	vadd.s32 $0xCD, v0;
	_ =	sdelay $0x3  }
0xd5: {  	[tilespmem:s19+$0xB760] =	vst v1  }
0xd6: {  	v1 =	vld.idx.msk [tilespmem:v2+s2+$0x0], $0xffff  }
0xd7: {  	v2 =	vadd.s32 $0xCE, v0;
	_ =	sdelay $0x3  }
0xd8: {  	[tilespmem:s19+$0xB960] =	vst v1  }
0xd9: {  	v1 =	vld.idx.msk [tilespmem:v2+s2+$0x0], $0xffff  }
0xda: {  	v2 =	vadd.s32 $0xCF, v0;
	_ =	sdelay $0x3  }
0xdb: {  	[tilespmem:s19+$0xBB60] =	vst v1  }
0xdc: {  	v1 =	vld.idx.msk [tilespmem:v2+s2+$0x0], $0xffff  }
0xdd: {  	v2 =	vadd.s32 $0xD0, v0;
	_ =	sdelay $0x3  }
0xde: {  	[tilespmem:s19+$0xBD60] =	vst v1  }
0xdf: {  	v1 =	vld.idx.msk [tilespmem:v2+s2+$0x0], $0xffff  }
0xe0: {  	s21 =	simm.s32 $0x10;
	s20 =	simm.s32 $0x80;
	v0 =	vadd.s32 $0xD1, v0  }
.LBB2_2:
0xe1: {  	p0 =	sne.s32 s20, $0x1C0;
	v2 =	vld [tilespmem:s21+$0x1360];
	_ =	sdelay $0x2  }
0xe2: {  	[tilespmem:s19+$0xBF60] =	vst v1  }
0xe3: {  	v0 =	vld.idx.msk [tilespmem:v0+s2+$0x0], $0xffff  }
0xe4: {  	v1 =	vmul.u32 $0x3, v2;
	_ =	sdelay $0x4  }
0xe5: {  	[tilespmem:s19+$0xC160] =	vst v0;
	s19 =	smov.u32 s21  }
0xe6: {  	v0 =	vld.idx.msk [tilespmem:v1+s2+$0x0], $0xffff;
	_ =	sdelay $0x1  }
0xe7: {  	v2 =	vadd.s32 $0x1, v1;
	_ =	sdelay $0x3  }
0xe8: {  	[tilespmem:s19+$0x3D60] =	vst v0  }
0xe9: {  	v0 =	vld.idx.msk [tilespmem:v2+s2+$0x0], $0xffff;
	_ =	sdelay $0x1  }
0xea: {  	v1 =	vadd.s32 $0x2, v1  }
0xeb: {  	v2 =	vld [tilespmem:s19+$0x1560];
	_ =	sdelay $0x2  }
0xec: {  	[tilespmem:s19+$0x3F60] =	vst v0  }
0xed: {  	v0 =	vld.idx.msk [tilespmem:v1+s2+$0x0], $0xffff  }
0xee: {  	v1 =	vshll.u32 v2, $0x2  }
0xef: {  	v2 =	vadd.s32 $0x18, v1;
	_ =	sdelay $0x3  }
0xf0: {  	[tilespmem:s19+$0x4160] =	vst v0  }
0xf1: {  	v0 =	vld.idx.msk [tilespmem:v2+s2+$0x0], $0xffff;
	_ =	sdelay $0x1  }
0xf2: {  	v2 =	vadd.s32 $0x19, v1;
	_ =	sdelay $0x3  }
0xf3: {  	[tilespmem:s19+$0x4360] =	vst v0  }
0xf4: {  	v0 =	vld.idx.msk [tilespmem:v2+s2+$0x0], $0xffff;
	_ =	sdelay $0x1  }
0xf5: {  	v2 =	vadd.s32 $0x1A, v1;
	_ =	sdelay $0x3  }
0xf6: {  	[tilespmem:s19+$0x4560] =	vst v0  }
0xf7: {  	v0 =	vld.idx.msk [tilespmem:v2+s2+$0x0], $0xffff;
	_ =	sdelay $0x1  }
0xf8: {  	v1 =	vadd.s32 $0x1B, v1;
	v2 =	vld [tilespmem:s19+$0x1760];
	_ =	sdelay $0x3  }
0xf9: {  	[tilespmem:s19+$0x4760] =	vst v0  }
0xfa: {  	v0 =	vld.idx.msk [tilespmem:v1+s2+$0x0], $0xffff;
	v1 =	vmul.u32 $0x6, v2;
	_ =	sdelay $0x1  }
0xfb: {  	v2 =	vadd.s32 $0x38, v1;
	_ =	sdelay $0x3  }
0xfc: {  	[tilespmem:s19+$0x4960] =	vst v0  }
0xfd: {  	v0 =	vld.idx.msk [tilespmem:v2+s2+$0x0], $0xffff;
	_ =	sdelay $0x1  }
0xfe: {  	v2 =	vadd.s32 $0x39, v1;
	_ =	sdelay $0x3  }
0xff: {  	[tilespmem:s19+$0x4B60] =	vst v0  }
0x100: {  	v0 =	vld.idx.msk [tilespmem:v2+s2+$0x0], $0xffff;
	_ =	sdelay $0x1  }
0x101: {  	v2 =	vadd.s32 $0x3A, v1;
	_ =	sdelay $0x3  }
0x102: {  	[tilespmem:s19+$0x4D60] =	vst v0  }
0x103: {  	v0 =	vld.idx.msk [tilespmem:v2+s2+$0x0], $0xffff;
	_ =	sdelay $0x1  }
0x104: {  	v2 =	vadd.s32 $0x3B, v1;
	_ =	sdelay $0x3  }
0x105: {  	[tilespmem:s19+$0x4F60] =	vst v0  }
0x106: {  	v0 =	vld.idx.msk [tilespmem:v2+s2+$0x0], $0xffff;
	_ =	sdelay $0x1  }
0x107: {  	v2 =	vadd.s32 $0x3C, v1;
	_ =	sdelay $0x3  }
0x108: {  	[tilespmem:s19+$0x5160] =	vst v0  }
0x109: {  	v0 =	vld.idx.msk [tilespmem:v2+s2+$0x0], $0xffff;
	_ =	sdelay $0x1  }
0x10a: {  	v1 =	vadd.s32 $0x3D, v1  }
0x10b: {  	v2 =	vld [tilespmem:s19+$0x1960];
	_ =	sdelay $0x2  }
0x10c: {  	[tilespmem:s19+$0x5360] =	vst v0  }
0x10d: {  	v0 =	vld.idx.msk [tilespmem:v1+s2+$0x0], $0xffff  }
0x10e: {  	v1 =	vshll.u32 v2, $0x2  }
0x10f: {  	v2 =	vadd.s32 $0x80, v1;
	_ =	sdelay $0x3  }
0x110: {  	[tilespmem:s19+$0x5560] =	vst v0  }
0x111: {  	v0 =	vld.idx.msk [tilespmem:v2+s2+$0x0], $0xffff;
	_ =	sdelay $0x1  }
0x112: {  	v2 =	vadd.s32 $0x81, v1;
	_ =	sdelay $0x3  }
0x113: {  	[tilespmem:s19+$0x5760] =	vst v0  }
0x114: {  	v0 =	vld.idx.msk [tilespmem:v2+s2+$0x0], $0xffff;
	_ =	sdelay $0x1  }
0x115: {  	v2 =	vadd.s32 $0x82, v1;
	_ =	sdelay $0x3  }
0x116: {  	[tilespmem:s19+$0x5960] =	vst v0  }
0x117: {  	v0 =	vld.idx.msk [tilespmem:v2+s2+$0x0], $0xffff;
	_ =	sdelay $0x1  }
0x118: {  	v1 =	vadd.s32 $0x83, v1;
	v2 =	vld [tilespmem:s19+$0x1B60];
	_ =	sdelay $0x3  }
0x119: {  	[tilespmem:s19+$0x5B60] =	vst v0  }
0x11a: {  	v1 =	vld.idx.msk [tilespmem:v1+s2+$0x0], $0xffff;
	v0 =	vmul.u32 $0x32, v2;
	_ =	sdelay $0x1  }
0x11b: {  	v2 =	vadd.s32 $0xA0, v0;
	_ =	sdelay $0x3  }
0x11c: {  	[tilespmem:s19+$0x5D60] =	vst v1  }
0x11d: {  	v1 =	vld.idx.msk [tilespmem:v2+s2+$0x0], $0xffff;
	_ =	sdelay $0x1  }
0x11e: {  	v2 =	vadd.s32 $0xA1, v0;
	_ =	sdelay $0x3  }
0x11f: {  	[tilespmem:s19+$0x5F60] =	vst v1  }
0x120: {  	v1 =	vld.idx.msk [tilespmem:v2+s2+$0x0], $0xffff;
	_ =	sdelay $0x1  }
0x121: {  	v2 =	vadd.s32 $0xA2, v0;
	_ =	sdelay $0x3  }
0x122: {  	[tilespmem:s19+$0x6160] =	vst v1  }
0x123: {  	v1 =	vld.idx.msk [tilespmem:v2+s2+$0x0], $0xffff;
	_ =	sdelay $0x1  }
0x124: {  	v2 =	vadd.s32 $0xA3, v0;
	_ =	sdelay $0x3  }
0x125: {  	[tilespmem:s19+$0x6360] =	vst v1  }
0x126: {  	v1 =	vld.idx.msk [tilespmem:v2+s2+$0x0], $0xffff;
	_ =	sdelay $0x1  }
0x127: {  	v2 =	vadd.s32 $0xA4, v0;
	_ =	sdelay $0x3  }
0x128: {  	[tilespmem:s19+$0x6560] =	vst v1  }
0x129: {  	v1 =	vld.idx.msk [tilespmem:v2+s2+$0x0], $0xffff;
	_ =	sdelay $0x1  }
0x12a: {  	v2 =	vadd.s32 $0xA5, v0;
	_ =	sdelay $0x3  }
0x12b: {  	[tilespmem:s19+$0x6760] =	vst v1  }
0x12c: {  	v1 =	vld.idx.msk [tilespmem:v2+s2+$0x0], $0xffff;
	_ =	sdelay $0x1  }
0x12d: {  	v2 =	vadd.s32 $0xA6, v0;
	_ =	sdelay $0x3  }
0x12e: {  	[tilespmem:s19+$0x6960] =	vst v1  }
0x12f: {  	v1 =	vld.idx.msk [tilespmem:v2+s2+$0x0], $0xffff;
	_ =	sdelay $0x1  }
0x130: {  	v2 =	vadd.s32 $0xA7, v0;
	_ =	sdelay $0x3  }
0x131: {  	[tilespmem:s19+$0x6B60] =	vst v1  }
0x132: {  	v1 =	vld.idx.msk [tilespmem:v2+s2+$0x0], $0xffff;
	_ =	sdelay $0x1  }
0x133: {  	v2 =	vadd.s32 $0xA8, v0;
	_ =	sdelay $0x3  }
0x134: {  	[tilespmem:s19+$0x6D60] =	vst v1  }
0x135: {  	v1 =	vld.idx.msk [tilespmem:v2+s2+$0x0], $0xffff;
	_ =	sdelay $0x1  }
0x136: {  	v2 =	vadd.s32 $0xA9, v0;
	_ =	sdelay $0x3  }
0x137: {  	[tilespmem:s19+$0x6F60] =	vst v1  }
0x138: {  	v1 =	vld.idx.msk [tilespmem:v2+s2+$0x0], $0xffff;
	_ =	sdelay $0x1  }
0x139: {  	v2 =	vadd.s32 $0xAA, v0;
	_ =	sdelay $0x3  }
0x13a: {  	[tilespmem:s19+$0x7160] =	vst v1  }
0x13b: {  	v1 =	vld.idx.msk [tilespmem:v2+s2+$0x0], $0xffff;
	_ =	sdelay $0x1  }
0x13c: {  	v2 =	vadd.s32 $0xAB, v0;
	_ =	sdelay $0x3  }
0x13d: {  	[tilespmem:s19+$0x7360] =	vst v1  }
0x13e: {  	v1 =	vld.idx.msk [tilespmem:v2+s2+$0x0], $0xffff;
	_ =	sdelay $0x1  }
0x13f: {  	v2 =	vadd.s32 $0xAC, v0;
	_ =	sdelay $0x3  }
0x140: {  	[tilespmem:s19+$0x7560] =	vst v1  }
0x141: {  	v1 =	vld.idx.msk [tilespmem:v2+s2+$0x0], $0xffff;
	_ =	sdelay $0x1  }
0x142: {  	v2 =	vadd.s32 $0xAD, v0;
	_ =	sdelay $0x3  }
0x143: {  	[tilespmem:s19+$0x7760] =	vst v1  }
0x144: {  	v1 =	vld.idx.msk [tilespmem:v2+s2+$0x0], $0xffff;
	_ =	sdelay $0x1  }
0x145: {  	v2 =	vadd.s32 $0xAE, v0;
	_ =	sdelay $0x3  }
0x146: {  	[tilespmem:s19+$0x7960] =	vst v1  }
0x147: {  	v1 =	vld.idx.msk [tilespmem:v2+s2+$0x0], $0xffff;
	_ =	sdelay $0x1  }
0x148: {  	v2 =	vadd.s32 $0xAF, v0;
	_ =	sdelay $0x3  }
0x149: {  	[tilespmem:s19+$0x7B60] =	vst v1  }
0x14a: {  	v1 =	vld.idx.msk [tilespmem:v2+s2+$0x0], $0xffff;
	_ =	sdelay $0x1  }
0x14b: {  	v2 =	vadd.s32 $0xB0, v0;
	_ =	sdelay $0x3  }
0x14c: {  	[tilespmem:s19+$0x7D60] =	vst v1  }
0x14d: {  	v1 =	vld.idx.msk [tilespmem:v2+s2+$0x0], $0xffff;
	_ =	sdelay $0x1  }
0x14e: {  	v2 =	vadd.s32 $0xB1, v0;
	_ =	sdelay $0x3  }
0x14f: {  	[tilespmem:s19+$0x7F60] =	vst v1  }
0x150: {  	v1 =	vld.idx.msk [tilespmem:v2+s2+$0x0], $0xffff;
	_ =	sdelay $0x1  }
0x151: {  	v2 =	vadd.s32 $0xB2, v0;
	_ =	sdelay $0x3  }
0x152: {  	[tilespmem:s19+$0x8160] =	vst v1  }
0x153: {  	v1 =	vld.idx.msk [tilespmem:v2+s2+$0x0], $0xffff;
	_ =	sdelay $0x1  }
0x154: {  	v2 =	vadd.s32 $0xB3, v0;
	_ =	sdelay $0x3  }
0x155: {  	[tilespmem:s19+$0x8360] =	vst v1  }
0x156: {  	v1 =	vld.idx.msk [tilespmem:v2+s2+$0x0], $0xffff;
	_ =	sdelay $0x1  }
0x157: {  	v2 =	vadd.s32 $0xB4, v0;
	_ =	sdelay $0x3  }
0x158: {  	[tilespmem:s19+$0x8560] =	vst v1  }
0x159: {  	v1 =	vld.idx.msk [tilespmem:v2+s2+$0x0], $0xffff;
	_ =	sdelay $0x1  }
0x15a: {  	v2 =	vadd.s32 $0xB5, v0;
	_ =	sdelay $0x3  }
0x15b: {  	[tilespmem:s19+$0x8760] =	vst v1  }
0x15c: {  	v1 =	vld.idx.msk [tilespmem:v2+s2+$0x0], $0xffff;
	_ =	sdelay $0x1  }
0x15d: {  	v2 =	vadd.s32 $0xB6, v0;
	_ =	sdelay $0x3  }
0x15e: {  	[tilespmem:s19+$0x8960] =	vst v1  }
0x15f: {  	v1 =	vld.idx.msk [tilespmem:v2+s2+$0x0], $0xffff;
	_ =	sdelay $0x1  }
0x160: {  	v2 =	vadd.s32 $0xB7, v0;
	_ =	sdelay $0x3  }
0x161: {  	[tilespmem:s19+$0x8B60] =	vst v1  }
0x162: {  	v1 =	vld.idx.msk [tilespmem:v2+s2+$0x0], $0xffff;
	_ =	sdelay $0x1  }
0x163: {  	v2 =	vadd.s32 $0xB8, v0;
	_ =	sdelay $0x3  }
0x164: {  	[tilespmem:s19+$0x8D60] =	vst v1  }
0x165: {  	v1 =	vld.idx.msk [tilespmem:v2+s2+$0x0], $0xffff;
	_ =	sdelay $0x1  }
0x166: {  	v2 =	vadd.s32 $0xB9, v0;
	_ =	sdelay $0x3  }
0x167: {  	[tilespmem:s19+$0x8F60] =	vst v1  }
0x168: {  	v1 =	vld.idx.msk [tilespmem:v2+s2+$0x0], $0xffff;
	_ =	sdelay $0x1  }
0x169: {  	v2 =	vadd.s32 $0xBA, v0;
	_ =	sdelay $0x3  }
0x16a: {  	[tilespmem:s19+$0x9160] =	vst v1  }
0x16b: {  	v1 =	vld.idx.msk [tilespmem:v2+s2+$0x0], $0xffff;
	_ =	sdelay $0x1  }
0x16c: {  	v2 =	vadd.s32 $0xBB, v0;
	_ =	sdelay $0x3  }
0x16d: {  	[tilespmem:s19+$0x9360] =	vst v1  }
0x16e: {  	v1 =	vld.idx.msk [tilespmem:v2+s2+$0x0], $0xffff;
	_ =	sdelay $0x1  }
0x16f: {  	v2 =	vadd.s32 $0xBC, v0;
	_ =	sdelay $0x3  }
0x170: {  	[tilespmem:s19+$0x9560] =	vst v1  }
0x171: {  	v1 =	vld.idx.msk [tilespmem:v2+s2+$0x0], $0xffff;
	_ =	sdelay $0x1  }
0x172: {  	v2 =	vadd.s32 $0xBD, v0;
	_ =	sdelay $0x3  }
0x173: {  	[tilespmem:s19+$0x9760] =	vst v1  }
0x174: {  	v1 =	vld.idx.msk [tilespmem:v2+s2+$0x0], $0xffff;
	_ =	sdelay $0x1  }
0x175: {  	v2 =	vadd.s32 $0xBE, v0;
	_ =	sdelay $0x3  }
0x176: {  	[tilespmem:s19+$0x9960] =	vst v1  }
0x177: {  	v1 =	vld.idx.msk [tilespmem:v2+s2+$0x0], $0xffff;
	_ =	sdelay $0x1  }
0x178: {  	v2 =	vadd.s32 $0xBF, v0;
	_ =	sdelay $0x3  }
0x179: {  	[tilespmem:s19+$0x9B60] =	vst v1  }
0x17a: {  	v1 =	vld.idx.msk [tilespmem:v2+s2+$0x0], $0xffff;
	_ =	sdelay $0x1  }
0x17b: {  	v2 =	vadd.s32 $0xC0, v0;
	_ =	sdelay $0x3  }
0x17c: {  	[tilespmem:s19+$0x9D60] =	vst v1  }
0x17d: {  	v1 =	vld.idx.msk [tilespmem:v2+s2+$0x0], $0xffff;
	_ =	sdelay $0x1  }
0x17e: {  	v2 =	vadd.s32 $0xC1, v0;
	_ =	sdelay $0x3  }
0x17f: {  	[tilespmem:s19+$0x9F60] =	vst v1  }
0x180: {  	v1 =	vld.idx.msk [tilespmem:v2+s2+$0x0], $0xffff;
	_ =	sdelay $0x1  }
0x181: {  	v2 =	vadd.s32 $0xC2, v0;
	_ =	sdelay $0x3  }
0x182: {  	[tilespmem:s19+$0xA160] =	vst v1  }
0x183: {  	v1 =	vld.idx.msk [tilespmem:v2+s2+$0x0], $0xffff;
	_ =	sdelay $0x1  }
0x184: {  	v2 =	vadd.s32 $0xC3, v0;
	_ =	sdelay $0x3  }
0x185: {  	[tilespmem:s19+$0xA360] =	vst v1  }
0x186: {  	v1 =	vld.idx.msk [tilespmem:v2+s2+$0x0], $0xffff;
	_ =	sdelay $0x1  }
0x187: {  	v2 =	vadd.s32 $0xC4, v0;
	_ =	sdelay $0x3  }
0x188: {  	[tilespmem:s19+$0xA560] =	vst v1  }
0x189: {  	v1 =	vld.idx.msk [tilespmem:v2+s2+$0x0], $0xffff;
	_ =	sdelay $0x1  }
0x18a: {  	v2 =	vadd.s32 $0xC5, v0;
	_ =	sdelay $0x3  }
0x18b: {  	[tilespmem:s19+$0xA760] =	vst v1  }
0x18c: {  	v1 =	vld.idx.msk [tilespmem:v2+s2+$0x0], $0xffff;
	_ =	sdelay $0x1  }
0x18d: {  	v2 =	vadd.s32 $0xC6, v0;
	_ =	sdelay $0x3  }
0x18e: {  	[tilespmem:s19+$0xA960] =	vst v1  }
0x18f: {  	v1 =	vld.idx.msk [tilespmem:v2+s2+$0x0], $0xffff;
	_ =	sdelay $0x1  }
0x190: {  	v2 =	vadd.s32 $0xC7, v0;
	_ =	sdelay $0x3  }
0x191: {  	[tilespmem:s19+$0xAB60] =	vst v1  }
0x192: {  	v1 =	vld.idx.msk [tilespmem:v2+s2+$0x0], $0xffff;
	_ =	sdelay $0x1  }
0x193: {  	v2 =	vadd.s32 $0xC8, v0;
	_ =	sdelay $0x3  }
0x194: {  	[tilespmem:s19+$0xAD60] =	vst v1  }
0x195: {  	v1 =	vld.idx.msk [tilespmem:v2+s2+$0x0], $0xffff;
	_ =	sdelay $0x1  }
0x196: {  	v2 =	vadd.s32 $0xC9, v0;
	_ =	sdelay $0x3  }
0x197: {  	[tilespmem:s19+$0xAF60] =	vst v1  }
0x198: {  	v1 =	vld.idx.msk [tilespmem:v2+s2+$0x0], $0xffff;
	_ =	sdelay $0x1  }
0x199: {  	v2 =	vadd.s32 $0xCA, v0;
	_ =	sdelay $0x3  }
0x19a: {  	[tilespmem:s19+$0xB160] =	vst v1  }
0x19b: {  	v1 =	vld.idx.msk [tilespmem:v2+s2+$0x0], $0xffff;
	_ =	sdelay $0x1  }
0x19c: {  	v2 =	vadd.s32 $0xCB, v0;
	_ =	sdelay $0x3  }
0x19d: {  	[tilespmem:s19+$0xB360] =	vst v1  }
0x19e: {  	v1 =	vld.idx.msk [tilespmem:v2+s2+$0x0], $0xffff;
	_ =	sdelay $0x1  }
0x19f: {  	v2 =	vadd.s32 $0xCC, v0;
	_ =	sdelay $0x3  }
0x1a0: {  	[tilespmem:s19+$0xB560] =	vst v1  }
0x1a1: {  	v1 =	vld.idx.msk [tilespmem:v2+s2+$0x0], $0xffff;
	_ =	sdelay $0x1  }
0x1a2: {  	v2 =	vadd.s32 $0xCD, v0;
	_ =	sdelay $0x3  }
0x1a3: {  	[tilespmem:s19+$0xB760] =	vst v1  }
0x1a4: {  	v1 =	vld.idx.msk [tilespmem:v2+s2+$0x0], $0xffff;
	_ =	sdelay $0x1  }
0x1a5: {  	v2 =	vadd.s32 $0xCE, v0;
	_ =	sdelay $0x3  }
0x1a6: {  	[tilespmem:s19+$0xB960] =	vst v1  }
0x1a7: {  	v1 =	vld.idx.msk [tilespmem:v2+s2+$0x0], $0xffff;
	_ =	sdelay $0x1  }
0x1a8: {  	v2 =	vadd.s32 $0xCF, v0;
	_ =	sdelay $0x3  }
0x1a9: {  	[tilespmem:s19+$0xBB60] =	vst v1  }
0x1aa: {  	v1 =	vld.idx.msk [tilespmem:v2+s2+$0x0], $0xffff;
	_ =	sdelay $0x1  }
0x1ab: {  	v2 =	vadd.s32 $0xD0, v0;
	_ =	sdelay $0x2  }
.Ltmp0:
0x1ac: {  	(pc) =	sbr.rel @p0 .LBB2_2-.Ltmp0, $3  }
0x1ad: {  	[tilespmem:s19+$0xBD60] =	vst v1  }
0x1ae: {  	v1 =	vld.idx.msk [tilespmem:v2+s2+$0x0], $0xffff;
	_ =	sdelay $0x1  }
0x1af: {  	s21 =	sshra.s32 s20, $0x2;
	s20 =	sadd.s32 $0x40, s20;
	v0 =	vadd.s32 $0xD1, v0  }
0x1b0: {  	v2 =	vld [tilespmem:s21+$0x1360];
	_ =	sdelay $0x3  }
0x1b1: {  	[tilespmem:s19+$0xBF60] =	vst v1  }
0x1b2: {  	v0 =	vld.idx.msk [tilespmem:v0+s2+$0x0], $0xffff;
	v59 =	vmul.u32 $0x3, v2;
	_ =	sdelay $0x4  }
0x1b3: {  	[tilespmem:s19+$0xC160] =	vst v0  }
0x1b4: {  	v0 =	vld.idx.msk [tilespmem:v59+s2+$0x0], $0xffff  }
0x1b5: {  	v2 =	vadd.s32 $0x1, v59;
	_ =	sdelay $0x3  }
0x1b6: {  	[tilespmem:s21+$0x3D60] =	vst v0  }
0x1b7: {  	v0 =	vld.idx.msk [tilespmem:v2+s2+$0x0], $0xffff  }
0x1b8: {  	v1 =	vadd.s32 $0x2, v59;
	v60 =	vld [tilespmem:s21+$0x1560];
	_ =	sdelay $0x3  }
0x1b9: {  	[tilespmem:s21+$0x3F60] =	vst v0  }
0x1ba: {  	v61 =	vshll.u32 v60, $0x2;
	v0 =	vld.idx.msk [tilespmem:v1+s2+$0x0], $0xffff  }
0x1bb: {  	v2 =	vadd.s32 $0x18, v61;
	_ =	sdelay $0x3  }
0x1bc: {  	[tilespmem:s21+$0x4160] =	vst v0  }
0x1bd: {  	v0 =	vld.idx.msk [tilespmem:v2+s2+$0x0], $0xffff  }
0x1be: {  	v62 =	vadd.s32 $0x19, v61;
	_ =	sdelay $0x3  }
0x1bf: {  	[tilespmem:s21+$0x4360] =	vst v0  }
0x1c0: {  	v0 =	vld.idx.msk [tilespmem:v62+s2+$0x0], $0xffff  }
0x1c1: {  	v63 =	vadd.s32 $0x1A, v61;
	_ =	sdelay $0x3  }
0x1c2: {  	v4 =	vld [tilespmem:s21+$0x1760];
	[tilespmem:s21+$0x4560] =	vst v0  }
0x1c3: {  	v0 =	vld.idx.msk [tilespmem:v63+s2+$0x0], $0xffff  }
0x1c4: {  	v1 =	vadd.s32 $0x1B, v61;
	_ =	sdelay $0x3  }
0x1c5: {  	v5 =	vmul.u32 $0x6, v4;
	[tilespmem:s21+$0x4760] =	vst v0  }
0x1c6: {  	v1 =	vld.idx.msk [tilespmem:v1+s2+$0x0], $0xffff  }
0x1c7: {  	v2 =	vadd.s32 $0x38, v5;
	_ =	sdelay $0x3  }
0x1c8: {  	[tilespmem:s21+$0x4960] =	vst v1  }
0x1c9: {  	v1 =	vld.idx.msk [tilespmem:v2+s2+$0x0], $0xffff  }
0x1ca: {  	v6 =	vadd.s32 $0x39, v5;
	_ =	sdelay $0x3  }
0x1cb: {  	[tilespmem:s21+$0x4B60] =	vst v1  }
0x1cc: {  	v1 =	vld.idx.msk [tilespmem:v6+s2+$0x0], $0xffff  }
0x1cd: {  	v7 =	vadd.s32 $0x3A, v5;
	_ =	sdelay $0x3  }
0x1ce: {  	[tilespmem:s21+$0x4D60] =	vst v1  }
0x1cf: {  	v1 =	vld.idx.msk [tilespmem:v7+s2+$0x0], $0xffff  }
0x1d0: {  	v8 =	vadd.s32 $0x3B, v5;
	_ =	sdelay $0x3  }
0x1d1: {  	[tilespmem:s21+$0x4F60] =	vst v1  }
0x1d2: {  	v1 =	vld.idx.msk [tilespmem:v8+s2+$0x0], $0xffff  }
0x1d3: {  	v9 =	vadd.s32 $0x3C, v5;
	_ =	sdelay $0x3  }
0x1d4: {  	[tilespmem:s21+$0x5160] =	vst v1  }
0x1d5: {  	v1 =	vld.idx.msk [tilespmem:v9+s2+$0x0], $0xffff  }
0x1d6: {  	v10 =	vld [tilespmem:s21+$0x1960];
	v0 =	vadd.s32 $0x3D, v5;
	_ =	sdelay $0x3  }
0x1d7: {  	[tilespmem:s21+$0x5360] =	vst v1  }
0x1d8: {  	v11 =	vshll.u32 v10, $0x2;
	v0 =	vld.idx.msk [tilespmem:v0+s2+$0x0], $0xffff  }
0x1d9: {  	v2 =	vadd.s32 $0x80, v11;
	_ =	sdelay $0x3  }
0x1da: {  	[tilespmem:s21+$0x5560] =	vst v0  }
0x1db: {  	v0 =	vld.idx.msk [tilespmem:v2+s2+$0x0], $0xffff  }
0x1dc: {  	v12 =	vadd.s32 $0x81, v11;
	_ =	sdelay $0x3  }
0x1dd: {  	[tilespmem:s21+$0x5760] =	vst v0  }
0x1de: {  	v0 =	vld.idx.msk [tilespmem:v12+s2+$0x0], $0xffff  }
0x1df: {  	v13 =	vadd.s32 $0x82, v11;
	_ =	sdelay $0x3  }
0x1e0: {  	v14 =	vld [tilespmem:s21+$0x1B60];
	[tilespmem:s21+$0x5960] =	vst v0  }
0x1e1: {  	v0 =	vld.idx.msk [tilespmem:v13+s2+$0x0], $0xffff  }
0x1e2: {  	v1 =	vadd.s32 $0x83, v11;
	_ =	sdelay $0x3  }
0x1e3: {  	v15 =	vmul.u32 $0x32, v14;
	[tilespmem:s21+$0x5B60] =	vst v0  }
0x1e4: {  	v1 =	vld.idx.msk [tilespmem:v1+s2+$0x0], $0xffff  }
0x1e5: {  	v2 =	vadd.s32 $0xA0, v15;
	_ =	sdelay $0x3  }
0x1e6: {  	[tilespmem:s21+$0x5D60] =	vst v1  }
0x1e7: {  	v1 =	vld.idx.msk [tilespmem:v2+s2+$0x0], $0xffff  }
0x1e8: {  	v16 =	vadd.s32 $0xA1, v15;
	_ =	sdelay $0x3  }
0x1e9: {  	[tilespmem:s21+$0x5F60] =	vst v1  }
0x1ea: {  	v1 =	vld.idx.msk [tilespmem:v16+s2+$0x0], $0xffff  }
0x1eb: {  	v17 =	vadd.s32 $0xA2, v15;
	_ =	sdelay $0x3  }
0x1ec: {  	[tilespmem:s21+$0x6160] =	vst v1  }
0x1ed: {  	v1 =	vld.idx.msk [tilespmem:v17+s2+$0x0], $0xffff  }
0x1ee: {  	v18 =	vadd.s32 $0xA3, v15;
	_ =	sdelay $0x3  }
0x1ef: {  	[tilespmem:s21+$0x6360] =	vst v1  }
0x1f0: {  	v1 =	vld.idx.msk [tilespmem:v18+s2+$0x0], $0xffff  }
0x1f1: {  	v19 =	vadd.s32 $0xA4, v15;
	_ =	sdelay $0x3  }
0x1f2: {  	[tilespmem:s21+$0x6560] =	vst v1  }
0x1f3: {  	v1 =	vld.idx.msk [tilespmem:v19+s2+$0x0], $0xffff  }
0x1f4: {  	v20 =	vadd.s32 $0xA5, v15;
	_ =	sdelay $0x3  }
0x1f5: {  	[tilespmem:s21+$0x6760] =	vst v1  }
0x1f6: {  	v1 =	vld.idx.msk [tilespmem:v20+s2+$0x0], $0xffff  }
0x1f7: {  	v21 =	vadd.s32 $0xA6, v15;
	_ =	sdelay $0x3  }
0x1f8: {  	[tilespmem:s21+$0x6960] =	vst v1  }
0x1f9: {  	v1 =	vld.idx.msk [tilespmem:v21+s2+$0x0], $0xffff  }
0x1fa: {  	v22 =	vadd.s32 $0xA7, v15;
	_ =	sdelay $0x3  }
0x1fb: {  	[tilespmem:s21+$0x6B60] =	vst v1  }
0x1fc: {  	v1 =	vld.idx.msk [tilespmem:v22+s2+$0x0], $0xffff  }
0x1fd: {  	v23 =	vadd.s32 $0xA8, v15;
	_ =	sdelay $0x3  }
0x1fe: {  	[tilespmem:s21+$0x6D60] =	vst v1  }
0x1ff: {  	v1 =	vld.idx.msk [tilespmem:v23+s2+$0x0], $0xffff  }
0x200: {  	v24 =	vadd.s32 $0xA9, v15;
	_ =	sdelay $0x3  }
0x201: {  	[tilespmem:s21+$0x6F60] =	vst v1  }
0x202: {  	v1 =	vld.idx.msk [tilespmem:v24+s2+$0x0], $0xffff  }
0x203: {  	v25 =	vadd.s32 $0xAA, v15;
	_ =	sdelay $0x3  }
0x204: {  	[tilespmem:s21+$0x7160] =	vst v1  }
0x205: {  	v1 =	vld.idx.msk [tilespmem:v25+s2+$0x0], $0xffff  }
0x206: {  	v26 =	vadd.s32 $0xAB, v15;
	_ =	sdelay $0x3  }
0x207: {  	[tilespmem:s21+$0x7360] =	vst v1  }
0x208: {  	v1 =	vld.idx.msk [tilespmem:v26+s2+$0x0], $0xffff  }
0x209: {  	v27 =	vadd.s32 $0xAC, v15;
	_ =	sdelay $0x3  }
0x20a: {  	[tilespmem:s21+$0x7560] =	vst v1  }
0x20b: {  	v1 =	vld.idx.msk [tilespmem:v27+s2+$0x0], $0xffff  }
0x20c: {  	v28 =	vadd.s32 $0xAD, v15;
	_ =	sdelay $0x3  }
0x20d: {  	[tilespmem:s21+$0x7760] =	vst v1  }
0x20e: {  	v1 =	vld.idx.msk [tilespmem:v28+s2+$0x0], $0xffff  }
0x20f: {  	v29 =	vadd.s32 $0xAE, v15;
	_ =	sdelay $0x3  }
0x210: {  	[tilespmem:s21+$0x7960] =	vst v1  }
0x211: {  	v1 =	vld.idx.msk [tilespmem:v29+s2+$0x0], $0xffff  }
0x212: {  	v30 =	vadd.s32 $0xAF, v15;
	_ =	sdelay $0x3  }
0x213: {  	[tilespmem:s21+$0x7B60] =	vst v1  }
0x214: {  	v1 =	vld.idx.msk [tilespmem:v30+s2+$0x0], $0xffff  }
0x215: {  	v31 =	vadd.s32 $0xB0, v15;
	_ =	sdelay $0x3  }
0x216: {  	[tilespmem:s21+$0x7D60] =	vst v1  }
0x217: {  	v1 =	vld.idx.msk [tilespmem:v31+s2+$0x0], $0xffff  }
0x218: {  	v32 =	vadd.s32 $0xB1, v15;
	_ =	sdelay $0x3  }
0x219: {  	[tilespmem:s21+$0x7F60] =	vst v1  }
0x21a: {  	v1 =	vld.idx.msk [tilespmem:v32+s2+$0x0], $0xffff  }
0x21b: {  	v33 =	vadd.s32 $0xB2, v15;
	_ =	sdelay $0x3  }
0x21c: {  	[tilespmem:s21+$0x8160] =	vst v1  }
0x21d: {  	v1 =	vld.idx.msk [tilespmem:v33+s2+$0x0], $0xffff  }
0x21e: {  	v34 =	vadd.s32 $0xB3, v15;
	_ =	sdelay $0x3  }
0x21f: {  	[tilespmem:s21+$0x8360] =	vst v1  }
0x220: {  	v1 =	vld.idx.msk [tilespmem:v34+s2+$0x0], $0xffff  }
0x221: {  	v35 =	vadd.s32 $0xB4, v15;
	_ =	sdelay $0x3  }
0x222: {  	[tilespmem:s21+$0x8560] =	vst v1  }
0x223: {  	v1 =	vld.idx.msk [tilespmem:v35+s2+$0x0], $0xffff  }
0x224: {  	v36 =	vadd.s32 $0xB5, v15;
	_ =	sdelay $0x3  }
0x225: {  	[tilespmem:s21+$0x8760] =	vst v1  }
0x226: {  	v1 =	vld.idx.msk [tilespmem:v36+s2+$0x0], $0xffff  }
0x227: {  	v37 =	vadd.s32 $0xB6, v15;
	_ =	sdelay $0x3  }
0x228: {  	[tilespmem:s21+$0x8960] =	vst v1  }
0x229: {  	v1 =	vld.idx.msk [tilespmem:v37+s2+$0x0], $0xffff  }
0x22a: {  	v38 =	vadd.s32 $0xB7, v15;
	_ =	sdelay $0x3  }
0x22b: {  	[tilespmem:s21+$0x8B60] =	vst v1  }
0x22c: {  	v1 =	vld.idx.msk [tilespmem:v38+s2+$0x0], $0xffff  }
0x22d: {  	v39 =	vadd.s32 $0xB8, v15;
	_ =	sdelay $0x3  }
0x22e: {  	[tilespmem:s21+$0x8D60] =	vst v1  }
0x22f: {  	v1 =	vld.idx.msk [tilespmem:v39+s2+$0x0], $0xffff  }
0x230: {  	v40 =	vadd.s32 $0xB9, v15;
	_ =	sdelay $0x3  }
0x231: {  	[tilespmem:s21+$0x8F60] =	vst v1  }
0x232: {  	v1 =	vld.idx.msk [tilespmem:v40+s2+$0x0], $0xffff  }
0x233: {  	v41 =	vadd.s32 $0xBA, v15;
	_ =	sdelay $0x3  }
0x234: {  	[tilespmem:s21+$0x9160] =	vst v1  }
0x235: {  	v1 =	vld.idx.msk [tilespmem:v41+s2+$0x0], $0xffff  }
0x236: {  	v42 =	vadd.s32 $0xBB, v15;
	_ =	sdelay $0x3  }
0x237: {  	[tilespmem:s21+$0x9360] =	vst v1  }
0x238: {  	v1 =	vld.idx.msk [tilespmem:v42+s2+$0x0], $0xffff  }
0x239: {  	v43 =	vadd.s32 $0xBC, v15;
	_ =	sdelay $0x3  }
0x23a: {  	[tilespmem:s21+$0x9560] =	vst v1  }
0x23b: {  	v1 =	vld.idx.msk [tilespmem:v43+s2+$0x0], $0xffff  }
0x23c: {  	v44 =	vadd.s32 $0xBD, v15;
	_ =	sdelay $0x3  }
0x23d: {  	[tilespmem:s21+$0x9760] =	vst v1  }
0x23e: {  	v1 =	vld.idx.msk [tilespmem:v44+s2+$0x0], $0xffff  }
0x23f: {  	v45 =	vadd.s32 $0xBE, v15;
	_ =	sdelay $0x3  }
0x240: {  	[tilespmem:s21+$0x9960] =	vst v1  }
0x241: {  	v1 =	vld.idx.msk [tilespmem:v45+s2+$0x0], $0xffff  }
0x242: {  	v46 =	vadd.s32 $0xBF, v15;
	_ =	sdelay $0x3  }
0x243: {  	[tilespmem:s21+$0x9B60] =	vst v1  }
0x244: {  	v1 =	vld.idx.msk [tilespmem:v46+s2+$0x0], $0xffff  }
0x245: {  	v47 =	vadd.s32 $0xC0, v15;
	_ =	sdelay $0x3  }
0x246: {  	[tilespmem:s21+$0x9D60] =	vst v1  }
0x247: {  	v1 =	vld.idx.msk [tilespmem:v47+s2+$0x0], $0xffff  }
0x248: {  	v48 =	vadd.s32 $0xC1, v15;
	_ =	sdelay $0x3  }
0x249: {  	[tilespmem:s21+$0x9F60] =	vst v1  }
0x24a: {  	v1 =	vld.idx.msk [tilespmem:v48+s2+$0x0], $0xffff  }
0x24b: {  	v49 =	vadd.s32 $0xC2, v15;
	_ =	sdelay $0x3  }
0x24c: {  	[tilespmem:s21+$0xA160] =	vst v1  }
0x24d: {  	v1 =	vld.idx.msk [tilespmem:v49+s2+$0x0], $0xffff  }
0x24e: {  	v50 =	vadd.s32 $0xC3, v15;
	_ =	sdelay $0x3  }
0x24f: {  	[tilespmem:s21+$0xA360] =	vst v1  }
0x250: {  	v1 =	vld.idx.msk [tilespmem:v50+s2+$0x0], $0xffff  }
0x251: {  	v51 =	vadd.s32 $0xC4, v15;
	_ =	sdelay $0x3  }
0x252: {  	[tilespmem:s21+$0xA560] =	vst v1  }
0x253: {  	v1 =	vld.idx.msk [tilespmem:v51+s2+$0x0], $0xffff  }
0x254: {  	v52 =	vadd.s32 $0xC5, v15;
	_ =	sdelay $0x3  }
0x255: {  	[tilespmem:s21+$0xA760] =	vst v1  }
0x256: {  	v1 =	vld.idx.msk [tilespmem:v52+s2+$0x0], $0xffff  }
0x257: {  	v53 =	vadd.s32 $0xC6, v15;
	_ =	sdelay $0x3  }
0x258: {  	[tilespmem:s21+$0xA960] =	vst v1  }
0x259: {  	v1 =	vld.idx.msk [tilespmem:v53+s2+$0x0], $0xffff  }
0x25a: {  	v54 =	vadd.s32 $0xC7, v15;
	_ =	sdelay $0x3  }
0x25b: {  	[tilespmem:s21+$0xAB60] =	vst v1  }
0x25c: {  	v1 =	vld.idx.msk [tilespmem:v54+s2+$0x0], $0xffff  }
0x25d: {  	v55 =	vadd.s32 $0xC8, v15;
	_ =	sdelay $0x3  }
0x25e: {  	[tilespmem:s21+$0xAD60] =	vst v1  }
0x25f: {  	v1 =	vld.idx.msk [tilespmem:v55+s2+$0x0], $0xffff  }
0x260: {  	v56 =	vadd.s32 $0xC9, v15;
	_ =	sdelay $0x3  }
0x261: {  	[tilespmem:s21+$0xAF60] =	vst v1  }
0x262: {  	v1 =	vld.idx.msk [tilespmem:v56+s2+$0x0], $0xffff  }
0x263: {  	v57 =	vadd.s32 $0xCA, v15;
	_ =	sdelay $0x3  }
0x264: {  	[tilespmem:s21+$0xB160] =	vst v1  }
0x265: {  	v1 =	vld.idx.msk [tilespmem:v57+s2+$0x0], $0xffff  }
0x266: {  	v58 =	vadd.s32 $0xCB, v15;
	_ =	sdelay $0x3  }
0x267: {  	[tilespmem:s21+$0xB360] =	vst v1  }
0x268: {  	v1 =	vld.idx.msk [tilespmem:v58+s2+$0x0], $0xffff  }
0x269: {  	v59 =	vadd.s32 $0xCC, v15;
	_ =	sdelay $0x3  }
0x26a: {  	[tilespmem:s21+$0xB560] =	vst v1  }
0x26b: {  	v1 =	vld.idx.msk [tilespmem:v59+s2+$0x0], $0xffff  }
0x26c: {  	v60 =	vadd.s32 $0xCD, v15;
	_ =	sdelay $0x3  }
0x26d: {  	[tilespmem:s21+$0xB760] =	vst v1  }
0x26e: {  	v1 =	vld.idx.msk [tilespmem:v60+s2+$0x0], $0xffff  }
0x26f: {  	v61 =	vadd.s32 $0xCE, v15;
	_ =	sdelay $0x3  }
0x270: {  	[tilespmem:s21+$0xB960] =	vst v1  }
0x271: {  	v1 =	vld.idx.msk [tilespmem:v61+s2+$0x0], $0xffff  }
0x272: {  	v62 =	vadd.s32 $0xCF, v15;
	_ =	sdelay $0x3  }
0x273: {  	[tilespmem:s21+$0xBB60] =	vst v1  }
0x274: {  	v1 =	vld.idx.msk [tilespmem:v62+s2+$0x0], $0xffff  }
0x275: {  	v63 =	vadd.s32 $0xD0, v15;
	_ =	sdelay $0x3  }
0x276: {  	[tilespmem:s21+$0xBD60] =	vst v1  }
0x277: {  	v1 =	vld.idx.msk [tilespmem:v63+s2+$0x0], $0xffff  }
0x278: {  	v0 =	vadd.s32 $0xD1, v15;
	_ =	sdelay $0x3  }
0x279: {  	[tilespmem:s21+$0xBF60] =	vst v1  }
0x27a: {  	v0 =	vld.idx.msk [tilespmem:v0+s2+$0x0], $0xffff;
	_ =	sdelay $0x4  }
0x27b: {  	[tilespmem:s21+$0xC160] =	vst v0  }
0x27c: {  	_ =	swait.ge [sflag:s16], $0x2000  }
0x27d: {  	s20 =	simm.s32 $0x800;
	s22 =	sadd.s32 $0x0, s6;
	[sflag:s16] =	ssyncset.done $0x0  }
0x27e: {  	s19 =	simm.s32 $0x0;
	s21 =	simm.s32 $0x1D60;
	[sflag:s16] =	ssyncadd.s32 $0xFFFFE000  }
.LBB2_4:
0x27f: {  	[hbm4b:s22+s19] =	stream.linear.scatter [tilespmem:s21], [sflag:$0x3], $0x80, $0x38;
	[tilespmem:$0xC360] =	vst v63  }
0x280: {  	s22 =	smov.u32 s20;
	p0 =	sne.s32 s20, $0x29000  }
.Ltmp1:
0x281: {  	s20 =	sadd.s32 $0x800, s20;
	(pc) =	sbr.rel @p0 .LBB2_4-.Ltmp1, $3  }
0x282: {  	_ =	sdelay $0x1  }
0x283: {  	s21 =	sshra.s32 s22, $0x2  }
0x284: {  	s22 =	sadd.s32 s22, s6;
	s21 =	sadd.s32 $0x1D60, s21  }
0x285: {  	[hbm4b:s22+s19] =	stream.linear.scatter [tilespmem:s21], [sflag:$0x3], $0x80, $0x38;
	[tilespmem:$0xC360] =	vst v63  }
0x286: {  	s19 =	simm.s32 $0x0  }
0x287: {  	v0 =	vld [tilespmem:s19+$0x13E0];
	_ =	sdelay $0x4  }
0x288: {  	v0 =	vmul.u32 $0x3, v0;
	_ =	sdelay $0x5  }
0x289: {  	v1 =	vld.idx.msk [tilespmem:v0+s2+$0x0], $0xffff  }
0x28a: {  	v2 =	vadd.s32 $0x1, v0;
	_ =	sdelay $0x3  }
0x28b: {  	[tilespmem:s19+$0x3DE0] =	vst v1  }
0x28c: {  	v1 =	vld.idx.msk [tilespmem:v2+s2+$0x0], $0xffff  }
0x28d: {  	v0 =	vadd.s32 $0x2, v0;
	v2 =	vld [tilespmem:s19+$0x15E0];
	_ =	sdelay $0x3  }
0x28e: {  	[tilespmem:s19+$0x3FE0] =	vst v1  }
0x28f: {  	v1 =	vshll.u32 v2, $0x2;
	v0 =	vld.idx.msk [tilespmem:v0+s2+$0x0], $0xffff  }
0x290: {  	v2 =	vadd.s32 $0x18, v1;
	_ =	sdelay $0x3  }
0x291: {  	[tilespmem:s19+$0x41E0] =	vst v0  }
0x292: {  	v0 =	vld.idx.msk [tilespmem:v2+s2+$0x0], $0xffff  }
0x293: {  	v2 =	vadd.s32 $0x19, v1;
	_ =	sdelay $0x3  }
0x294: {  	[tilespmem:s19+$0x43E0] =	vst v0  }
0x295: {  	v0 =	vld.idx.msk [tilespmem:v2+s2+$0x0], $0xffff  }
0x296: {  	v2 =	vadd.s32 $0x1A, v1;
	_ =	sdelay $0x3  }
0x297: {  	[tilespmem:s19+$0x45E0] =	vst v0  }
0x298: {  	v0 =	vld.idx.msk [tilespmem:v2+s2+$0x0], $0xffff  }
0x299: {  	v2 =	vld [tilespmem:s19+$0x17E0]  }
0x29a: {  	v1 =	vadd.s32 $0x1B, v1;
	_ =	sdelay $0x3  }
0x29b: {  	[tilespmem:s19+$0x47E0] =	vst v0;
	v0 =	vmul.u32 $0x6, v2  }
0x29c: {  	v1 =	vld.idx.msk [tilespmem:v1+s2+$0x0], $0xffff  }
0x29d: {  	v2 =	vadd.s32 $0x38, v0;
	_ =	sdelay $0x3  }
0x29e: {  	[tilespmem:s19+$0x49E0] =	vst v1  }
0x29f: {  	v1 =	vld.idx.msk [tilespmem:v2+s2+$0x0], $0xffff  }
0x2a0: {  	v2 =	vadd.s32 $0x39, v0;
	_ =	sdelay $0x3  }
0x2a1: {  	[tilespmem:s19+$0x4BE0] =	vst v1  }
0x2a2: {  	v1 =	vld.idx.msk [tilespmem:v2+s2+$0x0], $0xffff  }
0x2a3: {  	v2 =	vadd.s32 $0x3A, v0;
	_ =	sdelay $0x3  }
0x2a4: {  	[tilespmem:s19+$0x4DE0] =	vst v1  }
0x2a5: {  	v1 =	vld.idx.msk [tilespmem:v2+s2+$0x0], $0xffff  }
0x2a6: {  	v2 =	vadd.s32 $0x3B, v0;
	_ =	sdelay $0x3  }
0x2a7: {  	[tilespmem:s19+$0x4FE0] =	vst v1  }
0x2a8: {  	v1 =	vld.idx.msk [tilespmem:v2+s2+$0x0], $0xffff  }
0x2a9: {  	v2 =	vadd.s32 $0x3C, v0;
	_ =	sdelay $0x3  }
0x2aa: {  	[tilespmem:s19+$0x51E0] =	vst v1  }
0x2ab: {  	v1 =	vld.idx.msk [tilespmem:v2+s2+$0x0], $0xffff  }
0x2ac: {  	v0 =	vadd.s32 $0x3D, v0;
	v2 =	vld [tilespmem:s19+$0x19E0];
	_ =	sdelay $0x3  }
0x2ad: {  	[tilespmem:s19+$0x53E0] =	vst v1  }
0x2ae: {  	v1 =	vshll.u32 v2, $0x2;
	v0 =	vld.idx.msk [tilespmem:v0+s2+$0x0], $0xffff  }
0x2af: {  	v2 =	vadd.s32 $0x80, v1;
	_ =	sdelay $0x3  }
0x2b0: {  	[tilespmem:s19+$0x55E0] =	vst v0  }
0x2b1: {  	v0 =	vld.idx.msk [tilespmem:v2+s2+$0x0], $0xffff  }
0x2b2: {  	v2 =	vadd.s32 $0x81, v1;
	_ =	sdelay $0x3  }
0x2b3: {  	[tilespmem:s19+$0x57E0] =	vst v0  }
0x2b4: {  	v0 =	vld.idx.msk [tilespmem:v2+s2+$0x0], $0xffff  }
0x2b5: {  	v2 =	vadd.s32 $0x82, v1;
	_ =	sdelay $0x3  }
0x2b6: {  	[tilespmem:s19+$0x59E0] =	vst v0  }
0x2b7: {  	v0 =	vld.idx.msk [tilespmem:v2+s2+$0x0], $0xffff  }
0x2b8: {  	v2 =	vld [tilespmem:s19+$0x1BE0]  }
0x2b9: {  	v1 =	vadd.s32 $0x83, v1;
	_ =	sdelay $0x3  }
0x2ba: {  	[tilespmem:s19+$0x5BE0] =	vst v0;
	v0 =	vmul.u32 $0x32, v2  }
0x2bb: {  	v1 =	vld.idx.msk [tilespmem:v1+s2+$0x0], $0xffff  }
0x2bc: {  	v2 =	vadd.s32 $0xA0, v0;
	_ =	sdelay $0x3  }
0x2bd: {  	[tilespmem:s19+$0x5DE0] =	vst v1  }
0x2be: {  	v1 =	vld.idx.msk [tilespmem:v2+s2+$0x0], $0xffff  }
0x2bf: {  	v2 =	vadd.s32 $0xA1, v0;
	_ =	sdelay $0x3  }
0x2c0: {  	[tilespmem:s19+$0x5FE0] =	vst v1  }
0x2c1: {  	v1 =	vld.idx.msk [tilespmem:v2+s2+$0x0], $0xffff  }
0x2c2: {  	v2 =	vadd.s32 $0xA2, v0;
	_ =	sdelay $0x3  }
0x2c3: {  	[tilespmem:s19+$0x61E0] =	vst v1  }
0x2c4: {  	v1 =	vld.idx.msk [tilespmem:v2+s2+$0x0], $0xffff  }
0x2c5: {  	v2 =	vadd.s32 $0xA3, v0;
	_ =	sdelay $0x3  }
0x2c6: {  	[tilespmem:s19+$0x63E0] =	vst v1  }
0x2c7: {  	v1 =	vld.idx.msk [tilespmem:v2+s2+$0x0], $0xffff  }
0x2c8: {  	v2 =	vadd.s32 $0xA4, v0;
	_ =	sdelay $0x3  }
0x2c9: {  	[tilespmem:s19+$0x65E0] =	vst v1  }
0x2ca: {  	v1 =	vld.idx.msk [tilespmem:v2+s2+$0x0], $0xffff  }
0x2cb: {  	v2 =	vadd.s32 $0xA5, v0;
	_ =	sdelay $0x3  }
0x2cc: {  	[tilespmem:s19+$0x67E0] =	vst v1  }
0x2cd: {  	v1 =	vld.idx.msk [tilespmem:v2+s2+$0x0], $0xffff  }
0x2ce: {  	v2 =	vadd.s32 $0xA6, v0;
	_ =	sdelay $0x3  }
0x2cf: {  	[tilespmem:s19+$0x69E0] =	vst v1  }
0x2d0: {  	v1 =	vld.idx.msk [tilespmem:v2+s2+$0x0], $0xffff  }
0x2d1: {  	v2 =	vadd.s32 $0xA7, v0;
	_ =	sdelay $0x3  }
0x2d2: {  	[tilespmem:s19+$0x6BE0] =	vst v1  }
0x2d3: {  	v1 =	vld.idx.msk [tilespmem:v2+s2+$0x0], $0xffff  }
0x2d4: {  	v2 =	vadd.s32 $0xA8, v0;
	_ =	sdelay $0x3  }
0x2d5: {  	[tilespmem:s19+$0x6DE0] =	vst v1  }
0x2d6: {  	v1 =	vld.idx.msk [tilespmem:v2+s2+$0x0], $0xffff  }
0x2d7: {  	v2 =	vadd.s32 $0xA9, v0;
	_ =	sdelay $0x3  }
0x2d8: {  	[tilespmem:s19+$0x6FE0] =	vst v1  }
0x2d9: {  	v1 =	vld.idx.msk [tilespmem:v2+s2+$0x0], $0xffff  }
0x2da: {  	v2 =	vadd.s32 $0xAA, v0;
	_ =	sdelay $0x3  }
0x2db: {  	[tilespmem:s19+$0x71E0] =	vst v1  }
0x2dc: {  	v1 =	vld.idx.msk [tilespmem:v2+s2+$0x0], $0xffff  }
0x2dd: {  	v2 =	vadd.s32 $0xAB, v0;
	_ =	sdelay $0x3  }
0x2de: {  	[tilespmem:s19+$0x73E0] =	vst v1  }
0x2df: {  	v1 =	vld.idx.msk [tilespmem:v2+s2+$0x0], $0xffff  }
0x2e0: {  	v2 =	vadd.s32 $0xAC, v0;
	_ =	sdelay $0x3  }
0x2e1: {  	[tilespmem:s19+$0x75E0] =	vst v1  }
0x2e2: {  	v1 =	vld.idx.msk [tilespmem:v2+s2+$0x0], $0xffff  }
0x2e3: {  	v2 =	vadd.s32 $0xAD, v0;
	_ =	sdelay $0x3  }
0x2e4: {  	[tilespmem:s19+$0x77E0] =	vst v1  }
0x2e5: {  	v1 =	vld.idx.msk [tilespmem:v2+s2+$0x0], $0xffff  }
0x2e6: {  	v2 =	vadd.s32 $0xAE, v0;
	_ =	sdelay $0x3  }
0x2e7: {  	[tilespmem:s19+$0x79E0] =	vst v1  }
0x2e8: {  	v1 =	vld.idx.msk [tilespmem:v2+s2+$0x0], $0xffff  }
0x2e9: {  	v2 =	vadd.s32 $0xAF, v0;
	_ =	sdelay $0x3  }
0x2ea: {  	[tilespmem:s19+$0x7BE0] =	vst v1  }
0x2eb: {  	v1 =	vld.idx.msk [tilespmem:v2+s2+$0x0], $0xffff  }
0x2ec: {  	v2 =	vadd.s32 $0xB0, v0;
	_ =	sdelay $0x3  }
0x2ed: {  	[tilespmem:s19+$0x7DE0] =	vst v1  }
0x2ee: {  	v1 =	vld.idx.msk [tilespmem:v2+s2+$0x0], $0xffff  }
0x2ef: {  	v2 =	vadd.s32 $0xB1, v0;
	_ =	sdelay $0x3  }
0x2f0: {  	[tilespmem:s19+$0x7FE0] =	vst v1  }
0x2f1: {  	v1 =	vld.idx.msk [tilespmem:v2+s2+$0x0], $0xffff  }
0x2f2: {  	v2 =	vadd.s32 $0xB2, v0;
	_ =	sdelay $0x3  }
0x2f3: {  	[tilespmem:s19+$0x81E0] =	vst v1  }
0x2f4: {  	v1 =	vld.idx.msk [tilespmem:v2+s2+$0x0], $0xffff  }
0x2f5: {  	v2 =	vadd.s32 $0xB3, v0;
	_ =	sdelay $0x3  }
0x2f6: {  	[tilespmem:s19+$0x83E0] =	vst v1  }
0x2f7: {  	v1 =	vld.idx.msk [tilespmem:v2+s2+$0x0], $0xffff  }
0x2f8: {  	v2 =	vadd.s32 $0xB4, v0;
	_ =	sdelay $0x3  }
0x2f9: {  	[tilespmem:s19+$0x85E0] =	vst v1  }
0x2fa: {  	v1 =	vld.idx.msk [tilespmem:v2+s2+$0x0], $0xffff  }
0x2fb: {  	v2 =	vadd.s32 $0xB5, v0;
	_ =	sdelay $0x3  }
0x2fc: {  	[tilespmem:s19+$0x87E0] =	vst v1  }
0x2fd: {  	v1 =	vld.idx.msk [tilespmem:v2+s2+$0x0], $0xffff  }
0x2fe: {  	v2 =	vadd.s32 $0xB6, v0;
	_ =	sdelay $0x3  }
0x2ff: {  	[tilespmem:s19+$0x89E0] =	vst v1  }
0x300: {  	v1 =	vld.idx.msk [tilespmem:v2+s2+$0x0], $0xffff  }
0x301: {  	v2 =	vadd.s32 $0xB7, v0;
	_ =	sdelay $0x3  }
0x302: {  	[tilespmem:s19+$0x8BE0] =	vst v1  }
0x303: {  	v1 =	vld.idx.msk [tilespmem:v2+s2+$0x0], $0xffff  }
0x304: {  	v2 =	vadd.s32 $0xB8, v0;
	_ =	sdelay $0x3  }
0x305: {  	[tilespmem:s19+$0x8DE0] =	vst v1  }
0x306: {  	v1 =	vld.idx.msk [tilespmem:v2+s2+$0x0], $0xffff  }
0x307: {  	v2 =	vadd.s32 $0xB9, v0;
	_ =	sdelay $0x3  }
0x308: {  	[tilespmem:s19+$0x8FE0] =	vst v1  }
0x309: {  	v1 =	vld.idx.msk [tilespmem:v2+s2+$0x0], $0xffff  }
0x30a: {  	v2 =	vadd.s32 $0xBA, v0;
	_ =	sdelay $0x3  }
0x30b: {  	[tilespmem:s19+$0x91E0] =	vst v1  }
0x30c: {  	v1 =	vld.idx.msk [tilespmem:v2+s2+$0x0], $0xffff  }
0x30d: {  	v2 =	vadd.s32 $0xBB, v0;
	_ =	sdelay $0x3  }
0x30e: {  	[tilespmem:s19+$0x93E0] =	vst v1  }
0x30f: {  	v1 =	vld.idx.msk [tilespmem:v2+s2+$0x0], $0xffff  }
0x310: {  	v2 =	vadd.s32 $0xBC, v0;
	_ =	sdelay $0x3  }
0x311: {  	[tilespmem:s19+$0x95E0] =	vst v1  }
0x312: {  	v1 =	vld.idx.msk [tilespmem:v2+s2+$0x0], $0xffff  }
0x313: {  	v2 =	vadd.s32 $0xBD, v0;
	_ =	sdelay $0x3  }
0x314: {  	[tilespmem:s19+$0x97E0] =	vst v1  }
0x315: {  	v1 =	vld.idx.msk [tilespmem:v2+s2+$0x0], $0xffff  }
0x316: {  	v2 =	vadd.s32 $0xBE, v0;
	_ =	sdelay $0x3  }
0x317: {  	[tilespmem:s19+$0x99E0] =	vst v1  }
0x318: {  	v1 =	vld.idx.msk [tilespmem:v2+s2+$0x0], $0xffff  }
0x319: {  	v2 =	vadd.s32 $0xBF, v0;
	_ =	sdelay $0x3  }
0x31a: {  	[tilespmem:s19+$0x9BE0] =	vst v1  }
0x31b: {  	v1 =	vld.idx.msk [tilespmem:v2+s2+$0x0], $0xffff  }
0x31c: {  	v2 =	vadd.s32 $0xC0, v0;
	_ =	sdelay $0x3  }
0x31d: {  	[tilespmem:s19+$0x9DE0] =	vst v1  }
0x31e: {  	v1 =	vld.idx.msk [tilespmem:v2+s2+$0x0], $0xffff  }
0x31f: {  	v2 =	vadd.s32 $0xC1, v0;
	_ =	sdelay $0x3  }
0x320: {  	[tilespmem:s19+$0x9FE0] =	vst v1  }
0x321: {  	v1 =	vld.idx.msk [tilespmem:v2+s2+$0x0], $0xffff  }
0x322: {  	v2 =	vadd.s32 $0xC2, v0;
	_ =	sdelay $0x3  }
0x323: {  	[tilespmem:s19+$0xA1E0] =	vst v1  }
0x324: {  	v1 =	vld.idx.msk [tilespmem:v2+s2+$0x0], $0xffff  }
0x325: {  	v2 =	vadd.s32 $0xC3, v0;
	_ =	sdelay $0x3  }
0x326: {  	[tilespmem:s19+$0xA3E0] =	vst v1  }
0x327: {  	v1 =	vld.idx.msk [tilespmem:v2+s2+$0x0], $0xffff  }
0x328: {  	v2 =	vadd.s32 $0xC4, v0;
	_ =	sdelay $0x3  }
0x329: {  	[tilespmem:s19+$0xA5E0] =	vst v1  }
0x32a: {  	v1 =	vld.idx.msk [tilespmem:v2+s2+$0x0], $0xffff  }
0x32b: {  	v2 =	vadd.s32 $0xC5, v0;
	_ =	sdelay $0x3  }
0x32c: {  	[tilespmem:s19+$0xA7E0] =	vst v1  }
0x32d: {  	v1 =	vld.idx.msk [tilespmem:v2+s2+$0x0], $0xffff  }
0x32e: {  	v2 =	vadd.s32 $0xC6, v0;
	_ =	sdelay $0x3  }
0x32f: {  	[tilespmem:s19+$0xA9E0] =	vst v1  }
0x330: {  	v1 =	vld.idx.msk [tilespmem:v2+s2+$0x0], $0xffff  }
0x331: {  	v2 =	vadd.s32 $0xC7, v0;
	_ =	sdelay $0x3  }
0x332: {  	[tilespmem:s19+$0xABE0] =	vst v1  }
0x333: {  	v1 =	vld.idx.msk [tilespmem:v2+s2+$0x0], $0xffff  }
0x334: {  	v2 =	vadd.s32 $0xC8, v0;
	_ =	sdelay $0x3  }
0x335: {  	[tilespmem:s19+$0xADE0] =	vst v1  }
0x336: {  	v1 =	vld.idx.msk [tilespmem:v2+s2+$0x0], $0xffff  }
0x337: {  	v2 =	vadd.s32 $0xC9, v0;
	_ =	sdelay $0x3  }
0x338: {  	[tilespmem:s19+$0xAFE0] =	vst v1  }
0x339: {  	v1 =	vld.idx.msk [tilespmem:v2+s2+$0x0], $0xffff  }
0x33a: {  	v2 =	vadd.s32 $0xCA, v0;
	_ =	sdelay $0x3  }
0x33b: {  	[tilespmem:s19+$0xB1E0] =	vst v1  }
0x33c: {  	v1 =	vld.idx.msk [tilespmem:v2+s2+$0x0], $0xffff  }
0x33d: {  	v2 =	vadd.s32 $0xCB, v0;
	_ =	sdelay $0x3  }
0x33e: {  	[tilespmem:s19+$0xB3E0] =	vst v1  }
0x33f: {  	v1 =	vld.idx.msk [tilespmem:v2+s2+$0x0], $0xffff  }
0x340: {  	v2 =	vadd.s32 $0xCC, v0;
	_ =	sdelay $0x3  }
0x341: {  	[tilespmem:s19+$0xB5E0] =	vst v1  }
0x342: {  	v1 =	vld.idx.msk [tilespmem:v2+s2+$0x0], $0xffff  }
0x343: {  	v2 =	vadd.s32 $0xCD, v0;
	_ =	sdelay $0x3  }
0x344: {  	[tilespmem:s19+$0xB7E0] =	vst v1  }
0x345: {  	v1 =	vld.idx.msk [tilespmem:v2+s2+$0x0], $0xffff  }
0x346: {  	v2 =	vadd.s32 $0xCE, v0;
	_ =	sdelay $0x3  }
0x347: {  	[tilespmem:s19+$0xB9E0] =	vst v1  }
0x348: {  	v1 =	vld.idx.msk [tilespmem:v2+s2+$0x0], $0xffff  }
0x349: {  	v2 =	vadd.s32 $0xCF, v0;
	_ =	sdelay $0x3  }
0x34a: {  	[tilespmem:s19+$0xBBE0] =	vst v1  }
0x34b: {  	v1 =	vld.idx.msk [tilespmem:v2+s2+$0x0], $0xffff  }
0x34c: {  	v2 =	vadd.s32 $0xD0, v0;
	_ =	sdelay $0x3  }
0x34d: {  	[tilespmem:s19+$0xBDE0] =	vst v1  }
0x34e: {  	v1 =	vld.idx.msk [tilespmem:v2+s2+$0x0], $0xffff  }
0x34f: {  	s21 =	simm.s32 $0x10;
	s20 =	simm.s32 $0x80;
	v0 =	vadd.s32 $0xD1, v0  }
.LBB2_6:
0x350: {  	p0 =	sne.s32 s20, $0x1C0;
	v2 =	vld [tilespmem:s21+$0x13E0];
	_ =	sdelay $0x2  }
0x351: {  	[tilespmem:s19+$0xBFE0] =	vst v1  }
0x352: {  	v0 =	vld.idx.msk [tilespmem:v0+s2+$0x0], $0xffff  }
0x353: {  	v1 =	vmul.u32 $0x3, v2;
	_ =	sdelay $0x4  }
0x354: {  	[tilespmem:s19+$0xC1E0] =	vst v0;
	s19 =	smov.u32 s21  }
0x355: {  	v0 =	vld.idx.msk [tilespmem:v1+s2+$0x0], $0xffff;
	_ =	sdelay $0x1  }
0x356: {  	v2 =	vadd.s32 $0x1, v1;
	_ =	sdelay $0x3  }
0x357: {  	[tilespmem:s19+$0x3DE0] =	vst v0  }
0x358: {  	v0 =	vld.idx.msk [tilespmem:v2+s2+$0x0], $0xffff;
	_ =	sdelay $0x1  }
0x359: {  	v1 =	vadd.s32 $0x2, v1  }
0x35a: {  	v2 =	vld [tilespmem:s19+$0x15E0];
	_ =	sdelay $0x2  }
0x35b: {  	[tilespmem:s19+$0x3FE0] =	vst v0  }
0x35c: {  	v0 =	vld.idx.msk [tilespmem:v1+s2+$0x0], $0xffff  }
0x35d: {  	v1 =	vshll.u32 v2, $0x2  }
0x35e: {  	v2 =	vadd.s32 $0x18, v1;
	_ =	sdelay $0x3  }
0x35f: {  	[tilespmem:s19+$0x41E0] =	vst v0  }
0x360: {  	v0 =	vld.idx.msk [tilespmem:v2+s2+$0x0], $0xffff;
	_ =	sdelay $0x1  }
0x361: {  	v2 =	vadd.s32 $0x19, v1;
	_ =	sdelay $0x3  }
0x362: {  	[tilespmem:s19+$0x43E0] =	vst v0  }
0x363: {  	v0 =	vld.idx.msk [tilespmem:v2+s2+$0x0], $0xffff;
	_ =	sdelay $0x1  }
0x364: {  	v2 =	vadd.s32 $0x1A, v1;
	_ =	sdelay $0x3  }
0x365: {  	[tilespmem:s19+$0x45E0] =	vst v0  }
0x366: {  	v0 =	vld.idx.msk [tilespmem:v2+s2+$0x0], $0xffff;
	_ =	sdelay $0x1  }
0x367: {  	v1 =	vadd.s32 $0x1B, v1;
	v2 =	vld [tilespmem:s19+$0x17E0];
	_ =	sdelay $0x3  }
0x368: {  	[tilespmem:s19+$0x47E0] =	vst v0  }
0x369: {  	v0 =	vld.idx.msk [tilespmem:v1+s2+$0x0], $0xffff;
	v1 =	vmul.u32 $0x6, v2;
	_ =	sdelay $0x1  }
0x36a: {  	v2 =	vadd.s32 $0x38, v1;
	_ =	sdelay $0x3  }
0x36b: {  	[tilespmem:s19+$0x49E0] =	vst v0  }
0x36c: {  	v0 =	vld.idx.msk [tilespmem:v2+s2+$0x0], $0xffff;
	_ =	sdelay $0x1  }
0x36d: {  	v2 =	vadd.s32 $0x39, v1;
	_ =	sdelay $0x3  }
0x36e: {  	[tilespmem:s19+$0x4BE0] =	vst v0  }
0x36f: {  	v0 =	vld.idx.msk [tilespmem:v2+s2+$0x0], $0xffff;
	_ =	sdelay $0x1  }
0x370: {  	v2 =	vadd.s32 $0x3A, v1;
	_ =	sdelay $0x3  }
0x371: {  	[tilespmem:s19+$0x4DE0] =	vst v0  }
0x372: {  	v0 =	vld.idx.msk [tilespmem:v2+s2+$0x0], $0xffff;
	_ =	sdelay $0x1  }
0x373: {  	v2 =	vadd.s32 $0x3B, v1;
	_ =	sdelay $0x3  }
0x374: {  	[tilespmem:s19+$0x4FE0] =	vst v0  }
0x375: {  	v0 =	vld.idx.msk [tilespmem:v2+s2+$0x0], $0xffff;
	_ =	sdelay $0x1  }
0x376: {  	v2 =	vadd.s32 $0x3C, v1;
	_ =	sdelay $0x3  }
0x377: {  	[tilespmem:s19+$0x51E0] =	vst v0  }
0x378: {  	v0 =	vld.idx.msk [tilespmem:v2+s2+$0x0], $0xffff;
	_ =	sdelay $0x1  }
0x379: {  	v1 =	vadd.s32 $0x3D, v1  }
0x37a: {  	v2 =	vld [tilespmem:s19+$0x19E0];
	_ =	sdelay $0x2  }
0x37b: {  	[tilespmem:s19+$0x53E0] =	vst v0  }
0x37c: {  	v0 =	vld.idx.msk [tilespmem:v1+s2+$0x0], $0xffff  }
0x37d: {  	v1 =	vshll.u32 v2, $0x2  }
0x37e: {  	v2 =	vadd.s32 $0x80, v1;
	_ =	sdelay $0x3  }
0x37f: {  	[tilespmem:s19+$0x55E0] =	vst v0  }
0x380: {  	v0 =	vld.idx.msk [tilespmem:v2+s2+$0x0], $0xffff;
	_ =	sdelay $0x1  }
0x381: {  	v2 =	vadd.s32 $0x81, v1;
	_ =	sdelay $0x3  }
0x382: {  	[tilespmem:s19+$0x57E0] =	vst v0  }
0x383: {  	v0 =	vld.idx.msk [tilespmem:v2+s2+$0x0], $0xffff;
	_ =	sdelay $0x1  }
0x384: {  	v2 =	vadd.s32 $0x82, v1;
	_ =	sdelay $0x3  }
0x385: {  	[tilespmem:s19+$0x59E0] =	vst v0  }
0x386: {  	v0 =	vld.idx.msk [tilespmem:v2+s2+$0x0], $0xffff;
	_ =	sdelay $0x1  }
0x387: {  	v1 =	vadd.s32 $0x83, v1;
	v2 =	vld [tilespmem:s19+$0x1BE0];
	_ =	sdelay $0x3  }
0x388: {  	[tilespmem:s19+$0x5BE0] =	vst v0  }
0x389: {  	v1 =	vld.idx.msk [tilespmem:v1+s2+$0x0], $0xffff;
	v0 =	vmul.u32 $0x32, v2;
	_ =	sdelay $0x1  }
0x38a: {  	v2 =	vadd.s32 $0xA0, v0;
	_ =	sdelay $0x3  }
0x38b: {  	[tilespmem:s19+$0x5DE0] =	vst v1  }
0x38c: {  	v1 =	vld.idx.msk [tilespmem:v2+s2+$0x0], $0xffff;
	_ =	sdelay $0x1  }
0x38d: {  	v2 =	vadd.s32 $0xA1, v0;
	_ =	sdelay $0x3  }
0x38e: {  	[tilespmem:s19+$0x5FE0] =	vst v1  }
0x38f: {  	v1 =	vld.idx.msk [tilespmem:v2+s2+$0x0], $0xffff;
	_ =	sdelay $0x1  }
0x390: {  	v2 =	vadd.s32 $0xA2, v0;
	_ =	sdelay $0x3  }
0x391: {  	[tilespmem:s19+$0x61E0] =	vst v1  }
0x392: {  	v1 =	vld.idx.msk [tilespmem:v2+s2+$0x0], $0xffff;
	_ =	sdelay $0x1  }
0x393: {  	v2 =	vadd.s32 $0xA3, v0;
	_ =	sdelay $0x3  }
0x394: {  	[tilespmem:s19+$0x63E0] =	vst v1  }
0x395: {  	v1 =	vld.idx.msk [tilespmem:v2+s2+$0x0], $0xffff;
	_ =	sdelay $0x1  }
0x396: {  	v2 =	vadd.s32 $0xA4, v0;
	_ =	sdelay $0x3  }
0x397: {  	[tilespmem:s19+$0x65E0] =	vst v1  }
0x398: {  	v1 =	vld.idx.msk [tilespmem:v2+s2+$0x0], $0xffff;
	_ =	sdelay $0x1  }
0x399: {  	v2 =	vadd.s32 $0xA5, v0;
	_ =	sdelay $0x3  }
0x39a: {  	[tilespmem:s19+$0x67E0] =	vst v1  }
0x39b: {  	v1 =	vld.idx.msk [tilespmem:v2+s2+$0x0], $0xffff;
	_ =	sdelay $0x1  }
0x39c: {  	v2 =	vadd.s32 $0xA6, v0;
	_ =	sdelay $0x3  }
0x39d: {  	[tilespmem:s19+$0x69E0] =	vst v1  }
0x39e: {  	v1 =	vld.idx.msk [tilespmem:v2+s2+$0x0], $0xffff;
	_ =	sdelay $0x1  }
0x39f: {  	v2 =	vadd.s32 $0xA7, v0;
	_ =	sdelay $0x3  }
0x3a0: {  	[tilespmem:s19+$0x6BE0] =	vst v1  }
0x3a1: {  	v1 =	vld.idx.msk [tilespmem:v2+s2+$0x0], $0xffff;
	_ =	sdelay $0x1  }
0x3a2: {  	v2 =	vadd.s32 $0xA8, v0;
	_ =	sdelay $0x3  }
0x3a3: {  	[tilespmem:s19+$0x6DE0] =	vst v1  }
0x3a4: {  	v1 =	vld.idx.msk [tilespmem:v2+s2+$0x0], $0xffff;
	_ =	sdelay $0x1  }
0x3a5: {  	v2 =	vadd.s32 $0xA9, v0;
	_ =	sdelay $0x3  }
0x3a6: {  	[tilespmem:s19+$0x6FE0] =	vst v1  }
0x3a7: {  	v1 =	vld.idx.msk [tilespmem:v2+s2+$0x0], $0xffff;
	_ =	sdelay $0x1  }
0x3a8: {  	v2 =	vadd.s32 $0xAA, v0;
	_ =	sdelay $0x3  }
0x3a9: {  	[tilespmem:s19+$0x71E0] =	vst v1  }
0x3aa: {  	v1 =	vld.idx.msk [tilespmem:v2+s2+$0x0], $0xffff;
	_ =	sdelay $0x1  }
0x3ab: {  	v2 =	vadd.s32 $0xAB, v0;
	_ =	sdelay $0x3  }
0x3ac: {  	[tilespmem:s19+$0x73E0] =	vst v1  }
0x3ad: {  	v1 =	vld.idx.msk [tilespmem:v2+s2+$0x0], $0xffff;
	_ =	sdelay $0x1  }
0x3ae: {  	v2 =	vadd.s32 $0xAC, v0;
	_ =	sdelay $0x3  }
0x3af: {  	[tilespmem:s19+$0x75E0] =	vst v1  }
0x3b0: {  	v1 =	vld.idx.msk [tilespmem:v2+s2+$0x0], $0xffff;
	_ =	sdelay $0x1  }
0x3b1: {  	v2 =	vadd.s32 $0xAD, v0;
	_ =	sdelay $0x3  }
0x3b2: {  	[tilespmem:s19+$0x77E0] =	vst v1  }
0x3b3: {  	v1 =	vld.idx.msk [tilespmem:v2+s2+$0x0], $0xffff;
	_ =	sdelay $0x1  }
0x3b4: {  	v2 =	vadd.s32 $0xAE, v0;
	_ =	sdelay $0x3  }
0x3b5: {  	[tilespmem:s19+$0x79E0] =	vst v1  }
0x3b6: {  	v1 =	vld.idx.msk [tilespmem:v2+s2+$0x0], $0xffff;
	_ =	sdelay $0x1  }
0x3b7: {  	v2 =	vadd.s32 $0xAF, v0;
	_ =	sdelay $0x3  }
0x3b8: {  	[tilespmem:s19+$0x7BE0] =	vst v1  }
0x3b9: {  	v1 =	vld.idx.msk [tilespmem:v2+s2+$0x0], $0xffff;
	_ =	sdelay $0x1  }
0x3ba: {  	v2 =	vadd.s32 $0xB0, v0;
	_ =	sdelay $0x3  }
0x3bb: {  	[tilespmem:s19+$0x7DE0] =	vst v1  }
0x3bc: {  	v1 =	vld.idx.msk [tilespmem:v2+s2+$0x0], $0xffff;
	_ =	sdelay $0x1  }
0x3bd: {  	v2 =	vadd.s32 $0xB1, v0;
	_ =	sdelay $0x3  }
0x3be: {  	[tilespmem:s19+$0x7FE0] =	vst v1  }
0x3bf: {  	v1 =	vld.idx.msk [tilespmem:v2+s2+$0x0], $0xffff;
	_ =	sdelay $0x1  }
0x3c0: {  	v2 =	vadd.s32 $0xB2, v0;
	_ =	sdelay $0x3  }
0x3c1: {  	[tilespmem:s19+$0x81E0] =	vst v1  }
0x3c2: {  	v1 =	vld.idx.msk [tilespmem:v2+s2+$0x0], $0xffff;
	_ =	sdelay $0x1  }
0x3c3: {  	v2 =	vadd.s32 $0xB3, v0;
	_ =	sdelay $0x3  }
0x3c4: {  	[tilespmem:s19+$0x83E0] =	vst v1  }
0x3c5: {  	v1 =	vld.idx.msk [tilespmem:v2+s2+$0x0], $0xffff;
	_ =	sdelay $0x1  }
0x3c6: {  	v2 =	vadd.s32 $0xB4, v0;
	_ =	sdelay $0x3  }
0x3c7: {  	[tilespmem:s19+$0x85E0] =	vst v1  }
0x3c8: {  	v1 =	vld.idx.msk [tilespmem:v2+s2+$0x0], $0xffff;
	_ =	sdelay $0x1  }
0x3c9: {  	v2 =	vadd.s32 $0xB5, v0;
	_ =	sdelay $0x3  }
0x3ca: {  	[tilespmem:s19+$0x87E0] =	vst v1  }
0x3cb: {  	v1 =	vld.idx.msk [tilespmem:v2+s2+$0x0], $0xffff;
	_ =	sdelay $0x1  }
0x3cc: {  	v2 =	vadd.s32 $0xB6, v0;
	_ =	sdelay $0x3  }
0x3cd: {  	[tilespmem:s19+$0x89E0] =	vst v1  }
0x3ce: {  	v1 =	vld.idx.msk [tilespmem:v2+s2+$0x0], $0xffff;
	_ =	sdelay $0x1  }
0x3cf: {  	v2 =	vadd.s32 $0xB7, v0;
	_ =	sdelay $0x3  }
0x3d0: {  	[tilespmem:s19+$0x8BE0] =	vst v1  }
0x3d1: {  	v1 =	vld.idx.msk [tilespmem:v2+s2+$0x0], $0xffff;
	_ =	sdelay $0x1  }
0x3d2: {  	v2 =	vadd.s32 $0xB8, v0;
	_ =	sdelay $0x3  }
0x3d3: {  	[tilespmem:s19+$0x8DE0] =	vst v1  }
0x3d4: {  	v1 =	vld.idx.msk [tilespmem:v2+s2+$0x0], $0xffff;
	_ =	sdelay $0x1  }
0x3d5: {  	v2 =	vadd.s32 $0xB9, v0;
	_ =	sdelay $0x3  }
0x3d6: {  	[tilespmem:s19+$0x8FE0] =	vst v1  }
0x3d7: {  	v1 =	vld.idx.msk [tilespmem:v2+s2+$0x0], $0xffff;
	_ =	sdelay $0x1  }
0x3d8: {  	v2 =	vadd.s32 $0xBA, v0;
	_ =	sdelay $0x3  }
0x3d9: {  	[tilespmem:s19+$0x91E0] =	vst v1  }
0x3da: {  	v1 =	vld.idx.msk [tilespmem:v2+s2+$0x0], $0xffff;
	_ =	sdelay $0x1  }
0x3db: {  	v2 =	vadd.s32 $0xBB, v0;
	_ =	sdelay $0x3  }
0x3dc: {  	[tilespmem:s19+$0x93E0] =	vst v1  }
0x3dd: {  	v1 =	vld.idx.msk [tilespmem:v2+s2+$0x0], $0xffff;
	_ =	sdelay $0x1  }
0x3de: {  	v2 =	vadd.s32 $0xBC, v0;
	_ =	sdelay $0x3  }
0x3df: {  	[tilespmem:s19+$0x95E0] =	vst v1  }
0x3e0: {  	v1 =	vld.idx.msk [tilespmem:v2+s2+$0x0], $0xffff;
	_ =	sdelay $0x1  }
0x3e1: {  	v2 =	vadd.s32 $0xBD, v0;
	_ =	sdelay $0x3  }
0x3e2: {  	[tilespmem:s19+$0x97E0] =	vst v1  }
0x3e3: {  	v1 =	vld.idx.msk [tilespmem:v2+s2+$0x0], $0xffff;
	_ =	sdelay $0x1  }
0x3e4: {  	v2 =	vadd.s32 $0xBE, v0;
	_ =	sdelay $0x3  }
0x3e5: {  	[tilespmem:s19+$0x99E0] =	vst v1  }
0x3e6: {  	v1 =	vld.idx.msk [tilespmem:v2+s2+$0x0], $0xffff;
	_ =	sdelay $0x1  }
0x3e7: {  	v2 =	vadd.s32 $0xBF, v0;
	_ =	sdelay $0x3  }
0x3e8: {  	[tilespmem:s19+$0x9BE0] =	vst v1  }
0x3e9: {  	v1 =	vld.idx.msk [tilespmem:v2+s2+$0x0], $0xffff;
	_ =	sdelay $0x1  }
0x3ea: {  	v2 =	vadd.s32 $0xC0, v0;
	_ =	sdelay $0x3  }
0x3eb: {  	[tilespmem:s19+$0x9DE0] =	vst v1  }
0x3ec: {  	v1 =	vld.idx.msk [tilespmem:v2+s2+$0x0], $0xffff;
	_ =	sdelay $0x1  }
0x3ed: {  	v2 =	vadd.s32 $0xC1, v0;
	_ =	sdelay $0x3  }
0x3ee: {  	[tilespmem:s19+$0x9FE0] =	vst v1  }
0x3ef: {  	v1 =	vld.idx.msk [tilespmem:v2+s2+$0x0], $0xffff;
	_ =	sdelay $0x1  }
0x3f0: {  	v2 =	vadd.s32 $0xC2, v0;
	_ =	sdelay $0x3  }
0x3f1: {  	[tilespmem:s19+$0xA1E0] =	vst v1  }
0x3f2: {  	v1 =	vld.idx.msk [tilespmem:v2+s2+$0x0], $0xffff;
	_ =	sdelay $0x1  }
0x3f3: {  	v2 =	vadd.s32 $0xC3, v0;
	_ =	sdelay $0x3  }
0x3f4: {  	[tilespmem:s19+$0xA3E0] =	vst v1  }
0x3f5: {  	v1 =	vld.idx.msk [tilespmem:v2+s2+$0x0], $0xffff;
	_ =	sdelay $0x1  }
0x3f6: {  	v2 =	vadd.s32 $0xC4, v0;
	_ =	sdelay $0x3  }
0x3f7: {  	[tilespmem:s19+$0xA5E0] =	vst v1  }
0x3f8: {  	v1 =	vld.idx.msk [tilespmem:v2+s2+$0x0], $0xffff;
	_ =	sdelay $0x1  }
0x3f9: {  	v2 =	vadd.s32 $0xC5, v0;
	_ =	sdelay $0x3  }
0x3fa: {  	[tilespmem:s19+$0xA7E0] =	vst v1  }
0x3fb: {  	v1 =	vld.idx.msk [tilespmem:v2+s2+$0x0], $0xffff;
	_ =	sdelay $0x1  }
0x3fc: {  	v2 =	vadd.s32 $0xC6, v0;
	_ =	sdelay $0x3  }
0x3fd: {  	[tilespmem:s19+$0xA9E0] =	vst v1  }
0x3fe: {  	v1 =	vld.idx.msk [tilespmem:v2+s2+$0x0], $0xffff;
	_ =	sdelay $0x1  }
0x3ff: {  	v2 =	vadd.s32 $0xC7, v0;
	_ =	sdelay $0x3  }
0x400: {  	[tilespmem:s19+$0xABE0] =	vst v1  }
0x401: {  	v1 =	vld.idx.msk [tilespmem:v2+s2+$0x0], $0xffff;
	_ =	sdelay $0x1  }
0x402: {  	v2 =	vadd.s32 $0xC8, v0;
	_ =	sdelay $0x3  }
0x403: {  	[tilespmem:s19+$0xADE0] =	vst v1  }
0x404: {  	v1 =	vld.idx.msk [tilespmem:v2+s2+$0x0], $0xffff;
	_ =	sdelay $0x1  }
0x405: {  	v2 =	vadd.s32 $0xC9, v0;
	_ =	sdelay $0x3  }
0x406: {  	[tilespmem:s19+$0xAFE0] =	vst v1  }
0x407: {  	v1 =	vld.idx.msk [tilespmem:v2+s2+$0x0], $0xffff;
	_ =	sdelay $0x1  }
0x408: {  	v2 =	vadd.s32 $0xCA, v0;
	_ =	sdelay $0x3  }
0x409: {  	[tilespmem:s19+$0xB1E0] =	vst v1  }
0x40a: {  	v1 =	vld.idx.msk [tilespmem:v2+s2+$0x0], $0xffff;
	_ =	sdelay $0x1  }
0x40b: {  	v2 =	vadd.s32 $0xCB, v0;
	_ =	sdelay $0x3  }
0x40c: {  	[tilespmem:s19+$0xB3E0] =	vst v1  }
0x40d: {  	v1 =	vld.idx.msk [tilespmem:v2+s2+$0x0], $0xffff;
	_ =	sdelay $0x1  }
0x40e: {  	v2 =	vadd.s32 $0xCC, v0;
	_ =	sdelay $0x3  }
0x40f: {  	[tilespmem:s19+$0xB5E0] =	vst v1  }
0x410: {  	v1 =	vld.idx.msk [tilespmem:v2+s2+$0x0], $0xffff;
	_ =	sdelay $0x1  }
0x411: {  	v2 =	vadd.s32 $0xCD, v0;
	_ =	sdelay $0x3  }
0x412: {  	[tilespmem:s19+$0xB7E0] =	vst v1  }
0x413: {  	v1 =	vld.idx.msk [tilespmem:v2+s2+$0x0], $0xffff;
	_ =	sdelay $0x1  }
0x414: {  	v2 =	vadd.s32 $0xCE, v0;
	_ =	sdelay $0x3  }
0x415: {  	[tilespmem:s19+$0xB9E0] =	vst v1  }
0x416: {  	v1 =	vld.idx.msk [tilespmem:v2+s2+$0x0], $0xffff;
	_ =	sdelay $0x1  }
0x417: {  	v2 =	vadd.s32 $0xCF, v0;
	_ =	sdelay $0x3  }
0x418: {  	[tilespmem:s19+$0xBBE0] =	vst v1  }
0x419: {  	v1 =	vld.idx.msk [tilespmem:v2+s2+$0x0], $0xffff;
	_ =	sdelay $0x1  }
0x41a: {  	v2 =	vadd.s32 $0xD0, v0;
	_ =	sdelay $0x2  }
.Ltmp2:
0x41b: {  	(pc) =	sbr.rel @p0 .LBB2_6-.Ltmp2, $3  }
0x41c: {  	[tilespmem:s19+$0xBDE0] =	vst v1  }
0x41d: {  	v1 =	vld.idx.msk [tilespmem:v2+s2+$0x0], $0xffff;
	_ =	sdelay $0x1  }
0x41e: {  	s21 =	sshra.s32 s20, $0x2;
	s20 =	sadd.s32 $0x40, s20;
	v0 =	vadd.s32 $0xD1, v0  }
0x41f: {  	v2 =	vld [tilespmem:s21+$0x13E0];
	_ =	sdelay $0x3  }
0x420: {  	[tilespmem:s19+$0xBFE0] =	vst v1  }
0x421: {  	v0 =	vld.idx.msk [tilespmem:v0+s2+$0x0], $0xffff;
	v59 =	vmul.u32 $0x3, v2;
	_ =	sdelay $0x4  }
0x422: {  	[tilespmem:s19+$0xC1E0] =	vst v0  }
0x423: {  	v0 =	vld.idx.msk [tilespmem:v59+s2+$0x0], $0xffff  }
0x424: {  	v2 =	vadd.s32 $0x1, v59;
	_ =	sdelay $0x3  }
0x425: {  	[tilespmem:s21+$0x3DE0] =	vst v0  }
0x426: {  	v0 =	vld.idx.msk [tilespmem:v2+s2+$0x0], $0xffff  }
0x427: {  	v1 =	vadd.s32 $0x2, v59;
	v60 =	vld [tilespmem:s21+$0x15E0];
	_ =	sdelay $0x3  }
0x428: {  	[tilespmem:s21+$0x3FE0] =	vst v0  }
0x429: {  	v61 =	vshll.u32 v60, $0x2;
	v0 =	vld.idx.msk [tilespmem:v1+s2+$0x0], $0xffff  }
0x42a: {  	v2 =	vadd.s32 $0x18, v61;
	_ =	sdelay $0x3  }
0x42b: {  	[tilespmem:s21+$0x41E0] =	vst v0  }
0x42c: {  	v0 =	vld.idx.msk [tilespmem:v2+s2+$0x0], $0xffff  }
0x42d: {  	v62 =	vadd.s32 $0x19, v61;
	_ =	sdelay $0x3  }
0x42e: {  	[tilespmem:s21+$0x43E0] =	vst v0  }
0x42f: {  	v0 =	vld.idx.msk [tilespmem:v62+s2+$0x0], $0xffff  }
0x430: {  	v63 =	vadd.s32 $0x1A, v61;
	_ =	sdelay $0x3  }
0x431: {  	v4 =	vld [tilespmem:s21+$0x17E0];
	[tilespmem:s21+$0x45E0] =	vst v0  }
0x432: {  	v0 =	vld.idx.msk [tilespmem:v63+s2+$0x0], $0xffff  }
0x433: {  	v1 =	vadd.s32 $0x1B, v61;
	_ =	sdelay $0x3  }
0x434: {  	v5 =	vmul.u32 $0x6, v4;
	[tilespmem:s21+$0x47E0] =	vst v0  }
0x435: {  	v1 =	vld.idx.msk [tilespmem:v1+s2+$0x0], $0xffff  }
0x436: {  	v2 =	vadd.s32 $0x38, v5;
	_ =	sdelay $0x3  }
0x437: {  	[tilespmem:s21+$0x49E0] =	vst v1  }
0x438: {  	v1 =	vld.idx.msk [tilespmem:v2+s2+$0x0], $0xffff  }
0x439: {  	v6 =	vadd.s32 $0x39, v5;
	_ =	sdelay $0x3  }
0x43a: {  	[tilespmem:s21+$0x4BE0] =	vst v1  }
0x43b: {  	v1 =	vld.idx.msk [tilespmem:v6+s2+$0x0], $0xffff  }
0x43c: {  	v7 =	vadd.s32 $0x3A, v5;
	_ =	sdelay $0x3  }
0x43d: {  	[tilespmem:s21+$0x4DE0] =	vst v1  }
0x43e: {  	v1 =	vld.idx.msk [tilespmem:v7+s2+$0x0], $0xffff  }
0x43f: {  	v8 =	vadd.s32 $0x3B, v5;
	_ =	sdelay $0x3  }
0x440: {  	[tilespmem:s21+$0x4FE0] =	vst v1  }
0x441: {  	v1 =	vld.idx.msk [tilespmem:v8+s2+$0x0], $0xffff  }
0x442: {  	v9 =	vadd.s32 $0x3C, v5;
	_ =	sdelay $0x3  }
0x443: {  	[tilespmem:s21+$0x51E0] =	vst v1  }
0x444: {  	v1 =	vld.idx.msk [tilespmem:v9+s2+$0x0], $0xffff  }
0x445: {  	v10 =	vld [tilespmem:s21+$0x19E0];
	v0 =	vadd.s32 $0x3D, v5;
	_ =	sdelay $0x3  }
0x446: {  	[tilespmem:s21+$0x53E0] =	vst v1  }
0x447: {  	v11 =	vshll.u32 v10, $0x2;
	v0 =	vld.idx.msk [tilespmem:v0+s2+$0x0], $0xffff  }
0x448: {  	v2 =	vadd.s32 $0x80, v11;
	_ =	sdelay $0x3  }
0x449: {  	[tilespmem:s21+$0x55E0] =	vst v0  }
0x44a: {  	v0 =	vld.idx.msk [tilespmem:v2+s2+$0x0], $0xffff  }
0x44b: {  	v12 =	vadd.s32 $0x81, v11;
	_ =	sdelay $0x3  }
0x44c: {  	[tilespmem:s21+$0x57E0] =	vst v0  }
0x44d: {  	v0 =	vld.idx.msk [tilespmem:v12+s2+$0x0], $0xffff  }
0x44e: {  	v13 =	vadd.s32 $0x82, v11;
	_ =	sdelay $0x3  }
0x44f: {  	v14 =	vld [tilespmem:s21+$0x1BE0];
	[tilespmem:s21+$0x59E0] =	vst v0  }
0x450: {  	v0 =	vld.idx.msk [tilespmem:v13+s2+$0x0], $0xffff  }
0x451: {  	v1 =	vadd.s32 $0x83, v11;
	_ =	sdelay $0x3  }
0x452: {  	v15 =	vmul.u32 $0x32, v14;
	[tilespmem:s21+$0x5BE0] =	vst v0  }
0x453: {  	v1 =	vld.idx.msk [tilespmem:v1+s2+$0x0], $0xffff  }
0x454: {  	v2 =	vadd.s32 $0xA0, v15;
	_ =	sdelay $0x3  }
0x455: {  	[tilespmem:s21+$0x5DE0] =	vst v1  }
0x456: {  	v1 =	vld.idx.msk [tilespmem:v2+s2+$0x0], $0xffff  }
0x457: {  	v16 =	vadd.s32 $0xA1, v15;
	_ =	sdelay $0x3  }
0x458: {  	[tilespmem:s21+$0x5FE0] =	vst v1  }
0x459: {  	v1 =	vld.idx.msk [tilespmem:v16+s2+$0x0], $0xffff  }
0x45a: {  	v17 =	vadd.s32 $0xA2, v15;
	_ =	sdelay $0x3  }
0x45b: {  	[tilespmem:s21+$0x61E0] =	vst v1  }
0x45c: {  	v1 =	vld.idx.msk [tilespmem:v17+s2+$0x0], $0xffff  }
0x45d: {  	v18 =	vadd.s32 $0xA3, v15;
	_ =	sdelay $0x3  }
0x45e: {  	[tilespmem:s21+$0x63E0] =	vst v1  }
0x45f: {  	v1 =	vld.idx.msk [tilespmem:v18+s2+$0x0], $0xffff  }
0x460: {  	v19 =	vadd.s32 $0xA4, v15;
	_ =	sdelay $0x3  }
0x461: {  	[tilespmem:s21+$0x65E0] =	vst v1  }
0x462: {  	v1 =	vld.idx.msk [tilespmem:v19+s2+$0x0], $0xffff  }
0x463: {  	v20 =	vadd.s32 $0xA5, v15;
	_ =	sdelay $0x3  }
0x464: {  	[tilespmem:s21+$0x67E0] =	vst v1  }
0x465: {  	v1 =	vld.idx.msk [tilespmem:v20+s2+$0x0], $0xffff  }
0x466: {  	v21 =	vadd.s32 $0xA6, v15;
	_ =	sdelay $0x3  }
0x467: {  	[tilespmem:s21+$0x69E0] =	vst v1  }
0x468: {  	v1 =	vld.idx.msk [tilespmem:v21+s2+$0x0], $0xffff  }
0x469: {  	v22 =	vadd.s32 $0xA7, v15;
	_ =	sdelay $0x3  }
0x46a: {  	[tilespmem:s21+$0x6BE0] =	vst v1  }
0x46b: {  	v1 =	vld.idx.msk [tilespmem:v22+s2+$0x0], $0xffff  }
0x46c: {  	v23 =	vadd.s32 $0xA8, v15;
	_ =	sdelay $0x3  }
0x46d: {  	[tilespmem:s21+$0x6DE0] =	vst v1  }
0x46e: {  	v1 =	vld.idx.msk [tilespmem:v23+s2+$0x0], $0xffff  }
0x46f: {  	v24 =	vadd.s32 $0xA9, v15;
	_ =	sdelay $0x3  }
0x470: {  	[tilespmem:s21+$0x6FE0] =	vst v1  }
0x471: {  	v1 =	vld.idx.msk [tilespmem:v24+s2+$0x0], $0xffff  }
0x472: {  	v25 =	vadd.s32 $0xAA, v15;
	_ =	sdelay $0x3  }
0x473: {  	[tilespmem:s21+$0x71E0] =	vst v1  }
0x474: {  	v1 =	vld.idx.msk [tilespmem:v25+s2+$0x0], $0xffff  }
0x475: {  	v26 =	vadd.s32 $0xAB, v15;
	_ =	sdelay $0x3  }
0x476: {  	[tilespmem:s21+$0x73E0] =	vst v1  }
0x477: {  	v1 =	vld.idx.msk [tilespmem:v26+s2+$0x0], $0xffff  }
0x478: {  	v27 =	vadd.s32 $0xAC, v15;
	_ =	sdelay $0x3  }
0x479: {  	[tilespmem:s21+$0x75E0] =	vst v1  }
0x47a: {  	v1 =	vld.idx.msk [tilespmem:v27+s2+$0x0], $0xffff  }
0x47b: {  	v28 =	vadd.s32 $0xAD, v15;
	_ =	sdelay $0x3  }
0x47c: {  	[tilespmem:s21+$0x77E0] =	vst v1  }
0x47d: {  	v1 =	vld.idx.msk [tilespmem:v28+s2+$0x0], $0xffff  }
0x47e: {  	v29 =	vadd.s32 $0xAE, v15;
	_ =	sdelay $0x3  }
0x47f: {  	[tilespmem:s21+$0x79E0] =	vst v1  }
0x480: {  	v1 =	vld.idx.msk [tilespmem:v29+s2+$0x0], $0xffff  }
0x481: {  	v30 =	vadd.s32 $0xAF, v15;
	_ =	sdelay $0x3  }
0x482: {  	[tilespmem:s21+$0x7BE0] =	vst v1  }
0x483: {  	v1 =	vld.idx.msk [tilespmem:v30+s2+$0x0], $0xffff  }
0x484: {  	v31 =	vadd.s32 $0xB0, v15;
	_ =	sdelay $0x3  }
0x485: {  	[tilespmem:s21+$0x7DE0] =	vst v1  }
0x486: {  	v1 =	vld.idx.msk [tilespmem:v31+s2+$0x0], $0xffff  }
0x487: {  	v32 =	vadd.s32 $0xB1, v15;
	_ =	sdelay $0x3  }
0x488: {  	[tilespmem:s21+$0x7FE0] =	vst v1  }
0x489: {  	v1 =	vld.idx.msk [tilespmem:v32+s2+$0x0], $0xffff  }
0x48a: {  	v33 =	vadd.s32 $0xB2, v15;
	_ =	sdelay $0x3  }
0x48b: {  	[tilespmem:s21+$0x81E0] =	vst v1  }
0x48c: {  	v1 =	vld.idx.msk [tilespmem:v33+s2+$0x0], $0xffff  }
0x48d: {  	v34 =	vadd.s32 $0xB3, v15;
	_ =	sdelay $0x3  }
0x48e: {  	[tilespmem:s21+$0x83E0] =	vst v1  }
0x48f: {  	v1 =	vld.idx.msk [tilespmem:v34+s2+$0x0], $0xffff  }
0x490: {  	v35 =	vadd.s32 $0xB4, v15;
	_ =	sdelay $0x3  }
0x491: {  	[tilespmem:s21+$0x85E0] =	vst v1  }
0x492: {  	v1 =	vld.idx.msk [tilespmem:v35+s2+$0x0], $0xffff  }
0x493: {  	v36 =	vadd.s32 $0xB5, v15;
	_ =	sdelay $0x3  }
0x494: {  	[tilespmem:s21+$0x87E0] =	vst v1  }
0x495: {  	v1 =	vld.idx.msk [tilespmem:v36+s2+$0x0], $0xffff  }
0x496: {  	v37 =	vadd.s32 $0xB6, v15;
	_ =	sdelay $0x3  }
0x497: {  	[tilespmem:s21+$0x89E0] =	vst v1  }
0x498: {  	v1 =	vld.idx.msk [tilespmem:v37+s2+$0x0], $0xffff  }
0x499: {  	v38 =	vadd.s32 $0xB7, v15;
	_ =	sdelay $0x3  }
0x49a: {  	[tilespmem:s21+$0x8BE0] =	vst v1  }
0x49b: {  	v1 =	vld.idx.msk [tilespmem:v38+s2+$0x0], $0xffff  }
0x49c: {  	v39 =	vadd.s32 $0xB8, v15;
	_ =	sdelay $0x3  }
0x49d: {  	[tilespmem:s21+$0x8DE0] =	vst v1  }
0x49e: {  	v1 =	vld.idx.msk [tilespmem:v39+s2+$0x0], $0xffff  }
0x49f: {  	v40 =	vadd.s32 $0xB9, v15;
	_ =	sdelay $0x3  }
0x4a0: {  	[tilespmem:s21+$0x8FE0] =	vst v1  }
0x4a1: {  	v1 =	vld.idx.msk [tilespmem:v40+s2+$0x0], $0xffff  }
0x4a2: {  	v41 =	vadd.s32 $0xBA, v15;
	_ =	sdelay $0x3  }
0x4a3: {  	[tilespmem:s21+$0x91E0] =	vst v1  }
0x4a4: {  	v1 =	vld.idx.msk [tilespmem:v41+s2+$0x0], $0xffff  }
0x4a5: {  	v42 =	vadd.s32 $0xBB, v15;
	_ =	sdelay $0x3  }
0x4a6: {  	[tilespmem:s21+$0x93E0] =	vst v1  }
0x4a7: {  	v1 =	vld.idx.msk [tilespmem:v42+s2+$0x0], $0xffff  }
0x4a8: {  	v43 =	vadd.s32 $0xBC, v15;
	_ =	sdelay $0x3  }
0x4a9: {  	[tilespmem:s21+$0x95E0] =	vst v1  }
0x4aa: {  	v1 =	vld.idx.msk [tilespmem:v43+s2+$0x0], $0xffff  }
0x4ab: {  	v44 =	vadd.s32 $0xBD, v15;
	_ =	sdelay $0x3  }
0x4ac: {  	[tilespmem:s21+$0x97E0] =	vst v1  }
0x4ad: {  	v1 =	vld.idx.msk [tilespmem:v44+s2+$0x0], $0xffff  }
0x4ae: {  	v45 =	vadd.s32 $0xBE, v15;
	_ =	sdelay $0x3  }
0x4af: {  	[tilespmem:s21+$0x99E0] =	vst v1  }
0x4b0: {  	v1 =	vld.idx.msk [tilespmem:v45+s2+$0x0], $0xffff  }
0x4b1: {  	v46 =	vadd.s32 $0xBF, v15;
	_ =	sdelay $0x3  }
0x4b2: {  	[tilespmem:s21+$0x9BE0] =	vst v1  }
0x4b3: {  	v1 =	vld.idx.msk [tilespmem:v46+s2+$0x0], $0xffff  }
0x4b4: {  	v47 =	vadd.s32 $0xC0, v15;
	_ =	sdelay $0x3  }
0x4b5: {  	[tilespmem:s21+$0x9DE0] =	vst v1  }
0x4b6: {  	v1 =	vld.idx.msk [tilespmem:v47+s2+$0x0], $0xffff  }
0x4b7: {  	v48 =	vadd.s32 $0xC1, v15;
	_ =	sdelay $0x3  }
0x4b8: {  	[tilespmem:s21+$0x9FE0] =	vst v1  }
0x4b9: {  	v1 =	vld.idx.msk [tilespmem:v48+s2+$0x0], $0xffff  }
0x4ba: {  	v49 =	vadd.s32 $0xC2, v15;
	_ =	sdelay $0x3  }
0x4bb: {  	[tilespmem:s21+$0xA1E0] =	vst v1  }
0x4bc: {  	v1 =	vld.idx.msk [tilespmem:v49+s2+$0x0], $0xffff  }
0x4bd: {  	v50 =	vadd.s32 $0xC3, v15;
	_ =	sdelay $0x3  }
0x4be: {  	[tilespmem:s21+$0xA3E0] =	vst v1  }
0x4bf: {  	v1 =	vld.idx.msk [tilespmem:v50+s2+$0x0], $0xffff  }
0x4c0: {  	v51 =	vadd.s32 $0xC4, v15;
	_ =	sdelay $0x3  }
0x4c1: {  	[tilespmem:s21+$0xA5E0] =	vst v1  }
0x4c2: {  	v1 =	vld.idx.msk [tilespmem:v51+s2+$0x0], $0xffff  }
0x4c3: {  	v52 =	vadd.s32 $0xC5, v15;
	_ =	sdelay $0x3  }
0x4c4: {  	[tilespmem:s21+$0xA7E0] =	vst v1  }
0x4c5: {  	v1 =	vld.idx.msk [tilespmem:v52+s2+$0x0], $0xffff  }
0x4c6: {  	v53 =	vadd.s32 $0xC6, v15;
	_ =	sdelay $0x3  }
0x4c7: {  	[tilespmem:s21+$0xA9E0] =	vst v1  }
0x4c8: {  	v1 =	vld.idx.msk [tilespmem:v53+s2+$0x0], $0xffff  }
0x4c9: {  	v54 =	vadd.s32 $0xC7, v15;
	_ =	sdelay $0x3  }
0x4ca: {  	[tilespmem:s21+$0xABE0] =	vst v1  }
0x4cb: {  	v1 =	vld.idx.msk [tilespmem:v54+s2+$0x0], $0xffff  }
0x4cc: {  	v55 =	vadd.s32 $0xC8, v15;
	_ =	sdelay $0x3  }
0x4cd: {  	[tilespmem:s21+$0xADE0] =	vst v1  }
0x4ce: {  	v1 =	vld.idx.msk [tilespmem:v55+s2+$0x0], $0xffff  }
0x4cf: {  	v56 =	vadd.s32 $0xC9, v15;
	_ =	sdelay $0x3  }
0x4d0: {  	[tilespmem:s21+$0xAFE0] =	vst v1  }
0x4d1: {  	v1 =	vld.idx.msk [tilespmem:v56+s2+$0x0], $0xffff  }
0x4d2: {  	v57 =	vadd.s32 $0xCA, v15;
	_ =	sdelay $0x3  }
0x4d3: {  	[tilespmem:s21+$0xB1E0] =	vst v1  }
0x4d4: {  	v1 =	vld.idx.msk [tilespmem:v57+s2+$0x0], $0xffff  }
0x4d5: {  	v58 =	vadd.s32 $0xCB, v15;
	_ =	sdelay $0x3  }
0x4d6: {  	[tilespmem:s21+$0xB3E0] =	vst v1  }
0x4d7: {  	v1 =	vld.idx.msk [tilespmem:v58+s2+$0x0], $0xffff  }
0x4d8: {  	v59 =	vadd.s32 $0xCC, v15;
	_ =	sdelay $0x3  }
0x4d9: {  	[tilespmem:s21+$0xB5E0] =	vst v1  }
0x4da: {  	v1 =	vld.idx.msk [tilespmem:v59+s2+$0x0], $0xffff  }
0x4db: {  	v60 =	vadd.s32 $0xCD, v15;
	_ =	sdelay $0x3  }
0x4dc: {  	[tilespmem:s21+$0xB7E0] =	vst v1  }
0x4dd: {  	v1 =	vld.idx.msk [tilespmem:v60+s2+$0x0], $0xffff  }
0x4de: {  	v61 =	vadd.s32 $0xCE, v15;
	_ =	sdelay $0x3  }
0x4df: {  	[tilespmem:s21+$0xB9E0] =	vst v1  }
0x4e0: {  	v1 =	vld.idx.msk [tilespmem:v61+s2+$0x0], $0xffff  }
0x4e1: {  	v62 =	vadd.s32 $0xCF, v15;
	_ =	sdelay $0x3  }
0x4e2: {  	[tilespmem:s21+$0xBBE0] =	vst v1  }
0x4e3: {  	v1 =	vld.idx.msk [tilespmem:v62+s2+$0x0], $0xffff  }
0x4e4: {  	v63 =	vadd.s32 $0xD0, v15;
	_ =	sdelay $0x3  }
0x4e5: {  	[tilespmem:s21+$0xBDE0] =	vst v1  }
0x4e6: {  	v1 =	vld.idx.msk [tilespmem:v63+s2+$0x0], $0xffff  }
0x4e7: {  	v0 =	vadd.s32 $0xD1, v15;
	_ =	sdelay $0x3  }
0x4e8: {  	[tilespmem:s21+$0xBFE0] =	vst v1  }
0x4e9: {  	v0 =	vld.idx.msk [tilespmem:v0+s2+$0x0], $0xffff;
	_ =	sdelay $0x3  }
0x4ea: {  	s20 =	simm.s32 $0x800  }
0x4eb: {  	s22 =	sadd.s32 $0x0, s7;
	s19 =	simm.s32 $0x0;
	[tilespmem:s21+$0xC1E0] =	vst v0;
	s21 =	simm.s32 $0x1DE0  }
.LBB2_8:
0x4ec: {  	[hbm4b:s22+s19] =	stream.linear.scatter [tilespmem:s21], [sflag:$0x3], $0x80, $0x38;
	[tilespmem:$0xC360] =	vst v63  }
0x4ed: {  	s22 =	smov.u32 s20;
	p0 =	sne.s32 s20, $0x29000  }
.Ltmp3:
0x4ee: {  	s20 =	sadd.s32 $0x800, s20;
	(pc) =	sbr.rel @p0 .LBB2_8-.Ltmp3, $3  }
0x4ef: {  	_ =	sdelay $0x1  }
0x4f0: {  	s21 =	sshra.s32 s22, $0x2  }
0x4f1: {  	s22 =	sadd.s32 s22, s7;
	s21 =	sadd.s32 $0x1DE0, s21  }
0x4f2: {  	[hbm4b:s22+s19] =	stream.linear.scatter [tilespmem:s21], [sflag:$0x3], $0x80, $0x38;
	[tilespmem:$0xC360] =	vst v63  }
0x4f3: {  	s19 =	simm.s32 $0x0  }
0x4f4: {  	v0 =	vld [tilespmem:s19+$0x1460];
	_ =	sdelay $0x4  }
0x4f5: {  	v0 =	vmul.u32 $0x3, v0;
	_ =	sdelay $0x5  }
0x4f6: {  	v1 =	vld.idx.msk [tilespmem:v0+s2+$0x0], $0xffff  }
0x4f7: {  	v2 =	vadd.s32 $0x1, v0;
	_ =	sdelay $0x3  }
0x4f8: {  	[tilespmem:s19+$0x3E60] =	vst v1  }
0x4f9: {  	v1 =	vld.idx.msk [tilespmem:v2+s2+$0x0], $0xffff  }
0x4fa: {  	v0 =	vadd.s32 $0x2, v0;
	v2 =	vld [tilespmem:s19+$0x1660];
	_ =	sdelay $0x3  }
0x4fb: {  	[tilespmem:s19+$0x4060] =	vst v1  }
0x4fc: {  	v1 =	vshll.u32 v2, $0x2;
	v0 =	vld.idx.msk [tilespmem:v0+s2+$0x0], $0xffff  }
0x4fd: {  	v2 =	vadd.s32 $0x18, v1;
	_ =	sdelay $0x3  }
0x4fe: {  	[tilespmem:s19+$0x4260] =	vst v0  }
0x4ff: {  	v0 =	vld.idx.msk [tilespmem:v2+s2+$0x0], $0xffff  }
0x500: {  	v2 =	vadd.s32 $0x19, v1;
	_ =	sdelay $0x3  }
0x501: {  	[tilespmem:s19+$0x4460] =	vst v0  }
0x502: {  	v0 =	vld.idx.msk [tilespmem:v2+s2+$0x0], $0xffff  }
0x503: {  	v2 =	vadd.s32 $0x1A, v1;
	_ =	sdelay $0x3  }
0x504: {  	[tilespmem:s19+$0x4660] =	vst v0  }
0x505: {  	v0 =	vld.idx.msk [tilespmem:v2+s2+$0x0], $0xffff  }
0x506: {  	v2 =	vld [tilespmem:s19+$0x1860]  }
0x507: {  	v1 =	vadd.s32 $0x1B, v1;
	_ =	sdelay $0x3  }
0x508: {  	[tilespmem:s19+$0x4860] =	vst v0;
	v0 =	vmul.u32 $0x6, v2  }
0x509: {  	v1 =	vld.idx.msk [tilespmem:v1+s2+$0x0], $0xffff  }
0x50a: {  	v2 =	vadd.s32 $0x38, v0;
	_ =	sdelay $0x3  }
0x50b: {  	[tilespmem:s19+$0x4A60] =	vst v1  }
0x50c: {  	v1 =	vld.idx.msk [tilespmem:v2+s2+$0x0], $0xffff  }
0x50d: {  	v2 =	vadd.s32 $0x39, v0;
	_ =	sdelay $0x3  }
0x50e: {  	[tilespmem:s19+$0x4C60] =	vst v1  }
0x50f: {  	v1 =	vld.idx.msk [tilespmem:v2+s2+$0x0], $0xffff  }
0x510: {  	v2 =	vadd.s32 $0x3A, v0;
	_ =	sdelay $0x3  }
0x511: {  	[tilespmem:s19+$0x4E60] =	vst v1  }
0x512: {  	v1 =	vld.idx.msk [tilespmem:v2+s2+$0x0], $0xffff  }
0x513: {  	v2 =	vadd.s32 $0x3B, v0;
	_ =	sdelay $0x3  }
0x514: {  	[tilespmem:s19+$0x5060] =	vst v1  }
0x515: {  	v1 =	vld.idx.msk [tilespmem:v2+s2+$0x0], $0xffff  }
0x516: {  	v2 =	vadd.s32 $0x3C, v0;
	_ =	sdelay $0x3  }
0x517: {  	[tilespmem:s19+$0x5260] =	vst v1  }
0x518: {  	v1 =	vld.idx.msk [tilespmem:v2+s2+$0x0], $0xffff  }
0x519: {  	v0 =	vadd.s32 $0x3D, v0;
	v2 =	vld [tilespmem:s19+$0x1A60];
	_ =	sdelay $0x3  }
0x51a: {  	[tilespmem:s19+$0x5460] =	vst v1  }
0x51b: {  	v1 =	vshll.u32 v2, $0x2;
	v0 =	vld.idx.msk [tilespmem:v0+s2+$0x0], $0xffff  }
0x51c: {  	v2 =	vadd.s32 $0x80, v1;
	_ =	sdelay $0x3  }
0x51d: {  	[tilespmem:s19+$0x5660] =	vst v0  }
0x51e: {  	v0 =	vld.idx.msk [tilespmem:v2+s2+$0x0], $0xffff  }
0x51f: {  	v2 =	vadd.s32 $0x81, v1;
	_ =	sdelay $0x3  }
0x520: {  	[tilespmem:s19+$0x5860] =	vst v0  }
0x521: {  	v0 =	vld.idx.msk [tilespmem:v2+s2+$0x0], $0xffff  }
0x522: {  	v2 =	vadd.s32 $0x82, v1;
	_ =	sdelay $0x3  }
0x523: {  	[tilespmem:s19+$0x5A60] =	vst v0  }
0x524: {  	v0 =	vld.idx.msk [tilespmem:v2+s2+$0x0], $0xffff  }
0x525: {  	v2 =	vld [tilespmem:s19+$0x1C60]  }
0x526: {  	v1 =	vadd.s32 $0x83, v1;
	_ =	sdelay $0x3  }
0x527: {  	[tilespmem:s19+$0x5C60] =	vst v0;
	v0 =	vmul.u32 $0x32, v2  }
0x528: {  	v1 =	vld.idx.msk [tilespmem:v1+s2+$0x0], $0xffff  }
0x529: {  	v2 =	vadd.s32 $0xA0, v0;
	_ =	sdelay $0x3  }
0x52a: {  	[tilespmem:s19+$0x5E60] =	vst v1  }
0x52b: {  	v1 =	vld.idx.msk [tilespmem:v2+s2+$0x0], $0xffff  }
0x52c: {  	v2 =	vadd.s32 $0xA1, v0;
	_ =	sdelay $0x3  }
0x52d: {  	[tilespmem:s19+$0x6060] =	vst v1  }
0x52e: {  	v1 =	vld.idx.msk [tilespmem:v2+s2+$0x0], $0xffff  }
0x52f: {  	v2 =	vadd.s32 $0xA2, v0;
	_ =	sdelay $0x3  }
0x530: {  	[tilespmem:s19+$0x6260] =	vst v1  }
0x531: {  	v1 =	vld.idx.msk [tilespmem:v2+s2+$0x0], $0xffff  }
0x532: {  	v2 =	vadd.s32 $0xA3, v0;
	_ =	sdelay $0x3  }
0x533: {  	[tilespmem:s19+$0x6460] =	vst v1  }
0x534: {  	v1 =	vld.idx.msk [tilespmem:v2+s2+$0x0], $0xffff  }
0x535: {  	v2 =	vadd.s32 $0xA4, v0;
	_ =	sdelay $0x3  }
0x536: {  	[tilespmem:s19+$0x6660] =	vst v1  }
0x537: {  	v1 =	vld.idx.msk [tilespmem:v2+s2+$0x0], $0xffff  }
0x538: {  	v2 =	vadd.s32 $0xA5, v0;
	_ =	sdelay $0x3  }
0x539: {  	[tilespmem:s19+$0x6860] =	vst v1  }
0x53a: {  	v1 =	vld.idx.msk [tilespmem:v2+s2+$0x0], $0xffff  }
0x53b: {  	v2 =	vadd.s32 $0xA6, v0;
	_ =	sdelay $0x3  }
0x53c: {  	[tilespmem:s19+$0x6A60] =	vst v1  }
0x53d: {  	v1 =	vld.idx.msk [tilespmem:v2+s2+$0x0], $0xffff  }
0x53e: {  	v2 =	vadd.s32 $0xA7, v0;
	_ =	sdelay $0x3  }
0x53f: {  	[tilespmem:s19+$0x6C60] =	vst v1  }
0x540: {  	v1 =	vld.idx.msk [tilespmem:v2+s2+$0x0], $0xffff  }
0x541: {  	v2 =	vadd.s32 $0xA8, v0;
	_ =	sdelay $0x3  }
0x542: {  	[tilespmem:s19+$0x6E60] =	vst v1  }
0x543: {  	v1 =	vld.idx.msk [tilespmem:v2+s2+$0x0], $0xffff  }
0x544: {  	v2 =	vadd.s32 $0xA9, v0;
	_ =	sdelay $0x3  }
0x545: {  	[tilespmem:s19+$0x7060] =	vst v1  }
0x546: {  	v1 =	vld.idx.msk [tilespmem:v2+s2+$0x0], $0xffff  }
0x547: {  	v2 =	vadd.s32 $0xAA, v0;
	_ =	sdelay $0x3  }
0x548: {  	[tilespmem:s19+$0x7260] =	vst v1  }
0x549: {  	v1 =	vld.idx.msk [tilespmem:v2+s2+$0x0], $0xffff  }
0x54a: {  	v2 =	vadd.s32 $0xAB, v0;
	_ =	sdelay $0x3  }
0x54b: {  	[tilespmem:s19+$0x7460] =	vst v1  }
0x54c: {  	v1 =	vld.idx.msk [tilespmem:v2+s2+$0x0], $0xffff  }
0x54d: {  	v2 =	vadd.s32 $0xAC, v0;
	_ =	sdelay $0x3  }
0x54e: {  	[tilespmem:s19+$0x7660] =	vst v1  }
0x54f: {  	v1 =	vld.idx.msk [tilespmem:v2+s2+$0x0], $0xffff  }
0x550: {  	v2 =	vadd.s32 $0xAD, v0;
	_ =	sdelay $0x3  }
0x551: {  	[tilespmem:s19+$0x7860] =	vst v1  }
0x552: {  	v1 =	vld.idx.msk [tilespmem:v2+s2+$0x0], $0xffff  }
0x553: {  	v2 =	vadd.s32 $0xAE, v0;
	_ =	sdelay $0x3  }
0x554: {  	[tilespmem:s19+$0x7A60] =	vst v1  }
0x555: {  	v1 =	vld.idx.msk [tilespmem:v2+s2+$0x0], $0xffff  }
0x556: {  	v2 =	vadd.s32 $0xAF, v0;
	_ =	sdelay $0x3  }
0x557: {  	[tilespmem:s19+$0x7C60] =	vst v1  }
0x558: {  	v1 =	vld.idx.msk [tilespmem:v2+s2+$0x0], $0xffff  }
0x559: {  	v2 =	vadd.s32 $0xB0, v0;
	_ =	sdelay $0x3  }
0x55a: {  	[tilespmem:s19+$0x7E60] =	vst v1  }
0x55b: {  	v1 =	vld.idx.msk [tilespmem:v2+s2+$0x0], $0xffff  }
0x55c: {  	v2 =	vadd.s32 $0xB1, v0;
	_ =	sdelay $0x3  }
0x55d: {  	[tilespmem:s19+$0x8060] =	vst v1  }
0x55e: {  	v1 =	vld.idx.msk [tilespmem:v2+s2+$0x0], $0xffff  }
0x55f: {  	v2 =	vadd.s32 $0xB2, v0;
	_ =	sdelay $0x3  }
0x560: {  	[tilespmem:s19+$0x8260] =	vst v1  }
0x561: {  	v1 =	vld.idx.msk [tilespmem:v2+s2+$0x0], $0xffff  }
0x562: {  	v2 =	vadd.s32 $0xB3, v0;
	_ =	sdelay $0x3  }
0x563: {  	[tilespmem:s19+$0x8460] =	vst v1  }
0x564: {  	v1 =	vld.idx.msk [tilespmem:v2+s2+$0x0], $0xffff  }
0x565: {  	v2 =	vadd.s32 $0xB4, v0;
	_ =	sdelay $0x3  }
0x566: {  	[tilespmem:s19+$0x8660] =	vst v1  }
0x567: {  	v1 =	vld.idx.msk [tilespmem:v2+s2+$0x0], $0xffff  }
0x568: {  	v2 =	vadd.s32 $0xB5, v0;
	_ =	sdelay $0x3  }
0x569: {  	[tilespmem:s19+$0x8860] =	vst v1  }
0x56a: {  	v1 =	vld.idx.msk [tilespmem:v2+s2+$0x0], $0xffff  }
0x56b: {  	v2 =	vadd.s32 $0xB6, v0;
	_ =	sdelay $0x3  }
0x56c: {  	[tilespmem:s19+$0x8A60] =	vst v1  }
0x56d: {  	v1 =	vld.idx.msk [tilespmem:v2+s2+$0x0], $0xffff  }
0x56e: {  	v2 =	vadd.s32 $0xB7, v0;
	_ =	sdelay $0x3  }
0x56f: {  	[tilespmem:s19+$0x8C60] =	vst v1  }
0x570: {  	v1 =	vld.idx.msk [tilespmem:v2+s2+$0x0], $0xffff  }
0x571: {  	v2 =	vadd.s32 $0xB8, v0;
	_ =	sdelay $0x3  }
0x572: {  	[tilespmem:s19+$0x8E60] =	vst v1  }
0x573: {  	v1 =	vld.idx.msk [tilespmem:v2+s2+$0x0], $0xffff  }
0x574: {  	v2 =	vadd.s32 $0xB9, v0;
	_ =	sdelay $0x3  }
0x575: {  	[tilespmem:s19+$0x9060] =	vst v1  }
0x576: {  	v1 =	vld.idx.msk [tilespmem:v2+s2+$0x0], $0xffff  }
0x577: {  	v2 =	vadd.s32 $0xBA, v0;
	_ =	sdelay $0x3  }
0x578: {  	[tilespmem:s19+$0x9260] =	vst v1  }
0x579: {  	v1 =	vld.idx.msk [tilespmem:v2+s2+$0x0], $0xffff  }
0x57a: {  	v2 =	vadd.s32 $0xBB, v0;
	_ =	sdelay $0x3  }
0x57b: {  	[tilespmem:s19+$0x9460] =	vst v1  }
0x57c: {  	v1 =	vld.idx.msk [tilespmem:v2+s2+$0x0], $0xffff  }
0x57d: {  	v2 =	vadd.s32 $0xBC, v0;
	_ =	sdelay $0x3  }
0x57e: {  	[tilespmem:s19+$0x9660] =	vst v1  }
0x57f: {  	v1 =	vld.idx.msk [tilespmem:v2+s2+$0x0], $0xffff  }
0x580: {  	v2 =	vadd.s32 $0xBD, v0;
	_ =	sdelay $0x3  }
0x581: {  	[tilespmem:s19+$0x9860] =	vst v1  }
0x582: {  	v1 =	vld.idx.msk [tilespmem:v2+s2+$0x0], $0xffff  }
0x583: {  	v2 =	vadd.s32 $0xBE, v0;
	_ =	sdelay $0x3  }
0x584: {  	[tilespmem:s19+$0x9A60] =	vst v1  }
0x585: {  	v1 =	vld.idx.msk [tilespmem:v2+s2+$0x0], $0xffff  }
0x586: {  	v2 =	vadd.s32 $0xBF, v0;
	_ =	sdelay $0x3  }
0x587: {  	[tilespmem:s19+$0x9C60] =	vst v1  }
0x588: {  	v1 =	vld.idx.msk [tilespmem:v2+s2+$0x0], $0xffff  }
0x589: {  	v2 =	vadd.s32 $0xC0, v0;
	_ =	sdelay $0x3  }
0x58a: {  	[tilespmem:s19+$0x9E60] =	vst v1  }
0x58b: {  	v1 =	vld.idx.msk [tilespmem:v2+s2+$0x0], $0xffff  }
0x58c: {  	v2 =	vadd.s32 $0xC1, v0;
	_ =	sdelay $0x3  }
0x58d: {  	[tilespmem:s19+$0xA060] =	vst v1  }
0x58e: {  	v1 =	vld.idx.msk [tilespmem:v2+s2+$0x0], $0xffff  }
0x58f: {  	v2 =	vadd.s32 $0xC2, v0;
	_ =	sdelay $0x3  }
0x590: {  	[tilespmem:s19+$0xA260] =	vst v1  }
0x591: {  	v1 =	vld.idx.msk [tilespmem:v2+s2+$0x0], $0xffff  }
0x592: {  	v2 =	vadd.s32 $0xC3, v0;
	_ =	sdelay $0x3  }
0x593: {  	[tilespmem:s19+$0xA460] =	vst v1  }
0x594: {  	v1 =	vld.idx.msk [tilespmem:v2+s2+$0x0], $0xffff  }
0x595: {  	v2 =	vadd.s32 $0xC4, v0;
	_ =	sdelay $0x3  }
0x596: {  	[tilespmem:s19+$0xA660] =	vst v1  }
0x597: {  	v1 =	vld.idx.msk [tilespmem:v2+s2+$0x0], $0xffff  }
0x598: {  	v2 =	vadd.s32 $0xC5, v0;
	_ =	sdelay $0x3  }
0x599: {  	[tilespmem:s19+$0xA860] =	vst v1  }
0x59a: {  	v1 =	vld.idx.msk [tilespmem:v2+s2+$0x0], $0xffff  }
0x59b: {  	v2 =	vadd.s32 $0xC6, v0;
	_ =	sdelay $0x3  }
0x59c: {  	[tilespmem:s19+$0xAA60] =	vst v1  }
0x59d: {  	v1 =	vld.idx.msk [tilespmem:v2+s2+$0x0], $0xffff  }
0x59e: {  	v2 =	vadd.s32 $0xC7, v0;
	_ =	sdelay $0x3  }
0x59f: {  	[tilespmem:s19+$0xAC60] =	vst v1  }
0x5a0: {  	v1 =	vld.idx.msk [tilespmem:v2+s2+$0x0], $0xffff  }
0x5a1: {  	v2 =	vadd.s32 $0xC8, v0;
	_ =	sdelay $0x3  }
0x5a2: {  	[tilespmem:s19+$0xAE60] =	vst v1  }
0x5a3: {  	v1 =	vld.idx.msk [tilespmem:v2+s2+$0x0], $0xffff  }
0x5a4: {  	v2 =	vadd.s32 $0xC9, v0;
	_ =	sdelay $0x3  }
0x5a5: {  	[tilespmem:s19+$0xB060] =	vst v1  }
0x5a6: {  	v1 =	vld.idx.msk [tilespmem:v2+s2+$0x0], $0xffff  }
0x5a7: {  	v2 =	vadd.s32 $0xCA, v0;
	_ =	sdelay $0x3  }
0x5a8: {  	[tilespmem:s19+$0xB260] =	vst v1  }
0x5a9: {  	v1 =	vld.idx.msk [tilespmem:v2+s2+$0x0], $0xffff  }
0x5aa: {  	v2 =	vadd.s32 $0xCB, v0;
	_ =	sdelay $0x3  }
0x5ab: {  	[tilespmem:s19+$0xB460] =	vst v1  }
0x5ac: {  	v1 =	vld.idx.msk [tilespmem:v2+s2+$0x0], $0xffff  }
0x5ad: {  	v2 =	vadd.s32 $0xCC, v0;
	_ =	sdelay $0x3  }
0x5ae: {  	[tilespmem:s19+$0xB660] =	vst v1  }
0x5af: {  	v1 =	vld.idx.msk [tilespmem:v2+s2+$0x0], $0xffff  }
0x5b0: {  	v2 =	vadd.s32 $0xCD, v0;
	_ =	sdelay $0x3  }
0x5b1: {  	[tilespmem:s19+$0xB860] =	vst v1  }
0x5b2: {  	v1 =	vld.idx.msk [tilespmem:v2+s2+$0x0], $0xffff  }
0x5b3: {  	v2 =	vadd.s32 $0xCE, v0;
	_ =	sdelay $0x3  }
0x5b4: {  	[tilespmem:s19+$0xBA60] =	vst v1  }
0x5b5: {  	v1 =	vld.idx.msk [tilespmem:v2+s2+$0x0], $0xffff  }
0x5b6: {  	v2 =	vadd.s32 $0xCF, v0;
	_ =	sdelay $0x3  }
0x5b7: {  	[tilespmem:s19+$0xBC60] =	vst v1  }
0x5b8: {  	v1 =	vld.idx.msk [tilespmem:v2+s2+$0x0], $0xffff  }
0x5b9: {  	v2 =	vadd.s32 $0xD0, v0;
	_ =	sdelay $0x3  }
0x5ba: {  	[tilespmem:s19+$0xBE60] =	vst v1  }
0x5bb: {  	v1 =	vld.idx.msk [tilespmem:v2+s2+$0x0], $0xffff  }
0x5bc: {  	s21 =	simm.s32 $0x10;
	s20 =	simm.s32 $0x80;
	v0 =	vadd.s32 $0xD1, v0  }
.LBB2_10:
0x5bd: {  	p0 =	sne.s32 s20, $0x1C0;
	v2 =	vld [tilespmem:s21+$0x1460];
	_ =	sdelay $0x2  }
0x5be: {  	[tilespmem:s19+$0xC060] =	vst v1  }
0x5bf: {  	v0 =	vld.idx.msk [tilespmem:v0+s2+$0x0], $0xffff  }
0x5c0: {  	v1 =	vmul.u32 $0x3, v2;
	_ =	sdelay $0x4  }
0x5c1: {  	[tilespmem:s19+$0xC260] =	vst v0;
	s19 =	smov.u32 s21  }
0x5c2: {  	v0 =	vld.idx.msk [tilespmem:v1+s2+$0x0], $0xffff;
	_ =	sdelay $0x1  }
0x5c3: {  	v2 =	vadd.s32 $0x1, v1;
	_ =	sdelay $0x3  }
0x5c4: {  	[tilespmem:s19+$0x3E60] =	vst v0  }
0x5c5: {  	v0 =	vld.idx.msk [tilespmem:v2+s2+$0x0], $0xffff;
	_ =	sdelay $0x1  }
0x5c6: {  	v1 =	vadd.s32 $0x2, v1  }
0x5c7: {  	v2 =	vld [tilespmem:s19+$0x1660];
	_ =	sdelay $0x2  }
0x5c8: {  	[tilespmem:s19+$0x4060] =	vst v0  }
0x5c9: {  	v0 =	vld.idx.msk [tilespmem:v1+s2+$0x0], $0xffff  }
0x5ca: {  	v1 =	vshll.u32 v2, $0x2  }
0x5cb: {  	v2 =	vadd.s32 $0x18, v1;
	_ =	sdelay $0x3  }
0x5cc: {  	[tilespmem:s19+$0x4260] =	vst v0  }
0x5cd: {  	v0 =	vld.idx.msk [tilespmem:v2+s2+$0x0], $0xffff;
	_ =	sdelay $0x1  }
0x5ce: {  	v2 =	vadd.s32 $0x19, v1;
	_ =	sdelay $0x3  }
0x5cf: {  	[tilespmem:s19+$0x4460] =	vst v0  }
0x5d0: {  	v0 =	vld.idx.msk [tilespmem:v2+s2+$0x0], $0xffff;
	_ =	sdelay $0x1  }
0x5d1: {  	v2 =	vadd.s32 $0x1A, v1;
	_ =	sdelay $0x3  }
0x5d2: {  	[tilespmem:s19+$0x4660] =	vst v0  }
0x5d3: {  	v0 =	vld.idx.msk [tilespmem:v2+s2+$0x0], $0xffff;
	_ =	sdelay $0x1  }
0x5d4: {  	v1 =	vadd.s32 $0x1B, v1;
	v2 =	vld [tilespmem:s19+$0x1860];
	_ =	sdelay $0x3  }
0x5d5: {  	[tilespmem:s19+$0x4860] =	vst v0  }
0x5d6: {  	v0 =	vld.idx.msk [tilespmem:v1+s2+$0x0], $0xffff;
	v1 =	vmul.u32 $0x6, v2;
	_ =	sdelay $0x1  }
0x5d7: {  	v2 =	vadd.s32 $0x38, v1;
	_ =	sdelay $0x3  }
0x5d8: {  	[tilespmem:s19+$0x4A60] =	vst v0  }
0x5d9: {  	v0 =	vld.idx.msk [tilespmem:v2+s2+$0x0], $0xffff;
	_ =	sdelay $0x1  }
0x5da: {  	v2 =	vadd.s32 $0x39, v1;
	_ =	sdelay $0x3  }
0x5db: {  	[tilespmem:s19+$0x4C60] =	vst v0  }
0x5dc: {  	v0 =	vld.idx.msk [tilespmem:v2+s2+$0x0], $0xffff;
	_ =	sdelay $0x1  }
0x5dd: {  	v2 =	vadd.s32 $0x3A, v1;
	_ =	sdelay $0x3  }
0x5de: {  	[tilespmem:s19+$0x4E60] =	vst v0  }
0x5df: {  	v0 =	vld.idx.msk [tilespmem:v2+s2+$0x0], $0xffff;
	_ =	sdelay $0x1  }
0x5e0: {  	v2 =	vadd.s32 $0x3B, v1;
	_ =	sdelay $0x3  }
0x5e1: {  	[tilespmem:s19+$0x5060] =	vst v0  }
0x5e2: {  	v0 =	vld.idx.msk [tilespmem:v2+s2+$0x0], $0xffff;
	_ =	sdelay $0x1  }
0x5e3: {  	v2 =	vadd.s32 $0x3C, v1;
	_ =	sdelay $0x3  }
0x5e4: {  	[tilespmem:s19+$0x5260] =	vst v0  }
0x5e5: {  	v0 =	vld.idx.msk [tilespmem:v2+s2+$0x0], $0xffff;
	_ =	sdelay $0x1  }
0x5e6: {  	v1 =	vadd.s32 $0x3D, v1  }
0x5e7: {  	v2 =	vld [tilespmem:s19+$0x1A60];
	_ =	sdelay $0x2  }
0x5e8: {  	[tilespmem:s19+$0x5460] =	vst v0  }
0x5e9: {  	v0 =	vld.idx.msk [tilespmem:v1+s2+$0x0], $0xffff  }
0x5ea: {  	v1 =	vshll.u32 v2, $0x2  }
0x5eb: {  	v2 =	vadd.s32 $0x80, v1;
	_ =	sdelay $0x3  }
0x5ec: {  	[tilespmem:s19+$0x5660] =	vst v0  }
0x5ed: {  	v0 =	vld.idx.msk [tilespmem:v2+s2+$0x0], $0xffff;
	_ =	sdelay $0x1  }
0x5ee: {  	v2 =	vadd.s32 $0x81, v1;
	_ =	sdelay $0x3  }
0x5ef: {  	[tilespmem:s19+$0x5860] =	vst v0  }
0x5f0: {  	v0 =	vld.idx.msk [tilespmem:v2+s2+$0x0], $0xffff;
	_ =	sdelay $0x1  }
0x5f1: {  	v2 =	vadd.s32 $0x82, v1;
	_ =	sdelay $0x3  }
0x5f2: {  	[tilespmem:s19+$0x5A60] =	vst v0  }
0x5f3: {  	v0 =	vld.idx.msk [tilespmem:v2+s2+$0x0], $0xffff;
	_ =	sdelay $0x1  }
0x5f4: {  	v1 =	vadd.s32 $0x83, v1;
	v2 =	vld [tilespmem:s19+$0x1C60];
	_ =	sdelay $0x3  }
0x5f5: {  	[tilespmem:s19+$0x5C60] =	vst v0  }
0x5f6: {  	v1 =	vld.idx.msk [tilespmem:v1+s2+$0x0], $0xffff;
	v0 =	vmul.u32 $0x32, v2;
	_ =	sdelay $0x1  }
0x5f7: {  	v2 =	vadd.s32 $0xA0, v0;
	_ =	sdelay $0x3  }
0x5f8: {  	[tilespmem:s19+$0x5E60] =	vst v1  }
0x5f9: {  	v1 =	vld.idx.msk [tilespmem:v2+s2+$0x0], $0xffff;
	_ =	sdelay $0x1  }
0x5fa: {  	v2 =	vadd.s32 $0xA1, v0;
	_ =	sdelay $0x3  }
0x5fb: {  	[tilespmem:s19+$0x6060] =	vst v1  }
0x5fc: {  	v1 =	vld.idx.msk [tilespmem:v2+s2+$0x0], $0xffff;
	_ =	sdelay $0x1  }
0x5fd: {  	v2 =	vadd.s32 $0xA2, v0;
	_ =	sdelay $0x3  }
0x5fe: {  	[tilespmem:s19+$0x6260] =	vst v1  }
0x5ff: {  	v1 =	vld.idx.msk [tilespmem:v2+s2+$0x0], $0xffff;
	_ =	sdelay $0x1  }
0x600: {  	v2 =	vadd.s32 $0xA3, v0;
	_ =	sdelay $0x3  }
0x601: {  	[tilespmem:s19+$0x6460] =	vst v1  }
0x602: {  	v1 =	vld.idx.msk [tilespmem:v2+s2+$0x0], $0xffff;
	_ =	sdelay $0x1  }
0x603: {  	v2 =	vadd.s32 $0xA4, v0;
	_ =	sdelay $0x3  }
0x604: {  	[tilespmem:s19+$0x6660] =	vst v1  }
0x605: {  	v1 =	vld.idx.msk [tilespmem:v2+s2+$0x0], $0xffff;
	_ =	sdelay $0x1  }
0x606: {  	v2 =	vadd.s32 $0xA5, v0;
	_ =	sdelay $0x3  }
0x607: {  	[tilespmem:s19+$0x6860] =	vst v1  }
0x608: {  	v1 =	vld.idx.msk [tilespmem:v2+s2+$0x0], $0xffff;
	_ =	sdelay $0x1  }
0x609: {  	v2 =	vadd.s32 $0xA6, v0;
	_ =	sdelay $0x3  }
0x60a: {  	[tilespmem:s19+$0x6A60] =	vst v1  }
0x60b: {  	v1 =	vld.idx.msk [tilespmem:v2+s2+$0x0], $0xffff;
	_ =	sdelay $0x1  }
0x60c: {  	v2 =	vadd.s32 $0xA7, v0;
	_ =	sdelay $0x3  }
0x60d: {  	[tilespmem:s19+$0x6C60] =	vst v1  }
0x60e: {  	v1 =	vld.idx.msk [tilespmem:v2+s2+$0x0], $0xffff;
	_ =	sdelay $0x1  }
0x60f: {  	v2 =	vadd.s32 $0xA8, v0;
	_ =	sdelay $0x3  }
0x610: {  	[tilespmem:s19+$0x6E60] =	vst v1  }
0x611: {  	v1 =	vld.idx.msk [tilespmem:v2+s2+$0x0], $0xffff;
	_ =	sdelay $0x1  }
0x612: {  	v2 =	vadd.s32 $0xA9, v0;
	_ =	sdelay $0x3  }
0x613: {  	[tilespmem:s19+$0x7060] =	vst v1  }
0x614: {  	v1 =	vld.idx.msk [tilespmem:v2+s2+$0x0], $0xffff;
	_ =	sdelay $0x1  }
0x615: {  	v2 =	vadd.s32 $0xAA, v0;
	_ =	sdelay $0x3  }
0x616: {  	[tilespmem:s19+$0x7260] =	vst v1  }
0x617: {  	v1 =	vld.idx.msk [tilespmem:v2+s2+$0x0], $0xffff;
	_ =	sdelay $0x1  }
0x618: {  	v2 =	vadd.s32 $0xAB, v0;
	_ =	sdelay $0x3  }
0x619: {  	[tilespmem:s19+$0x7460] =	vst v1  }
0x61a: {  	v1 =	vld.idx.msk [tilespmem:v2+s2+$0x0], $0xffff;
	_ =	sdelay $0x1  }
0x61b: {  	v2 =	vadd.s32 $0xAC, v0;
	_ =	sdelay $0x3  }
0x61c: {  	[tilespmem:s19+$0x7660] =	vst v1  }
0x61d: {  	v1 =	vld.idx.msk [tilespmem:v2+s2+$0x0], $0xffff;
	_ =	sdelay $0x1  }
0x61e: {  	v2 =	vadd.s32 $0xAD, v0;
	_ =	sdelay $0x3  }
0x61f: {  	[tilespmem:s19+$0x7860] =	vst v1  }
0x620: {  	v1 =	vld.idx.msk [tilespmem:v2+s2+$0x0], $0xffff;
	_ =	sdelay $0x1  }
0x621: {  	v2 =	vadd.s32 $0xAE, v0;
	_ =	sdelay $0x3  }
0x622: {  	[tilespmem:s19+$0x7A60] =	vst v1  }
0x623: {  	v1 =	vld.idx.msk [tilespmem:v2+s2+$0x0], $0xffff;
	_ =	sdelay $0x1  }
0x624: {  	v2 =	vadd.s32 $0xAF, v0;
	_ =	sdelay $0x3  }
0x625: {  	[tilespmem:s19+$0x7C60] =	vst v1  }
0x626: {  	v1 =	vld.idx.msk [tilespmem:v2+s2+$0x0], $0xffff;
	_ =	sdelay $0x1  }
0x627: {  	v2 =	vadd.s32 $0xB0, v0;
	_ =	sdelay $0x3  }
0x628: {  	[tilespmem:s19+$0x7E60] =	vst v1  }
0x629: {  	v1 =	vld.idx.msk [tilespmem:v2+s2+$0x0], $0xffff;
	_ =	sdelay $0x1  }
0x62a: {  	v2 =	vadd.s32 $0xB1, v0;
	_ =	sdelay $0x3  }
0x62b: {  	[tilespmem:s19+$0x8060] =	vst v1  }
0x62c: {  	v1 =	vld.idx.msk [tilespmem:v2+s2+$0x0], $0xffff;
	_ =	sdelay $0x1  }
0x62d: {  	v2 =	vadd.s32 $0xB2, v0;
	_ =	sdelay $0x3  }
0x62e: {  	[tilespmem:s19+$0x8260] =	vst v1  }
0x62f: {  	v1 =	vld.idx.msk [tilespmem:v2+s2+$0x0], $0xffff;
	_ =	sdelay $0x1  }
0x630: {  	v2 =	vadd.s32 $0xB3, v0;
	_ =	sdelay $0x3  }
0x631: {  	[tilespmem:s19+$0x8460] =	vst v1  }
0x632: {  	v1 =	vld.idx.msk [tilespmem:v2+s2+$0x0], $0xffff;
	_ =	sdelay $0x1  }
0x633: {  	v2 =	vadd.s32 $0xB4, v0;
	_ =	sdelay $0x3  }
0x634: {  	[tilespmem:s19+$0x8660] =	vst v1  }
0x635: {  	v1 =	vld.idx.msk [tilespmem:v2+s2+$0x0], $0xffff;
	_ =	sdelay $0x1  }
0x636: {  	v2 =	vadd.s32 $0xB5, v0;
	_ =	sdelay $0x3  }
0x637: {  	[tilespmem:s19+$0x8860] =	vst v1  }
0x638: {  	v1 =	vld.idx.msk [tilespmem:v2+s2+$0x0], $0xffff;
	_ =	sdelay $0x1  }
0x639: {  	v2 =	vadd.s32 $0xB6, v0;
	_ =	sdelay $0x3  }
0x63a: {  	[tilespmem:s19+$0x8A60] =	vst v1  }
0x63b: {  	v1 =	vld.idx.msk [tilespmem:v2+s2+$0x0], $0xffff;
	_ =	sdelay $0x1  }
0x63c: {  	v2 =	vadd.s32 $0xB7, v0;
	_ =	sdelay $0x3  }
0x63d: {  	[tilespmem:s19+$0x8C60] =	vst v1  }
0x63e: {  	v1 =	vld.idx.msk [tilespmem:v2+s2+$0x0], $0xffff;
	_ =	sdelay $0x1  }
0x63f: {  	v2 =	vadd.s32 $0xB8, v0;
	_ =	sdelay $0x3  }
0x640: {  	[tilespmem:s19+$0x8E60] =	vst v1  }
0x641: {  	v1 =	vld.idx.msk [tilespmem:v2+s2+$0x0], $0xffff;
	_ =	sdelay $0x1  }
0x642: {  	v2 =	vadd.s32 $0xB9, v0;
	_ =	sdelay $0x3  }
0x643: {  	[tilespmem:s19+$0x9060] =	vst v1  }
0x644: {  	v1 =	vld.idx.msk [tilespmem:v2+s2+$0x0], $0xffff;
	_ =	sdelay $0x1  }
0x645: {  	v2 =	vadd.s32 $0xBA, v0;
	_ =	sdelay $0x3  }
0x646: {  	[tilespmem:s19+$0x9260] =	vst v1  }
0x647: {  	v1 =	vld.idx.msk [tilespmem:v2+s2+$0x0], $0xffff;
	_ =	sdelay $0x1  }
0x648: {  	v2 =	vadd.s32 $0xBB, v0;
	_ =	sdelay $0x3  }
0x649: {  	[tilespmem:s19+$0x9460] =	vst v1  }
0x64a: {  	v1 =	vld.idx.msk [tilespmem:v2+s2+$0x0], $0xffff;
	_ =	sdelay $0x1  }
0x64b: {  	v2 =	vadd.s32 $0xBC, v0;
	_ =	sdelay $0x3  }
0x64c: {  	[tilespmem:s19+$0x9660] =	vst v1  }
0x64d: {  	v1 =	vld.idx.msk [tilespmem:v2+s2+$0x0], $0xffff;
	_ =	sdelay $0x1  }
0x64e: {  	v2 =	vadd.s32 $0xBD, v0;
	_ =	sdelay $0x3  }
0x64f: {  	[tilespmem:s19+$0x9860] =	vst v1  }
0x650: {  	v1 =	vld.idx.msk [tilespmem:v2+s2+$0x0], $0xffff;
	_ =	sdelay $0x1  }
0x651: {  	v2 =	vadd.s32 $0xBE, v0;
	_ =	sdelay $0x3  }
0x652: {  	[tilespmem:s19+$0x9A60] =	vst v1  }
0x653: {  	v1 =	vld.idx.msk [tilespmem:v2+s2+$0x0], $0xffff;
	_ =	sdelay $0x1  }
0x654: {  	v2 =	vadd.s32 $0xBF, v0;
	_ =	sdelay $0x3  }
0x655: {  	[tilespmem:s19+$0x9C60] =	vst v1  }
0x656: {  	v1 =	vld.idx.msk [tilespmem:v2+s2+$0x0], $0xffff;
	_ =	sdelay $0x1  }
0x657: {  	v2 =	vadd.s32 $0xC0, v0;
	_ =	sdelay $0x3  }
0x658: {  	[tilespmem:s19+$0x9E60] =	vst v1  }
0x659: {  	v1 =	vld.idx.msk [tilespmem:v2+s2+$0x0], $0xffff;
	_ =	sdelay $0x1  }
0x65a: {  	v2 =	vadd.s32 $0xC1, v0;
	_ =	sdelay $0x3  }
0x65b: {  	[tilespmem:s19+$0xA060] =	vst v1  }
0x65c: {  	v1 =	vld.idx.msk [tilespmem:v2+s2+$0x0], $0xffff;
	_ =	sdelay $0x1  }
0x65d: {  	v2 =	vadd.s32 $0xC2, v0;
	_ =	sdelay $0x3  }
0x65e: {  	[tilespmem:s19+$0xA260] =	vst v1  }
0x65f: {  	v1 =	vld.idx.msk [tilespmem:v2+s2+$0x0], $0xffff;
	_ =	sdelay $0x1  }
0x660: {  	v2 =	vadd.s32 $0xC3, v0;
	_ =	sdelay $0x3  }
0x661: {  	[tilespmem:s19+$0xA460] =	vst v1  }
0x662: {  	v1 =	vld.idx.msk [tilespmem:v2+s2+$0x0], $0xffff;
	_ =	sdelay $0x1  }
0x663: {  	v2 =	vadd.s32 $0xC4, v0;
	_ =	sdelay $0x3  }
0x664: {  	[tilespmem:s19+$0xA660] =	vst v1  }
0x665: {  	v1 =	vld.idx.msk [tilespmem:v2+s2+$0x0], $0xffff;
	_ =	sdelay $0x1  }
0x666: {  	v2 =	vadd.s32 $0xC5, v0;
	_ =	sdelay $0x3  }
0x667: {  	[tilespmem:s19+$0xA860] =	vst v1  }
0x668: {  	v1 =	vld.idx.msk [tilespmem:v2+s2+$0x0], $0xffff;
	_ =	sdelay $0x1  }
0x669: {  	v2 =	vadd.s32 $0xC6, v0;
	_ =	sdelay $0x3  }
0x66a: {  	[tilespmem:s19+$0xAA60] =	vst v1  }
0x66b: {  	v1 =	vld.idx.msk [tilespmem:v2+s2+$0x0], $0xffff;
	_ =	sdelay $0x1  }
0x66c: {  	v2 =	vadd.s32 $0xC7, v0;
	_ =	sdelay $0x3  }
0x66d: {  	[tilespmem:s19+$0xAC60] =	vst v1  }
0x66e: {  	v1 =	vld.idx.msk [tilespmem:v2+s2+$0x0], $0xffff;
	_ =	sdelay $0x1  }
0x66f: {  	v2 =	vadd.s32 $0xC8, v0;
	_ =	sdelay $0x3  }
0x670: {  	[tilespmem:s19+$0xAE60] =	vst v1  }
0x671: {  	v1 =	vld.idx.msk [tilespmem:v2+s2+$0x0], $0xffff;
	_ =	sdelay $0x1  }
0x672: {  	v2 =	vadd.s32 $0xC9, v0;
	_ =	sdelay $0x3  }
0x673: {  	[tilespmem:s19+$0xB060] =	vst v1  }
0x674: {  	v1 =	vld.idx.msk [tilespmem:v2+s2+$0x0], $0xffff;
	_ =	sdelay $0x1  }
0x675: {  	v2 =	vadd.s32 $0xCA, v0;
	_ =	sdelay $0x3  }
0x676: {  	[tilespmem:s19+$0xB260] =	vst v1  }
0x677: {  	v1 =	vld.idx.msk [tilespmem:v2+s2+$0x0], $0xffff;
	_ =	sdelay $0x1  }
0x678: {  	v2 =	vadd.s32 $0xCB, v0;
	_ =	sdelay $0x3  }
0x679: {  	[tilespmem:s19+$0xB460] =	vst v1  }
0x67a: {  	v1 =	vld.idx.msk [tilespmem:v2+s2+$0x0], $0xffff;
	_ =	sdelay $0x1  }
0x67b: {  	v2 =	vadd.s32 $0xCC, v0;
	_ =	sdelay $0x3  }
0x67c: {  	[tilespmem:s19+$0xB660] =	vst v1  }
0x67d: {  	v1 =	vld.idx.msk [tilespmem:v2+s2+$0x0], $0xffff;
	_ =	sdelay $0x1  }
0x67e: {  	v2 =	vadd.s32 $0xCD, v0;
	_ =	sdelay $0x3  }
0x67f: {  	[tilespmem:s19+$0xB860] =	vst v1  }
0x680: {  	v1 =	vld.idx.msk [tilespmem:v2+s2+$0x0], $0xffff;
	_ =	sdelay $0x1  }
0x681: {  	v2 =	vadd.s32 $0xCE, v0;
	_ =	sdelay $0x3  }
0x682: {  	[tilespmem:s19+$0xBA60] =	vst v1  }
0x683: {  	v1 =	vld.idx.msk [tilespmem:v2+s2+$0x0], $0xffff;
	_ =	sdelay $0x1  }
0x684: {  	v2 =	vadd.s32 $0xCF, v0;
	_ =	sdelay $0x3  }
0x685: {  	[tilespmem:s19+$0xBC60] =	vst v1  }
0x686: {  	v1 =	vld.idx.msk [tilespmem:v2+s2+$0x0], $0xffff;
	_ =	sdelay $0x1  }
0x687: {  	v2 =	vadd.s32 $0xD0, v0;
	_ =	sdelay $0x2  }
.Ltmp4:
0x688: {  	(pc) =	sbr.rel @p0 .LBB2_10-.Ltmp4, $3  }
0x689: {  	[tilespmem:s19+$0xBE60] =	vst v1  }
0x68a: {  	v1 =	vld.idx.msk [tilespmem:v2+s2+$0x0], $0xffff;
	_ =	sdelay $0x1  }
0x68b: {  	s21 =	sshra.s32 s20, $0x2;
	s20 =	sadd.s32 $0x40, s20;
	v0 =	vadd.s32 $0xD1, v0  }
0x68c: {  	v2 =	vld [tilespmem:s21+$0x1460];
	_ =	sdelay $0x3  }
0x68d: {  	[tilespmem:s19+$0xC060] =	vst v1  }
0x68e: {  	v0 =	vld.idx.msk [tilespmem:v0+s2+$0x0], $0xffff;
	v59 =	vmul.u32 $0x3, v2;
	_ =	sdelay $0x4  }
0x68f: {  	[tilespmem:s19+$0xC260] =	vst v0  }
0x690: {  	v0 =	vld.idx.msk [tilespmem:v59+s2+$0x0], $0xffff  }
0x691: {  	v2 =	vadd.s32 $0x1, v59;
	_ =	sdelay $0x3  }
0x692: {  	[tilespmem:s21+$0x3E60] =	vst v0  }
0x693: {  	v0 =	vld.idx.msk [tilespmem:v2+s2+$0x0], $0xffff  }
0x694: {  	v1 =	vadd.s32 $0x2, v59;
	v60 =	vld [tilespmem:s21+$0x1660];
	_ =	sdelay $0x3  }
0x695: {  	[tilespmem:s21+$0x4060] =	vst v0  }
0x696: {  	v61 =	vshll.u32 v60, $0x2;
	v0 =	vld.idx.msk [tilespmem:v1+s2+$0x0], $0xffff  }
0x697: {  	v2 =	vadd.s32 $0x18, v61;
	_ =	sdelay $0x3  }
0x698: {  	[tilespmem:s21+$0x4260] =	vst v0  }
0x699: {  	v0 =	vld.idx.msk [tilespmem:v2+s2+$0x0], $0xffff  }
0x69a: {  	v62 =	vadd.s32 $0x19, v61;
	_ =	sdelay $0x3  }
0x69b: {  	[tilespmem:s21+$0x4460] =	vst v0  }
0x69c: {  	v0 =	vld.idx.msk [tilespmem:v62+s2+$0x0], $0xffff  }
0x69d: {  	v63 =	vadd.s32 $0x1A, v61;
	_ =	sdelay $0x3  }
0x69e: {  	v4 =	vld [tilespmem:s21+$0x1860];
	[tilespmem:s21+$0x4660] =	vst v0  }
0x69f: {  	v0 =	vld.idx.msk [tilespmem:v63+s2+$0x0], $0xffff  }
0x6a0: {  	v1 =	vadd.s32 $0x1B, v61;
	_ =	sdelay $0x3  }
0x6a1: {  	v5 =	vmul.u32 $0x6, v4;
	[tilespmem:s21+$0x4860] =	vst v0  }
0x6a2: {  	v1 =	vld.idx.msk [tilespmem:v1+s2+$0x0], $0xffff  }
0x6a3: {  	v2 =	vadd.s32 $0x38, v5;
	_ =	sdelay $0x3  }
0x6a4: {  	[tilespmem:s21+$0x4A60] =	vst v1  }
0x6a5: {  	v1 =	vld.idx.msk [tilespmem:v2+s2+$0x0], $0xffff  }
0x6a6: {  	v6 =	vadd.s32 $0x39, v5;
	_ =	sdelay $0x3  }
0x6a7: {  	[tilespmem:s21+$0x4C60] =	vst v1  }
0x6a8: {  	v1 =	vld.idx.msk [tilespmem:v6+s2+$0x0], $0xffff  }
0x6a9: {  	v7 =	vadd.s32 $0x3A, v5;
	_ =	sdelay $0x3  }
0x6aa: {  	[tilespmem:s21+$0x4E60] =	vst v1  }
0x6ab: {  	v1 =	vld.idx.msk [tilespmem:v7+s2+$0x0], $0xffff  }
0x6ac: {  	v8 =	vadd.s32 $0x3B, v5;
	_ =	sdelay $0x3  }
0x6ad: {  	[tilespmem:s21+$0x5060] =	vst v1  }
0x6ae: {  	v1 =	vld.idx.msk [tilespmem:v8+s2+$0x0], $0xffff  }
0x6af: {  	v9 =	vadd.s32 $0x3C, v5;
	_ =	sdelay $0x3  }
0x6b0: {  	[tilespmem:s21+$0x5260] =	vst v1  }
0x6b1: {  	v1 =	vld.idx.msk [tilespmem:v9+s2+$0x0], $0xffff  }
0x6b2: {  	v10 =	vld [tilespmem:s21+$0x1A60];
	v0 =	vadd.s32 $0x3D, v5;
	_ =	sdelay $0x3  }
0x6b3: {  	[tilespmem:s21+$0x5460] =	vst v1  }
0x6b4: {  	v11 =	vshll.u32 v10, $0x2;
	v0 =	vld.idx.msk [tilespmem:v0+s2+$0x0], $0xffff  }
0x6b5: {  	v2 =	vadd.s32 $0x80, v11;
	_ =	sdelay $0x3  }
0x6b6: {  	[tilespmem:s21+$0x5660] =	vst v0  }
0x6b7: {  	v0 =	vld.idx.msk [tilespmem:v2+s2+$0x0], $0xffff  }
0x6b8: {  	v12 =	vadd.s32 $0x81, v11;
	_ =	sdelay $0x3  }
0x6b9: {  	[tilespmem:s21+$0x5860] =	vst v0  }
0x6ba: {  	v0 =	vld.idx.msk [tilespmem:v12+s2+$0x0], $0xffff  }
0x6bb: {  	v13 =	vadd.s32 $0x82, v11;
	_ =	sdelay $0x3  }
0x6bc: {  	v14 =	vld [tilespmem:s21+$0x1C60];
	[tilespmem:s21+$0x5A60] =	vst v0  }
0x6bd: {  	v0 =	vld.idx.msk [tilespmem:v13+s2+$0x0], $0xffff  }
0x6be: {  	v1 =	vadd.s32 $0x83, v11;
	_ =	sdelay $0x3  }
0x6bf: {  	v15 =	vmul.u32 $0x32, v14;
	[tilespmem:s21+$0x5C60] =	vst v0  }
0x6c0: {  	v1 =	vld.idx.msk [tilespmem:v1+s2+$0x0], $0xffff  }
0x6c1: {  	v2 =	vadd.s32 $0xA0, v15;
	_ =	sdelay $0x3  }
0x6c2: {  	[tilespmem:s21+$0x5E60] =	vst v1  }
0x6c3: {  	v1 =	vld.idx.msk [tilespmem:v2+s2+$0x0], $0xffff  }
0x6c4: {  	v16 =	vadd.s32 $0xA1, v15;
	_ =	sdelay $0x3  }
0x6c5: {  	[tilespmem:s21+$0x6060] =	vst v1  }
0x6c6: {  	v1 =	vld.idx.msk [tilespmem:v16+s2+$0x0], $0xffff  }
0x6c7: {  	v17 =	vadd.s32 $0xA2, v15;
	_ =	sdelay $0x3  }
0x6c8: {  	[tilespmem:s21+$0x6260] =	vst v1  }
0x6c9: {  	v1 =	vld.idx.msk [tilespmem:v17+s2+$0x0], $0xffff  }
0x6ca: {  	v18 =	vadd.s32 $0xA3, v15;
	_ =	sdelay $0x3  }
0x6cb: {  	[tilespmem:s21+$0x6460] =	vst v1  }
0x6cc: {  	v1 =	vld.idx.msk [tilespmem:v18+s2+$0x0], $0xffff  }
0x6cd: {  	v19 =	vadd.s32 $0xA4, v15;
	_ =	sdelay $0x3  }
0x6ce: {  	[tilespmem:s21+$0x6660] =	vst v1  }
0x6cf: {  	v1 =	vld.idx.msk [tilespmem:v19+s2+$0x0], $0xffff  }
0x6d0: {  	v20 =	vadd.s32 $0xA5, v15;
	_ =	sdelay $0x3  }
0x6d1: {  	[tilespmem:s21+$0x6860] =	vst v1  }
0x6d2: {  	v1 =	vld.idx.msk [tilespmem:v20+s2+$0x0], $0xffff  }
0x6d3: {  	v21 =	vadd.s32 $0xA6, v15;
	_ =	sdelay $0x3  }
0x6d4: {  	[tilespmem:s21+$0x6A60] =	vst v1  }
0x6d5: {  	v1 =	vld.idx.msk [tilespmem:v21+s2+$0x0], $0xffff  }
0x6d6: {  	v22 =	vadd.s32 $0xA7, v15;
	_ =	sdelay $0x3  }
0x6d7: {  	[tilespmem:s21+$0x6C60] =	vst v1  }
0x6d8: {  	v1 =	vld.idx.msk [tilespmem:v22+s2+$0x0], $0xffff  }
0x6d9: {  	v23 =	vadd.s32 $0xA8, v15;
	_ =	sdelay $0x3  }
0x6da: {  	[tilespmem:s21+$0x6E60] =	vst v1  }
0x6db: {  	v1 =	vld.idx.msk [tilespmem:v23+s2+$0x0], $0xffff  }
0x6dc: {  	v24 =	vadd.s32 $0xA9, v15;
	_ =	sdelay $0x3  }
0x6dd: {  	[tilespmem:s21+$0x7060] =	vst v1  }
0x6de: {  	v1 =	vld.idx.msk [tilespmem:v24+s2+$0x0], $0xffff  }
0x6df: {  	v25 =	vadd.s32 $0xAA, v15;
	_ =	sdelay $0x3  }
0x6e0: {  	[tilespmem:s21+$0x7260] =	vst v1  }
0x6e1: {  	v1 =	vld.idx.msk [tilespmem:v25+s2+$0x0], $0xffff  }
0x6e2: {  	v26 =	vadd.s32 $0xAB, v15;
	_ =	sdelay $0x3  }
0x6e3: {  	[tilespmem:s21+$0x7460] =	vst v1  }
0x6e4: {  	v1 =	vld.idx.msk [tilespmem:v26+s2+$0x0], $0xffff  }
0x6e5: {  	v27 =	vadd.s32 $0xAC, v15;
	_ =	sdelay $0x3  }
0x6e6: {  	[tilespmem:s21+$0x7660] =	vst v1  }
0x6e7: {  	v1 =	vld.idx.msk [tilespmem:v27+s2+$0x0], $0xffff  }
0x6e8: {  	v28 =	vadd.s32 $0xAD, v15;
	_ =	sdelay $0x3  }
0x6e9: {  	[tilespmem:s21+$0x7860] =	vst v1  }
0x6ea: {  	v1 =	vld.idx.msk [tilespmem:v28+s2+$0x0], $0xffff  }
0x6eb: {  	v29 =	vadd.s32 $0xAE, v15;
	_ =	sdelay $0x3  }
0x6ec: {  	[tilespmem:s21+$0x7A60] =	vst v1  }
0x6ed: {  	v1 =	vld.idx.msk [tilespmem:v29+s2+$0x0], $0xffff  }
0x6ee: {  	v30 =	vadd.s32 $0xAF, v15;
	_ =	sdelay $0x3  }
0x6ef: {  	[tilespmem:s21+$0x7C60] =	vst v1  }
0x6f0: {  	v1 =	vld.idx.msk [tilespmem:v30+s2+$0x0], $0xffff  }
0x6f1: {  	v31 =	vadd.s32 $0xB0, v15;
	_ =	sdelay $0x3  }
0x6f2: {  	[tilespmem:s21+$0x7E60] =	vst v1  }
0x6f3: {  	v1 =	vld.idx.msk [tilespmem:v31+s2+$0x0], $0xffff  }
0x6f4: {  	v32 =	vadd.s32 $0xB1, v15;
	_ =	sdelay $0x3  }
0x6f5: {  	[tilespmem:s21+$0x8060] =	vst v1  }
0x6f6: {  	v1 =	vld.idx.msk [tilespmem:v32+s2+$0x0], $0xffff  }
0x6f7: {  	v33 =	vadd.s32 $0xB2, v15;
	_ =	sdelay $0x3  }
0x6f8: {  	[tilespmem:s21+$0x8260] =	vst v1  }
0x6f9: {  	v1 =	vld.idx.msk [tilespmem:v33+s2+$0x0], $0xffff  }
0x6fa: {  	v34 =	vadd.s32 $0xB3, v15;
	_ =	sdelay $0x3  }
0x6fb: {  	[tilespmem:s21+$0x8460] =	vst v1  }
0x6fc: {  	v1 =	vld.idx.msk [tilespmem:v34+s2+$0x0], $0xffff  }
0x6fd: {  	v35 =	vadd.s32 $0xB4, v15;
	_ =	sdelay $0x3  }
0x6fe: {  	[tilespmem:s21+$0x8660] =	vst v1  }
0x6ff: {  	v1 =	vld.idx.msk [tilespmem:v35+s2+$0x0], $0xffff  }
0x700: {  	v36 =	vadd.s32 $0xB5, v15;
	_ =	sdelay $0x3  }
0x701: {  	[tilespmem:s21+$0x8860] =	vst v1  }
0x702: {  	v1 =	vld.idx.msk [tilespmem:v36+s2+$0x0], $0xffff  }
0x703: {  	v37 =	vadd.s32 $0xB6, v15;
	_ =	sdelay $0x3  }
0x704: {  	[tilespmem:s21+$0x8A60] =	vst v1  }
0x705: {  	v1 =	vld.idx.msk [tilespmem:v37+s2+$0x0], $0xffff  }
0x706: {  	v38 =	vadd.s32 $0xB7, v15;
	_ =	sdelay $0x3  }
0x707: {  	[tilespmem:s21+$0x8C60] =	vst v1  }
0x708: {  	v1 =	vld.idx.msk [tilespmem:v38+s2+$0x0], $0xffff  }
0x709: {  	v39 =	vadd.s32 $0xB8, v15;
	_ =	sdelay $0x3  }
0x70a: {  	[tilespmem:s21+$0x8E60] =	vst v1  }
0x70b: {  	v1 =	vld.idx.msk [tilespmem:v39+s2+$0x0], $0xffff  }
0x70c: {  	v40 =	vadd.s32 $0xB9, v15;
	_ =	sdelay $0x3  }
0x70d: {  	[tilespmem:s21+$0x9060] =	vst v1  }
0x70e: {  	v1 =	vld.idx.msk [tilespmem:v40+s2+$0x0], $0xffff  }
0x70f: {  	v41 =	vadd.s32 $0xBA, v15;
	_ =	sdelay $0x3  }
0x710: {  	[tilespmem:s21+$0x9260] =	vst v1  }
0x711: {  	v1 =	vld.idx.msk [tilespmem:v41+s2+$0x0], $0xffff  }
0x712: {  	v42 =	vadd.s32 $0xBB, v15;
	_ =	sdelay $0x3  }
0x713: {  	[tilespmem:s21+$0x9460] =	vst v1  }
0x714: {  	v1 =	vld.idx.msk [tilespmem:v42+s2+$0x0], $0xffff  }
0x715: {  	v43 =	vadd.s32 $0xBC, v15;
	_ =	sdelay $0x3  }
0x716: {  	[tilespmem:s21+$0x9660] =	vst v1  }
0x717: {  	v1 =	vld.idx.msk [tilespmem:v43+s2+$0x0], $0xffff  }
0x718: {  	v44 =	vadd.s32 $0xBD, v15;
	_ =	sdelay $0x3  }
0x719: {  	[tilespmem:s21+$0x9860] =	vst v1  }
0x71a: {  	v1 =	vld.idx.msk [tilespmem:v44+s2+$0x0], $0xffff  }
0x71b: {  	v45 =	vadd.s32 $0xBE, v15;
	_ =	sdelay $0x3  }
0x71c: {  	[tilespmem:s21+$0x9A60] =	vst v1  }
0x71d: {  	v1 =	vld.idx.msk [tilespmem:v45+s2+$0x0], $0xffff  }
0x71e: {  	v46 =	vadd.s32 $0xBF, v15;
	_ =	sdelay $0x3  }
0x71f: {  	[tilespmem:s21+$0x9C60] =	vst v1  }
0x720: {  	v1 =	vld.idx.msk [tilespmem:v46+s2+$0x0], $0xffff  }
0x721: {  	v47 =	vadd.s32 $0xC0, v15;
	_ =	sdelay $0x3  }
0x722: {  	[tilespmem:s21+$0x9E60] =	vst v1  }
0x723: {  	v1 =	vld.idx.msk [tilespmem:v47+s2+$0x0], $0xffff  }
0x724: {  	v48 =	vadd.s32 $0xC1, v15;
	_ =	sdelay $0x3  }
0x725: {  	[tilespmem:s21+$0xA060] =	vst v1  }
0x726: {  	v1 =	vld.idx.msk [tilespmem:v48+s2+$0x0], $0xffff  }
0x727: {  	v49 =	vadd.s32 $0xC2, v15;
	_ =	sdelay $0x3  }
0x728: {  	[tilespmem:s21+$0xA260] =	vst v1  }
0x729: {  	v1 =	vld.idx.msk [tilespmem:v49+s2+$0x0], $0xffff  }
0x72a: {  	v50 =	vadd.s32 $0xC3, v15;
	_ =	sdelay $0x3  }
0x72b: {  	[tilespmem:s21+$0xA460] =	vst v1  }
0x72c: {  	v1 =	vld.idx.msk [tilespmem:v50+s2+$0x0], $0xffff  }
0x72d: {  	v51 =	vadd.s32 $0xC4, v15;
	_ =	sdelay $0x3  }
0x72e: {  	[tilespmem:s21+$0xA660] =	vst v1  }
0x72f: {  	v1 =	vld.idx.msk [tilespmem:v51+s2+$0x0], $0xffff  }
0x730: {  	v52 =	vadd.s32 $0xC5, v15;
	_ =	sdelay $0x3  }
0x731: {  	[tilespmem:s21+$0xA860] =	vst v1  }
0x732: {  	v1 =	vld.idx.msk [tilespmem:v52+s2+$0x0], $0xffff  }
0x733: {  	v53 =	vadd.s32 $0xC6, v15;
	_ =	sdelay $0x3  }
0x734: {  	[tilespmem:s21+$0xAA60] =	vst v1  }
0x735: {  	v1 =	vld.idx.msk [tilespmem:v53+s2+$0x0], $0xffff  }
0x736: {  	v54 =	vadd.s32 $0xC7, v15;
	_ =	sdelay $0x3  }
0x737: {  	[tilespmem:s21+$0xAC60] =	vst v1  }
0x738: {  	v1 =	vld.idx.msk [tilespmem:v54+s2+$0x0], $0xffff  }
0x739: {  	v55 =	vadd.s32 $0xC8, v15;
	_ =	sdelay $0x3  }
0x73a: {  	[tilespmem:s21+$0xAE60] =	vst v1  }
0x73b: {  	v1 =	vld.idx.msk [tilespmem:v55+s2+$0x0], $0xffff  }
0x73c: {  	v56 =	vadd.s32 $0xC9, v15;
	_ =	sdelay $0x3  }
0x73d: {  	[tilespmem:s21+$0xB060] =	vst v1  }
0x73e: {  	v1 =	vld.idx.msk [tilespmem:v56+s2+$0x0], $0xffff  }
0x73f: {  	v57 =	vadd.s32 $0xCA, v15;
	_ =	sdelay $0x3  }
0x740: {  	[tilespmem:s21+$0xB260] =	vst v1  }
0x741: {  	v1 =	vld.idx.msk [tilespmem:v57+s2+$0x0], $0xffff  }
0x742: {  	v58 =	vadd.s32 $0xCB, v15;
	_ =	sdelay $0x3  }
0x743: {  	[tilespmem:s21+$0xB460] =	vst v1  }
0x744: {  	v1 =	vld.idx.msk [tilespmem:v58+s2+$0x0], $0xffff  }
0x745: {  	v59 =	vadd.s32 $0xCC, v15;
	_ =	sdelay $0x3  }
0x746: {  	[tilespmem:s21+$0xB660] =	vst v1  }
0x747: {  	v1 =	vld.idx.msk [tilespmem:v59+s2+$0x0], $0xffff  }
0x748: {  	v60 =	vadd.s32 $0xCD, v15;
	_ =	sdelay $0x3  }
0x749: {  	[tilespmem:s21+$0xB860] =	vst v1  }
0x74a: {  	v1 =	vld.idx.msk [tilespmem:v60+s2+$0x0], $0xffff  }
0x74b: {  	v61 =	vadd.s32 $0xCE, v15;
	_ =	sdelay $0x3  }
0x74c: {  	[tilespmem:s21+$0xBA60] =	vst v1  }
0x74d: {  	v1 =	vld.idx.msk [tilespmem:v61+s2+$0x0], $0xffff  }
0x74e: {  	v62 =	vadd.s32 $0xCF, v15;
	_ =	sdelay $0x3  }
0x74f: {  	[tilespmem:s21+$0xBC60] =	vst v1  }
0x750: {  	v1 =	vld.idx.msk [tilespmem:v62+s2+$0x0], $0xffff  }
0x751: {  	v63 =	vadd.s32 $0xD0, v15;
	_ =	sdelay $0x3  }
0x752: {  	[tilespmem:s21+$0xBE60] =	vst v1  }
0x753: {  	v1 =	vld.idx.msk [tilespmem:v63+s2+$0x0], $0xffff  }
0x754: {  	v0 =	vadd.s32 $0xD1, v15;
	_ =	sdelay $0x3  }
0x755: {  	[tilespmem:s21+$0xC060] =	vst v1  }
0x756: {  	v0 =	vld.idx.msk [tilespmem:v0+s2+$0x0], $0xffff;
	_ =	sdelay $0x3  }
0x757: {  	s20 =	simm.s32 $0x800  }
0x758: {  	s22 =	sadd.s32 $0x0, s8;
	s19 =	simm.s32 $0x0;
	[tilespmem:s21+$0xC260] =	vst v0;
	s21 =	simm.s32 $0x1E60  }
.LBB2_12:
0x759: {  	[hbm4b:s22+s19] =	stream.linear.scatter [tilespmem:s21], [sflag:$0x3], $0x80, $0x38;
	[tilespmem:$0xC360] =	vst v63  }
0x75a: {  	s22 =	smov.u32 s20;
	p0 =	sne.s32 s20, $0x29000  }
.Ltmp5:
0x75b: {  	s20 =	sadd.s32 $0x800, s20;
	(pc) =	sbr.rel @p0 .LBB2_12-.Ltmp5, $3  }
0x75c: {  	_ =	sdelay $0x1  }
0x75d: {  	s21 =	sshra.s32 s22, $0x2  }
0x75e: {  	s22 =	sadd.s32 s22, s8;
	s21 =	sadd.s32 $0x1E60, s21  }
0x75f: {  	[hbm4b:s22+s19] =	stream.linear.scatter [tilespmem:s21], [sflag:$0x3], $0x80, $0x38;
	[tilespmem:$0xC360] =	vst v63  }
0x760: {  	s19 =	simm.s32 $0x0  }
0x761: {  	v0 =	vld [tilespmem:s19+$0x14E0];
	_ =	sdelay $0x4  }
0x762: {  	v0 =	vmul.u32 $0x3, v0;
	_ =	sdelay $0x5  }
0x763: {  	v1 =	vld.idx.msk [tilespmem:v0+s2+$0x0], $0xffff  }
0x764: {  	v2 =	vadd.s32 $0x1, v0;
	_ =	sdelay $0x3  }
0x765: {  	[tilespmem:s19+$0x3EE0] =	vst v1  }
0x766: {  	v1 =	vld.idx.msk [tilespmem:v2+s2+$0x0], $0xffff  }
0x767: {  	v0 =	vadd.s32 $0x2, v0;
	v2 =	vld [tilespmem:s19+$0x16E0];
	_ =	sdelay $0x3  }
0x768: {  	[tilespmem:s19+$0x40E0] =	vst v1  }
0x769: {  	v1 =	vshll.u32 v2, $0x2;
	v0 =	vld.idx.msk [tilespmem:v0+s2+$0x0], $0xffff  }
0x76a: {  	v2 =	vadd.s32 $0x18, v1;
	_ =	sdelay $0x3  }
0x76b: {  	[tilespmem:s19+$0x42E0] =	vst v0  }
0x76c: {  	v0 =	vld.idx.msk [tilespmem:v2+s2+$0x0], $0xffff  }
0x76d: {  	v2 =	vadd.s32 $0x19, v1;
	_ =	sdelay $0x3  }
0x76e: {  	[tilespmem:s19+$0x44E0] =	vst v0  }
0x76f: {  	v0 =	vld.idx.msk [tilespmem:v2+s2+$0x0], $0xffff  }
0x770: {  	v2 =	vadd.s32 $0x1A, v1;
	_ =	sdelay $0x3  }
0x771: {  	[tilespmem:s19+$0x46E0] =	vst v0  }
0x772: {  	v0 =	vld.idx.msk [tilespmem:v2+s2+$0x0], $0xffff  }
0x773: {  	v2 =	vld [tilespmem:s19+$0x18E0]  }
0x774: {  	v1 =	vadd.s32 $0x1B, v1;
	_ =	sdelay $0x3  }
0x775: {  	[tilespmem:s19+$0x48E0] =	vst v0;
	v0 =	vmul.u32 $0x6, v2  }
0x776: {  	v1 =	vld.idx.msk [tilespmem:v1+s2+$0x0], $0xffff  }
0x777: {  	v2 =	vadd.s32 $0x38, v0;
	_ =	sdelay $0x3  }
0x778: {  	[tilespmem:s19+$0x4AE0] =	vst v1  }
0x779: {  	v1 =	vld.idx.msk [tilespmem:v2+s2+$0x0], $0xffff  }
0x77a: {  	v2 =	vadd.s32 $0x39, v0;
	_ =	sdelay $0x3  }
0x77b: {  	[tilespmem:s19+$0x4CE0] =	vst v1  }
0x77c: {  	v1 =	vld.idx.msk [tilespmem:v2+s2+$0x0], $0xffff  }
0x77d: {  	v2 =	vadd.s32 $0x3A, v0;
	_ =	sdelay $0x3  }
0x77e: {  	[tilespmem:s19+$0x4EE0] =	vst v1  }
0x77f: {  	v1 =	vld.idx.msk [tilespmem:v2+s2+$0x0], $0xffff  }
0x780: {  	v2 =	vadd.s32 $0x3B, v0;
	_ =	sdelay $0x3  }
0x781: {  	[tilespmem:s19+$0x50E0] =	vst v1  }
0x782: {  	v1 =	vld.idx.msk [tilespmem:v2+s2+$0x0], $0xffff  }
0x783: {  	v2 =	vadd.s32 $0x3C, v0;
	_ =	sdelay $0x3  }
0x784: {  	[tilespmem:s19+$0x52E0] =	vst v1  }
0x785: {  	v1 =	vld.idx.msk [tilespmem:v2+s2+$0x0], $0xffff  }
0x786: {  	v0 =	vadd.s32 $0x3D, v0;
	v2 =	vld [tilespmem:s19+$0x1AE0];
	_ =	sdelay $0x3  }
0x787: {  	[tilespmem:s19+$0x54E0] =	vst v1  }
0x788: {  	v1 =	vshll.u32 v2, $0x2;
	v0 =	vld.idx.msk [tilespmem:v0+s2+$0x0], $0xffff  }
0x789: {  	v2 =	vadd.s32 $0x80, v1;
	_ =	sdelay $0x3  }
0x78a: {  	[tilespmem:s19+$0x56E0] =	vst v0  }
0x78b: {  	v0 =	vld.idx.msk [tilespmem:v2+s2+$0x0], $0xffff  }
0x78c: {  	v2 =	vadd.s32 $0x81, v1;
	_ =	sdelay $0x3  }
0x78d: {  	[tilespmem:s19+$0x58E0] =	vst v0  }
0x78e: {  	v0 =	vld.idx.msk [tilespmem:v2+s2+$0x0], $0xffff  }
0x78f: {  	v2 =	vadd.s32 $0x82, v1;
	_ =	sdelay $0x3  }
0x790: {  	[tilespmem:s19+$0x5AE0] =	vst v0  }
0x791: {  	v0 =	vld.idx.msk [tilespmem:v2+s2+$0x0], $0xffff  }
0x792: {  	v2 =	vld [tilespmem:s19+$0x1CE0]  }
0x793: {  	v1 =	vadd.s32 $0x83, v1;
	_ =	sdelay $0x3  }
0x794: {  	[tilespmem:s19+$0x5CE0] =	vst v0;
	v0 =	vmul.u32 $0x32, v2  }
0x795: {  	v1 =	vld.idx.msk [tilespmem:v1+s2+$0x0], $0xffff  }
0x796: {  	v2 =	vadd.s32 $0xA0, v0;
	_ =	sdelay $0x3  }
0x797: {  	[tilespmem:s19+$0x5EE0] =	vst v1  }
0x798: {  	v1 =	vld.idx.msk [tilespmem:v2+s2+$0x0], $0xffff  }
0x799: {  	v2 =	vadd.s32 $0xA1, v0;
	_ =	sdelay $0x3  }
0x79a: {  	[tilespmem:s19+$0x60E0] =	vst v1  }
0x79b: {  	v1 =	vld.idx.msk [tilespmem:v2+s2+$0x0], $0xffff  }
0x79c: {  	v2 =	vadd.s32 $0xA2, v0;
	_ =	sdelay $0x3  }
0x79d: {  	[tilespmem:s19+$0x62E0] =	vst v1  }
0x79e: {  	v1 =	vld.idx.msk [tilespmem:v2+s2+$0x0], $0xffff  }
0x79f: {  	v2 =	vadd.s32 $0xA3, v0;
	_ =	sdelay $0x3  }
0x7a0: {  	[tilespmem:s19+$0x64E0] =	vst v1  }
0x7a1: {  	v1 =	vld.idx.msk [tilespmem:v2+s2+$0x0], $0xffff  }
0x7a2: {  	v2 =	vadd.s32 $0xA4, v0;
	_ =	sdelay $0x3  }
0x7a3: {  	[tilespmem:s19+$0x66E0] =	vst v1  }
0x7a4: {  	v1 =	vld.idx.msk [tilespmem:v2+s2+$0x0], $0xffff  }
0x7a5: {  	v2 =	vadd.s32 $0xA5, v0;
	_ =	sdelay $0x3  }
0x7a6: {  	[tilespmem:s19+$0x68E0] =	vst v1  }
0x7a7: {  	v1 =	vld.idx.msk [tilespmem:v2+s2+$0x0], $0xffff  }
0x7a8: {  	v2 =	vadd.s32 $0xA6, v0;
	_ =	sdelay $0x3  }
0x7a9: {  	[tilespmem:s19+$0x6AE0] =	vst v1  }
0x7aa: {  	v1 =	vld.idx.msk [tilespmem:v2+s2+$0x0], $0xffff  }
0x7ab: {  	v2 =	vadd.s32 $0xA7, v0;
	_ =	sdelay $0x3  }
0x7ac: {  	[tilespmem:s19+$0x6CE0] =	vst v1  }
0x7ad: {  	v1 =	vld.idx.msk [tilespmem:v2+s2+$0x0], $0xffff  }
0x7ae: {  	v2 =	vadd.s32 $0xA8, v0;
	_ =	sdelay $0x3  }
0x7af: {  	[tilespmem:s19+$0x6EE0] =	vst v1  }
0x7b0: {  	v1 =	vld.idx.msk [tilespmem:v2+s2+$0x0], $0xffff  }
0x7b1: {  	v2 =	vadd.s32 $0xA9, v0;
	_ =	sdelay $0x3  }
0x7b2: {  	[tilespmem:s19+$0x70E0] =	vst v1  }
0x7b3: {  	v1 =	vld.idx.msk [tilespmem:v2+s2+$0x0], $0xffff  }
0x7b4: {  	v2 =	vadd.s32 $0xAA, v0;
	_ =	sdelay $0x3  }
0x7b5: {  	[tilespmem:s19+$0x72E0] =	vst v1  }
0x7b6: {  	v1 =	vld.idx.msk [tilespmem:v2+s2+$0x0], $0xffff  }
0x7b7: {  	v2 =	vadd.s32 $0xAB, v0;
	_ =	sdelay $0x3  }
0x7b8: {  	[tilespmem:s19+$0x74E0] =	vst v1  }
0x7b9: {  	v1 =	vld.idx.msk [tilespmem:v2+s2+$0x0], $0xffff  }
0x7ba: {  	v2 =	vadd.s32 $0xAC, v0;
	_ =	sdelay $0x3  }
0x7bb: {  	[tilespmem:s19+$0x76E0] =	vst v1  }
0x7bc: {  	v1 =	vld.idx.msk [tilespmem:v2+s2+$0x0], $0xffff  }
0x7bd: {  	v2 =	vadd.s32 $0xAD, v0;
	_ =	sdelay $0x3  }
0x7be: {  	[tilespmem:s19+$0x78E0] =	vst v1  }
0x7bf: {  	v1 =	vld.idx.msk [tilespmem:v2+s2+$0x0], $0xffff  }
0x7c0: {  	v2 =	vadd.s32 $0xAE, v0;
	_ =	sdelay $0x3  }
0x7c1: {  	[tilespmem:s19+$0x7AE0] =	vst v1  }
0x7c2: {  	v1 =	vld.idx.msk [tilespmem:v2+s2+$0x0], $0xffff  }
0x7c3: {  	v2 =	vadd.s32 $0xAF, v0;
	_ =	sdelay $0x3  }
0x7c4: {  	[tilespmem:s19+$0x7CE0] =	vst v1  }
0x7c5: {  	v1 =	vld.idx.msk [tilespmem:v2+s2+$0x0], $0xffff  }
0x7c6: {  	v2 =	vadd.s32 $0xB0, v0;
	_ =	sdelay $0x3  }
0x7c7: {  	[tilespmem:s19+$0x7EE0] =	vst v1  }
0x7c8: {  	v1 =	vld.idx.msk [tilespmem:v2+s2+$0x0], $0xffff  }
0x7c9: {  	v2 =	vadd.s32 $0xB1, v0;
	_ =	sdelay $0x3  }
0x7ca: {  	[tilespmem:s19+$0x80E0] =	vst v1  }
0x7cb: {  	v1 =	vld.idx.msk [tilespmem:v2+s2+$0x0], $0xffff  }
0x7cc: {  	v2 =	vadd.s32 $0xB2, v0;
	_ =	sdelay $0x3  }
0x7cd: {  	[tilespmem:s19+$0x82E0] =	vst v1  }
0x7ce: {  	v1 =	vld.idx.msk [tilespmem:v2+s2+$0x0], $0xffff  }
0x7cf: {  	v2 =	vadd.s32 $0xB3, v0;
	_ =	sdelay $0x3  }
0x7d0: {  	[tilespmem:s19+$0x84E0] =	vst v1  }
0x7d1: {  	v1 =	vld.idx.msk [tilespmem:v2+s2+$0x0], $0xffff  }
0x7d2: {  	v2 =	vadd.s32 $0xB4, v0;
	_ =	sdelay $0x3  }
0x7d3: {  	[tilespmem:s19+$0x86E0] =	vst v1  }
0x7d4: {  	v1 =	vld.idx.msk [tilespmem:v2+s2+$0x0], $0xffff  }
0x7d5: {  	v2 =	vadd.s32 $0xB5, v0;
	_ =	sdelay $0x3  }
0x7d6: {  	[tilespmem:s19+$0x88E0] =	vst v1  }
0x7d7: {  	v1 =	vld.idx.msk [tilespmem:v2+s2+$0x0], $0xffff  }
0x7d8: {  	v2 =	vadd.s32 $0xB6, v0;
	_ =	sdelay $0x3  }
0x7d9: {  	[tilespmem:s19+$0x8AE0] =	vst v1  }
0x7da: {  	v1 =	vld.idx.msk [tilespmem:v2+s2+$0x0], $0xffff  }
0x7db: {  	v2 =	vadd.s32 $0xB7, v0;
	_ =	sdelay $0x3  }
0x7dc: {  	[tilespmem:s19+$0x8CE0] =	vst v1  }
0x7dd: {  	v1 =	vld.idx.msk [tilespmem:v2+s2+$0x0], $0xffff  }
0x7de: {  	v2 =	vadd.s32 $0xB8, v0;
	_ =	sdelay $0x3  }
0x7df: {  	[tilespmem:s19+$0x8EE0] =	vst v1  }
0x7e0: {  	v1 =	vld.idx.msk [tilespmem:v2+s2+$0x0], $0xffff  }
0x7e1: {  	v2 =	vadd.s32 $0xB9, v0;
	_ =	sdelay $0x3  }
0x7e2: {  	[tilespmem:s19+$0x90E0] =	vst v1  }
0x7e3: {  	v1 =	vld.idx.msk [tilespmem:v2+s2+$0x0], $0xffff  }
0x7e4: {  	v2 =	vadd.s32 $0xBA, v0;
	_ =	sdelay $0x3  }
0x7e5: {  	[tilespmem:s19+$0x92E0] =	vst v1  }
0x7e6: {  	v1 =	vld.idx.msk [tilespmem:v2+s2+$0x0], $0xffff  }
0x7e7: {  	v2 =	vadd.s32 $0xBB, v0;
	_ =	sdelay $0x3  }
0x7e8: {  	[tilespmem:s19+$0x94E0] =	vst v1  }
0x7e9: {  	v1 =	vld.idx.msk [tilespmem:v2+s2+$0x0], $0xffff  }
0x7ea: {  	v2 =	vadd.s32 $0xBC, v0;
	_ =	sdelay $0x3  }
0x7eb: {  	[tilespmem:s19+$0x96E0] =	vst v1  }
0x7ec: {  	v1 =	vld.idx.msk [tilespmem:v2+s2+$0x0], $0xffff  }
0x7ed: {  	v2 =	vadd.s32 $0xBD, v0;
	_ =	sdelay $0x3  }
0x7ee: {  	[tilespmem:s19+$0x98E0] =	vst v1  }
0x7ef: {  	v1 =	vld.idx.msk [tilespmem:v2+s2+$0x0], $0xffff  }
0x7f0: {  	v2 =	vadd.s32 $0xBE, v0;
	_ =	sdelay $0x3  }
0x7f1: {  	[tilespmem:s19+$0x9AE0] =	vst v1  }
0x7f2: {  	v1 =	vld.idx.msk [tilespmem:v2+s2+$0x0], $0xffff  }
0x7f3: {  	v2 =	vadd.s32 $0xBF, v0;
	_ =	sdelay $0x3  }
0x7f4: {  	[tilespmem:s19+$0x9CE0] =	vst v1  }
0x7f5: {  	v1 =	vld.idx.msk [tilespmem:v2+s2+$0x0], $0xffff  }
0x7f6: {  	v2 =	vadd.s32 $0xC0, v0;
	_ =	sdelay $0x3  }
0x7f7: {  	[tilespmem:s19+$0x9EE0] =	vst v1  }
0x7f8: {  	v1 =	vld.idx.msk [tilespmem:v2+s2+$0x0], $0xffff  }
0x7f9: {  	v2 =	vadd.s32 $0xC1, v0;
	_ =	sdelay $0x3  }
0x7fa: {  	[tilespmem:s19+$0xA0E0] =	vst v1  }
0x7fb: {  	v1 =	vld.idx.msk [tilespmem:v2+s2+$0x0], $0xffff  }
0x7fc: {  	v2 =	vadd.s32 $0xC2, v0;
	_ =	sdelay $0x3  }
0x7fd: {  	[tilespmem:s19+$0xA2E0] =	vst v1  }
0x7fe: {  	v1 =	vld.idx.msk [tilespmem:v2+s2+$0x0], $0xffff  }
0x7ff: {  	v2 =	vadd.s32 $0xC3, v0;
	_ =	sdelay $0x3  }
0x800: {  	[tilespmem:s19+$0xA4E0] =	vst v1  }
0x801: {  	v1 =	vld.idx.msk [tilespmem:v2+s2+$0x0], $0xffff  }
0x802: {  	v2 =	vadd.s32 $0xC4, v0;
	_ =	sdelay $0x3  }
0x803: {  	[tilespmem:s19+$0xA6E0] =	vst v1  }
0x804: {  	v1 =	vld.idx.msk [tilespmem:v2+s2+$0x0], $0xffff  }
0x805: {  	v2 =	vadd.s32 $0xC5, v0;
	_ =	sdelay $0x3  }
0x806: {  	[tilespmem:s19+$0xA8E0] =	vst v1  }
0x807: {  	v1 =	vld.idx.msk [tilespmem:v2+s2+$0x0], $0xffff  }
0x808: {  	v2 =	vadd.s32 $0xC6, v0;
	_ =	sdelay $0x3  }
0x809: {  	[tilespmem:s19+$0xAAE0] =	vst v1  }
0x80a: {  	v1 =	vld.idx.msk [tilespmem:v2+s2+$0x0], $0xffff  }
0x80b: {  	v2 =	vadd.s32 $0xC7, v0;
	_ =	sdelay $0x3  }
0x80c: {  	[tilespmem:s19+$0xACE0] =	vst v1  }
0x80d: {  	v1 =	vld.idx.msk [tilespmem:v2+s2+$0x0], $0xffff  }
0x80e: {  	v2 =	vadd.s32 $0xC8, v0;
	_ =	sdelay $0x3  }
0x80f: {  	[tilespmem:s19+$0xAEE0] =	vst v1  }
0x810: {  	v1 =	vld.idx.msk [tilespmem:v2+s2+$0x0], $0xffff  }
0x811: {  	v2 =	vadd.s32 $0xC9, v0;
	_ =	sdelay $0x3  }
0x812: {  	[tilespmem:s19+$0xB0E0] =	vst v1  }
0x813: {  	v1 =	vld.idx.msk [tilespmem:v2+s2+$0x0], $0xffff  }
0x814: {  	v2 =	vadd.s32 $0xCA, v0;
	_ =	sdelay $0x3  }
0x815: {  	[tilespmem:s19+$0xB2E0] =	vst v1  }
0x816: {  	v1 =	vld.idx.msk [tilespmem:v2+s2+$0x0], $0xffff  }
0x817: {  	v2 =	vadd.s32 $0xCB, v0;
	_ =	sdelay $0x3  }
0x818: {  	[tilespmem:s19+$0xB4E0] =	vst v1  }
0x819: {  	v1 =	vld.idx.msk [tilespmem:v2+s2+$0x0], $0xffff  }
0x81a: {  	v2 =	vadd.s32 $0xCC, v0;
	_ =	sdelay $0x3  }
0x81b: {  	[tilespmem:s19+$0xB6E0] =	vst v1  }
0x81c: {  	v1 =	vld.idx.msk [tilespmem:v2+s2+$0x0], $0xffff  }
0x81d: {  	v2 =	vadd.s32 $0xCD, v0;
	_ =	sdelay $0x3  }
0x81e: {  	[tilespmem:s19+$0xB8E0] =	vst v1  }
0x81f: {  	v1 =	vld.idx.msk [tilespmem:v2+s2+$0x0], $0xffff  }
0x820: {  	v2 =	vadd.s32 $0xCE, v0;
	_ =	sdelay $0x3  }
0x821: {  	[tilespmem:s19+$0xBAE0] =	vst v1  }
0x822: {  	v1 =	vld.idx.msk [tilespmem:v2+s2+$0x0], $0xffff  }
0x823: {  	v2 =	vadd.s32 $0xCF, v0;
	_ =	sdelay $0x3  }
0x824: {  	[tilespmem:s19+$0xBCE0] =	vst v1  }
0x825: {  	v1 =	vld.idx.msk [tilespmem:v2+s2+$0x0], $0xffff  }
0x826: {  	v2 =	vadd.s32 $0xD0, v0;
	_ =	sdelay $0x3  }
0x827: {  	[tilespmem:s19+$0xBEE0] =	vst v1  }
0x828: {  	v1 =	vld.idx.msk [tilespmem:v2+s2+$0x0], $0xffff  }
0x829: {  	s21 =	simm.s32 $0x10;
	s20 =	simm.s32 $0x80;
	v0 =	vadd.s32 $0xD1, v0  }
.LBB2_14:
0x82a: {  	p0 =	sne.s32 s20, $0x1C0;
	v2 =	vld [tilespmem:s21+$0x14E0];
	_ =	sdelay $0x2  }
0x82b: {  	[tilespmem:s19+$0xC0E0] =	vst v1  }
0x82c: {  	v0 =	vld.idx.msk [tilespmem:v0+s2+$0x0], $0xffff  }
0x82d: {  	v1 =	vmul.u32 $0x3, v2;
	_ =	sdelay $0x4  }
0x82e: {  	[tilespmem:s19+$0xC2E0] =	vst v0;
	s19 =	smov.u32 s21  }
0x82f: {  	v0 =	vld.idx.msk [tilespmem:v1+s2+$0x0], $0xffff;
	_ =	sdelay $0x1  }
0x830: {  	v2 =	vadd.s32 $0x1, v1;
	_ =	sdelay $0x3  }
0x831: {  	[tilespmem:s19+$0x3EE0] =	vst v0  }
0x832: {  	v0 =	vld.idx.msk [tilespmem:v2+s2+$0x0], $0xffff;
	_ =	sdelay $0x1  }
0x833: {  	v1 =	vadd.s32 $0x2, v1  }
0x834: {  	v2 =	vld [tilespmem:s19+$0x16E0];
	_ =	sdelay $0x2  }
0x835: {  	[tilespmem:s19+$0x40E0] =	vst v0  }
0x836: {  	v0 =	vld.idx.msk [tilespmem:v1+s2+$0x0], $0xffff  }
0x837: {  	v1 =	vshll.u32 v2, $0x2  }
0x838: {  	v2 =	vadd.s32 $0x18, v1;
	_ =	sdelay $0x3  }
0x839: {  	[tilespmem:s19+$0x42E0] =	vst v0  }
0x83a: {  	v0 =	vld.idx.msk [tilespmem:v2+s2+$0x0], $0xffff;
	_ =	sdelay $0x1  }
0x83b: {  	v2 =	vadd.s32 $0x19, v1;
	_ =	sdelay $0x3  }
0x83c: {  	[tilespmem:s19+$0x44E0] =	vst v0  }
0x83d: {  	v0 =	vld.idx.msk [tilespmem:v2+s2+$0x0], $0xffff;
	_ =	sdelay $0x1  }
0x83e: {  	v2 =	vadd.s32 $0x1A, v1;
	_ =	sdelay $0x3  }
0x83f: {  	[tilespmem:s19+$0x46E0] =	vst v0  }
0x840: {  	v0 =	vld.idx.msk [tilespmem:v2+s2+$0x0], $0xffff;
	_ =	sdelay $0x1  }
0x841: {  	v1 =	vadd.s32 $0x1B, v1;
	v2 =	vld [tilespmem:s19+$0x18E0];
	_ =	sdelay $0x3  }
0x842: {  	[tilespmem:s19+$0x48E0] =	vst v0  }
0x843: {  	v0 =	vld.idx.msk [tilespmem:v1+s2+$0x0], $0xffff;
	v1 =	vmul.u32 $0x6, v2;
	_ =	sdelay $0x1  }
0x844: {  	v2 =	vadd.s32 $0x38, v1;
	_ =	sdelay $0x3  }
0x845: {  	[tilespmem:s19+$0x4AE0] =	vst v0  }
0x846: {  	v0 =	vld.idx.msk [tilespmem:v2+s2+$0x0], $0xffff;
	_ =	sdelay $0x1  }
0x847: {  	v2 =	vadd.s32 $0x39, v1;
	_ =	sdelay $0x3  }
0x848: {  	[tilespmem:s19+$0x4CE0] =	vst v0  }
0x849: {  	v0 =	vld.idx.msk [tilespmem:v2+s2+$0x0], $0xffff;
	_ =	sdelay $0x1  }
0x84a: {  	v2 =	vadd.s32 $0x3A, v1;
	_ =	sdelay $0x3  }
0x84b: {  	[tilespmem:s19+$0x4EE0] =	vst v0  }
0x84c: {  	v0 =	vld.idx.msk [tilespmem:v2+s2+$0x0], $0xffff;
	_ =	sdelay $0x1  }
0x84d: {  	v2 =	vadd.s32 $0x3B, v1;
	_ =	sdelay $0x3  }
0x84e: {  	[tilespmem:s19+$0x50E0] =	vst v0  }
0x84f: {  	v0 =	vld.idx.msk [tilespmem:v2+s2+$0x0], $0xffff;
	_ =	sdelay $0x1  }
0x850: {  	v2 =	vadd.s32 $0x3C, v1;
	_ =	sdelay $0x3  }
0x851: {  	[tilespmem:s19+$0x52E0] =	vst v0  }
0x852: {  	v0 =	vld.idx.msk [tilespmem:v2+s2+$0x0], $0xffff;
	_ =	sdelay $0x1  }
0x853: {  	v1 =	vadd.s32 $0x3D, v1  }
0x854: {  	v2 =	vld [tilespmem:s19+$0x1AE0];
	_ =	sdelay $0x2  }
0x855: {  	[tilespmem:s19+$0x54E0] =	vst v0  }
0x856: {  	v0 =	vld.idx.msk [tilespmem:v1+s2+$0x0], $0xffff  }
0x857: {  	v1 =	vshll.u32 v2, $0x2  }
0x858: {  	v2 =	vadd.s32 $0x80, v1;
	_ =	sdelay $0x3  }
0x859: {  	[tilespmem:s19+$0x56E0] =	vst v0  }
0x85a: {  	v0 =	vld.idx.msk [tilespmem:v2+s2+$0x0], $0xffff;
	_ =	sdelay $0x1  }
0x85b: {  	v2 =	vadd.s32 $0x81, v1;
	_ =	sdelay $0x3  }
0x85c: {  	[tilespmem:s19+$0x58E0] =	vst v0  }
0x85d: {  	v0 =	vld.idx.msk [tilespmem:v2+s2+$0x0], $0xffff;
	_ =	sdelay $0x1  }
0x85e: {  	v2 =	vadd.s32 $0x82, v1;
	_ =	sdelay $0x3  }
0x85f: {  	[tilespmem:s19+$0x5AE0] =	vst v0  }
0x860: {  	v0 =	vld.idx.msk [tilespmem:v2+s2+$0x0], $0xffff;
	_ =	sdelay $0x1  }
0x861: {  	v1 =	vadd.s32 $0x83, v1;
	v2 =	vld [tilespmem:s19+$0x1CE0];
	_ =	sdelay $0x3  }
0x862: {  	[tilespmem:s19+$0x5CE0] =	vst v0  }
0x863: {  	v1 =	vld.idx.msk [tilespmem:v1+s2+$0x0], $0xffff;
	v0 =	vmul.u32 $0x32, v2;
	_ =	sdelay $0x1  }
0x864: {  	v2 =	vadd.s32 $0xA0, v0;
	_ =	sdelay $0x3  }
0x865: {  	[tilespmem:s19+$0x5EE0] =	vst v1  }
0x866: {  	v1 =	vld.idx.msk [tilespmem:v2+s2+$0x0], $0xffff;
	_ =	sdelay $0x1  }
0x867: {  	v2 =	vadd.s32 $0xA1, v0;
	_ =	sdelay $0x3  }
0x868: {  	[tilespmem:s19+$0x60E0] =	vst v1  }
0x869: {  	v1 =	vld.idx.msk [tilespmem:v2+s2+$0x0], $0xffff;
	_ =	sdelay $0x1  }
0x86a: {  	v2 =	vadd.s32 $0xA2, v0;
	_ =	sdelay $0x3  }
0x86b: {  	[tilespmem:s19+$0x62E0] =	vst v1  }
0x86c: {  	v1 =	vld.idx.msk [tilespmem:v2+s2+$0x0], $0xffff;
	_ =	sdelay $0x1  }
0x86d: {  	v2 =	vadd.s32 $0xA3, v0;
	_ =	sdelay $0x3  }
0x86e: {  	[tilespmem:s19+$0x64E0] =	vst v1  }
0x86f: {  	v1 =	vld.idx.msk [tilespmem:v2+s2+$0x0], $0xffff;
	_ =	sdelay $0x1  }
0x870: {  	v2 =	vadd.s32 $0xA4, v0;
	_ =	sdelay $0x3  }
0x871: {  	[tilespmem:s19+$0x66E0] =	vst v1  }
0x872: {  	v1 =	vld.idx.msk [tilespmem:v2+s2+$0x0], $0xffff;
	_ =	sdelay $0x1  }
0x873: {  	v2 =	vadd.s32 $0xA5, v0;
	_ =	sdelay $0x3  }
0x874: {  	[tilespmem:s19+$0x68E0] =	vst v1  }
0x875: {  	v1 =	vld.idx.msk [tilespmem:v2+s2+$0x0], $0xffff;
	_ =	sdelay $0x1  }
0x876: {  	v2 =	vadd.s32 $0xA6, v0;
	_ =	sdelay $0x3  }
0x877: {  	[tilespmem:s19+$0x6AE0] =	vst v1  }
0x878: {  	v1 =	vld.idx.msk [tilespmem:v2+s2+$0x0], $0xffff;
	_ =	sdelay $0x1  }
0x879: {  	v2 =	vadd.s32 $0xA7, v0;
	_ =	sdelay $0x3  }
0x87a: {  	[tilespmem:s19+$0x6CE0] =	vst v1  }
0x87b: {  	v1 =	vld.idx.msk [tilespmem:v2+s2+$0x0], $0xffff;
	_ =	sdelay $0x1  }
0x87c: {  	v2 =	vadd.s32 $0xA8, v0;
	_ =	sdelay $0x3  }
0x87d: {  	[tilespmem:s19+$0x6EE0] =	vst v1  }
0x87e: {  	v1 =	vld.idx.msk [tilespmem:v2+s2+$0x0], $0xffff;
	_ =	sdelay $0x1  }
0x87f: {  	v2 =	vadd.s32 $0xA9, v0;
	_ =	sdelay $0x3  }
0x880: {  	[tilespmem:s19+$0x70E0] =	vst v1  }
0x881: {  	v1 =	vld.idx.msk [tilespmem:v2+s2+$0x0], $0xffff;
	_ =	sdelay $0x1  }
0x882: {  	v2 =	vadd.s32 $0xAA, v0;
	_ =	sdelay $0x3  }
0x883: {  	[tilespmem:s19+$0x72E0] =	vst v1  }
0x884: {  	v1 =	vld.idx.msk [tilespmem:v2+s2+$0x0], $0xffff;
	_ =	sdelay $0x1  }
0x885: {  	v2 =	vadd.s32 $0xAB, v0;
	_ =	sdelay $0x3  }
0x886: {  	[tilespmem:s19+$0x74E0] =	vst v1  }
0x887: {  	v1 =	vld.idx.msk [tilespmem:v2+s2+$0x0], $0xffff;
	_ =	sdelay $0x1  }
0x888: {  	v2 =	vadd.s32 $0xAC, v0;
	_ =	sdelay $0x3  }
0x889: {  	[tilespmem:s19+$0x76E0] =	vst v1  }
0x88a: {  	v1 =	vld.idx.msk [tilespmem:v2+s2+$0x0], $0xffff;
	_ =	sdelay $0x1  }
0x88b: {  	v2 =	vadd.s32 $0xAD, v0;
	_ =	sdelay $0x3  }
0x88c: {  	[tilespmem:s19+$0x78E0] =	vst v1  }
0x88d: {  	v1 =	vld.idx.msk [tilespmem:v2+s2+$0x0], $0xffff;
	_ =	sdelay $0x1  }
0x88e: {  	v2 =	vadd.s32 $0xAE, v0;
	_ =	sdelay $0x3  }
0x88f: {  	[tilespmem:s19+$0x7AE0] =	vst v1  }
0x890: {  	v1 =	vld.idx.msk [tilespmem:v2+s2+$0x0], $0xffff;
	_ =	sdelay $0x1  }
0x891: {  	v2 =	vadd.s32 $0xAF, v0;
	_ =	sdelay $0x3  }
0x892: {  	[tilespmem:s19+$0x7CE0] =	vst v1  }
0x893: {  	v1 =	vld.idx.msk [tilespmem:v2+s2+$0x0], $0xffff;
	_ =	sdelay $0x1  }
0x894: {  	v2 =	vadd.s32 $0xB0, v0;
	_ =	sdelay $0x3  }
0x895: {  	[tilespmem:s19+$0x7EE0] =	vst v1  }
0x896: {  	v1 =	vld.idx.msk [tilespmem:v2+s2+$0x0], $0xffff;
	_ =	sdelay $0x1  }
0x897: {  	v2 =	vadd.s32 $0xB1, v0;
	_ =	sdelay $0x3  }
0x898: {  	[tilespmem:s19+$0x80E0] =	vst v1  }
0x899: {  	v1 =	vld.idx.msk [tilespmem:v2+s2+$0x0], $0xffff;
	_ =	sdelay $0x1  }
0x89a: {  	v2 =	vadd.s32 $0xB2, v0;
	_ =	sdelay $0x3  }
0x89b: {  	[tilespmem:s19+$0x82E0] =	vst v1  }
0x89c: {  	v1 =	vld.idx.msk [tilespmem:v2+s2+$0x0], $0xffff;
	_ =	sdelay $0x1  }
0x89d: {  	v2 =	vadd.s32 $0xB3, v0;
	_ =	sdelay $0x3  }
0x89e: {  	[tilespmem:s19+$0x84E0] =	vst v1  }
0x89f: {  	v1 =	vld.idx.msk [tilespmem:v2+s2+$0x0], $0xffff;
	_ =	sdelay $0x1  }
0x8a0: {  	v2 =	vadd.s32 $0xB4, v0;
	_ =	sdelay $0x3  }
0x8a1: {  	[tilespmem:s19+$0x86E0] =	vst v1  }
0x8a2: {  	v1 =	vld.idx.msk [tilespmem:v2+s2+$0x0], $0xffff;
	_ =	sdelay $0x1  }
0x8a3: {  	v2 =	vadd.s32 $0xB5, v0;
	_ =	sdelay $0x3  }
0x8a4: {  	[tilespmem:s19+$0x88E0] =	vst v1  }
0x8a5: {  	v1 =	vld.idx.msk [tilespmem:v2+s2+$0x0], $0xffff;
	_ =	sdelay $0x1  }
0x8a6: {  	v2 =	vadd.s32 $0xB6, v0;
	_ =	sdelay $0x3  }
0x8a7: {  	[tilespmem:s19+$0x8AE0] =	vst v1  }
0x8a8: {  	v1 =	vld.idx.msk [tilespmem:v2+s2+$0x0], $0xffff;
	_ =	sdelay $0x1  }
0x8a9: {  	v2 =	vadd.s32 $0xB7, v0;
	_ =	sdelay $0x3  }
0x8aa: {  	[tilespmem:s19+$0x8CE0] =	vst v1  }
0x8ab: {  	v1 =	vld.idx.msk [tilespmem:v2+s2+$0x0], $0xffff;
	_ =	sdelay $0x1  }
0x8ac: {  	v2 =	vadd.s32 $0xB8, v0;
	_ =	sdelay $0x3  }
0x8ad: {  	[tilespmem:s19+$0x8EE0] =	vst v1  }
0x8ae: {  	v1 =	vld.idx.msk [tilespmem:v2+s2+$0x0], $0xffff;
	_ =	sdelay $0x1  }
0x8af: {  	v2 =	vadd.s32 $0xB9, v0;
	_ =	sdelay $0x3  }
0x8b0: {  	[tilespmem:s19+$0x90E0] =	vst v1  }
0x8b1: {  	v1 =	vld.idx.msk [tilespmem:v2+s2+$0x0], $0xffff;
	_ =	sdelay $0x1  }
0x8b2: {  	v2 =	vadd.s32 $0xBA, v0;
	_ =	sdelay $0x3  }
0x8b3: {  	[tilespmem:s19+$0x92E0] =	vst v1  }
0x8b4: {  	v1 =	vld.idx.msk [tilespmem:v2+s2+$0x0], $0xffff;
	_ =	sdelay $0x1  }
0x8b5: {  	v2 =	vadd.s32 $0xBB, v0;
	_ =	sdelay $0x3  }
0x8b6: {  	[tilespmem:s19+$0x94E0] =	vst v1  }
0x8b7: {  	v1 =	vld.idx.msk [tilespmem:v2+s2+$0x0], $0xffff;
	_ =	sdelay $0x1  }
0x8b8: {  	v2 =	vadd.s32 $0xBC, v0;
	_ =	sdelay $0x3  }
0x8b9: {  	[tilespmem:s19+$0x96E0] =	vst v1  }
0x8ba: {  	v1 =	vld.idx.msk [tilespmem:v2+s2+$0x0], $0xffff;
	_ =	sdelay $0x1  }
0x8bb: {  	v2 =	vadd.s32 $0xBD, v0;
	_ =	sdelay $0x3  }
0x8bc: {  	[tilespmem:s19+$0x98E0] =	vst v1  }
0x8bd: {  	v1 =	vld.idx.msk [tilespmem:v2+s2+$0x0], $0xffff;
	_ =	sdelay $0x1  }
0x8be: {  	v2 =	vadd.s32 $0xBE, v0;
	_ =	sdelay $0x3  }
0x8bf: {  	[tilespmem:s19+$0x9AE0] =	vst v1  }
0x8c0: {  	v1 =	vld.idx.msk [tilespmem:v2+s2+$0x0], $0xffff;
	_ =	sdelay $0x1  }
0x8c1: {  	v2 =	vadd.s32 $0xBF, v0;
	_ =	sdelay $0x3  }
0x8c2: {  	[tilespmem:s19+$0x9CE0] =	vst v1  }
0x8c3: {  	v1 =	vld.idx.msk [tilespmem:v2+s2+$0x0], $0xffff;
	_ =	sdelay $0x1  }
0x8c4: {  	v2 =	vadd.s32 $0xC0, v0;
	_ =	sdelay $0x3  }
0x8c5: {  	[tilespmem:s19+$0x9EE0] =	vst v1  }
0x8c6: {  	v1 =	vld.idx.msk [tilespmem:v2+s2+$0x0], $0xffff;
	_ =	sdelay $0x1  }
0x8c7: {  	v2 =	vadd.s32 $0xC1, v0;
	_ =	sdelay $0x3  }
0x8c8: {  	[tilespmem:s19+$0xA0E0] =	vst v1  }
0x8c9: {  	v1 =	vld.idx.msk [tilespmem:v2+s2+$0x0], $0xffff;
	_ =	sdelay $0x1  }
0x8ca: {  	v2 =	vadd.s32 $0xC2, v0;
	_ =	sdelay $0x3  }
0x8cb: {  	[tilespmem:s19+$0xA2E0] =	vst v1  }
0x8cc: {  	v1 =	vld.idx.msk [tilespmem:v2+s2+$0x0], $0xffff;
	_ =	sdelay $0x1  }
0x8cd: {  	v2 =	vadd.s32 $0xC3, v0;
	_ =	sdelay $0x3  }
0x8ce: {  	[tilespmem:s19+$0xA4E0] =	vst v1  }
0x8cf: {  	v1 =	vld.idx.msk [tilespmem:v2+s2+$0x0], $0xffff;
	_ =	sdelay $0x1  }
0x8d0: {  	v2 =	vadd.s32 $0xC4, v0;
	_ =	sdelay $0x3  }
0x8d1: {  	[tilespmem:s19+$0xA6E0] =	vst v1  }
0x8d2: {  	v1 =	vld.idx.msk [tilespmem:v2+s2+$0x0], $0xffff;
	_ =	sdelay $0x1  }
0x8d3: {  	v2 =	vadd.s32 $0xC5, v0;
	_ =	sdelay $0x3  }
0x8d4: {  	[tilespmem:s19+$0xA8E0] =	vst v1  }
0x8d5: {  	v1 =	vld.idx.msk [tilespmem:v2+s2+$0x0], $0xffff;
	_ =	sdelay $0x1  }
0x8d6: {  	v2 =	vadd.s32 $0xC6, v0;
	_ =	sdelay $0x3  }
0x8d7: {  	[tilespmem:s19+$0xAAE0] =	vst v1  }
0x8d8: {  	v1 =	vld.idx.msk [tilespmem:v2+s2+$0x0], $0xffff;
	_ =	sdelay $0x1  }
0x8d9: {  	v2 =	vadd.s32 $0xC7, v0;
	_ =	sdelay $0x3  }
0x8da: {  	[tilespmem:s19+$0xACE0] =	vst v1  }
0x8db: {  	v1 =	vld.idx.msk [tilespmem:v2+s2+$0x0], $0xffff;
	_ =	sdelay $0x1  }
0x8dc: {  	v2 =	vadd.s32 $0xC8, v0;
	_ =	sdelay $0x3  }
0x8dd: {  	[tilespmem:s19+$0xAEE0] =	vst v1  }
0x8de: {  	v1 =	vld.idx.msk [tilespmem:v2+s2+$0x0], $0xffff;
	_ =	sdelay $0x1  }
0x8df: {  	v2 =	vadd.s32 $0xC9, v0;
	_ =	sdelay $0x3  }
0x8e0: {  	[tilespmem:s19+$0xB0E0] =	vst v1  }
0x8e1: {  	v1 =	vld.idx.msk [tilespmem:v2+s2+$0x0], $0xffff;
	_ =	sdelay $0x1  }
0x8e2: {  	v2 =	vadd.s32 $0xCA, v0;
	_ =	sdelay $0x3  }
0x8e3: {  	[tilespmem:s19+$0xB2E0] =	vst v1  }
0x8e4: {  	v1 =	vld.idx.msk [tilespmem:v2+s2+$0x0], $0xffff;
	_ =	sdelay $0x1  }
0x8e5: {  	v2 =	vadd.s32 $0xCB, v0;
	_ =	sdelay $0x3  }
0x8e6: {  	[tilespmem:s19+$0xB4E0] =	vst v1  }
0x8e7: {  	v1 =	vld.idx.msk [tilespmem:v2+s2+$0x0], $0xffff;
	_ =	sdelay $0x1  }
0x8e8: {  	v2 =	vadd.s32 $0xCC, v0;
	_ =	sdelay $0x3  }
0x8e9: {  	[tilespmem:s19+$0xB6E0] =	vst v1  }
0x8ea: {  	v1 =	vld.idx.msk [tilespmem:v2+s2+$0x0], $0xffff;
	_ =	sdelay $0x1  }
0x8eb: {  	v2 =	vadd.s32 $0xCD, v0;
	_ =	sdelay $0x3  }
0x8ec: {  	[tilespmem:s19+$0xB8E0] =	vst v1  }
0x8ed: {  	v1 =	vld.idx.msk [tilespmem:v2+s2+$0x0], $0xffff;
	_ =	sdelay $0x1  }
0x8ee: {  	v2 =	vadd.s32 $0xCE, v0;
	_ =	sdelay $0x3  }
0x8ef: {  	[tilespmem:s19+$0xBAE0] =	vst v1  }
0x8f0: {  	v1 =	vld.idx.msk [tilespmem:v2+s2+$0x0], $0xffff;
	_ =	sdelay $0x1  }
0x8f1: {  	v2 =	vadd.s32 $0xCF, v0;
	_ =	sdelay $0x3  }
0x8f2: {  	[tilespmem:s19+$0xBCE0] =	vst v1  }
0x8f3: {  	v1 =	vld.idx.msk [tilespmem:v2+s2+$0x0], $0xffff;
	_ =	sdelay $0x1  }
0x8f4: {  	v2 =	vadd.s32 $0xD0, v0;
	_ =	sdelay $0x2  }
.Ltmp6:
0x8f5: {  	(pc) =	sbr.rel @p0 .LBB2_14-.Ltmp6, $3  }
0x8f6: {  	[tilespmem:s19+$0xBEE0] =	vst v1  }
0x8f7: {  	v1 =	vld.idx.msk [tilespmem:v2+s2+$0x0], $0xffff;
	_ =	sdelay $0x1  }
0x8f8: {  	s21 =	sshra.s32 s20, $0x2;
	s20 =	sadd.s32 $0x40, s20;
	v0 =	vadd.s32 $0xD1, v0  }
0x8f9: {  	v2 =	vld [tilespmem:s21+$0x14E0];
	_ =	sdelay $0x3  }
0x8fa: {  	[tilespmem:s19+$0xC0E0] =	vst v1  }
0x8fb: {  	v0 =	vld.idx.msk [tilespmem:v0+s2+$0x0], $0xffff;
	v59 =	vmul.u32 $0x3, v2;
	_ =	sdelay $0x4  }
0x8fc: {  	[tilespmem:s19+$0xC2E0] =	vst v0  }
0x8fd: {  	v0 =	vld.idx.msk [tilespmem:v59+s2+$0x0], $0xffff  }
0x8fe: {  	v2 =	vadd.s32 $0x1, v59;
	_ =	sdelay $0x3  }
0x8ff: {  	[tilespmem:s21+$0x3EE0] =	vst v0  }
0x900: {  	v0 =	vld.idx.msk [tilespmem:v2+s2+$0x0], $0xffff  }
0x901: {  	v1 =	vadd.s32 $0x2, v59;
	v60 =	vld [tilespmem:s21+$0x16E0];
	_ =	sdelay $0x3  }
0x902: {  	[tilespmem:s21+$0x40E0] =	vst v0  }
0x903: {  	v61 =	vshll.u32 v60, $0x2;
	v0 =	vld.idx.msk [tilespmem:v1+s2+$0x0], $0xffff  }
0x904: {  	v2 =	vadd.s32 $0x18, v61;
	_ =	sdelay $0x3  }
0x905: {  	[tilespmem:s21+$0x42E0] =	vst v0  }
0x906: {  	v0 =	vld.idx.msk [tilespmem:v2+s2+$0x0], $0xffff  }
0x907: {  	v62 =	vadd.s32 $0x19, v61;
	_ =	sdelay $0x3  }
0x908: {  	[tilespmem:s21+$0x44E0] =	vst v0  }
0x909: {  	v0 =	vld.idx.msk [tilespmem:v62+s2+$0x0], $0xffff  }
0x90a: {  	v63 =	vadd.s32 $0x1A, v61;
	_ =	sdelay $0x3  }
0x90b: {  	v4 =	vld [tilespmem:s21+$0x18E0];
	[tilespmem:s21+$0x46E0] =	vst v0  }
0x90c: {  	v0 =	vld.idx.msk [tilespmem:v63+s2+$0x0], $0xffff  }
0x90d: {  	v1 =	vadd.s32 $0x1B, v61;
	_ =	sdelay $0x3  }
0x90e: {  	v5 =	vmul.u32 $0x6, v4;
	[tilespmem:s21+$0x48E0] =	vst v0  }
0x90f: {  	v1 =	vld.idx.msk [tilespmem:v1+s2+$0x0], $0xffff  }
0x910: {  	v2 =	vadd.s32 $0x38, v5;
	_ =	sdelay $0x3  }
0x911: {  	[tilespmem:s21+$0x4AE0] =	vst v1  }
0x912: {  	v1 =	vld.idx.msk [tilespmem:v2+s2+$0x0], $0xffff  }
0x913: {  	v6 =	vadd.s32 $0x39, v5;
	_ =	sdelay $0x3  }
0x914: {  	[tilespmem:s21+$0x4CE0] =	vst v1  }
0x915: {  	v1 =	vld.idx.msk [tilespmem:v6+s2+$0x0], $0xffff  }
0x916: {  	v7 =	vadd.s32 $0x3A, v5;
	_ =	sdelay $0x3  }
0x917: {  	[tilespmem:s21+$0x4EE0] =	vst v1  }
0x918: {  	v1 =	vld.idx.msk [tilespmem:v7+s2+$0x0], $0xffff  }
0x919: {  	v8 =	vadd.s32 $0x3B, v5;
	_ =	sdelay $0x3  }
0x91a: {  	[tilespmem:s21+$0x50E0] =	vst v1  }
0x91b: {  	v1 =	vld.idx.msk [tilespmem:v8+s2+$0x0], $0xffff  }
0x91c: {  	v9 =	vadd.s32 $0x3C, v5;
	_ =	sdelay $0x3  }
0x91d: {  	[tilespmem:s21+$0x52E0] =	vst v1  }
0x91e: {  	v1 =	vld.idx.msk [tilespmem:v9+s2+$0x0], $0xffff  }
0x91f: {  	v10 =	vld [tilespmem:s21+$0x1AE0];
	v0 =	vadd.s32 $0x3D, v5;
	_ =	sdelay $0x3  }
0x920: {  	[tilespmem:s21+$0x54E0] =	vst v1  }
0x921: {  	v11 =	vshll.u32 v10, $0x2;
	v0 =	vld.idx.msk [tilespmem:v0+s2+$0x0], $0xffff  }
0x922: {  	v2 =	vadd.s32 $0x80, v11;
	_ =	sdelay $0x3  }
0x923: {  	[tilespmem:s21+$0x56E0] =	vst v0  }
0x924: {  	v0 =	vld.idx.msk [tilespmem:v2+s2+$0x0], $0xffff  }
0x925: {  	v12 =	vadd.s32 $0x81, v11;
	_ =	sdelay $0x3  }
0x926: {  	[tilespmem:s21+$0x58E0] =	vst v0  }
0x927: {  	v0 =	vld.idx.msk [tilespmem:v12+s2+$0x0], $0xffff  }
0x928: {  	v13 =	vadd.s32 $0x82, v11;
	_ =	sdelay $0x3  }
0x929: {  	v14 =	vld [tilespmem:s21+$0x1CE0];
	[tilespmem:s21+$0x5AE0] =	vst v0  }
0x92a: {  	v0 =	vld.idx.msk [tilespmem:v13+s2+$0x0], $0xffff  }
0x92b: {  	v1 =	vadd.s32 $0x83, v11;
	_ =	sdelay $0x3  }
0x92c: {  	v15 =	vmul.u32 $0x32, v14;
	[tilespmem:s21+$0x5CE0] =	vst v0  }
0x92d: {  	v1 =	vld.idx.msk [tilespmem:v1+s2+$0x0], $0xffff  }
0x92e: {  	v2 =	vadd.s32 $0xA0, v15;
	_ =	sdelay $0x3  }
0x92f: {  	[tilespmem:s21+$0x5EE0] =	vst v1  }
0x930: {  	v1 =	vld.idx.msk [tilespmem:v2+s2+$0x0], $0xffff  }
0x931: {  	v16 =	vadd.s32 $0xA1, v15;
	_ =	sdelay $0x3  }
0x932: {  	[tilespmem:s21+$0x60E0] =	vst v1  }
0x933: {  	v1 =	vld.idx.msk [tilespmem:v16+s2+$0x0], $0xffff  }
0x934: {  	v17 =	vadd.s32 $0xA2, v15;
	_ =	sdelay $0x3  }
0x935: {  	[tilespmem:s21+$0x62E0] =	vst v1  }
0x936: {  	v1 =	vld.idx.msk [tilespmem:v17+s2+$0x0], $0xffff  }
0x937: {  	v18 =	vadd.s32 $0xA3, v15;
	_ =	sdelay $0x3  }
0x938: {  	[tilespmem:s21+$0x64E0] =	vst v1  }
0x939: {  	v1 =	vld.idx.msk [tilespmem:v18+s2+$0x0], $0xffff  }
0x93a: {  	v19 =	vadd.s32 $0xA4, v15;
	_ =	sdelay $0x3  }
0x93b: {  	[tilespmem:s21+$0x66E0] =	vst v1  }
0x93c: {  	v1 =	vld.idx.msk [tilespmem:v19+s2+$0x0], $0xffff  }
0x93d: {  	v20 =	vadd.s32 $0xA5, v15;
	_ =	sdelay $0x3  }
0x93e: {  	[tilespmem:s21+$0x68E0] =	vst v1  }
0x93f: {  	v1 =	vld.idx.msk [tilespmem:v20+s2+$0x0], $0xffff  }
0x940: {  	v21 =	vadd.s32 $0xA6, v15;
	_ =	sdelay $0x3  }
0x941: {  	[tilespmem:s21+$0x6AE0] =	vst v1  }
0x942: {  	v1 =	vld.idx.msk [tilespmem:v21+s2+$0x0], $0xffff  }
0x943: {  	v22 =	vadd.s32 $0xA7, v15;
	_ =	sdelay $0x3  }
0x944: {  	[tilespmem:s21+$0x6CE0] =	vst v1  }
0x945: {  	v1 =	vld.idx.msk [tilespmem:v22+s2+$0x0], $0xffff  }
0x946: {  	v23 =	vadd.s32 $0xA8, v15;
	_ =	sdelay $0x3  }
0x947: {  	[tilespmem:s21+$0x6EE0] =	vst v1  }
0x948: {  	v1 =	vld.idx.msk [tilespmem:v23+s2+$0x0], $0xffff  }
0x949: {  	v24 =	vadd.s32 $0xA9, v15;
	_ =	sdelay $0x3  }
0x94a: {  	[tilespmem:s21+$0x70E0] =	vst v1  }
0x94b: {  	v1 =	vld.idx.msk [tilespmem:v24+s2+$0x0], $0xffff  }
0x94c: {  	v25 =	vadd.s32 $0xAA, v15;
	_ =	sdelay $0x3  }
0x94d: {  	[tilespmem:s21+$0x72E0] =	vst v1  }
0x94e: {  	v1 =	vld.idx.msk [tilespmem:v25+s2+$0x0], $0xffff  }
0x94f: {  	v26 =	vadd.s32 $0xAB, v15;
	_ =	sdelay $0x3  }
0x950: {  	[tilespmem:s21+$0x74E0] =	vst v1  }
0x951: {  	v1 =	vld.idx.msk [tilespmem:v26+s2+$0x0], $0xffff  }
0x952: {  	v27 =	vadd.s32 $0xAC, v15;
	_ =	sdelay $0x3  }
0x953: {  	[tilespmem:s21+$0x76E0] =	vst v1  }
0x954: {  	v1 =	vld.idx.msk [tilespmem:v27+s2+$0x0], $0xffff  }
0x955: {  	v28 =	vadd.s32 $0xAD, v15;
	_ =	sdelay $0x3  }
0x956: {  	[tilespmem:s21+$0x78E0] =	vst v1  }
0x957: {  	v1 =	vld.idx.msk [tilespmem:v28+s2+$0x0], $0xffff  }
0x958: {  	v29 =	vadd.s32 $0xAE, v15;
	_ =	sdelay $0x3  }
0x959: {  	[tilespmem:s21+$0x7AE0] =	vst v1  }
0x95a: {  	v1 =	vld.idx.msk [tilespmem:v29+s2+$0x0], $0xffff  }
0x95b: {  	v30 =	vadd.s32 $0xAF, v15;
	_ =	sdelay $0x3  }
0x95c: {  	[tilespmem:s21+$0x7CE0] =	vst v1  }
0x95d: {  	v1 =	vld.idx.msk [tilespmem:v30+s2+$0x0], $0xffff  }
0x95e: {  	v31 =	vadd.s32 $0xB0, v15;
	_ =	sdelay $0x3  }
0x95f: {  	[tilespmem:s21+$0x7EE0] =	vst v1  }
0x960: {  	v1 =	vld.idx.msk [tilespmem:v31+s2+$0x0], $0xffff  }
0x961: {  	v32 =	vadd.s32 $0xB1, v15;
	_ =	sdelay $0x3  }
0x962: {  	[tilespmem:s21+$0x80E0] =	vst v1  }
0x963: {  	v1 =	vld.idx.msk [tilespmem:v32+s2+$0x0], $0xffff  }
0x964: {  	v33 =	vadd.s32 $0xB2, v15;
	_ =	sdelay $0x3  }
0x965: {  	[tilespmem:s21+$0x82E0] =	vst v1  }
0x966: {  	v1 =	vld.idx.msk [tilespmem:v33+s2+$0x0], $0xffff  }
0x967: {  	v34 =	vadd.s32 $0xB3, v15;
	_ =	sdelay $0x3  }
0x968: {  	[tilespmem:s21+$0x84E0] =	vst v1  }
0x969: {  	v1 =	vld.idx.msk [tilespmem:v34+s2+$0x0], $0xffff  }
0x96a: {  	v35 =	vadd.s32 $0xB4, v15;
	_ =	sdelay $0x3  }
0x96b: {  	[tilespmem:s21+$0x86E0] =	vst v1  }
0x96c: {  	v1 =	vld.idx.msk [tilespmem:v35+s2+$0x0], $0xffff  }
0x96d: {  	v36 =	vadd.s32 $0xB5, v15;
	_ =	sdelay $0x3  }
0x96e: {  	[tilespmem:s21+$0x88E0] =	vst v1  }
0x96f: {  	v1 =	vld.idx.msk [tilespmem:v36+s2+$0x0], $0xffff  }
0x970: {  	v37 =	vadd.s32 $0xB6, v15;
	_ =	sdelay $0x3  }
0x971: {  	[tilespmem:s21+$0x8AE0] =	vst v1  }
0x972: {  	v1 =	vld.idx.msk [tilespmem:v37+s2+$0x0], $0xffff  }
0x973: {  	v38 =	vadd.s32 $0xB7, v15;
	_ =	sdelay $0x3  }
0x974: {  	[tilespmem:s21+$0x8CE0] =	vst v1  }
0x975: {  	v1 =	vld.idx.msk [tilespmem:v38+s2+$0x0], $0xffff  }
0x976: {  	v39 =	vadd.s32 $0xB8, v15;
	_ =	sdelay $0x3  }
0x977: {  	[tilespmem:s21+$0x8EE0] =	vst v1  }
0x978: {  	v1 =	vld.idx.msk [tilespmem:v39+s2+$0x0], $0xffff  }
0x979: {  	v40 =	vadd.s32 $0xB9, v15;
	_ =	sdelay $0x3  }
0x97a: {  	[tilespmem:s21+$0x90E0] =	vst v1  }
0x97b: {  	v1 =	vld.idx.msk [tilespmem:v40+s2+$0x0], $0xffff  }
0x97c: {  	v41 =	vadd.s32 $0xBA, v15;
	_ =	sdelay $0x3  }
0x97d: {  	[tilespmem:s21+$0x92E0] =	vst v1  }
0x97e: {  	v1 =	vld.idx.msk [tilespmem:v41+s2+$0x0], $0xffff  }
0x97f: {  	v42 =	vadd.s32 $0xBB, v15;
	_ =	sdelay $0x3  }
0x980: {  	[tilespmem:s21+$0x94E0] =	vst v1  }
0x981: {  	v1 =	vld.idx.msk [tilespmem:v42+s2+$0x0], $0xffff  }
0x982: {  	v43 =	vadd.s32 $0xBC, v15;
	_ =	sdelay $0x3  }
0x983: {  	[tilespmem:s21+$0x96E0] =	vst v1  }
0x984: {  	v1 =	vld.idx.msk [tilespmem:v43+s2+$0x0], $0xffff  }
0x985: {  	v44 =	vadd.s32 $0xBD, v15;
	_ =	sdelay $0x3  }
0x986: {  	[tilespmem:s21+$0x98E0] =	vst v1  }
0x987: {  	v1 =	vld.idx.msk [tilespmem:v44+s2+$0x0], $0xffff  }
0x988: {  	v45 =	vadd.s32 $0xBE, v15;
	_ =	sdelay $0x3  }
0x989: {  	[tilespmem:s21+$0x9AE0] =	vst v1  }
0x98a: {  	v1 =	vld.idx.msk [tilespmem:v45+s2+$0x0], $0xffff  }
0x98b: {  	v46 =	vadd.s32 $0xBF, v15;
	_ =	sdelay $0x3  }
0x98c: {  	[tilespmem:s21+$0x9CE0] =	vst v1  }
0x98d: {  	v1 =	vld.idx.msk [tilespmem:v46+s2+$0x0], $0xffff  }
0x98e: {  	v47 =	vadd.s32 $0xC0, v15;
	_ =	sdelay $0x3  }
0x98f: {  	[tilespmem:s21+$0x9EE0] =	vst v1  }
0x990: {  	v1 =	vld.idx.msk [tilespmem:v47+s2+$0x0], $0xffff  }
0x991: {  	v48 =	vadd.s32 $0xC1, v15;
	_ =	sdelay $0x3  }
0x992: {  	[tilespmem:s21+$0xA0E0] =	vst v1  }
0x993: {  	v1 =	vld.idx.msk [tilespmem:v48+s2+$0x0], $0xffff  }
0x994: {  	v49 =	vadd.s32 $0xC2, v15;
	_ =	sdelay $0x3  }
0x995: {  	[tilespmem:s21+$0xA2E0] =	vst v1  }
0x996: {  	v1 =	vld.idx.msk [tilespmem:v49+s2+$0x0], $0xffff  }
0x997: {  	v50 =	vadd.s32 $0xC3, v15;
	_ =	sdelay $0x3  }
0x998: {  	[tilespmem:s21+$0xA4E0] =	vst v1  }
0x999: {  	v1 =	vld.idx.msk [tilespmem:v50+s2+$0x0], $0xffff  }
0x99a: {  	v51 =	vadd.s32 $0xC4, v15;
	_ =	sdelay $0x3  }
0x99b: {  	[tilespmem:s21+$0xA6E0] =	vst v1  }
0x99c: {  	v1 =	vld.idx.msk [tilespmem:v51+s2+$0x0], $0xffff  }
0x99d: {  	v52 =	vadd.s32 $0xC5, v15;
	_ =	sdelay $0x3  }
0x99e: {  	[tilespmem:s21+$0xA8E0] =	vst v1  }
0x99f: {  	v1 =	vld.idx.msk [tilespmem:v52+s2+$0x0], $0xffff  }
0x9a0: {  	v53 =	vadd.s32 $0xC6, v15;
	_ =	sdelay $0x3  }
0x9a1: {  	[tilespmem:s21+$0xAAE0] =	vst v1  }
0x9a2: {  	v1 =	vld.idx.msk [tilespmem:v53+s2+$0x0], $0xffff  }
0x9a3: {  	v54 =	vadd.s32 $0xC7, v15;
	_ =	sdelay $0x3  }
0x9a4: {  	[tilespmem:s21+$0xACE0] =	vst v1  }
0x9a5: {  	v1 =	vld.idx.msk [tilespmem:v54+s2+$0x0], $0xffff  }
0x9a6: {  	v55 =	vadd.s32 $0xC8, v15;
	_ =	sdelay $0x3  }
0x9a7: {  	[tilespmem:s21+$0xAEE0] =	vst v1  }
0x9a8: {  	v1 =	vld.idx.msk [tilespmem:v55+s2+$0x0], $0xffff  }
0x9a9: {  	v56 =	vadd.s32 $0xC9, v15;
	_ =	sdelay $0x3  }
0x9aa: {  	[tilespmem:s21+$0xB0E0] =	vst v1  }
0x9ab: {  	v1 =	vld.idx.msk [tilespmem:v56+s2+$0x0], $0xffff  }
0x9ac: {  	v57 =	vadd.s32 $0xCA, v15;
	_ =	sdelay $0x3  }
0x9ad: {  	[tilespmem:s21+$0xB2E0] =	vst v1  }
0x9ae: {  	v1 =	vld.idx.msk [tilespmem:v57+s2+$0x0], $0xffff  }
0x9af: {  	v58 =	vadd.s32 $0xCB, v15;
	_ =	sdelay $0x3  }
0x9b0: {  	[tilespmem:s21+$0xB4E0] =	vst v1  }
0x9b1: {  	v1 =	vld.idx.msk [tilespmem:v58+s2+$0x0], $0xffff  }
0x9b2: {  	v59 =	vadd.s32 $0xCC, v15;
	_ =	sdelay $0x3  }
0x9b3: {  	[tilespmem:s21+$0xB6E0] =	vst v1  }
0x9b4: {  	v1 =	vld.idx.msk [tilespmem:v59+s2+$0x0], $0xffff  }
0x9b5: {  	v60 =	vadd.s32 $0xCD, v15;
	_ =	sdelay $0x3  }
0x9b6: {  	[tilespmem:s21+$0xB8E0] =	vst v1  }
0x9b7: {  	v1 =	vld.idx.msk [tilespmem:v60+s2+$0x0], $0xffff  }
0x9b8: {  	v61 =	vadd.s32 $0xCE, v15;
	_ =	sdelay $0x3  }
0x9b9: {  	[tilespmem:s21+$0xBAE0] =	vst v1  }
0x9ba: {  	v1 =	vld.idx.msk [tilespmem:v61+s2+$0x0], $0xffff  }
0x9bb: {  	v62 =	vadd.s32 $0xCF, v15;
	_ =	sdelay $0x3  }
0x9bc: {  	[tilespmem:s21+$0xBCE0] =	vst v1  }
0x9bd: {  	v1 =	vld.idx.msk [tilespmem:v62+s2+$0x0], $0xffff  }
0x9be: {  	v63 =	vadd.s32 $0xD0, v15;
	_ =	sdelay $0x3  }
0x9bf: {  	[tilespmem:s21+$0xBEE0] =	vst v1  }
0x9c0: {  	v1 =	vld.idx.msk [tilespmem:v63+s2+$0x0], $0xffff  }
0x9c1: {  	v0 =	vadd.s32 $0xD1, v15;
	_ =	sdelay $0x3  }
0x9c2: {  	[tilespmem:s21+$0xC0E0] =	vst v1  }
0x9c3: {  	v0 =	vld.idx.msk [tilespmem:v0+s2+$0x0], $0xffff;
	_ =	sdelay $0x4  }
0x9c4: {  	s20 =	simm.s32 $0x1EE0;
	s19 =	simm.s32 $0x800;
	[tilespmem:s21+$0xC2E0] =	vst v0;
	s21 =	sadd.s32 $0x0, s9  }
.LBB2_16:
0x9c5: {  	[hbm4b:s21+s2] =	stream.linear.scatter [tilespmem:s20], [sflag:$0x3], $0x80, $0x38;
	[tilespmem:$0xC360] =	vst v63  }
0x9c6: {  	s21 =	smov.u32 s19;
	p0 =	sne.s32 s19, $0x29000  }
.Ltmp7:
0x9c7: {  	s19 =	sadd.s32 $0x800, s19;
	(pc) =	sbr.rel @p0 .LBB2_16-.Ltmp7, $3  }
0x9c8: {  	_ =	sdelay $0x1  }
0x9c9: {  	s20 =	sshra.s32 s21, $0x2  }
0x9ca: {  	s21 =	sadd.s32 s21, s9;
	s20 =	sadd.s32 $0x1EE0, s20  }
0x9cb: {  	[hbm4b:s21+s2] =	stream.linear.scatter [tilespmem:s20], [sflag:$0x3], $0x80, $0x38;
	[tilespmem:$0xC360] =	vst v63  }
0x9cc: {  	_ =	swait.ge [sflag:s17], $0x2980  }
0x9cd: {  	[sflag:s17] =	ssyncset.done $0x0  }
0x9ce: {  	[sflag:s17] =	ssyncadd.s32 $0xFFFFD680  }
0x9cf: {  	_ =	swait.ge [sflag:s17], $0x2980  }
0x9d0: {  	[sflag:s17] =	ssyncset.done $0x0  }
0x9d1: {  	s18 =	sadd.s32 $0x1, s18;
	[sflag:s17] =	ssyncadd.s32 $0xFFFFD680  }
0x9d2: {  	p0 =	sne.s32 s18, s10;
	_ =	swait.ge [sflag:s17], $0x2980  }
.Ltmp8:
0x9d3: {  	[sflag:s17] =	ssyncset.done $0x0;
	(pc) =	sbr.rel @p0 .LBB2_1-.Ltmp8, $4  }
0x9d4: {  	[sflag:s17] =	ssyncadd.s32 $0xFFFFD680  }
0x9d5: {  	_ =	swait.ge [sflag:s17], $0x2980  }
0x9d6: {  	[sflag:s17] =	ssyncset.done $0x0  }
0x9d7: {  	[sflag:s17] =	ssyncadd.s32 $0xFFFFD680  }
0x9d8: {  	_ =	sfence.sel $0x180000  }
0x9d9: {  	[bflag:$0x0] =	sbarrier.arrive $0xFFFF  }
0x9da: {  	p0 =	sne.s32 s0, $0x0;
	_ =	strace $0x90000047  }
0x9db: {  	s0 =	sadd.s32 @!p0 $0x100000, s1;
	[bflag:$0x2] =	sbarrier.arrive $0xFFFF  }
0x9dc: {  	[sflag:s0] =	ssyncadd.tile.s32 @!p0 $0x1;
	_ =	shalt  }
.Lfunc_end2:
_tile_overlayer_lowered:
.L_overlay_start_2:
0x9dd: {  	(tag) =	ssettag $0x2  }
0x9de: {  	s0 =	rddreg [dreg:$0x0];
	s2 =	stileid.u32  }
0x9df: {  	s1 =	rddreg [dreg:$0x1];
	p0 =	sne.s32 s2, $0x0  }
0x9e0: {  	s3 =	rddreg [dreg:$0x2];
	[bflag:$0x3] =	sbarrier.arrive $0xFFFF;
	s2 =	simm.s32 @!p0 $0x1C04  }
0x9e1: {  	[timem:s3], [sflag:s2] =	dma.local @!p0 [hbm:s0], s1  }
0x9e2: {  	s0 =	simm.s32 @!p0 $0x4  }
0x9e3: {  	_ =	swait.ge @!p0 [sflag:s0], s1  }
0x9e4: {  	s1 =	ssub.s32 @!p0 $0x0, s1;
	[sflag:s0] =	ssyncset.done @!p0 $0x0  }
0x9e5: {  	[sflag:s0] =	ssyncadd.s32 @!p0 s1  }
0x9e6: {  	[bflag:$0x3] =	sbarrier.arrive $0xFFFF  }
0x9e7: {  	_ =	shalt  }

</sc_bundles>
